<compile_context>
chip_gen: v7x
topology: tpu7x:2x2x1
jax: 0.10.2.dev20260603
libtpu: 0.0.44.dev20260713+nightly
codegen_flags: <defaults>
</compile_context>

<pallas_src>
import functools

import jax
import jax.numpy as jnp
from jax import lax
from jax.experimental import pallas as pl
from jax.experimental.pallas import tpu as pltpu
from jax.experimental.pallas import tpu_sc as plsc

NC = 2
NS = 16
CW = 16


@functools.lru_cache(maxsize=None)
def _make_sc_segsum(n_nodes: int, h_dim: int, n_edges: int,
                    with_cnt: bool = False):
  NW = NC * NS
  epw = n_edges // NW
  K = 80
  nch = epw // K
  GR = 5
  ngr = nch // GR
  assert epw % K == 0 and nch % GR == 0
  rps = (n_nodes // NS) // 8 * 8
  tail = n_nodes - NS * rps

  mesh = plsc.VectorSubcoreMesh(core_axis_name="c", subcore_axis_name="s")
  params = pltpu.CompilerParams(use_tc_tiling_on_sc=False)

  OW = 128
  agg_ty = jax.ShapeDtypeStruct((NC, n_nodes, OW), jnp.float32)
  scratch = [
      pltpu.VMEM_SHARED((n_nodes, h_dim), jnp.float32),
      pltpu.VMEM((nch, K), jnp.int32),
      pltpu.VMEM((nch, K), jnp.int32),
      pltpu.VMEM((2 * GR * K, h_dim), jnp.float32),
      pltpu.SemaphoreType.DMA,
      pltpu.SemaphoreType.DMA,
      pltpu.SemaphoreType.DMA,
  ]
  if with_cnt:
    scratch += [
        pltpu.VMEM_SHARED((n_nodes, CW), jnp.float32),
        pltpu.VMEM((K, CW), jnp.float32),
        pltpu.SemaphoreType.DMA,
    ]

  @functools.partial(
      pl.kernel,
      out_type=agg_ty,
      mesh=mesh,
      compiler_params=params,
      scratch_types=scratch,
  )
  def seg(*refs):
    if with_cnt:
      (h_hbm, e_hbm, z_hbm, z16_hbm, ones_hbm, agg_out,
       agg_s, src_v, dst_v, rows_v, gsem, ssem_a, ssem_b,
       cnt_s, ones_v, csem) = refs
    else:
      (h_hbm, e_hbm, z_hbm, agg_out,
       agg_s, src_v, dst_v, rows_v, gsem, ssem_a, ssem_b) = refs
    c = lax.axis_index("c")
    s = lax.axis_index("s")
    r0 = s * rps
    pltpu.sync_copy(z_hbm.at[pl.ds(r0, rps)], agg_s.at[pl.ds(r0, rps)])
    if with_cnt:
      pltpu.sync_copy(z16_hbm.at[pl.ds(r0, rps)], cnt_s.at[pl.ds(r0, rps)])
      pltpu.sync_copy(ones_hbm, ones_v)
    if tail:
      @pl.when(s == 0)
      def _tail_init():
        t0 = NS * rps
        pltpu.sync_copy(z_hbm.at[pl.ds(t0, tail)], agg_s.at[pl.ds(t0, tail)])
        if with_cnt:
          pltpu.sync_copy(z16_hbm.at[pl.ds(t0, tail)],
                          cnt_s.at[pl.ds(t0, tail)])
    w = c * NS + s
    pltpu.sync_copy(e_hbm.at[0, w], src_v)
    pltpu.sync_copy(e_hbm.at[1, w], dst_v)
    plsc.subcore_barrier()

    def fire_g(base_ch, half):
      return [pltpu.async_copy(
          h_hbm.at[src_v.at[base_ch + b]],
          rows_v.at[pl.ds((half * GR + b) * K, K)], gsem)
          for b in range(GR)]

    def fire_s(base_ch, half, sem):
      ds = [pltpu.async_copy(
          rows_v.at[pl.ds((half * GR + b) * K, K)],
          agg_s.at[dst_v.at[base_ch + b]], sem, add=True)
          for b in range(GR)]
      if with_cnt:
        ds += [pltpu.async_copy(ones_v, cnt_s.at[dst_v.at[base_ch + b]],
                                csem, add=True)
               for b in range(GR)]
      return ds

    def drain_s(sem):
      pltpu.make_async_copy(
          h_hbm.at[pl.ds(0, GR * K)], rows_v.at[pl.ds(0, GR * K)], sem).wait()

    def drain_c():
      if with_cnt:
        for _ in range(GR):
          pltpu.make_async_copy(z16_hbm.at[pl.ds(0, K)], ones_v, csem).wait()

    def body2(g2, carry):
      ca = g2 * 2 * GR
      cb = ca + GR

      @pl.when(g2 > 0)
      def _da():
        drain_s(ssem_a)
        drain_c()

      ga = fire_g(ca, 0)

      @pl.when(g2 > 0)
      def _db():
        drain_s(ssem_b)
        drain_c()

      gb = fire_g(cb, 1)
      for d in ga:
        d.wait()
      fire_s(ca, 0, ssem_a)
      for d in gb:
        d.wait()
      fire_s(cb, 1, ssem_b)
      return carry

    lax.fori_loop(0, ngr // 2, body2, 0)
    drain_s(ssem_a)
    drain_s(ssem_b)
    drain_c()
    drain_c()
    if ngr % 2:
      ct = (ngr - 1) * GR
      for d in fire_g(ct, 0):
        d.wait()
      for d in fire_s(ct, 0, ssem_a):
        d.wait()

    plsc.subcore_barrier()

    def wb(rlo, nrows):
      pltpu.sync_copy(agg_s.at[pl.ds(rlo, nrows)],
                      agg_out.at[c, pl.ds(rlo, nrows), pl.ds(0, h_dim)])
      if with_cnt:
        pltpu.sync_copy(cnt_s.at[pl.ds(rlo, nrows)],
                        agg_out.at[c, pl.ds(rlo, nrows), pl.ds(h_dim, CW)])

    wb(r0, rps)
    if tail:
      @pl.when(s == 0)
      def _tail_out():
        wb(NS * rps, tail)

  return seg


def _input_proj(x, w, b):
  n, d = x.shape
  h = w.shape[1]
  rb = 2000

  def body(x_ref, w_ref, b_ref, o_ref):
    acc = jnp.dot(x_ref[...], w_ref[...], preferred_element_type=jnp.float32)
    o_ref[...] = jnp.maximum(acc + b_ref[...], 0.0)

  return pl.pallas_call(
      body,
      grid=(n // rb,),
      in_specs=[
          pl.BlockSpec((rb, d), lambda i: (i, 0)),
          pl.BlockSpec((d, h), lambda i: (0, 0)),
          pl.BlockSpec((1, h), lambda i: (0, 0)),
      ],
      out_specs=pl.BlockSpec((rb, h), lambda i: (i, 0)),
      out_shape=jax.ShapeDtypeStruct((n, h), jnp.float32),
  )(x, w, b.reshape(1, h))


def _layer_combine(agg2, cnt2, h, wl, bl, wr):
  n = h.shape[0]
  hw = h.shape[1]
  aw = agg2.shape[2]
  hd = wl.shape[0]
  rb = 2000
  aug = cnt2 is None

  def body(*refs):
    if aug:
      a_ref, h_ref, wl_ref, bl_ref, wr_ref, o_ref = refs
    else:
      a_ref, c_ref, h_ref, wl_ref, bl_ref, wr_ref, o_ref = refs
    a = a_ref[0, :, :hd] + a_ref[1, :, :hd]
    if aug:
      cg = a_ref[0, :, hd:hd + 1] + a_ref[1, :, hd:hd + 1]
    else:
      cg = c_ref[0, :, :1] + c_ref[1, :, :1]
    mean = a * (1.0 / jnp.maximum(cg, 1.0))
    acc = jnp.dot(mean, wl_ref[...], preferred_element_type=jnp.float32)
    acc = acc + jnp.dot(h_ref[:, :hd], wr_ref[...],
                        preferred_element_type=jnp.float32)
    o_ref[...] = jnp.maximum(acc + bl_ref[...], 0.0)

  in_specs = [pl.BlockSpec((NC, rb, aw), lambda i: (0, i, 0))]
  args = [agg2]
  if not aug:
    in_specs.append(pl.BlockSpec((NC, rb, CW), lambda i: (0, i, 0)))
    args.append(cnt2)
  in_specs += [
      pl.BlockSpec((rb, hw), lambda i: (i, 0)),
      pl.BlockSpec((hd, hd), lambda i: (0, 0)),
      pl.BlockSpec((1, hd), lambda i: (0, 0)),
      pl.BlockSpec((hd, hd), lambda i: (0, 0)),
  ]
  args += [h, wl, bl.reshape(1, hd), wr]

  return pl.pallas_call(
      body,
      grid=(n // rb,),
      in_specs=in_specs,
      out_specs=pl.BlockSpec((rb, hd), lambda i: (i, 0)),
      out_shape=jax.ShapeDtypeStruct((n, hd), jnp.float32),
  )(*args)


def _combine_pool(agg2, cnt2, h, wl, bl, wr, batch_col, gf, w1, b1, w2, b2):
  n, hd = h.shape
  aw = agg2.shape[2]
  g = gf.shape[0]
  gfd = gf.shape[1]
  rb = 1000
  nb = n // rb
  w1a = w1[:hd]
  w1b = w1[hd:2 * hd]
  w1c = w1[2 * hd:]

  def body(a_ref, c_ref, h_ref, wl_ref, bl_ref, wr_ref,
           b_ref, gf_ref, w1a_ref, w1b_ref, w1c_ref, b1_ref,
           w2_ref, b2_ref, o_ref, sums, cnts, maxs):
    i = pl.program_id(0)

    @pl.when(i == 0)
    def _init():
      sums[...] = jnp.zeros_like(sums)
      cnts[...] = jnp.zeros_like(cnts)
      maxs[...] = jnp.zeros_like(maxs)

    a = a_ref[0, :, :hd] + a_ref[1, :, :hd]
    cg = c_ref[0, :, :1] + c_ref[1, :, :1]
    mean = a * (1.0 / jnp.maximum(cg, 1.0))
    acc = jnp.dot(mean, wl_ref[...], preferred_element_type=jnp.float32)
    acc = acc + jnp.dot(h_ref[...], wr_ref[...],
                        preferred_element_type=jnp.float32)
    hb = jnp.maximum(acc + bl_ref[...], 0.0)
    bfull = jnp.broadcast_to(b_ref[...], (rb, hd))
    gid = lax.broadcasted_iota(jnp.int32, (rb, g), 1)
    mask = (b_ref[...] == gid).astype(jnp.float32)
    dn = (((0,), (0,)), ((), ()))
    sums[...] += lax.dot_general(mask, hb, dn,
                                 preferred_element_type=jnp.float32)
    cnts[...] += lax.dot_general(mask, jnp.ones_like(hb), dn,
                                 preferred_element_type=jnp.float32)
    bmin = b_ref[0, 0]
    bmax = b_ref[rb - 1, 0]

    def gbody(gg, carry):
      m = jnp.max(jnp.where(bfull == gg, hb, 0.0), axis=0, keepdims=True)
      maxs[pl.ds(gg, 1), :] = jnp.maximum(maxs[pl.ds(gg, 1), :], m)
      return carry

    lax.fori_loop(bmin, bmax + 1, gbody, 0)

    @pl.when(i == nb - 1)
    def _final():
      meanp = sums[...] / jnp.maximum(cnts[...], 1.0)
      z1 = jnp.dot(meanp, w1a_ref[...], preferred_element_type=jnp.float32)
      z1 = z1 + jnp.dot(maxs[...], w1b_ref[...],
                        preferred_element_type=jnp.float32)
      z1 = z1 + jnp.dot(gf_ref[...], w1c_ref[...],
                        preferred_element_type=jnp.float32)
      z1 = jnp.maximum(z1 + b1_ref[...], 0.0)
      z2 = jnp.dot(z1, w2_ref[...], preferred_element_type=jnp.float32)
      o_ref[...] = jnp.maximum(z2 + b2_ref[...], 0.0)

  return pl.pallas_call(
      body,
      grid=(nb,),
      in_specs=[
          pl.BlockSpec((NC, rb, aw), lambda i: (0, i, 0)),
          pl.BlockSpec((NC, rb, CW), lambda i: (0, i, 0)),
          pl.BlockSpec((rb, hd), lambda i: (i, 0)),
          pl.BlockSpec((hd, hd), lambda i: (0, 0)),
          pl.BlockSpec((1, hd), lambda i: (0, 0)),
          pl.BlockSpec((hd, hd), lambda i: (0, 0)),
          pl.BlockSpec((rb, 1), lambda i: (i, 0)),
          pl.BlockSpec((g, gfd), lambda i: (0, 0)),
          pl.BlockSpec((hd, hd), lambda i: (0, 0)),
          pl.BlockSpec((hd, hd), lambda i: (0, 0)),
          pl.BlockSpec((gfd, hd), lambda i: (0, 0)),
          pl.BlockSpec((1, hd), lambda i: (0, 0)),
          pl.BlockSpec((hd, hd), lambda i: (0, 0)),
          pl.BlockSpec((1, hd), lambda i: (0, 0)),
      ],
      out_specs=pl.BlockSpec((g, hd), lambda i: (0, 0)),
      out_shape=jax.ShapeDtypeStruct((g, hd), jnp.float32),
      scratch_shapes=[
          pltpu.VMEM((g, hd), jnp.float32),
          pltpu.VMEM((g, hd), jnp.float32),
          pltpu.VMEM((g, hd), jnp.float32),
      ],
  )(agg2, cnt2, h, wl, bl.reshape(1, hd), wr, batch_col, gf,
    w1a, w1b, w1c, b1.reshape(1, hd), w2, b2.reshape(1, hd))


def kernel(x, edge_index, batch, graph_feat, W_in, b_in,
           Wl0, bl0, Wr0, Wl1, bl1, Wr1, Wl2, bl2, Wr2,
           W1, b1, W2, b2):
  n = x.shape[0]
  hd = W_in.shape[1]
  e = edge_index.shape[1]
  nw = NC * NS
  edges = edge_index.reshape(2, nw, -1, 80)

  z64 = jnp.zeros((n, hd), jnp.float32)
  z16 = jnp.zeros((n, CW), jnp.float32)
  ones16 = jnp.ones((80, CW), jnp.float32)

  seg_cnt = _make_sc_segsum(n, hd, e, True)
  seg_nc = _make_sc_segsum(n, hd, e, False)

  h = _input_proj(x, W_in, b_in)
  agg2 = seg_cnt(h, edges, z64, z16, ones16)
  cnt2 = lax.slice(agg2, (0, 0, hd), (NC, n, hd + CW))
  h = _layer_combine(agg2, None, h, Wl0, bl0, Wr0)
  agg2 = seg_nc(h, edges, z64)
  h = _layer_combine(agg2, cnt2, h, Wl1, bl1, Wr1)
  agg2 = seg_nc(h, edges, z64)
  return _combine_pool(agg2, cnt2, h, Wl2, bl2, Wr2,
                       batch.reshape(n, 1), graph_feat, W1, b1, W2, b2)

# --- scband reference (transcript-rebuilt; emitter-appended) ---
"""Pipeline reference for scband-island-encoder-21543555957431 (READ-ONLY COPY).

The authoritative reference and input builder live on the scoring server;
editing this copy changes nothing except your own understanding.
"""

import jax, jax.numpy as jnp
import numpy as np

N = 10000   # nodes
E = 320000  # edges
D = 128     # node_feat_dim
H = 64      # hidden_dim
G = 64      # num graphs in batch
GF = 16     # island_num_feat_dim


def setup_inputs(seed: int = 0) -> dict:
    key = jax.random.key(seed)
    ks = jax.random.split(key, 24)
    s = 0.05
    inp = {}
    inp["x"] = jax.random.normal(ks[0], (N, D), dtype=jnp.float32)
    inp["edge_index"] = jax.random.randint(ks[1], (2, E), 0, N, dtype=jnp.int32)
    inp["batch"] = jnp.sort(jax.random.randint(ks[2], (N,), 0, G, dtype=jnp.int32))
    inp["graph_feat"] = jax.random.normal(ks[3], (G, GF), dtype=jnp.float32)
    # input projection
    inp["W_in"] = jax.random.normal(ks[4], (D, H), dtype=jnp.float32) * s
    inp["b_in"] = jnp.zeros((H,), dtype=jnp.float32)
    # 3 SAGEConv layers: lin_l (aggregated neighbors, with bias), lin_r (root, no bias)
    for i in range(3):
        inp[f"Wl{i}"] = jax.random.normal(ks[5 + 3 * i], (H, H), dtype=jnp.float32) * s
        inp[f"bl{i}"] = jnp.zeros((H,), dtype=jnp.float32)
        inp[f"Wr{i}"] = jax.random.normal(ks[6 + 3 * i], (H, H), dtype=jnp.float32) * s
    # output MLP
    inp["W1"] = jax.random.normal(ks[20], (2 * H + GF, H), dtype=jnp.float32) * s
    inp["b1"] = jnp.zeros((H,), dtype=jnp.float32)
    inp["W2"] = jax.random.normal(ks[21], (H, H), dtype=jnp.float32) * s
    inp["b2"] = jnp.zeros((H,), dtype=jnp.float32)
    return inp


def reference(x, edge_index, batch, graph_feat, W_in, b_in,
              Wl0, bl0, Wr0, Wl1, bl1, Wr1, Wl2, bl2, Wr2,
              W1, b1, W2, b2):
    # input projection + relu
    h = jax.nn.relu(x @ W_in + b_in)
    src = edge_index[0]
    dst = edge_index[1]
    ones_e = jnp.ones((E,), dtype=x.dtype)
    # 3 SAGEConv layers with mean aggregation (eval mode: dropout is identity)
    for (Wl, bl, Wr) in ((Wl0, bl0, Wr0), (Wl1, bl1, Wr1), (Wl2, bl2, Wr2)):
        msg = h[src]                                   # gather
        agg = jax.ops.segment_sum(msg, dst, num_segments=N)   # scatter-add
        cnt = jax.ops.segment_sum(ones_e, dst, num_segments=N)
        mean = agg / jnp.clip(cnt, 1.0)[:, None]
        h = jax.nn.relu(mean @ Wl + bl + h @ Wr)
    # global mean / max pooling by graph id
    ones_n = jnp.ones((N,), dtype=x.dtype)
    cntg = jax.ops.segment_sum(ones_n, batch, num_segments=G)
    meanp = jax.ops.segment_sum(h, batch, num_segments=G) / jnp.clip(cntg, 1.0)[:, None]
    maxp = jax.ops.segment_max(h, batch, num_segments=G)
    maxp = jnp.where(jnp.isfinite(maxp), maxp, 0.0)
    pooled = jnp.concatenate([meanp, maxp], axis=-1)
    gf = graph_feat.reshape(pooled.shape[0], -1)
    z = jnp.concatenate([pooled, gf], axis=-1)
    z = jax.nn.relu(z @ W1 + b1)
    return jax.nn.relu(z @ W2 + b2)

if __name__ == "__main__":
    import jax
    _d = setup_inputs()
    print(jax.jit(kernel)(*tuple(_d.values())))

</pallas_src>

<mosaic_0001>
#map = affine_map<(d0, d1) -> (0, 0)>
#map1 = affine_map<(d0, d1) -> (0, 0, 0, 0)>
#map2 = affine_map<(d0, d1) -> (0, 0, 0)>
module attributes {stable_mosaic.version = 14 : i64} {
  func.func @seg(%arg0: i32, %arg1: i32, %arg2: memref<10000x64xf32, #tpu.memory_space<hbm>>, %arg3: memref<2x32x125x80xi32, #tpu.memory_space<hbm>>, %arg4: memref<10000x64xf32, #tpu.memory_space<hbm>>, %arg5: memref<2x10000x128xf32, #tpu.memory_space<hbm>>, %arg6: memref<10000x64xf32, #tpu.memory_space<vmem_shared>>, %arg7: memref<125x80xi32, #tpu.memory_space<vmem>>, %arg8: memref<125x80xi32, #tpu.memory_space<vmem>>, %arg9: memref<800x64xf32, #tpu.memory_space<vmem>>, %arg10: memref<!tpu.dma_semaphore, #tpu.memory_space<semaphore_mem>>, %arg11: memref<!tpu.dma_semaphore, #tpu.memory_space<semaphore_mem>>, %arg12: memref<!tpu.dma_semaphore, #tpu.memory_space<semaphore_mem>>) attributes {dimension_semantics = [#tpu.dimension_semantics<core_parallel>, #tpu.dimension_semantics<subcore_parallel>], iteration_bounds = array<i64: 2, 16>, scalar_prefetch = 0 : i64, scratch_operands = 7 : i64, tpu.core_type = #tpu.core_type<sc_vector_subcore>, window_params = [{transform_indices = #map}, {transform_indices = #map1}, {transform_indices = #map}, {transform_indices = #map2}]} {
    %mul3A = arith.constant 624 : i32
    %mul3A_0 = arith.muli %arg1, %mul3A : i32
    "tpu.region"() ({
      %run_scoped3A_239 = tpu.sem_alloc : memref<!tpu.dma_semaphore, #tpu.memory_space<semaphore_mem>>
      %dma_start3A_240 = arith.constant 0 : i32
      %dma_start3A_241 = tpu.memref_slice %arg6[%mul3A_0, %dma_start3A_240] : memref<10000x64xf32, #tpu.memory_space<vmem_shared>> -> memref<624x64xf32, #tpu.memory_space<vmem_shared>>
      %dma_start3A_242 = arith.constant 0 : i32
      %dma_start3A_243 = tpu.memref_slice %arg4[%mul3A_0, %dma_start3A_242] : memref<10000x64xf32, #tpu.memory_space<hbm>> -> memref<624x64xf32, #tpu.memory_space<hbm>>
      tpu.enqueue_dma source(%dma_start3A_243 : memref<624x64xf32, #tpu.memory_space<hbm>>) target(%dma_start3A_241 : memref<624x64xf32, #tpu.memory_space<vmem_shared>>) target_semaphore(%run_scoped3A_239 : memref<!tpu.dma_semaphore, #tpu.memory_space<semaphore_mem>>)
      %dma_wait3A_244 = arith.constant 0 : i32
      %dma_wait3A_245 = tpu.memref_slice %arg6[%mul3A_0, %dma_wait3A_244] : memref<10000x64xf32, #tpu.memory_space<vmem_shared>> -> memref<624x64xf32, #tpu.memory_space<vmem_shared>>
      %dma_wait3A_246 = arith.constant 0 : i32
      %dma_wait3A_247 = tpu.memref_slice %arg4[%mul3A_0, %dma_wait3A_246] : memref<10000x64xf32, #tpu.memory_space<hbm>> -> memref<624x64xf32, #tpu.memory_space<hbm>>
      tpu.wait_dma2 semaphore(%run_scoped3A_239 : memref<!tpu.dma_semaphore, #tpu.memory_space<semaphore_mem>>) src(%dma_wait3A_247 : memref<624x64xf32, #tpu.memory_space<hbm>>) dst(%dma_wait3A_245 : memref<624x64xf32, #tpu.memory_space<vmem_shared>>)
      tpu.yield
    }) : () -> ()
    %eq3A = arith.constant 0 : i32
    %eq3A_1 = arith.cmpi eq, %arg1, %eq3A : i32
    %convert_element_type3A = arith.extui %eq3A_1 : i1 to i32
    %cond3A = arith.constant 0 : i32
    %cond3A_2 = arith.cmpi ne, %convert_element_type3A, %cond3A : i32
    scf.if %cond3A_2 {
      "tpu.region"() ({
        %run_scoped3A_239 = tpu.sem_alloc : memref<!tpu.dma_semaphore, #tpu.memory_space<semaphore_mem>>
        %dma_start3A_240 = arith.constant 9984 : i32
        %dma_start3A_241 = arith.constant 0 : i32
        %dma_start3A_242 = tpu.memref_slice %arg6[%dma_start3A_240, %dma_start3A_241] : memref<10000x64xf32, #tpu.memory_space<vmem_shared>> -> memref<16x64xf32, #tpu.memory_space<vmem_shared>>
        %dma_start3A_243 = arith.constant 9984 : i32
        %dma_start3A_244 = arith.constant 0 : i32
        %dma_start3A_245 = tpu.memref_slice %arg4[%dma_start3A_243, %dma_start3A_244] : memref<10000x64xf32, #tpu.memory_space<hbm>> -> memref<16x64xf32, #tpu.memory_space<hbm>>
        tpu.enqueue_dma source(%dma_start3A_245 : memref<16x64xf32, #tpu.memory_space<hbm>>) target(%dma_start3A_242 : memref<16x64xf32, #tpu.memory_space<vmem_shared>>) target_semaphore(%run_scoped3A_239 : memref<!tpu.dma_semaphore, #tpu.memory_space<semaphore_mem>>)
        %dma_wait3A_246 = arith.constant 9984 : i32
        %dma_wait3A_247 = arith.constant 0 : i32
        %dma_wait3A_248 = tpu.memref_slice %arg6[%dma_wait3A_246, %dma_wait3A_247] : memref<10000x64xf32, #tpu.memory_space<vmem_shared>> -> memref<16x64xf32, #tpu.memory_space<vmem_shared>>
        %dma_wait3A_249 = arith.constant 9984 : i32
        %dma_wait3A_250 = arith.constant 0 : i32
        %dma_wait3A_251 = tpu.memref_slice %arg4[%dma_wait3A_249, %dma_wait3A_250] : memref<10000x64xf32, #tpu.memory_space<hbm>> -> memref<16x64xf32, #tpu.memory_space<hbm>>
        tpu.wait_dma2 semaphore(%run_scoped3A_239 : memref<!tpu.dma_semaphore, #tpu.memory_space<semaphore_mem>>) src(%dma_wait3A_251 : memref<16x64xf32, #tpu.memory_space<hbm>>) dst(%dma_wait3A_248 : memref<16x64xf32, #tpu.memory_space<vmem_shared>>)
        tpu.yield
      }) : () -> ()
    } else {
    }
    %mul3A_3 = arith.constant 16 : i32
    %mul3A_4 = arith.muli %arg0, %mul3A_3 : i32
    %add3A = arith.addi %mul3A_4, %arg1 : i32
    %run_scoped3A = arith.constant 0 : i32
    "tpu.region"() ({
      %run_scoped3A_239 = tpu.sem_alloc : memref<!tpu.dma_semaphore, #tpu.memory_space<semaphore_mem>>
      %dma_start3A_240 = arith.constant 0 : i32
      %dma_start3A_241 = arith.constant 0 : i32
      %dma_start3A_242 = tpu.memref_slice %arg3[%run_scoped3A, %add3A, %dma_start3A_240, %dma_start3A_241] : memref<2x32x125x80xi32, #tpu.memory_space<hbm>> -> memref<1x1x125x80xi32, #tpu.memory_space<hbm>>
      %dma_start3A_243 = tpu.memref_squeeze %dma_start3A_242 : memref<1x1x125x80xi32, #tpu.memory_space<hbm>> -> memref<125x80xi32, #tpu.memory_space<hbm>>
      %dma_start3A_244 = arith.constant 0 : i32
      %dma_start3A_245 = arith.constant 0 : i32
      %dma_start3A_246 = tpu.memref_slice %arg3[%run_scoped3A, %add3A, %dma_start3A_244, %dma_start3A_245] : memref<2x32x125x80xi32, #tpu.memory_space<hbm>> -> memref<1x1x125x80xi32, #tpu.memory_space<hbm>>
      %dma_start3A_247 = tpu.memref_squeeze %dma_start3A_246 : memref<1x1x125x80xi32, #tpu.memory_space<hbm>> -> memref<125x80xi32, #tpu.memory_space<hbm>>
      tpu.enqueue_dma source(%dma_start3A_247 : memref<125x80xi32, #tpu.memory_space<hbm>>) target(%arg7 : memref<125x80xi32, #tpu.memory_space<vmem>>) target_semaphore(%run_scoped3A_239 : memref<!tpu.dma_semaphore, #tpu.memory_space<semaphore_mem>>)
      %dma_wait3A_248 = arith.constant 0 : i32
      %dma_wait3A_249 = arith.constant 0 : i32
      %dma_wait3A_250 = tpu.memref_slice %arg3[%run_scoped3A, %add3A, %dma_wait3A_248, %dma_wait3A_249] : memref<2x32x125x80xi32, #tpu.memory_space<hbm>> -> memref<1x1x125x80xi32, #tpu.memory_space<hbm>>
      %dma_wait3A_251 = tpu.memref_squeeze %dma_wait3A_250 : memref<1x1x125x80xi32, #tpu.memory_space<hbm>> -> memref<125x80xi32, #tpu.memory_space<hbm>>
      %dma_wait3A_252 = arith.constant 0 : i32
      %dma_wait3A_253 = arith.constant 0 : i32
      %dma_wait3A_254 = tpu.memref_slice %arg3[%run_scoped3A, %add3A, %dma_wait3A_252, %dma_wait3A_253] : memref<2x32x125x80xi32, #tpu.memory_space<hbm>> -> memref<1x1x125x80xi32, #tpu.memory_space<hbm>>
      %dma_wait3A_255 = tpu.memref_squeeze %dma_wait3A_254 : memref<1x1x125x80xi32, #tpu.memory_space<hbm>> -> memref<125x80xi32, #tpu.memory_space<hbm>>
      tpu.wait_dma2 semaphore(%run_scoped3A_239 : memref<!tpu.dma_semaphore, #tpu.memory_space<semaphore_mem>>) src(%dma_wait3A_255 : memref<125x80xi32, #tpu.memory_space<hbm>>) dst(%arg7 : memref<125x80xi32, #tpu.memory_space<vmem>>)
      tpu.yield
    }) : () -> ()
    %run_scoped3A_5 = arith.constant 1 : i32
    "tpu.region"() ({
      %run_scoped3A_239 = tpu.sem_alloc : memref<!tpu.dma_semaphore, #tpu.memory_space<semaphore_mem>>
      %dma_start3A_240 = arith.constant 0 : i32
      %dma_start3A_241 = arith.constant 0 : i32
      %dma_start3A_242 = tpu.memref_slice %arg3[%run_scoped3A_5, %add3A, %dma_start3A_240, %dma_start3A_241] : memref<2x32x125x80xi32, #tpu.memory_space<hbm>> -> memref<1x1x125x80xi32, #tpu.memory_space<hbm>>
      %dma_start3A_243 = tpu.memref_squeeze %dma_start3A_242 : memref<1x1x125x80xi32, #tpu.memory_space<hbm>> -> memref<125x80xi32, #tpu.memory_space<hbm>>
      %dma_start3A_244 = arith.constant 0 : i32
      %dma_start3A_245 = arith.constant 0 : i32
      %dma_start3A_246 = tpu.memref_slice %arg3[%run_scoped3A_5, %add3A, %dma_start3A_244, %dma_start3A_245] : memref<2x32x125x80xi32, #tpu.memory_space<hbm>> -> memref<1x1x125x80xi32, #tpu.memory_space<hbm>>
      %dma_start3A_247 = tpu.memref_squeeze %dma_start3A_246 : memref<1x1x125x80xi32, #tpu.memory_space<hbm>> -> memref<125x80xi32, #tpu.memory_space<hbm>>
      tpu.enqueue_dma source(%dma_start3A_247 : memref<125x80xi32, #tpu.memory_space<hbm>>) target(%arg8 : memref<125x80xi32, #tpu.memory_space<vmem>>) target_semaphore(%run_scoped3A_239 : memref<!tpu.dma_semaphore, #tpu.memory_space<semaphore_mem>>)
      %dma_wait3A_248 = arith.constant 0 : i32
      %dma_wait3A_249 = arith.constant 0 : i32
      %dma_wait3A_250 = tpu.memref_slice %arg3[%run_scoped3A_5, %add3A, %dma_wait3A_248, %dma_wait3A_249] : memref<2x32x125x80xi32, #tpu.memory_space<hbm>> -> memref<1x1x125x80xi32, #tpu.memory_space<hbm>>
      %dma_wait3A_251 = tpu.memref_squeeze %dma_wait3A_250 : memref<1x1x125x80xi32, #tpu.memory_space<hbm>> -> memref<125x80xi32, #tpu.memory_space<hbm>>
      %dma_wait3A_252 = arith.constant 0 : i32
      %dma_wait3A_253 = arith.constant 0 : i32
      %dma_wait3A_254 = tpu.memref_slice %arg3[%run_scoped3A_5, %add3A, %dma_wait3A_252, %dma_wait3A_253] : memref<2x32x125x80xi32, #tpu.memory_space<hbm>> -> memref<1x1x125x80xi32, #tpu.memory_space<hbm>>
      %dma_wait3A_255 = tpu.memref_squeeze %dma_wait3A_254 : memref<1x1x125x80xi32, #tpu.memory_space<hbm>> -> memref<125x80xi32, #tpu.memory_space<hbm>>
      tpu.wait_dma2 semaphore(%run_scoped3A_239 : memref<!tpu.dma_semaphore, #tpu.memory_space<semaphore_mem>>) src(%dma_wait3A_255 : memref<125x80xi32, #tpu.memory_space<hbm>>) dst(%arg8 : memref<125x80xi32, #tpu.memory_space<vmem>>)
      tpu.yield
    }) : () -> ()
    %barrier3A = arith.constant 0 : index
    tpu.barrier barrier_id(%barrier3A)
    %scan3A = arith.constant 0 : i32
    %scan3A_6 = arith.constant 0 : i32
    %scan3A_7 = arith.constant 12 : i32
    %scan3A_8 = arith.addi %scan3A_6, %scan3A_7 : i32
    %scan3A_9 = arith.constant 1 : i32
    scf.for %scan3A_239 = %scan3A_6 to %scan3A_8 step %scan3A_9  : i32 {
      %mul3A_240 = arith.constant 2 : i32
      %mul3A_241 = arith.muli %scan3A_239, %mul3A_240 : i32
      %mul3A_242 = arith.constant 5 : i32
      %mul3A_243 = arith.muli %mul3A_241, %mul3A_242 : i32
      %add3A_244 = arith.constant 5 : i32
      %add3A_245 = arith.addi %mul3A_243, %add3A_244 : i32
      %gt3A = arith.constant 0 : i32
      %gt3A_246 = arith.cmpi sgt, %scan3A_239, %gt3A : i32
      %convert_element_type3A_247 = arith.extui %gt3A_246 : i1 to i32
      %cond3A_248 = arith.constant 0 : i32
      %cond3A_249 = arith.cmpi ne, %convert_element_type3A_247, %cond3A_248 : i32
      scf.if %cond3A_249 {
        %dma_wait3A_565 = arith.constant 0 : i32
        %dma_wait3A_566 = arith.constant 0 : i32
        %dma_wait3A_567 = tpu.memref_slice %arg9[%dma_wait3A_565, %dma_wait3A_566] : memref<800x64xf32, #tpu.memory_space<vmem>> -> memref<400x64xf32, #tpu.memory_space<vmem>>
        %dma_wait3A_568 = arith.constant 0 : i32
        %dma_wait3A_569 = arith.constant 0 : i32
        %dma_wait3A_570 = tpu.memref_slice %arg2[%dma_wait3A_568, %dma_wait3A_569] : memref<10000x64xf32, #tpu.memory_space<hbm>> -> memref<400x64xf32, #tpu.memory_space<hbm>>
        %dma_wait3A_571 = arith.constant 0 : i32
        %dma_wait3A_572 = arith.constant 0 : i32
        %dma_wait3A_573 = tpu.memref_slice %arg9[%dma_wait3A_571, %dma_wait3A_572] : memref<800x64xf32, #tpu.memory_space<vmem>> -> memref<400x64xf32, #tpu.memory_space<vmem>>
        %dma_wait3A_574 = arith.constant 0 : i32
        %dma_wait3A_575 = arith.constant 0 : i32
        %dma_wait3A_576 = tpu.memref_slice %arg2[%dma_wait3A_574, %dma_wait3A_575] : memref<10000x64xf32, #tpu.memory_space<hbm>> -> memref<400x64xf32, #tpu.memory_space<hbm>>
        tpu.wait_dma2 semaphore(%arg11 : memref<!tpu.dma_semaphore, #tpu.memory_space<semaphore_mem>>) src(%dma_wait3A_576 : memref<400x64xf32, #tpu.memory_space<hbm>>) dst(%dma_wait3A_573 : memref<400x64xf32, #tpu.memory_space<vmem>>)
      } else {
      }
      %add3A_250 = arith.constant 0 : i32
      %add3A_251 = arith.addi %mul3A_243, %add3A_250 : i32
      %dma_start3A_252 = arith.constant 0 : i32
      %dma_start3A_253 = arith.constant 0 : i32
      %dma_start3A_254 = tpu.memref_slice %arg9[%dma_start3A_252, %dma_start3A_253] : memref<800x64xf32, #tpu.memory_space<vmem>> -> memref<80x64xf32, #tpu.memory_space<vmem>>
      %dma_start3A_255 = arith.constant 0 : i32
      %dma_start3A_256 = tpu.memref_slice %arg7[%add3A_251, %dma_start3A_255] : memref<125x80xi32, #tpu.memory_space<vmem>> -> memref<1x80xi32, #tpu.memory_space<vmem>>
      %dma_start3A_257 = tpu.memref_squeeze %dma_start3A_256 : memref<1x80xi32, #tpu.memory_space<vmem>> -> memref<80xi32, #tpu.memory_space<vmem>>
      %dma_start3A_258 = arith.constant 0 : i32
      %dma_start3A_259 = arith.constant 0 : i32
      %dma_start3A_260 = tpu.memref_slice %arg2[%dma_start3A_258, %dma_start3A_259] : memref<10000x64xf32, #tpu.memory_space<hbm>> -> memref<10000x64xf32, #tpu.memory_space<hbm>>
      tpu.enqueue_indirect_dma source(%dma_start3A_260 : memref<10000x64xf32, #tpu.memory_space<hbm>>) target(%dma_start3A_254 : memref<80x64xf32, #tpu.memory_space<vmem>>) offsets(%dma_start3A_257 : memref<80xi32, #tpu.memory_space<vmem>>) semaphore(%arg10 : memref<!tpu.dma_semaphore, #tpu.memory_space<semaphore_mem>>)
      %add3A_261 = arith.constant 1 : i32
      %add3A_262 = arith.addi %mul3A_243, %add3A_261 : i32
      %dma_start3A_263 = arith.constant 80 : i32
      %dma_start3A_264 = arith.constant 0 : i32
      %dma_start3A_265 = tpu.memref_slice %arg9[%dma_start3A_263, %dma_start3A_264] : memref<800x64xf32, #tpu.memory_space<vmem>> -> memref<80x64xf32, #tpu.memory_space<vmem>>
      %dma_start3A_266 = arith.constant 0 : i32
      %dma_start3A_267 = tpu.memref_slice %arg7[%add3A_262, %dma_start3A_266] : memref<125x80xi32, #tpu.memory_space<vmem>> -> memref<1x80xi32, #tpu.memory_space<vmem>>
      %dma_start3A_268 = tpu.memref_squeeze %dma_start3A_267 : memref<1x80xi32, #tpu.memory_space<vmem>> -> memref<80xi32, #tpu.memory_space<vmem>>
      %dma_start3A_269 = arith.constant 0 : i32
      %dma_start3A_270 = arith.constant 0 : i32
      %dma_start3A_271 = tpu.memref_slice %arg2[%dma_start3A_269, %dma_start3A_270] : memref<10000x64xf32, #tpu.memory_space<hbm>> -> memref<10000x64xf32, #tpu.memory_space<hbm>>
      tpu.enqueue_indirect_dma source(%dma_start3A_271 : memref<10000x64xf32, #tpu.memory_space<hbm>>) target(%dma_start3A_265 : memref<80x64xf32, #tpu.memory_space<vmem>>) offsets(%dma_start3A_268 : memref<80xi32, #tpu.memory_space<vmem>>) semaphore(%arg10 : memref<!tpu.dma_semaphore, #tpu.memory_space<semaphore_mem>>)
      %add3A_272 = arith.constant 2 : i32
      %add3A_273 = arith.addi %mul3A_243, %add3A_272 : i32
      %dma_start3A_274 = arith.constant 160 : i32
      %dma_start3A_275 = arith.constant 0 : i32
      %dma_start3A_276 = tpu.memref_slice %arg9[%dma_start3A_274, %dma_start3A_275] : memref<800x64xf32, #tpu.memory_space<vmem>> -> memref<80x64xf32, #tpu.memory_space<vmem>>
      %dma_start3A_277 = arith.constant 0 : i32
      %dma_start3A_278 = tpu.memref_slice %arg7[%add3A_273, %dma_start3A_277] : memref<125x80xi32, #tpu.memory_space<vmem>> -> memref<1x80xi32, #tpu.memory_space<vmem>>
      %dma_start3A_279 = tpu.memref_squeeze %dma_start3A_278 : memref<1x80xi32, #tpu.memory_space<vmem>> -> memref<80xi32, #tpu.memory_space<vmem>>
      %dma_start3A_280 = arith.constant 0 : i32
      %dma_start3A_281 = arith.constant 0 : i32
      %dma_start3A_282 = tpu.memref_slice %arg2[%dma_start3A_280, %dma_start3A_281] : memref<10000x64xf32, #tpu.memory_space<hbm>> -> memref<10000x64xf32, #tpu.memory_space<hbm>>
      tpu.enqueue_indirect_dma source(%dma_start3A_282 : memref<10000x64xf32, #tpu.memory_space<hbm>>) target(%dma_start3A_276 : memref<80x64xf32, #tpu.memory_space<vmem>>) offsets(%dma_start3A_279 : memref<80xi32, #tpu.memory_space<vmem>>) semaphore(%arg10 : memref<!tpu.dma_semaphore, #tpu.memory_space<semaphore_mem>>)
      %add3A_283 = arith.constant 3 : i32
      %add3A_284 = arith.addi %mul3A_243, %add3A_283 : i32
      %dma_start3A_285 = arith.constant 240 : i32
      %dma_start3A_286 = arith.constant 0 : i32
      %dma_start3A_287 = tpu.memref_slice %arg9[%dma_start3A_285, %dma_start3A_286] : memref<800x64xf32, #tpu.memory_space<vmem>> -> memref<80x64xf32, #tpu.memory_space<vmem>>
      %dma_start3A_288 = arith.constant 0 : i32
      %dma_start3A_289 = tpu.memref_slice %arg7[%add3A_284, %dma_start3A_288] : memref<125x80xi32, #tpu.memory_space<vmem>> -> memref<1x80xi32, #tpu.memory_space<vmem>>
      %dma_start3A_290 = tpu.memref_squeeze %dma_start3A_289 : memref<1x80xi32, #tpu.memory_space<vmem>> -> memref<80xi32, #tpu.memory_space<vmem>>
      %dma_start3A_291 = arith.constant 0 : i32
      %dma_start3A_292 = arith.constant 0 : i32
      %dma_start3A_293 = tpu.memref_slice %arg2[%dma_start3A_291, %dma_start3A_292] : memref<10000x64xf32, #tpu.memory_space<hbm>> -> memref<10000x64xf32, #tpu.memory_space<hbm>>
      tpu.enqueue_indirect_dma source(%dma_start3A_293 : memref<10000x64xf32, #tpu.memory_space<hbm>>) target(%dma_start3A_287 : memref<80x64xf32, #tpu.memory_space<vmem>>) offsets(%dma_start3A_290 : memref<80xi32, #tpu.memory_space<vmem>>) semaphore(%arg10 : memref<!tpu.dma_semaphore, #tpu.memory_space<semaphore_mem>>)
      %add3A_294 = arith.constant 4 : i32
      %add3A_295 = arith.addi %mul3A_243, %add3A_294 : i32
      %dma_start3A_296 = arith.constant 320 : i32
      %dma_start3A_297 = arith.constant 0 : i32
      %dma_start3A_298 = tpu.memref_slice %arg9[%dma_start3A_296, %dma_start3A_297] : memref<800x64xf32, #tpu.memory_space<vmem>> -> memref<80x64xf32, #tpu.memory_space<vmem>>
      %dma_start3A_299 = arith.constant 0 : i32
      %dma_start3A_300 = tpu.memref_slice %arg7[%add3A_295, %dma_start3A_299] : memref<125x80xi32, #tpu.memory_space<vmem>> -> memref<1x80xi32, #tpu.memory_space<vmem>>
      %dma_start3A_301 = tpu.memref_squeeze %dma_start3A_300 : memref<1x80xi32, #tpu.memory_space<vmem>> -> memref<80xi32, #tpu.memory_space<vmem>>
      %dma_start3A_302 = arith.constant 0 : i32
      %dma_start3A_303 = arith.constant 0 : i32
      %dma_start3A_304 = tpu.memref_slice %arg2[%dma_start3A_302, %dma_start3A_303] : memref<10000x64xf32, #tpu.memory_space<hbm>> -> memref<10000x64xf32, #tpu.memory_space<hbm>>
      tpu.enqueue_indirect_dma source(%dma_start3A_304 : memref<10000x64xf32, #tpu.memory_space<hbm>>) target(%dma_start3A_298 : memref<80x64xf32, #tpu.memory_space<vmem>>) offsets(%dma_start3A_301 : memref<80xi32, #tpu.memory_space<vmem>>) semaphore(%arg10 : memref<!tpu.dma_semaphore, #tpu.memory_space<semaphore_mem>>)
      %gt3A_305 = arith.constant 0 : i32
      %gt3A_306 = arith.cmpi sgt, %scan3A_239, %gt3A_305 : i32
      %convert_element_type3A_307 = arith.extui %gt3A_306 : i1 to i32
      %cond3A_308 = arith.constant 0 : i32
      %cond3A_309 = arith.cmpi ne, %convert_element_type3A_307, %cond3A_308 : i32
      scf.if %cond3A_309 {
        %dma_wait3A_565 = arith.constant 0 : i32
        %dma_wait3A_566 = arith.constant 0 : i32
        %dma_wait3A_567 = tpu.memref_slice %arg9[%dma_wait3A_565, %dma_wait3A_566] : memref<800x64xf32, #tpu.memory_space<vmem>> -> memref<400x64xf32, #tpu.memory_space<vmem>>
        %dma_wait3A_568 = arith.constant 0 : i32
        %dma_wait3A_569 = arith.constant 0 : i32
        %dma_wait3A_570 = tpu.memref_slice %arg2[%dma_wait3A_568, %dma_wait3A_569] : memref<10000x64xf32, #tpu.memory_space<hbm>> -> memref<400x64xf32, #tpu.memory_space<hbm>>
        %dma_wait3A_571 = arith.constant 0 : i32
        %dma_wait3A_572 = arith.constant 0 : i32
        %dma_wait3A_573 = tpu.memref_slice %arg9[%dma_wait3A_571, %dma_wait3A_572] : memref<800x64xf32, #tpu.memory_space<vmem>> -> memref<400x64xf32, #tpu.memory_space<vmem>>
        %dma_wait3A_574 = arith.constant 0 : i32
        %dma_wait3A_575 = arith.constant 0 : i32
        %dma_wait3A_576 = tpu.memref_slice %arg2[%dma_wait3A_574, %dma_wait3A_575] : memref<10000x64xf32, #tpu.memory_space<hbm>> -> memref<400x64xf32, #tpu.memory_space<hbm>>
        tpu.wait_dma2 semaphore(%arg12 : memref<!tpu.dma_semaphore, #tpu.memory_space<semaphore_mem>>) src(%dma_wait3A_576 : memref<400x64xf32, #tpu.memory_space<hbm>>) dst(%dma_wait3A_573 : memref<400x64xf32, #tpu.memory_space<vmem>>)
      } else {
      }
      %add3A_310 = arith.constant 0 : i32
      %add3A_311 = arith.addi %add3A_245, %add3A_310 : i32
      %dma_start3A_312 = arith.constant 400 : i32
      %dma_start3A_313 = arith.constant 0 : i32
      %dma_start3A_314 = tpu.memref_slice %arg9[%dma_start3A_312, %dma_start3A_313] : memref<800x64xf32, #tpu.memory_space<vmem>> -> memref<80x64xf32, #tpu.memory_space<vmem>>
      %dma_start3A_315 = arith.constant 0 : i32
      %dma_start3A_316 = tpu.memref_slice %arg7[%add3A_311, %dma_start3A_315] : memref<125x80xi32, #tpu.memory_space<vmem>> -> memref<1x80xi32, #tpu.memory_space<vmem>>
      %dma_start3A_317 = tpu.memref_squeeze %dma_start3A_316 : memref<1x80xi32, #tpu.memory_space<vmem>> -> memref<80xi32, #tpu.memory_space<vmem>>
      %dma_start3A_318 = arith.constant 0 : i32
      %dma_start3A_319 = arith.constant 0 : i32
      %dma_start3A_320 = tpu.memref_slice %arg2[%dma_start3A_318, %dma_start3A_319] : memref<10000x64xf32, #tpu.memory_space<hbm>> -> memref<10000x64xf32, #tpu.memory_space<hbm>>
      tpu.enqueue_indirect_dma source(%dma_start3A_320 : memref<10000x64xf32, #tpu.memory_space<hbm>>) target(%dma_start3A_314 : memref<80x64xf32, #tpu.memory_space<vmem>>) offsets(%dma_start3A_317 : memref<80xi32, #tpu.memory_space<vmem>>) semaphore(%arg10 : memref<!tpu.dma_semaphore, #tpu.memory_space<semaphore_mem>>)
      %add3A_321 = arith.constant 1 : i32
      %add3A_322 = arith.addi %add3A_245, %add3A_321 : i32
      %dma_start3A_323 = arith.constant 480 : i32
      %dma_start3A_324 = arith.constant 0 : i32
      %dma_start3A_325 = tpu.memref_slice %arg9[%dma_start3A_323, %dma_start3A_324] : memref<800x64xf32, #tpu.memory_space<vmem>> -> memref<80x64xf32, #tpu.memory_space<vmem>>
      %dma_start3A_326 = arith.constant 0 : i32
      %dma_start3A_327 = tpu.memref_slice %arg7[%add3A_322, %dma_start3A_326] : memref<125x80xi32, #tpu.memory_space<vmem>> -> memref<1x80xi32, #tpu.memory_space<vmem>>
      %dma_start3A_328 = tpu.memref_squeeze %dma_start3A_327 : memref<1x80xi32, #tpu.memory_space<vmem>> -> memref<80xi32, #tpu.memory_space<vmem>>
      %dma_start3A_329 = arith.constant 0 : i32
      %dma_start3A_330 = arith.constant 0 : i32
      %dma_start3A_331 = tpu.memref_slice %arg2[%dma_start3A_329, %dma_start3A_330] : memref<10000x64xf32, #tpu.memory_space<hbm>> -> memref<10000x64xf32, #tpu.memory_space<hbm>>
      tpu.enqueue_indirect_dma source(%dma_start3A_331 : memref<10000x64xf32, #tpu.memory_space<hbm>>) target(%dma_start3A_325 : memref<80x64xf32, #tpu.memory_space<vmem>>) offsets(%dma_start3A_328 : memref<80xi32, #tpu.memory_space<vmem>>) semaphore(%arg10 : memref<!tpu.dma_semaphore, #tpu.memory_space<semaphore_mem>>)
      %add3A_332 = arith.constant 2 : i32
      %add3A_333 = arith.addi %add3A_245, %add3A_332 : i32
      %dma_start3A_334 = arith.constant 560 : i32
      %dma_start3A_335 = arith.constant 0 : i32
      %dma_start3A_336 = tpu.memref_slice %arg9[%dma_start3A_334, %dma_start3A_335] : memref<800x64xf32, #tpu.memory_space<vmem>> -> memref<80x64xf32, #tpu.memory_space<vmem>>
      %dma_start3A_337 = arith.constant 0 : i32
      %dma_start3A_338 = tpu.memref_slice %arg7[%add3A_333, %dma_start3A_337] : memref<125x80xi32, #tpu.memory_space<vmem>> -> memref<1x80xi32, #tpu.memory_space<vmem>>
      %dma_start3A_339 = tpu.memref_squeeze %dma_start3A_338 : memref<1x80xi32, #tpu.memory_space<vmem>> -> memref<80xi32, #tpu.memory_space<vmem>>
      %dma_start3A_340 = arith.constant 0 : i32
      %dma_start3A_341 = arith.constant 0 : i32
      %dma_start3A_342 = tpu.memref_slice %arg2[%dma_start3A_340, %dma_start3A_341] : memref<10000x64xf32, #tpu.memory_space<hbm>> -> memref<10000x64xf32, #tpu.memory_space<hbm>>
      tpu.enqueue_indirect_dma source(%dma_start3A_342 : memref<10000x64xf32, #tpu.memory_space<hbm>>) target(%dma_start3A_336 : memref<80x64xf32, #tpu.memory_space<vmem>>) offsets(%dma_start3A_339 : memref<80xi32, #tpu.memory_space<vmem>>) semaphore(%arg10 : memref<!tpu.dma_semaphore, #tpu.memory_space<semaphore_mem>>)
      %add3A_343 = arith.constant 3 : i32
      %add3A_344 = arith.addi %add3A_245, %add3A_343 : i32
      %dma_start3A_345 = arith.constant 640 : i32
      %dma_start3A_346 = arith.constant 0 : i32
      %dma_start3A_347 = tpu.memref_slice %arg9[%dma_start3A_345, %dma_start3A_346] : memref<800x64xf32, #tpu.memory_space<vmem>> -> memref<80x64xf32, #tpu.memory_space<vmem>>
      %dma_start3A_348 = arith.constant 0 : i32
      %dma_start3A_349 = tpu.memref_slice %arg7[%add3A_344, %dma_start3A_348] : memref<125x80xi32, #tpu.memory_space<vmem>> -> memref<1x80xi32, #tpu.memory_space<vmem>>
      %dma_start3A_350 = tpu.memref_squeeze %dma_start3A_349 : memref<1x80xi32, #tpu.memory_space<vmem>> -> memref<80xi32, #tpu.memory_space<vmem>>
      %dma_start3A_351 = arith.constant 0 : i32
      %dma_start3A_352 = arith.constant 0 : i32
      %dma_start3A_353 = tpu.memref_slice %arg2[%dma_start3A_351, %dma_start3A_352] : memref<10000x64xf32, #tpu.memory_space<hbm>> -> memref<10000x64xf32, #tpu.memory_space<hbm>>
      tpu.enqueue_indirect_dma source(%dma_start3A_353 : memref<10000x64xf32, #tpu.memory_space<hbm>>) target(%dma_start3A_347 : memref<80x64xf32, #tpu.memory_space<vmem>>) offsets(%dma_start3A_350 : memref<80xi32, #tpu.memory_space<vmem>>) semaphore(%arg10 : memref<!tpu.dma_semaphore, #tpu.memory_space<semaphore_mem>>)
      %add3A_354 = arith.constant 4 : i32
      %add3A_355 = arith.addi %add3A_245, %add3A_354 : i32
      %dma_start3A_356 = arith.constant 720 : i32
      %dma_start3A_357 = arith.constant 0 : i32
      %dma_start3A_358 = tpu.memref_slice %arg9[%dma_start3A_356, %dma_start3A_357] : memref<800x64xf32, #tpu.memory_space<vmem>> -> memref<80x64xf32, #tpu.memory_space<vmem>>
      %dma_start3A_359 = arith.constant 0 : i32
      %dma_start3A_360 = tpu.memref_slice %arg7[%add3A_355, %dma_start3A_359] : memref<125x80xi32, #tpu.memory_space<vmem>> -> memref<1x80xi32, #tpu.memory_space<vmem>>
      %dma_start3A_361 = tpu.memref_squeeze %dma_start3A_360 : memref<1x80xi32, #tpu.memory_space<vmem>> -> memref<80xi32, #tpu.memory_space<vmem>>
      %dma_start3A_362 = arith.constant 0 : i32
      %dma_start3A_363 = arith.constant 0 : i32
      %dma_start3A_364 = tpu.memref_slice %arg2[%dma_start3A_362, %dma_start3A_363] : memref<10000x64xf32, #tpu.memory_space<hbm>> -> memref<10000x64xf32, #tpu.memory_space<hbm>>
      tpu.enqueue_indirect_dma source(%dma_start3A_364 : memref<10000x64xf32, #tpu.memory_space<hbm>>) target(%dma_start3A_358 : memref<80x64xf32, #tpu.memory_space<vmem>>) offsets(%dma_start3A_361 : memref<80xi32, #tpu.memory_space<vmem>>) semaphore(%arg10 : memref<!tpu.dma_semaphore, #tpu.memory_space<semaphore_mem>>)
      %dma_wait3A_365 = arith.constant 0 : i32
      %dma_wait3A_366 = arith.constant 0 : i32
      %dma_wait3A_367 = tpu.memref_slice %arg9[%dma_wait3A_365, %dma_wait3A_366] : memref<800x64xf32, #tpu.memory_space<vmem>> -> memref<80x64xf32, #tpu.memory_space<vmem>>
      %dma_wait3A_368 = arith.constant 0 : i32
      %dma_wait3A_369 = tpu.memref_slice %arg7[%add3A_251, %dma_wait3A_368] : memref<125x80xi32, #tpu.memory_space<vmem>> -> memref<1x80xi32, #tpu.memory_space<vmem>>
      %dma_wait3A_370 = tpu.memref_squeeze %dma_wait3A_369 : memref<1x80xi32, #tpu.memory_space<vmem>> -> memref<80xi32, #tpu.memory_space<vmem>>
      %dma_wait3A_371 = arith.constant 0 : i32
      %dma_wait3A_372 = arith.constant 0 : i32
      %dma_wait3A_373 = tpu.memref_slice %arg2[%dma_wait3A_371, %dma_wait3A_372] : memref<10000x64xf32, #tpu.memory_space<hbm>> -> memref<10000x64xf32, #tpu.memory_space<hbm>>
      tpu.wait_indirect_dma semaphore(%arg10 : memref<!tpu.dma_semaphore, #tpu.memory_space<semaphore_mem>>) src(%dma_wait3A_373 : memref<10000x64xf32, #tpu.memory_space<hbm>>) dst(%dma_wait3A_367 : memref<80x64xf32, #tpu.memory_space<vmem>>)
      %dma_wait3A_374 = arith.constant 80 : i32
      %dma_wait3A_375 = arith.constant 0 : i32
      %dma_wait3A_376 = tpu.memref_slice %arg9[%dma_wait3A_374, %dma_wait3A_375] : memref<800x64xf32, #tpu.memory_space<vmem>> -> memref<80x64xf32, #tpu.memory_space<vmem>>
      %dma_wait3A_377 = arith.constant 0 : i32
      %dma_wait3A_378 = tpu.memref_slice %arg7[%add3A_262, %dma_wait3A_377] : memref<125x80xi32, #tpu.memory_space<vmem>> -> memref<1x80xi32, #tpu.memory_space<vmem>>
      %dma_wait3A_379 = tpu.memref_squeeze %dma_wait3A_378 : memref<1x80xi32, #tpu.memory_space<vmem>> -> memref<80xi32, #tpu.memory_space<vmem>>
      %dma_wait3A_380 = arith.constant 0 : i32
      %dma_wait3A_381 = arith.constant 0 : i32
      %dma_wait3A_382 = tpu.memref_slice %arg2[%dma_wait3A_380, %dma_wait3A_381] : memref<10000x64xf32, #tpu.memory_space<hbm>> -> memref<10000x64xf32, #tpu.memory_space<hbm>>
      tpu.wait_indirect_dma semaphore(%arg10 : memref<!tpu.dma_semaphore, #tpu.memory_space<semaphore_mem>>) src(%dma_wait3A_382 : memref<10000x64xf32, #tpu.memory_space<hbm>>) dst(%dma_wait3A_376 : memref<80x64xf32, #tpu.memory_space<vmem>>)
      %dma_wait3A_383 = arith.constant 160 : i32
      %dma_wait3A_384 = arith.constant 0 : i32
      %dma_wait3A_385 = tpu.memref_slice %arg9[%dma_wait3A_383, %dma_wait3A_384] : memref<800x64xf32, #tpu.memory_space<vmem>> -> memref<80x64xf32, #tpu.memory_space<vmem>>
      %dma_wait3A_386 = arith.constant 0 : i32
      %dma_wait3A_387 = tpu.memref_slice %arg7[%add3A_273, %dma_wait3A_386] : memref<125x80xi32, #tpu.memory_space<vmem>> -> memref<1x80xi32, #tpu.memory_space<vmem>>
      %dma_wait3A_388 = tpu.memref_squeeze %dma_wait3A_387 : memref<1x80xi32, #tpu.memory_space<vmem>> -> memref<80xi32, #tpu.memory_space<vmem>>
      %dma_wait3A_389 = arith.constant 0 : i32
      %dma_wait3A_390 = arith.constant 0 : i32
      %dma_wait3A_391 = tpu.memref_slice %arg2[%dma_wait3A_389, %dma_wait3A_390] : memref<10000x64xf32, #tpu.memory_space<hbm>> -> memref<10000x64xf32, #tpu.memory_space<hbm>>
      tpu.wait_indirect_dma semaphore(%arg10 : memref<!tpu.dma_semaphore, #tpu.memory_space<semaphore_mem>>) src(%dma_wait3A_391 : memref<10000x64xf32, #tpu.memory_space<hbm>>) dst(%dma_wait3A_385 : memref<80x64xf32, #tpu.memory_space<vmem>>)
      %dma_wait3A_392 = arith.constant 240 : i32
      %dma_wait3A_393 = arith.constant 0 : i32
      %dma_wait3A_394 = tpu.memref_slice %arg9[%dma_wait3A_392, %dma_wait3A_393] : memref<800x64xf32, #tpu.memory_space<vmem>> -> memref<80x64xf32, #tpu.memory_space<vmem>>
      %dma_wait3A_395 = arith.constant 0 : i32
      %dma_wait3A_396 = tpu.memref_slice %arg7[%add3A_284, %dma_wait3A_395] : memref<125x80xi32, #tpu.memory_space<vmem>> -> memref<1x80xi32, #tpu.memory_space<vmem>>
      %dma_wait3A_397 = tpu.memref_squeeze %dma_wait3A_396 : memref<1x80xi32, #tpu.memory_space<vmem>> -> memref<80xi32, #tpu.memory_space<vmem>>
      %dma_wait3A_398 = arith.constant 0 : i32
      %dma_wait3A_399 = arith.constant 0 : i32
      %dma_wait3A_400 = tpu.memref_slice %arg2[%dma_wait3A_398, %dma_wait3A_399] : memref<10000x64xf32, #tpu.memory_space<hbm>> -> memref<10000x64xf32, #tpu.memory_space<hbm>>
      tpu.wait_indirect_dma semaphore(%arg10 : memref<!tpu.dma_semaphore, #tpu.memory_space<semaphore_mem>>) src(%dma_wait3A_400 : memref<10000x64xf32, #tpu.memory_space<hbm>>) dst(%dma_wait3A_394 : memref<80x64xf32, #tpu.memory_space<vmem>>)
      %dma_wait3A_401 = arith.constant 320 : i32
      %dma_wait3A_402 = arith.constant 0 : i32
      %dma_wait3A_403 = tpu.memref_slice %arg9[%dma_wait3A_401, %dma_wait3A_402] : memref<800x64xf32, #tpu.memory_space<vmem>> -> memref<80x64xf32, #tpu.memory_space<vmem>>
      %dma_wait3A_404 = arith.constant 0 : i32
      %dma_wait3A_405 = tpu.memref_slice %arg7[%add3A_295, %dma_wait3A_404] : memref<125x80xi32, #tpu.memory_space<vmem>> -> memref<1x80xi32, #tpu.memory_space<vmem>>
      %dma_wait3A_406 = tpu.memref_squeeze %dma_wait3A_405 : memref<1x80xi32, #tpu.memory_space<vmem>> -> memref<80xi32, #tpu.memory_space<vmem>>
      %dma_wait3A_407 = arith.constant 0 : i32
      %dma_wait3A_408 = arith.constant 0 : i32
      %dma_wait3A_409 = tpu.memref_slice %arg2[%dma_wait3A_407, %dma_wait3A_408] : memref<10000x64xf32, #tpu.memory_space<hbm>> -> memref<10000x64xf32, #tpu.memory_space<hbm>>
      tpu.wait_indirect_dma semaphore(%arg10 : memref<!tpu.dma_semaphore, #tpu.memory_space<semaphore_mem>>) src(%dma_wait3A_409 : memref<10000x64xf32, #tpu.memory_space<hbm>>) dst(%dma_wait3A_403 : memref<80x64xf32, #tpu.memory_space<vmem>>)
      %add3A_410 = arith.constant 0 : i32
      %add3A_411 = arith.addi %mul3A_243, %add3A_410 : i32
      %dma_start3A_412 = arith.constant 0 : i32
      %dma_start3A_413 = arith.constant 0 : i32
      %dma_start3A_414 = tpu.memref_slice %arg9[%dma_start3A_412, %dma_start3A_413] : memref<800x64xf32, #tpu.memory_space<vmem>> -> memref<80x64xf32, #tpu.memory_space<vmem>>
      %dma_start3A_415 = arith.constant 0 : i32
      %dma_start3A_416 = tpu.memref_slice %arg8[%add3A_411, %dma_start3A_415] : memref<125x80xi32, #tpu.memory_space<vmem>> -> memref<1x80xi32, #tpu.memory_space<vmem>>
      %dma_start3A_417 = tpu.memref_squeeze %dma_start3A_416 : memref<1x80xi32, #tpu.memory_space<vmem>> -> memref<80xi32, #tpu.memory_space<vmem>>
      %dma_start3A_418 = arith.constant 0 : i32
      %dma_start3A_419 = arith.constant 0 : i32
      %dma_start3A_420 = tpu.memref_slice %arg6[%dma_start3A_418, %dma_start3A_419] : memref<10000x64xf32, #tpu.memory_space<vmem_shared>> -> memref<10000x64xf32, #tpu.memory_space<vmem_shared>>
      tpu.enqueue_indirect_dma source(%dma_start3A_414 : memref<80x64xf32, #tpu.memory_space<vmem>>) target(%dma_start3A_420 : memref<10000x64xf32, #tpu.memory_space<vmem_shared>>) offsets(%dma_start3A_417 : memref<80xi32, #tpu.memory_space<vmem>>) semaphore(%arg11 : memref<!tpu.dma_semaphore, #tpu.memory_space<semaphore_mem>>) {add = true}
      %add3A_421 = arith.constant 1 : i32
      %add3A_422 = arith.addi %mul3A_243, %add3A_421 : i32
      %dma_start3A_423 = arith.constant 80 : i32
      %dma_start3A_424 = arith.constant 0 : i32
      %dma_start3A_425 = tpu.memref_slice %arg9[%dma_start3A_423, %dma_start3A_424] : memref<800x64xf32, #tpu.memory_space<vmem>> -> memref<80x64xf32, #tpu.memory_space<vmem>>
      %dma_start3A_426 = arith.constant 0 : i32
      %dma_start3A_427 = tpu.memref_slice %arg8[%add3A_422, %dma_start3A_426] : memref<125x80xi32, #tpu.memory_space<vmem>> -> memref<1x80xi32, #tpu.memory_space<vmem>>
      %dma_start3A_428 = tpu.memref_squeeze %dma_start3A_427 : memref<1x80xi32, #tpu.memory_space<vmem>> -> memref<80xi32, #tpu.memory_space<vmem>>
      %dma_start3A_429 = arith.constant 0 : i32
      %dma_start3A_430 = arith.constant 0 : i32
      %dma_start3A_431 = tpu.memref_slice %arg6[%dma_start3A_429, %dma_start3A_430] : memref<10000x64xf32, #tpu.memory_space<vmem_shared>> -> memref<10000x64xf32, #tpu.memory_space<vmem_shared>>
      tpu.enqueue_indirect_dma source(%dma_start3A_425 : memref<80x64xf32, #tpu.memory_space<vmem>>) target(%dma_start3A_431 : memref<10000x64xf32, #tpu.memory_space<vmem_shared>>) offsets(%dma_start3A_428 : memref<80xi32, #tpu.memory_space<vmem>>) semaphore(%arg11 : memref<!tpu.dma_semaphore, #tpu.memory_space<semaphore_mem>>) {add = true}
      %add3A_432 = arith.constant 2 : i32
      %add3A_433 = arith.addi %mul3A_243, %add3A_432 : i32
      %dma_start3A_434 = arith.constant 160 : i32
      %dma_start3A_435 = arith.constant 0 : i32
      %dma_start3A_436 = tpu.memref_slice %arg9[%dma_start3A_434, %dma_start3A_435] : memref<800x64xf32, #tpu.memory_space<vmem>> -> memref<80x64xf32, #tpu.memory_space<vmem>>
      %dma_start3A_437 = arith.constant 0 : i32
      %dma_start3A_438 = tpu.memref_slice %arg8[%add3A_433, %dma_start3A_437] : memref<125x80xi32, #tpu.memory_space<vmem>> -> memref<1x80xi32, #tpu.memory_space<vmem>>
      %dma_start3A_439 = tpu.memref_squeeze %dma_start3A_438 : memref<1x80xi32, #tpu.memory_space<vmem>> -> memref<80xi32, #tpu.memory_space<vmem>>
      %dma_start3A_440 = arith.constant 0 : i32
      %dma_start3A_441 = arith.constant 0 : i32
      %dma_start3A_442 = tpu.memref_slice %arg6[%dma_start3A_440, %dma_start3A_441] : memref<10000x64xf32, #tpu.memory_space<vmem_shared>> -> memref<10000x64xf32, #tpu.memory_space<vmem_shared>>
      tpu.enqueue_indirect_dma source(%dma_start3A_436 : memref<80x64xf32, #tpu.memory_space<vmem>>) target(%dma_start3A_442 : memref<10000x64xf32, #tpu.memory_space<vmem_shared>>) offsets(%dma_start3A_439 : memref<80xi32, #tpu.memory_space<vmem>>) semaphore(%arg11 : memref<!tpu.dma_semaphore, #tpu.memory_space<semaphore_mem>>) {add = true}
      %add3A_443 = arith.constant 3 : i32
      %add3A_444 = arith.addi %mul3A_243, %add3A_443 : i32
      %dma_start3A_445 = arith.constant 240 : i32
      %dma_start3A_446 = arith.constant 0 : i32
      %dma_start3A_447 = tpu.memref_slice %arg9[%dma_start3A_445, %dma_start3A_446] : memref<800x64xf32, #tpu.memory_space<vmem>> -> memref<80x64xf32, #tpu.memory_space<vmem>>
      %dma_start3A_448 = arith.constant 0 : i32
      %dma_start3A_449 = tpu.memref_slice %arg8[%add3A_444, %dma_start3A_448] : memref<125x80xi32, #tpu.memory_space<vmem>> -> memref<1x80xi32, #tpu.memory_space<vmem>>
      %dma_start3A_450 = tpu.memref_squeeze %dma_start3A_449 : memref<1x80xi32, #tpu.memory_space<vmem>> -> memref<80xi32, #tpu.memory_space<vmem>>
      %dma_start3A_451 = arith.constant 0 : i32
      %dma_start3A_452 = arith.constant 0 : i32
      %dma_start3A_453 = tpu.memref_slice %arg6[%dma_start3A_451, %dma_start3A_452] : memref<10000x64xf32, #tpu.memory_space<vmem_shared>> -> memref<10000x64xf32, #tpu.memory_space<vmem_shared>>
      tpu.enqueue_indirect_dma source(%dma_start3A_447 : memref<80x64xf32, #tpu.memory_space<vmem>>) target(%dma_start3A_453 : memref<10000x64xf32, #tpu.memory_space<vmem_shared>>) offsets(%dma_start3A_450 : memref<80xi32, #tpu.memory_space<vmem>>) semaphore(%arg11 : memref<!tpu.dma_semaphore, #tpu.memory_space<semaphore_mem>>) {add = true}
      %add3A_454 = arith.constant 4 : i32
      %add3A_455 = arith.addi %mul3A_243, %add3A_454 : i32
      %dma_start3A_456 = arith.constant 320 : i32
      %dma_start3A_457 = arith.constant 0 : i32
      %dma_start3A_458 = tpu.memref_slice %arg9[%dma_start3A_456, %dma_start3A_457] : memref<800x64xf32, #tpu.memory_space<vmem>> -> memref<80x64xf32, #tpu.memory_space<vmem>>
      %dma_start3A_459 = arith.constant 0 : i32
      %dma_start3A_460 = tpu.memref_slice %arg8[%add3A_455, %dma_start3A_459] : memref<125x80xi32, #tpu.memory_space<vmem>> -> memref<1x80xi32, #tpu.memory_space<vmem>>
      %dma_start3A_461 = tpu.memref_squeeze %dma_start3A_460 : memref<1x80xi32, #tpu.memory_space<vmem>> -> memref<80xi32, #tpu.memory_space<vmem>>
      %dma_start3A_462 = arith.constant 0 : i32
      %dma_start3A_463 = arith.constant 0 : i32
      %dma_start3A_464 = tpu.memref_slice %arg6[%dma_start3A_462, %dma_start3A_463] : memref<10000x64xf32, #tpu.memory_space<vmem_shared>> -> memref<10000x64xf32, #tpu.memory_space<vmem_shared>>
      tpu.enqueue_indirect_dma source(%dma_start3A_458 : memref<80x64xf32, #tpu.memory_space<vmem>>) target(%dma_start3A_464 : memref<10000x64xf32, #tpu.memory_space<vmem_shared>>) offsets(%dma_start3A_461 : memref<80xi32, #tpu.memory_space<vmem>>) semaphore(%arg11 : memref<!tpu.dma_semaphore, #tpu.memory_space<semaphore_mem>>) {add = true}
      %dma_wait3A_465 = arith.constant 400 : i32
      %dma_wait3A_466 = arith.constant 0 : i32
      %dma_wait3A_467 = tpu.memref_slice %arg9[%dma_wait3A_465, %dma_wait3A_466] : memref<800x64xf32, #tpu.memory_space<vmem>> -> memref<80x64xf32, #tpu.memory_space<vmem>>
      %dma_wait3A_468 = arith.constant 0 : i32
      %dma_wait3A_469 = tpu.memref_slice %arg7[%add3A_311, %dma_wait3A_468] : memref<125x80xi32, #tpu.memory_space<vmem>> -> memref<1x80xi32, #tpu.memory_space<vmem>>
      %dma_wait3A_470 = tpu.memref_squeeze %dma_wait3A_469 : memref<1x80xi32, #tpu.memory_space<vmem>> -> memref<80xi32, #tpu.memory_space<vmem>>
      %dma_wait3A_471 = arith.constant 0 : i32
      %dma_wait3A_472 = arith.constant 0 : i32
      %dma_wait3A_473 = tpu.memref_slice %arg2[%dma_wait3A_471, %dma_wait3A_472] : memref<10000x64xf32, #tpu.memory_space<hbm>> -> memref<10000x64xf32, #tpu.memory_space<hbm>>
      tpu.wait_indirect_dma semaphore(%arg10 : memref<!tpu.dma_semaphore, #tpu.memory_space<semaphore_mem>>) src(%dma_wait3A_473 : memref<10000x64xf32, #tpu.memory_space<hbm>>) dst(%dma_wait3A_467 : memref<80x64xf32, #tpu.memory_space<vmem>>)
      %dma_wait3A_474 = arith.constant 480 : i32
      %dma_wait3A_475 = arith.constant 0 : i32
      %dma_wait3A_476 = tpu.memref_slice %arg9[%dma_wait3A_474, %dma_wait3A_475] : memref<800x64xf32, #tpu.memory_space<vmem>> -> memref<80x64xf32, #tpu.memory_space<vmem>>
      %dma_wait3A_477 = arith.constant 0 : i32
      %dma_wait3A_478 = tpu.memref_slice %arg7[%add3A_322, %dma_wait3A_477] : memref<125x80xi32, #tpu.memory_space<vmem>> -> memref<1x80xi32, #tpu.memory_space<vmem>>
      %dma_wait3A_479 = tpu.memref_squeeze %dma_wait3A_478 : memref<1x80xi32, #tpu.memory_space<vmem>> -> memref<80xi32, #tpu.memory_space<vmem>>
      %dma_wait3A_480 = arith.constant 0 : i32
      %dma_wait3A_481 = arith.constant 0 : i32
      %dma_wait3A_482 = tpu.memref_slice %arg2[%dma_wait3A_480, %dma_wait3A_481] : memref<10000x64xf32, #tpu.memory_space<hbm>> -> memref<10000x64xf32, #tpu.memory_space<hbm>>
      tpu.wait_indirect_dma semaphore(%arg10 : memref<!tpu.dma_semaphore, #tpu.memory_space<semaphore_mem>>) src(%dma_wait3A_482 : memref<10000x64xf32, #tpu.memory_space<hbm>>) dst(%dma_wait3A_476 : memref<80x64xf32, #tpu.memory_space<vmem>>)
      %dma_wait3A_483 = arith.constant 560 : i32
      %dma_wait3A_484 = arith.constant 0 : i32
      %dma_wait3A_485 = tpu.memref_slice %arg9[%dma_wait3A_483, %dma_wait3A_484] : memref<800x64xf32, #tpu.memory_space<vmem>> -> memref<80x64xf32, #tpu.memory_space<vmem>>
      %dma_wait3A_486 = arith.constant 0 : i32
      %dma_wait3A_487 = tpu.memref_slice %arg7[%add3A_333, %dma_wait3A_486] : memref<125x80xi32, #tpu.memory_space<vmem>> -> memref<1x80xi32, #tpu.memory_space<vmem>>
      %dma_wait3A_488 = tpu.memref_squeeze %dma_wait3A_487 : memref<1x80xi32, #tpu.memory_space<vmem>> -> memref<80xi32, #tpu.memory_space<vmem>>
      %dma_wait3A_489 = arith.constant 0 : i32
      %dma_wait3A_490 = arith.constant 0 : i32
      %dma_wait3A_491 = tpu.memref_slice %arg2[%dma_wait3A_489, %dma_wait3A_490] : memref<10000x64xf32, #tpu.memory_space<hbm>> -> memref<10000x64xf32, #tpu.memory_space<hbm>>
      tpu.wait_indirect_dma semaphore(%arg10 : memref<!tpu.dma_semaphore, #tpu.memory_space<semaphore_mem>>) src(%dma_wait3A_491 : memref<10000x64xf32, #tpu.memory_space<hbm>>) dst(%dma_wait3A_485 : memref<80x64xf32, #tpu.memory_space<vmem>>)
      %dma_wait3A_492 = arith.constant 640 : i32
      %dma_wait3A_493 = arith.constant 0 : i32
      %dma_wait3A_494 = tpu.memref_slice %arg9[%dma_wait3A_492, %dma_wait3A_493] : memref<800x64xf32, #tpu.memory_space<vmem>> -> memref<80x64xf32, #tpu.memory_space<vmem>>
      %dma_wait3A_495 = arith.constant 0 : i32
      %dma_wait3A_496 = tpu.memref_slice %arg7[%add3A_344, %dma_wait3A_495] : memref<125x80xi32, #tpu.memory_space<vmem>> -> memref<1x80xi32, #tpu.memory_space<vmem>>
      %dma_wait3A_497 = tpu.memref_squeeze %dma_wait3A_496 : memref<1x80xi32, #tpu.memory_space<vmem>> -> memref<80xi32, #tpu.memory_space<vmem>>
      %dma_wait3A_498 = arith.constant 0 : i32
      %dma_wait3A_499 = arith.constant 0 : i32
      %dma_wait3A_500 = tpu.memref_slice %arg2[%dma_wait3A_498, %dma_wait3A_499] : memref<10000x64xf32, #tpu.memory_space<hbm>> -> memref<10000x64xf32, #tpu.memory_space<hbm>>
      tpu.wait_indirect_dma semaphore(%arg10 : memref<!tpu.dma_semaphore, #tpu.memory_space<semaphore_mem>>) src(%dma_wait3A_500 : memref<10000x64xf32, #tpu.memory_space<hbm>>) dst(%dma_wait3A_494 : memref<80x64xf32, #tpu.memory_space<vmem>>)
      %dma_wait3A_501 = arith.constant 720 : i32
      %dma_wait3A_502 = arith.constant 0 : i32
      %dma_wait3A_503 = tpu.memref_slice %arg9[%dma_wait3A_501, %dma_wait3A_502] : memref<800x64xf32, #tpu.memory_space<vmem>> -> memref<80x64xf32, #tpu.memory_space<vmem>>
      %dma_wait3A_504 = arith.constant 0 : i32
      %dma_wait3A_505 = tpu.memref_slice %arg7[%add3A_355, %dma_wait3A_504] : memref<125x80xi32, #tpu.memory_space<vmem>> -> memref<1x80xi32, #tpu.memory_space<vmem>>
      %dma_wait3A_506 = tpu.memref_squeeze %dma_wait3A_505 : memref<1x80xi32, #tpu.memory_space<vmem>> -> memref<80xi32, #tpu.memory_space<vmem>>
      %dma_wait3A_507 = arith.constant 0 : i32
      %dma_wait3A_508 = arith.constant 0 : i32
      %dma_wait3A_509 = tpu.memref_slice %arg2[%dma_wait3A_507, %dma_wait3A_508] : memref<10000x64xf32, #tpu.memory_space<hbm>> -> memref<10000x64xf32, #tpu.memory_space<hbm>>
      tpu.wait_indirect_dma semaphore(%arg10 : memref<!tpu.dma_semaphore, #tpu.memory_space<semaphore_mem>>) src(%dma_wait3A_509 : memref<10000x64xf32, #tpu.memory_space<hbm>>) dst(%dma_wait3A_503 : memref<80x64xf32, #tpu.memory_space<vmem>>)
      %add3A_510 = arith.constant 0 : i32
      %add3A_511 = arith.addi %add3A_245, %add3A_510 : i32
      %dma_start3A_512 = arith.constant 400 : i32
      %dma_start3A_513 = arith.constant 0 : i32
      %dma_start3A_514 = tpu.memref_slice %arg9[%dma_start3A_512, %dma_start3A_513] : memref<800x64xf32, #tpu.memory_space<vmem>> -> memref<80x64xf32, #tpu.memory_space<vmem>>
      %dma_start3A_515 = arith.constant 0 : i32
      %dma_start3A_516 = tpu.memref_slice %arg8[%add3A_511, %dma_start3A_515] : memref<125x80xi32, #tpu.memory_space<vmem>> -> memref<1x80xi32, #tpu.memory_space<vmem>>
      %dma_start3A_517 = tpu.memref_squeeze %dma_start3A_516 : memref<1x80xi32, #tpu.memory_space<vmem>> -> memref<80xi32, #tpu.memory_space<vmem>>
      %dma_start3A_518 = arith.constant 0 : i32
      %dma_start3A_519 = arith.constant 0 : i32
      %dma_start3A_520 = tpu.memref_slice %arg6[%dma_start3A_518, %dma_start3A_519] : memref<10000x64xf32, #tpu.memory_space<vmem_shared>> -> memref<10000x64xf32, #tpu.memory_space<vmem_shared>>
      tpu.enqueue_indirect_dma source(%dma_start3A_514 : memref<80x64xf32, #tpu.memory_space<vmem>>) target(%dma_start3A_520 : memref<10000x64xf32, #tpu.memory_space<vmem_shared>>) offsets(%dma_start3A_517 : memref<80xi32, #tpu.memory_space<vmem>>) semaphore(%arg12 : memref<!tpu.dma_semaphore, #tpu.memory_space<semaphore_mem>>) {add = true}
      %add3A_521 = arith.constant 1 : i32
      %add3A_522 = arith.addi %add3A_245, %add3A_521 : i32
      %dma_start3A_523 = arith.constant 480 : i32
      %dma_start3A_524 = arith.constant 0 : i32
      %dma_start3A_525 = tpu.memref_slice %arg9[%dma_start3A_523, %dma_start3A_524] : memref<800x64xf32, #tpu.memory_space<vmem>> -> memref<80x64xf32, #tpu.memory_space<vmem>>
      %dma_start3A_526 = arith.constant 0 : i32
      %dma_start3A_527 = tpu.memref_slice %arg8[%add3A_522, %dma_start3A_526] : memref<125x80xi32, #tpu.memory_space<vmem>> -> memref<1x80xi32, #tpu.memory_space<vmem>>
      %dma_start3A_528 = tpu.memref_squeeze %dma_start3A_527 : memref<1x80xi32, #tpu.memory_space<vmem>> -> memref<80xi32, #tpu.memory_space<vmem>>
      %dma_start3A_529 = arith.constant 0 : i32
      %dma_start3A_530 = arith.constant 0 : i32
      %dma_start3A_531 = tpu.memref_slice %arg6[%dma_start3A_529, %dma_start3A_530] : memref<10000x64xf32, #tpu.memory_space<vmem_shared>> -> memref<10000x64xf32, #tpu.memory_space<vmem_shared>>
      tpu.enqueue_indirect_dma source(%dma_start3A_525 : memref<80x64xf32, #tpu.memory_space<vmem>>) target(%dma_start3A_531 : memref<10000x64xf32, #tpu.memory_space<vmem_shared>>) offsets(%dma_start3A_528 : memref<80xi32, #tpu.memory_space<vmem>>) semaphore(%arg12 : memref<!tpu.dma_semaphore, #tpu.memory_space<semaphore_mem>>) {add = true}
      %add3A_532 = arith.constant 2 : i32
      %add3A_533 = arith.addi %add3A_245, %add3A_532 : i32
      %dma_start3A_534 = arith.constant 560 : i32
      %dma_start3A_535 = arith.constant 0 : i32
      %dma_start3A_536 = tpu.memref_slice %arg9[%dma_start3A_534, %dma_start3A_535] : memref<800x64xf32, #tpu.memory_space<vmem>> -> memref<80x64xf32, #tpu.memory_space<vmem>>
      %dma_start3A_537 = arith.constant 0 : i32
      %dma_start3A_538 = tpu.memref_slice %arg8[%add3A_533, %dma_start3A_537] : memref<125x80xi32, #tpu.memory_space<vmem>> -> memref<1x80xi32, #tpu.memory_space<vmem>>
      %dma_start3A_539 = tpu.memref_squeeze %dma_start3A_538 : memref<1x80xi32, #tpu.memory_space<vmem>> -> memref<80xi32, #tpu.memory_space<vmem>>
      %dma_start3A_540 = arith.constant 0 : i32
      %dma_start3A_541 = arith.constant 0 : i32
      %dma_start3A_542 = tpu.memref_slice %arg6[%dma_start3A_540, %dma_start3A_541] : memref<10000x64xf32, #tpu.memory_space<vmem_shared>> -> memref<10000x64xf32, #tpu.memory_space<vmem_shared>>
      tpu.enqueue_indirect_dma source(%dma_start3A_536 : memref<80x64xf32, #tpu.memory_space<vmem>>) target(%dma_start3A_542 : memref<10000x64xf32, #tpu.memory_space<vmem_shared>>) offsets(%dma_start3A_539 : memref<80xi32, #tpu.memory_space<vmem>>) semaphore(%arg12 : memref<!tpu.dma_semaphore, #tpu.memory_space<semaphore_mem>>) {add = true}
      %add3A_543 = arith.constant 3 : i32
      %add3A_544 = arith.addi %add3A_245, %add3A_543 : i32
      %dma_start3A_545 = arith.constant 640 : i32
      %dma_start3A_546 = arith.constant 0 : i32
      %dma_start3A_547 = tpu.memref_slice %arg9[%dma_start3A_545, %dma_start3A_546] : memref<800x64xf32, #tpu.memory_space<vmem>> -> memref<80x64xf32, #tpu.memory_space<vmem>>
      %dma_start3A_548 = arith.constant 0 : i32
      %dma_start3A_549 = tpu.memref_slice %arg8[%add3A_544, %dma_start3A_548] : memref<125x80xi32, #tpu.memory_space<vmem>> -> memref<1x80xi32, #tpu.memory_space<vmem>>
      %dma_start3A_550 = tpu.memref_squeeze %dma_start3A_549 : memref<1x80xi32, #tpu.memory_space<vmem>> -> memref<80xi32, #tpu.memory_space<vmem>>
      %dma_start3A_551 = arith.constant 0 : i32
      %dma_start3A_552 = arith.constant 0 : i32
      %dma_start3A_553 = tpu.memref_slice %arg6[%dma_start3A_551, %dma_start3A_552] : memref<10000x64xf32, #tpu.memory_space<vmem_shared>> -> memref<10000x64xf32, #tpu.memory_space<vmem_shared>>
      tpu.enqueue_indirect_dma source(%dma_start3A_547 : memref<80x64xf32, #tpu.memory_space<vmem>>) target(%dma_start3A_553 : memref<10000x64xf32, #tpu.memory_space<vmem_shared>>) offsets(%dma_start3A_550 : memref<80xi32, #tpu.memory_space<vmem>>) semaphore(%arg12 : memref<!tpu.dma_semaphore, #tpu.memory_space<semaphore_mem>>) {add = true}
      %add3A_554 = arith.constant 4 : i32
      %add3A_555 = arith.addi %add3A_245, %add3A_554 : i32
      %dma_start3A_556 = arith.constant 720 : i32
      %dma_start3A_557 = arith.constant 0 : i32
      %dma_start3A_558 = tpu.memref_slice %arg9[%dma_start3A_556, %dma_start3A_557] : memref<800x64xf32, #tpu.memory_space<vmem>> -> memref<80x64xf32, #tpu.memory_space<vmem>>
      %dma_start3A_559 = arith.constant 0 : i32
      %dma_start3A_560 = tpu.memref_slice %arg8[%add3A_555, %dma_start3A_559] : memref<125x80xi32, #tpu.memory_space<vmem>> -> memref<1x80xi32, #tpu.memory_space<vmem>>
      %dma_start3A_561 = tpu.memref_squeeze %dma_start3A_560 : memref<1x80xi32, #tpu.memory_space<vmem>> -> memref<80xi32, #tpu.memory_space<vmem>>
      %dma_start3A_562 = arith.constant 0 : i32
      %dma_start3A_563 = arith.constant 0 : i32
      %dma_start3A_564 = tpu.memref_slice %arg6[%dma_start3A_562, %dma_start3A_563] : memref<10000x64xf32, #tpu.memory_space<vmem_shared>> -> memref<10000x64xf32, #tpu.memory_space<vmem_shared>>
      tpu.enqueue_indirect_dma source(%dma_start3A_558 : memref<80x64xf32, #tpu.memory_space<vmem>>) target(%dma_start3A_564 : memref<10000x64xf32, #tpu.memory_space<vmem_shared>>) offsets(%dma_start3A_561 : memref<80xi32, #tpu.memory_space<vmem>>) semaphore(%arg12 : memref<!tpu.dma_semaphore, #tpu.memory_space<semaphore_mem>>) {add = true}
    }
    %scan3A_10 = arith.constant 12 : i32
    %dma_wait3A = arith.constant 0 : i32
    %dma_wait3A_11 = arith.constant 0 : i32
    %dma_wait3A_12 = tpu.memref_slice %arg9[%dma_wait3A, %dma_wait3A_11] : memref<800x64xf32, #tpu.memory_space<vmem>> -> memref<400x64xf32, #tpu.memory_space<vmem>>
    %dma_wait3A_13 = arith.constant 0 : i32
    %dma_wait3A_14 = arith.constant 0 : i32
    %dma_wait3A_15 = tpu.memref_slice %arg2[%dma_wait3A_13, %dma_wait3A_14] : memref<10000x64xf32, #tpu.memory_space<hbm>> -> memref<400x64xf32, #tpu.memory_space<hbm>>
    %dma_wait3A_16 = arith.constant 0 : i32
    %dma_wait3A_17 = arith.constant 0 : i32
    %dma_wait3A_18 = tpu.memref_slice %arg9[%dma_wait3A_16, %dma_wait3A_17] : memref<800x64xf32, #tpu.memory_space<vmem>> -> memref<400x64xf32, #tpu.memory_space<vmem>>
    %dma_wait3A_19 = arith.constant 0 : i32
    %dma_wait3A_20 = arith.constant 0 : i32
    %dma_wait3A_21 = tpu.memref_slice %arg2[%dma_wait3A_19, %dma_wait3A_20] : memref<10000x64xf32, #tpu.memory_space<hbm>> -> memref<400x64xf32, #tpu.memory_space<hbm>>
    tpu.wait_dma2 semaphore(%arg11 : memref<!tpu.dma_semaphore, #tpu.memory_space<semaphore_mem>>) src(%dma_wait3A_21 : memref<400x64xf32, #tpu.memory_space<hbm>>) dst(%dma_wait3A_18 : memref<400x64xf32, #tpu.memory_space<vmem>>)
    %dma_wait3A_22 = arith.constant 0 : i32
    %dma_wait3A_23 = arith.constant 0 : i32
    %dma_wait3A_24 = tpu.memref_slice %arg9[%dma_wait3A_22, %dma_wait3A_23] : memref<800x64xf32, #tpu.memory_space<vmem>> -> memref<400x64xf32, #tpu.memory_space<vmem>>
    %dma_wait3A_25 = arith.constant 0 : i32
    %dma_wait3A_26 = arith.constant 0 : i32
    %dma_wait3A_27 = tpu.memref_slice %arg2[%dma_wait3A_25, %dma_wait3A_26] : memref<10000x64xf32, #tpu.memory_space<hbm>> -> memref<400x64xf32, #tpu.memory_space<hbm>>
    %dma_wait3A_28 = arith.constant 0 : i32
    %dma_wait3A_29 = arith.constant 0 : i32
    %dma_wait3A_30 = tpu.memref_slice %arg9[%dma_wait3A_28, %dma_wait3A_29] : memref<800x64xf32, #tpu.memory_space<vmem>> -> memref<400x64xf32, #tpu.memory_space<vmem>>
    %dma_wait3A_31 = arith.constant 0 : i32
    %dma_wait3A_32 = arith.constant 0 : i32
    %dma_wait3A_33 = tpu.memref_slice %arg2[%dma_wait3A_31, %dma_wait3A_32] : memref<10000x64xf32, #tpu.memory_space<hbm>> -> memref<400x64xf32, #tpu.memory_space<hbm>>
    tpu.wait_dma2 semaphore(%arg12 : memref<!tpu.dma_semaphore, #tpu.memory_space<semaphore_mem>>) src(%dma_wait3A_33 : memref<400x64xf32, #tpu.memory_space<hbm>>) dst(%dma_wait3A_30 : memref<400x64xf32, #tpu.memory_space<vmem>>)
    %dma_start3A = arith.constant 120 : i32
    %dma_start3A_34 = arith.constant 0 : i32
    %dma_start3A_35 = arith.constant 0 : i32
    %dma_start3A_36 = tpu.memref_slice %arg9[%dma_start3A_34, %dma_start3A_35] : memref<800x64xf32, #tpu.memory_space<vmem>> -> memref<80x64xf32, #tpu.memory_space<vmem>>
    %dma_start3A_37 = arith.constant 0 : i32
    %dma_start3A_38 = tpu.memref_slice %arg7[%dma_start3A, %dma_start3A_37] : memref<125x80xi32, #tpu.memory_space<vmem>> -> memref<1x80xi32, #tpu.memory_space<vmem>>
    %dma_start3A_39 = tpu.memref_squeeze %dma_start3A_38 : memref<1x80xi32, #tpu.memory_space<vmem>> -> memref<80xi32, #tpu.memory_space<vmem>>
    %dma_start3A_40 = arith.constant 0 : i32
    %dma_start3A_41 = arith.constant 0 : i32
    %dma_start3A_42 = tpu.memref_slice %arg2[%dma_start3A_40, %dma_start3A_41] : memref<10000x64xf32, #tpu.memory_space<hbm>> -> memref<10000x64xf32, #tpu.memory_space<hbm>>
    tpu.enqueue_indirect_dma source(%dma_start3A_42 : memref<10000x64xf32, #tpu.memory_space<hbm>>) target(%dma_start3A_36 : memref<80x64xf32, #tpu.memory_space<vmem>>) offsets(%dma_start3A_39 : memref<80xi32, #tpu.memory_space<vmem>>) semaphore(%arg10 : memref<!tpu.dma_semaphore, #tpu.memory_space<semaphore_mem>>)
    %dma_start3A_43 = arith.constant 121 : i32
    %dma_start3A_44 = arith.constant 80 : i32
    %dma_start3A_45 = arith.constant 0 : i32
    %dma_start3A_46 = tpu.memref_slice %arg9[%dma_start3A_44, %dma_start3A_45] : memref<800x64xf32, #tpu.memory_space<vmem>> -> memref<80x64xf32, #tpu.memory_space<vmem>>
    %dma_start3A_47 = arith.constant 0 : i32
    %dma_start3A_48 = tpu.memref_slice %arg7[%dma_start3A_43, %dma_start3A_47] : memref<125x80xi32, #tpu.memory_space<vmem>> -> memref<1x80xi32, #tpu.memory_space<vmem>>
    %dma_start3A_49 = tpu.memref_squeeze %dma_start3A_48 : memref<1x80xi32, #tpu.memory_space<vmem>> -> memref<80xi32, #tpu.memory_space<vmem>>
    %dma_start3A_50 = arith.constant 0 : i32
    %dma_start3A_51 = arith.constant 0 : i32
    %dma_start3A_52 = tpu.memref_slice %arg2[%dma_start3A_50, %dma_start3A_51] : memref<10000x64xf32, #tpu.memory_space<hbm>> -> memref<10000x64xf32, #tpu.memory_space<hbm>>
    tpu.enqueue_indirect_dma source(%dma_start3A_52 : memref<10000x64xf32, #tpu.memory_space<hbm>>) target(%dma_start3A_46 : memref<80x64xf32, #tpu.memory_space<vmem>>) offsets(%dma_start3A_49 : memref<80xi32, #tpu.memory_space<vmem>>) semaphore(%arg10 : memref<!tpu.dma_semaphore, #tpu.memory_space<semaphore_mem>>)
    %dma_start3A_53 = arith.constant 122 : i32
    %dma_start3A_54 = arith.constant 160 : i32
    %dma_start3A_55 = arith.constant 0 : i32
    %dma_start3A_56 = tpu.memref_slice %arg9[%dma_start3A_54, %dma_start3A_55] : memref<800x64xf32, #tpu.memory_space<vmem>> -> memref<80x64xf32, #tpu.memory_space<vmem>>
    %dma_start3A_57 = arith.constant 0 : i32
    %dma_start3A_58 = tpu.memref_slice %arg7[%dma_start3A_53, %dma_start3A_57] : memref<125x80xi32, #tpu.memory_space<vmem>> -> memref<1x80xi32, #tpu.memory_space<vmem>>
    %dma_start3A_59 = tpu.memref_squeeze %dma_start3A_58 : memref<1x80xi32, #tpu.memory_space<vmem>> -> memref<80xi32, #tpu.memory_space<vmem>>
    %dma_start3A_60 = arith.constant 0 : i32
    %dma_start3A_61 = arith.constant 0 : i32
    %dma_start3A_62 = tpu.memref_slice %arg2[%dma_start3A_60, %dma_start3A_61] : memref<10000x64xf32, #tpu.memory_space<hbm>> -> memref<10000x64xf32, #tpu.memory_space<hbm>>
    tpu.enqueue_indirect_dma source(%dma_start3A_62 : memref<10000x64xf32, #tpu.memory_space<hbm>>) target(%dma_start3A_56 : memref<80x64xf32, #tpu.memory_space<vmem>>) offsets(%dma_start3A_59 : memref<80xi32, #tpu.memory_space<vmem>>) semaphore(%arg10 : memref<!tpu.dma_semaphore, #tpu.memory_space<semaphore_mem>>)
    %dma_start3A_63 = arith.constant 123 : i32
    %dma_start3A_64 = arith.constant 240 : i32
    %dma_start3A_65 = arith.constant 0 : i32
    %dma_start3A_66 = tpu.memref_slice %arg9[%dma_start3A_64, %dma_start3A_65] : memref<800x64xf32, #tpu.memory_space<vmem>> -> memref<80x64xf32, #tpu.memory_space<vmem>>
    %dma_start3A_67 = arith.constant 0 : i32
    %dma_start3A_68 = tpu.memref_slice %arg7[%dma_start3A_63, %dma_start3A_67] : memref<125x80xi32, #tpu.memory_space<vmem>> -> memref<1x80xi32, #tpu.memory_space<vmem>>
    %dma_start3A_69 = tpu.memref_squeeze %dma_start3A_68 : memref<1x80xi32, #tpu.memory_space<vmem>> -> memref<80xi32, #tpu.memory_space<vmem>>
    %dma_start3A_70 = arith.constant 0 : i32
    %dma_start3A_71 = arith.constant 0 : i32
    %dma_start3A_72 = tpu.memref_slice %arg2[%dma_start3A_70, %dma_start3A_71] : memref<10000x64xf32, #tpu.memory_space<hbm>> -> memref<10000x64xf32, #tpu.memory_space<hbm>>
    tpu.enqueue_indirect_dma source(%dma_start3A_72 : memref<10000x64xf32, #tpu.memory_space<hbm>>) target(%dma_start3A_66 : memref<80x64xf32, #tpu.memory_space<vmem>>) offsets(%dma_start3A_69 : memref<80xi32, #tpu.memory_space<vmem>>) semaphore(%arg10 : memref<!tpu.dma_semaphore, #tpu.memory_space<semaphore_mem>>)
    %dma_start3A_73 = arith.constant 124 : i32
    %dma_start3A_74 = arith.constant 320 : i32
    %dma_start3A_75 = arith.constant 0 : i32
    %dma_start3A_76 = tpu.memref_slice %arg9[%dma_start3A_74, %dma_start3A_75] : memref<800x64xf32, #tpu.memory_space<vmem>> -> memref<80x64xf32, #tpu.memory_space<vmem>>
    %dma_start3A_77 = arith.constant 0 : i32
    %dma_start3A_78 = tpu.memref_slice %arg7[%dma_start3A_73, %dma_start3A_77] : memref<125x80xi32, #tpu.memory_space<vmem>> -> memref<1x80xi32, #tpu.memory_space<vmem>>
    %dma_start3A_79 = tpu.memref_squeeze %dma_start3A_78 : memref<1x80xi32, #tpu.memory_space<vmem>> -> memref<80xi32, #tpu.memory_space<vmem>>
    %dma_start3A_80 = arith.constant 0 : i32
    %dma_start3A_81 = arith.constant 0 : i32
    %dma_start3A_82 = tpu.memref_slice %arg2[%dma_start3A_80, %dma_start3A_81] : memref<10000x64xf32, #tpu.memory_space<hbm>> -> memref<10000x64xf32, #tpu.memory_space<hbm>>
    tpu.enqueue_indirect_dma source(%dma_start3A_82 : memref<10000x64xf32, #tpu.memory_space<hbm>>) target(%dma_start3A_76 : memref<80x64xf32, #tpu.memory_space<vmem>>) offsets(%dma_start3A_79 : memref<80xi32, #tpu.memory_space<vmem>>) semaphore(%arg10 : memref<!tpu.dma_semaphore, #tpu.memory_space<semaphore_mem>>)
    %dma_wait3A_83 = arith.constant 120 : i32
    %dma_wait3A_84 = arith.constant 0 : i32
    %dma_wait3A_85 = arith.constant 0 : i32
    %dma_wait3A_86 = tpu.memref_slice %arg9[%dma_wait3A_84, %dma_wait3A_85] : memref<800x64xf32, #tpu.memory_space<vmem>> -> memref<80x64xf32, #tpu.memory_space<vmem>>
    %dma_wait3A_87 = arith.constant 0 : i32
    %dma_wait3A_88 = tpu.memref_slice %arg7[%dma_wait3A_83, %dma_wait3A_87] : memref<125x80xi32, #tpu.memory_space<vmem>> -> memref<1x80xi32, #tpu.memory_space<vmem>>
    %dma_wait3A_89 = tpu.memref_squeeze %dma_wait3A_88 : memref<1x80xi32, #tpu.memory_space<vmem>> -> memref<80xi32, #tpu.memory_space<vmem>>
    %dma_wait3A_90 = arith.constant 0 : i32
    %dma_wait3A_91 = arith.constant 0 : i32
    %dma_wait3A_92 = tpu.memref_slice %arg2[%dma_wait3A_90, %dma_wait3A_91] : memref<10000x64xf32, #tpu.memory_space<hbm>> -> memref<10000x64xf32, #tpu.memory_space<hbm>>
    tpu.wait_indirect_dma semaphore(%arg10 : memref<!tpu.dma_semaphore, #tpu.memory_space<semaphore_mem>>) src(%dma_wait3A_92 : memref<10000x64xf32, #tpu.memory_space<hbm>>) dst(%dma_wait3A_86 : memref<80x64xf32, #tpu.memory_space<vmem>>)
    %dma_wait3A_93 = arith.constant 121 : i32
    %dma_wait3A_94 = arith.constant 80 : i32
    %dma_wait3A_95 = arith.constant 0 : i32
    %dma_wait3A_96 = tpu.memref_slice %arg9[%dma_wait3A_94, %dma_wait3A_95] : memref<800x64xf32, #tpu.memory_space<vmem>> -> memref<80x64xf32, #tpu.memory_space<vmem>>
    %dma_wait3A_97 = arith.constant 0 : i32
    %dma_wait3A_98 = tpu.memref_slice %arg7[%dma_wait3A_93, %dma_wait3A_97] : memref<125x80xi32, #tpu.memory_space<vmem>> -> memref<1x80xi32, #tpu.memory_space<vmem>>
    %dma_wait3A_99 = tpu.memref_squeeze %dma_wait3A_98 : memref<1x80xi32, #tpu.memory_space<vmem>> -> memref<80xi32, #tpu.memory_space<vmem>>
    %dma_wait3A_100 = arith.constant 0 : i32
    %dma_wait3A_101 = arith.constant 0 : i32
    %dma_wait3A_102 = tpu.memref_slice %arg2[%dma_wait3A_100, %dma_wait3A_101] : memref<10000x64xf32, #tpu.memory_space<hbm>> -> memref<10000x64xf32, #tpu.memory_space<hbm>>
    tpu.wait_indirect_dma semaphore(%arg10 : memref<!tpu.dma_semaphore, #tpu.memory_space<semaphore_mem>>) src(%dma_wait3A_102 : memref<10000x64xf32, #tpu.memory_space<hbm>>) dst(%dma_wait3A_96 : memref<80x64xf32, #tpu.memory_space<vmem>>)
    %dma_wait3A_103 = arith.constant 122 : i32
    %dma_wait3A_104 = arith.constant 160 : i32
    %dma_wait3A_105 = arith.constant 0 : i32
    %dma_wait3A_106 = tpu.memref_slice %arg9[%dma_wait3A_104, %dma_wait3A_105] : memref<800x64xf32, #tpu.memory_space<vmem>> -> memref<80x64xf32, #tpu.memory_space<vmem>>
    %dma_wait3A_107 = arith.constant 0 : i32
    %dma_wait3A_108 = tpu.memref_slice %arg7[%dma_wait3A_103, %dma_wait3A_107] : memref<125x80xi32, #tpu.memory_space<vmem>> -> memref<1x80xi32, #tpu.memory_space<vmem>>
    %dma_wait3A_109 = tpu.memref_squeeze %dma_wait3A_108 : memref<1x80xi32, #tpu.memory_space<vmem>> -> memref<80xi32, #tpu.memory_space<vmem>>
    %dma_wait3A_110 = arith.constant 0 : i32
    %dma_wait3A_111 = arith.constant 0 : i32
    %dma_wait3A_112 = tpu.memref_slice %arg2[%dma_wait3A_110, %dma_wait3A_111] : memref<10000x64xf32, #tpu.memory_space<hbm>> -> memref<10000x64xf32, #tpu.memory_space<hbm>>
    tpu.wait_indirect_dma semaphore(%arg10 : memref<!tpu.dma_semaphore, #tpu.memory_space<semaphore_mem>>) src(%dma_wait3A_112 : memref<10000x64xf32, #tpu.memory_space<hbm>>) dst(%dma_wait3A_106 : memref<80x64xf32, #tpu.memory_space<vmem>>)
    %dma_wait3A_113 = arith.constant 123 : i32
    %dma_wait3A_114 = arith.constant 240 : i32
    %dma_wait3A_115 = arith.constant 0 : i32
    %dma_wait3A_116 = tpu.memref_slice %arg9[%dma_wait3A_114, %dma_wait3A_115] : memref<800x64xf32, #tpu.memory_space<vmem>> -> memref<80x64xf32, #tpu.memory_space<vmem>>
    %dma_wait3A_117 = arith.constant 0 : i32
    %dma_wait3A_118 = tpu.memref_slice %arg7[%dma_wait3A_113, %dma_wait3A_117] : memref<125x80xi32, #tpu.memory_space<vmem>> -> memref<1x80xi32, #tpu.memory_space<vmem>>
    %dma_wait3A_119 = tpu.memref_squeeze %dma_wait3A_118 : memref<1x80xi32, #tpu.memory_space<vmem>> -> memref<80xi32, #tpu.memory_space<vmem>>
    %dma_wait3A_120 = arith.constant 0 : i32
    %dma_wait3A_121 = arith.constant 0 : i32
    %dma_wait3A_122 = tpu.memref_slice %arg2[%dma_wait3A_120, %dma_wait3A_121] : memref<10000x64xf32, #tpu.memory_space<hbm>> -> memref<10000x64xf32, #tpu.memory_space<hbm>>
    tpu.wait_indirect_dma semaphore(%arg10 : memref<!tpu.dma_semaphore, #tpu.memory_space<semaphore_mem>>) src(%dma_wait3A_122 : memref<10000x64xf32, #tpu.memory_space<hbm>>) dst(%dma_wait3A_116 : memref<80x64xf32, #tpu.memory_space<vmem>>)
    %dma_wait3A_123 = arith.constant 124 : i32
    %dma_wait3A_124 = arith.constant 320 : i32
    %dma_wait3A_125 = arith.constant 0 : i32
    %dma_wait3A_126 = tpu.memref_slice %arg9[%dma_wait3A_124, %dma_wait3A_125] : memref<800x64xf32, #tpu.memory_space<vmem>> -> memref<80x64xf32, #tpu.memory_space<vmem>>
    %dma_wait3A_127 = arith.constant 0 : i32
    %dma_wait3A_128 = tpu.memref_slice %arg7[%dma_wait3A_123, %dma_wait3A_127] : memref<125x80xi32, #tpu.memory_space<vmem>> -> memref<1x80xi32, #tpu.memory_space<vmem>>
    %dma_wait3A_129 = tpu.memref_squeeze %dma_wait3A_128 : memref<1x80xi32, #tpu.memory_space<vmem>> -> memref<80xi32, #tpu.memory_space<vmem>>
    %dma_wait3A_130 = arith.constant 0 : i32
    %dma_wait3A_131 = arith.constant 0 : i32
    %dma_wait3A_132 = tpu.memref_slice %arg2[%dma_wait3A_130, %dma_wait3A_131] : memref<10000x64xf32, #tpu.memory_space<hbm>> -> memref<10000x64xf32, #tpu.memory_space<hbm>>
    tpu.wait_indirect_dma semaphore(%arg10 : memref<!tpu.dma_semaphore, #tpu.memory_space<semaphore_mem>>) src(%dma_wait3A_132 : memref<10000x64xf32, #tpu.memory_space<hbm>>) dst(%dma_wait3A_126 : memref<80x64xf32, #tpu.memory_space<vmem>>)
    %dma_start3A_133 = arith.constant 120 : i32
    %dma_start3A_134 = arith.constant 0 : i32
    %dma_start3A_135 = arith.constant 0 : i32
    %dma_start3A_136 = tpu.memref_slice %arg9[%dma_start3A_134, %dma_start3A_135] : memref<800x64xf32, #tpu.memory_space<vmem>> -> memref<80x64xf32, #tpu.memory_space<vmem>>
    %dma_start3A_137 = arith.constant 0 : i32
    %dma_start3A_138 = tpu.memref_slice %arg8[%dma_start3A_133, %dma_start3A_137] : memref<125x80xi32, #tpu.memory_space<vmem>> -> memref<1x80xi32, #tpu.memory_space<vmem>>
    %dma_start3A_139 = tpu.memref_squeeze %dma_start3A_138 : memref<1x80xi32, #tpu.memory_space<vmem>> -> memref<80xi32, #tpu.memory_space<vmem>>
    %dma_start3A_140 = arith.constant 0 : i32
    %dma_start3A_141 = arith.constant 0 : i32
    %dma_start3A_142 = tpu.memref_slice %arg6[%dma_start3A_140, %dma_start3A_141] : memref<10000x64xf32, #tpu.memory_space<vmem_shared>> -> memref<10000x64xf32, #tpu.memory_space<vmem_shared>>
    tpu.enqueue_indirect_dma source(%dma_start3A_136 : memref<80x64xf32, #tpu.memory_space<vmem>>) target(%dma_start3A_142 : memref<10000x64xf32, #tpu.memory_space<vmem_shared>>) offsets(%dma_start3A_139 : memref<80xi32, #tpu.memory_space<vmem>>) semaphore(%arg11 : memref<!tpu.dma_semaphore, #tpu.memory_space<semaphore_mem>>) {add = true}
    %dma_start3A_143 = arith.constant 121 : i32
    %dma_start3A_144 = arith.constant 80 : i32
    %dma_start3A_145 = arith.constant 0 : i32
    %dma_start3A_146 = tpu.memref_slice %arg9[%dma_start3A_144, %dma_start3A_145] : memref<800x64xf32, #tpu.memory_space<vmem>> -> memref<80x64xf32, #tpu.memory_space<vmem>>
    %dma_start3A_147 = arith.constant 0 : i32
    %dma_start3A_148 = tpu.memref_slice %arg8[%dma_start3A_143, %dma_start3A_147] : memref<125x80xi32, #tpu.memory_space<vmem>> -> memref<1x80xi32, #tpu.memory_space<vmem>>
    %dma_start3A_149 = tpu.memref_squeeze %dma_start3A_148 : memref<1x80xi32, #tpu.memory_space<vmem>> -> memref<80xi32, #tpu.memory_space<vmem>>
    %dma_start3A_150 = arith.constant 0 : i32
    %dma_start3A_151 = arith.constant 0 : i32
    %dma_start3A_152 = tpu.memref_slice %arg6[%dma_start3A_150, %dma_start3A_151] : memref<10000x64xf32, #tpu.memory_space<vmem_shared>> -> memref<10000x64xf32, #tpu.memory_space<vmem_shared>>
    tpu.enqueue_indirect_dma source(%dma_start3A_146 : memref<80x64xf32, #tpu.memory_space<vmem>>) target(%dma_start3A_152 : memref<10000x64xf32, #tpu.memory_space<vmem_shared>>) offsets(%dma_start3A_149 : memref<80xi32, #tpu.memory_space<vmem>>) semaphore(%arg11 : memref<!tpu.dma_semaphore, #tpu.memory_space<semaphore_mem>>) {add = true}
    %dma_start3A_153 = arith.constant 122 : i32
    %dma_start3A_154 = arith.constant 160 : i32
    %dma_start3A_155 = arith.constant 0 : i32
    %dma_start3A_156 = tpu.memref_slice %arg9[%dma_start3A_154, %dma_start3A_155] : memref<800x64xf32, #tpu.memory_space<vmem>> -> memref<80x64xf32, #tpu.memory_space<vmem>>
    %dma_start3A_157 = arith.constant 0 : i32
    %dma_start3A_158 = tpu.memref_slice %arg8[%dma_start3A_153, %dma_start3A_157] : memref<125x80xi32, #tpu.memory_space<vmem>> -> memref<1x80xi32, #tpu.memory_space<vmem>>
    %dma_start3A_159 = tpu.memref_squeeze %dma_start3A_158 : memref<1x80xi32, #tpu.memory_space<vmem>> -> memref<80xi32, #tpu.memory_space<vmem>>
    %dma_start3A_160 = arith.constant 0 : i32
    %dma_start3A_161 = arith.constant 0 : i32
    %dma_start3A_162 = tpu.memref_slice %arg6[%dma_start3A_160, %dma_start3A_161] : memref<10000x64xf32, #tpu.memory_space<vmem_shared>> -> memref<10000x64xf32, #tpu.memory_space<vmem_shared>>
    tpu.enqueue_indirect_dma source(%dma_start3A_156 : memref<80x64xf32, #tpu.memory_space<vmem>>) target(%dma_start3A_162 : memref<10000x64xf32, #tpu.memory_space<vmem_shared>>) offsets(%dma_start3A_159 : memref<80xi32, #tpu.memory_space<vmem>>) semaphore(%arg11 : memref<!tpu.dma_semaphore, #tpu.memory_space<semaphore_mem>>) {add = true}
    %dma_start3A_163 = arith.constant 123 : i32
    %dma_start3A_164 = arith.constant 240 : i32
    %dma_start3A_165 = arith.constant 0 : i32
    %dma_start3A_166 = tpu.memref_slice %arg9[%dma_start3A_164, %dma_start3A_165] : memref<800x64xf32, #tpu.memory_space<vmem>> -> memref<80x64xf32, #tpu.memory_space<vmem>>
    %dma_start3A_167 = arith.constant 0 : i32
    %dma_start3A_168 = tpu.memref_slice %arg8[%dma_start3A_163, %dma_start3A_167] : memref<125x80xi32, #tpu.memory_space<vmem>> -> memref<1x80xi32, #tpu.memory_space<vmem>>
    %dma_start3A_169 = tpu.memref_squeeze %dma_start3A_168 : memref<1x80xi32, #tpu.memory_space<vmem>> -> memref<80xi32, #tpu.memory_space<vmem>>
    %dma_start3A_170 = arith.constant 0 : i32
    %dma_start3A_171 = arith.constant 0 : i32
    %dma_start3A_172 = tpu.memref_slice %arg6[%dma_start3A_170, %dma_start3A_171] : memref<10000x64xf32, #tpu.memory_space<vmem_shared>> -> memref<10000x64xf32, #tpu.memory_space<vmem_shared>>
    tpu.enqueue_indirect_dma source(%dma_start3A_166 : memref<80x64xf32, #tpu.memory_space<vmem>>) target(%dma_start3A_172 : memref<10000x64xf32, #tpu.memory_space<vmem_shared>>) offsets(%dma_start3A_169 : memref<80xi32, #tpu.memory_space<vmem>>) semaphore(%arg11 : memref<!tpu.dma_semaphore, #tpu.memory_space<semaphore_mem>>) {add = true}
    %dma_start3A_173 = arith.constant 124 : i32
    %dma_start3A_174 = arith.constant 320 : i32
    %dma_start3A_175 = arith.constant 0 : i32
    %dma_start3A_176 = tpu.memref_slice %arg9[%dma_start3A_174, %dma_start3A_175] : memref<800x64xf32, #tpu.memory_space<vmem>> -> memref<80x64xf32, #tpu.memory_space<vmem>>
    %dma_start3A_177 = arith.constant 0 : i32
    %dma_start3A_178 = tpu.memref_slice %arg8[%dma_start3A_173, %dma_start3A_177] : memref<125x80xi32, #tpu.memory_space<vmem>> -> memref<1x80xi32, #tpu.memory_space<vmem>>
    %dma_start3A_179 = tpu.memref_squeeze %dma_start3A_178 : memref<1x80xi32, #tpu.memory_space<vmem>> -> memref<80xi32, #tpu.memory_space<vmem>>
    %dma_start3A_180 = arith.constant 0 : i32
    %dma_start3A_181 = arith.constant 0 : i32
    %dma_start3A_182 = tpu.memref_slice %arg6[%dma_start3A_180, %dma_start3A_181] : memref<10000x64xf32, #tpu.memory_space<vmem_shared>> -> memref<10000x64xf32, #tpu.memory_space<vmem_shared>>
    tpu.enqueue_indirect_dma source(%dma_start3A_176 : memref<80x64xf32, #tpu.memory_space<vmem>>) target(%dma_start3A_182 : memref<10000x64xf32, #tpu.memory_space<vmem_shared>>) offsets(%dma_start3A_179 : memref<80xi32, #tpu.memory_space<vmem>>) semaphore(%arg11 : memref<!tpu.dma_semaphore, #tpu.memory_space<semaphore_mem>>) {add = true}
    %dma_wait3A_183 = arith.constant 120 : i32
    %dma_wait3A_184 = arith.constant 0 : i32
    %dma_wait3A_185 = arith.constant 0 : i32
    %dma_wait3A_186 = tpu.memref_slice %arg9[%dma_wait3A_184, %dma_wait3A_185] : memref<800x64xf32, #tpu.memory_space<vmem>> -> memref<80x64xf32, #tpu.memory_space<vmem>>
    %dma_wait3A_187 = arith.constant 0 : i32
    %dma_wait3A_188 = tpu.memref_slice %arg8[%dma_wait3A_183, %dma_wait3A_187] : memref<125x80xi32, #tpu.memory_space<vmem>> -> memref<1x80xi32, #tpu.memory_space<vmem>>
    %dma_wait3A_189 = tpu.memref_squeeze %dma_wait3A_188 : memref<1x80xi32, #tpu.memory_space<vmem>> -> memref<80xi32, #tpu.memory_space<vmem>>
    %dma_wait3A_190 = arith.constant 0 : i32
    %dma_wait3A_191 = arith.constant 0 : i32
    %dma_wait3A_192 = tpu.memref_slice %arg6[%dma_wait3A_190, %dma_wait3A_191] : memref<10000x64xf32, #tpu.memory_space<vmem_shared>> -> memref<10000x64xf32, #tpu.memory_space<vmem_shared>>
    tpu.wait_indirect_dma semaphore(%arg11 : memref<!tpu.dma_semaphore, #tpu.memory_space<semaphore_mem>>) src(%dma_wait3A_186 : memref<80x64xf32, #tpu.memory_space<vmem>>) dst(%dma_wait3A_192 : memref<10000x64xf32, #tpu.memory_space<vmem_shared>>)
    %dma_wait3A_193 = arith.constant 121 : i32
    %dma_wait3A_194 = arith.constant 80 : i32
    %dma_wait3A_195 = arith.constant 0 : i32
    %dma_wait3A_196 = tpu.memref_slice %arg9[%dma_wait3A_194, %dma_wait3A_195] : memref<800x64xf32, #tpu.memory_space<vmem>> -> memref<80x64xf32, #tpu.memory_space<vmem>>
    %dma_wait3A_197 = arith.constant 0 : i32
    %dma_wait3A_198 = tpu.memref_slice %arg8[%dma_wait3A_193, %dma_wait3A_197] : memref<125x80xi32, #tpu.memory_space<vmem>> -> memref<1x80xi32, #tpu.memory_space<vmem>>
    %dma_wait3A_199 = tpu.memref_squeeze %dma_wait3A_198 : memref<1x80xi32, #tpu.memory_space<vmem>> -> memref<80xi32, #tpu.memory_space<vmem>>
    %dma_wait3A_200 = arith.constant 0 : i32
    %dma_wait3A_201 = arith.constant 0 : i32
    %dma_wait3A_202 = tpu.memref_slice %arg6[%dma_wait3A_200, %dma_wait3A_201] : memref<10000x64xf32, #tpu.memory_space<vmem_shared>> -> memref<10000x64xf32, #tpu.memory_space<vmem_shared>>
    tpu.wait_indirect_dma semaphore(%arg11 : memref<!tpu.dma_semaphore, #tpu.memory_space<semaphore_mem>>) src(%dma_wait3A_196 : memref<80x64xf32, #tpu.memory_space<vmem>>) dst(%dma_wait3A_202 : memref<10000x64xf32, #tpu.memory_space<vmem_shared>>)
    %dma_wait3A_203 = arith.constant 122 : i32
    %dma_wait3A_204 = arith.constant 160 : i32
    %dma_wait3A_205 = arith.constant 0 : i32
    %dma_wait3A_206 = tpu.memref_slice %arg9[%dma_wait3A_204, %dma_wait3A_205] : memref<800x64xf32, #tpu.memory_space<vmem>> -> memref<80x64xf32, #tpu.memory_space<vmem>>
    %dma_wait3A_207 = arith.constant 0 : i32
    %dma_wait3A_208 = tpu.memref_slice %arg8[%dma_wait3A_203, %dma_wait3A_207] : memref<125x80xi32, #tpu.memory_space<vmem>> -> memref<1x80xi32, #tpu.memory_space<vmem>>
    %dma_wait3A_209 = tpu.memref_squeeze %dma_wait3A_208 : memref<1x80xi32, #tpu.memory_space<vmem>> -> memref<80xi32, #tpu.memory_space<vmem>>
    %dma_wait3A_210 = arith.constant 0 : i32
    %dma_wait3A_211 = arith.constant 0 : i32
    %dma_wait3A_212 = tpu.memref_slice %arg6[%dma_wait3A_210, %dma_wait3A_211] : memref<10000x64xf32, #tpu.memory_space<vmem_shared>> -> memref<10000x64xf32, #tpu.memory_space<vmem_shared>>
    tpu.wait_indirect_dma semaphore(%arg11 : memref<!tpu.dma_semaphore, #tpu.memory_space<semaphore_mem>>) src(%dma_wait3A_206 : memref<80x64xf32, #tpu.memory_space<vmem>>) dst(%dma_wait3A_212 : memref<10000x64xf32, #tpu.memory_space<vmem_shared>>)
    %dma_wait3A_213 = arith.constant 123 : i32
    %dma_wait3A_214 = arith.constant 240 : i32
    %dma_wait3A_215 = arith.constant 0 : i32
    %dma_wait3A_216 = tpu.memref_slice %arg9[%dma_wait3A_214, %dma_wait3A_215] : memref<800x64xf32, #tpu.memory_space<vmem>> -> memref<80x64xf32, #tpu.memory_space<vmem>>
    %dma_wait3A_217 = arith.constant 0 : i32
    %dma_wait3A_218 = tpu.memref_slice %arg8[%dma_wait3A_213, %dma_wait3A_217] : memref<125x80xi32, #tpu.memory_space<vmem>> -> memref<1x80xi32, #tpu.memory_space<vmem>>
    %dma_wait3A_219 = tpu.memref_squeeze %dma_wait3A_218 : memref<1x80xi32, #tpu.memory_space<vmem>> -> memref<80xi32, #tpu.memory_space<vmem>>
    %dma_wait3A_220 = arith.constant 0 : i32
    %dma_wait3A_221 = arith.constant 0 : i32
    %dma_wait3A_222 = tpu.memref_slice %arg6[%dma_wait3A_220, %dma_wait3A_221] : memref<10000x64xf32, #tpu.memory_space<vmem_shared>> -> memref<10000x64xf32, #tpu.memory_space<vmem_shared>>
    tpu.wait_indirect_dma semaphore(%arg11 : memref<!tpu.dma_semaphore, #tpu.memory_space<semaphore_mem>>) src(%dma_wait3A_216 : memref<80x64xf32, #tpu.memory_space<vmem>>) dst(%dma_wait3A_222 : memref<10000x64xf32, #tpu.memory_space<vmem_shared>>)
    %dma_wait3A_223 = arith.constant 124 : i32
    %dma_wait3A_224 = arith.constant 320 : i32
    %dma_wait3A_225 = arith.constant 0 : i32
    %dma_wait3A_226 = tpu.memref_slice %arg9[%dma_wait3A_224, %dma_wait3A_225] : memref<800x64xf32, #tpu.memory_space<vmem>> -> memref<80x64xf32, #tpu.memory_space<vmem>>
    %dma_wait3A_227 = arith.constant 0 : i32
    %dma_wait3A_228 = tpu.memref_slice %arg8[%dma_wait3A_223, %dma_wait3A_227] : memref<125x80xi32, #tpu.memory_space<vmem>> -> memref<1x80xi32, #tpu.memory_space<vmem>>
    %dma_wait3A_229 = tpu.memref_squeeze %dma_wait3A_228 : memref<1x80xi32, #tpu.memory_space<vmem>> -> memref<80xi32, #tpu.memory_space<vmem>>
    %dma_wait3A_230 = arith.constant 0 : i32
    %dma_wait3A_231 = arith.constant 0 : i32
    %dma_wait3A_232 = tpu.memref_slice %arg6[%dma_wait3A_230, %dma_wait3A_231] : memref<10000x64xf32, #tpu.memory_space<vmem_shared>> -> memref<10000x64xf32, #tpu.memory_space<vmem_shared>>
    tpu.wait_indirect_dma semaphore(%arg11 : memref<!tpu.dma_semaphore, #tpu.memory_space<semaphore_mem>>) src(%dma_wait3A_226 : memref<80x64xf32, #tpu.memory_space<vmem>>) dst(%dma_wait3A_232 : memref<10000x64xf32, #tpu.memory_space<vmem_shared>>)
    %barrier3A_233 = arith.constant 0 : index
    tpu.barrier barrier_id(%barrier3A_233)
    "tpu.region"() ({
      %run_scoped3A_239 = tpu.sem_alloc : memref<!tpu.dma_semaphore, #tpu.memory_space<semaphore_mem>>
      %dma_start3A_240 = arith.constant 0 : i32
      %dma_start3A_241 = tpu.memref_slice %arg5[%arg0, %mul3A_0, %dma_start3A_240] : memref<2x10000x128xf32, #tpu.memory_space<hbm>> -> memref<1x624x64xf32, #tpu.memory_space<hbm>>
      %dma_start3A_242 = tpu.memref_squeeze %dma_start3A_241 : memref<1x624x64xf32, #tpu.memory_space<hbm>> -> memref<624x64xf32, #tpu.memory_space<hbm>>
      %dma_start3A_243 = arith.constant 0 : i32
      %dma_start3A_244 = tpu.memref_slice %arg6[%mul3A_0, %dma_start3A_243] : memref<10000x64xf32, #tpu.memory_space<vmem_shared>> -> memref<624x64xf32, #tpu.memory_space<vmem_shared>>
      tpu.enqueue_dma source(%dma_start3A_244 : memref<624x64xf32, #tpu.memory_space<vmem_shared>>) target(%dma_start3A_242 : memref<624x64xf32, #tpu.memory_space<hbm>>) target_semaphore(%run_scoped3A_239 : memref<!tpu.dma_semaphore, #tpu.memory_space<semaphore_mem>>)
      %dma_wait3A_245 = arith.constant 0 : i32
      %dma_wait3A_246 = tpu.memref_slice %arg5[%arg0, %mul3A_0, %dma_wait3A_245] : memref<2x10000x128xf32, #tpu.memory_space<hbm>> -> memref<1x624x64xf32, #tpu.memory_space<hbm>>
      %dma_wait3A_247 = tpu.memref_squeeze %dma_wait3A_246 : memref<1x624x64xf32, #tpu.memory_space<hbm>> -> memref<624x64xf32, #tpu.memory_space<hbm>>
      %dma_wait3A_248 = arith.constant 0 : i32
      %dma_wait3A_249 = tpu.memref_slice %arg6[%mul3A_0, %dma_wait3A_248] : memref<10000x64xf32, #tpu.memory_space<vmem_shared>> -> memref<624x64xf32, #tpu.memory_space<vmem_shared>>
      tpu.wait_dma2 semaphore(%run_scoped3A_239 : memref<!tpu.dma_semaphore, #tpu.memory_space<semaphore_mem>>) src(%dma_wait3A_249 : memref<624x64xf32, #tpu.memory_space<vmem_shared>>) dst(%dma_wait3A_247 : memref<624x64xf32, #tpu.memory_space<hbm>>)
      tpu.yield
    }) : () -> ()
    %eq3A_234 = arith.constant 0 : i32
    %eq3A_235 = arith.cmpi eq, %arg1, %eq3A_234 : i32
    %convert_element_type3A_236 = arith.extui %eq3A_235 : i1 to i32
    %cond3A_237 = arith.constant 0 : i32
    %cond3A_238 = arith.cmpi ne, %convert_element_type3A_236, %cond3A_237 : i32
    scf.if %cond3A_238 {
      "tpu.region"() ({
        %run_scoped3A_239 = tpu.sem_alloc : memref<!tpu.dma_semaphore, #tpu.memory_space<semaphore_mem>>
        %dma_start3A_240 = arith.constant 9984 : i32
        %dma_start3A_241 = arith.constant 0 : i32
        %dma_start3A_242 = tpu.memref_slice %arg5[%arg0, %dma_start3A_240, %dma_start3A_241] : memref<2x10000x128xf32, #tpu.memory_space<hbm>> -> memref<1x16x64xf32, #tpu.memory_space<hbm>>
        %dma_start3A_243 = tpu.memref_squeeze %dma_start3A_242 : memref<1x16x64xf32, #tpu.memory_space<hbm>> -> memref<16x64xf32, #tpu.memory_space<hbm>>
        %dma_start3A_244 = arith.constant 9984 : i32
        %dma_start3A_245 = arith.constant 0 : i32
        %dma_start3A_246 = tpu.memref_slice %arg6[%dma_start3A_244, %dma_start3A_245] : memref<10000x64xf32, #tpu.memory_space<vmem_shared>> -> memref<16x64xf32, #tpu.memory_space<vmem_shared>>
        tpu.enqueue_dma source(%dma_start3A_246 : memref<16x64xf32, #tpu.memory_space<vmem_shared>>) target(%dma_start3A_243 : memref<16x64xf32, #tpu.memory_space<hbm>>) target_semaphore(%run_scoped3A_239 : memref<!tpu.dma_semaphore, #tpu.memory_space<semaphore_mem>>)
        %dma_wait3A_247 = arith.constant 9984 : i32
        %dma_wait3A_248 = arith.constant 0 : i32
        %dma_wait3A_249 = tpu.memref_slice %arg5[%arg0, %dma_wait3A_247, %dma_wait3A_248] : memref<2x10000x128xf32, #tpu.memory_space<hbm>> -> memref<1x16x64xf32, #tpu.memory_space<hbm>>
        %dma_wait3A_250 = tpu.memref_squeeze %dma_wait3A_249 : memref<1x16x64xf32, #tpu.memory_space<hbm>> -> memref<16x64xf32, #tpu.memory_space<hbm>>
        %dma_wait3A_251 = arith.constant 9984 : i32
        %dma_wait3A_252 = arith.constant 0 : i32
        %dma_wait3A_253 = tpu.memref_slice %arg6[%dma_wait3A_251, %dma_wait3A_252] : memref<10000x64xf32, #tpu.memory_space<vmem_shared>> -> memref<16x64xf32, #tpu.memory_space<vmem_shared>>
        tpu.wait_dma2 semaphore(%run_scoped3A_239 : memref<!tpu.dma_semaphore, #tpu.memory_space<semaphore_mem>>) src(%dma_wait3A_253 : memref<16x64xf32, #tpu.memory_space<vmem_shared>>) dst(%dma_wait3A_250 : memref<16x64xf32, #tpu.memory_space<hbm>>)
        tpu.yield
      }) : () -> ()
    } else {
    }
    return
  }
}

#map = affine_map<(d0, d1) -> (0, 0)>
#map1 = affine_map<(d0, d1) -> (0, 0, 0, 0)>
#map2 = affine_map<(d0, d1) -> (0, 0, 0)>
module attributes {stable_mosaic.version = 14 : i64} {
  func.func @seg(%arg0: i32, %arg1: i32, %arg2: memref<10000x64xf32, #tpu.memory_space<hbm>>, %arg3: memref<2x32x125x80xi32, #tpu.memory_space<hbm>>, %arg4: memref<10000x64xf32, #tpu.memory_space<hbm>>, %arg5: memref<10000x16xf32, #tpu.memory_space<hbm>>, %arg6: memref<80x16xf32, #tpu.memory_space<hbm>>, %arg7: memref<2x10000x128xf32, #tpu.memory_space<hbm>>, %arg8: memref<10000x64xf32, #tpu.memory_space<vmem_shared>>, %arg9: memref<125x80xi32, #tpu.memory_space<vmem>>, %arg10: memref<125x80xi32, #tpu.memory_space<vmem>>, %arg11: memref<800x64xf32, #tpu.memory_space<vmem>>, %arg12: memref<!tpu.dma_semaphore, #tpu.memory_space<semaphore_mem>>, %arg13: memref<!tpu.dma_semaphore, #tpu.memory_space<semaphore_mem>>, %arg14: memref<!tpu.dma_semaphore, #tpu.memory_space<semaphore_mem>>, %arg15: memref<10000x16xf32, #tpu.memory_space<vmem_shared>>, %arg16: memref<80x16xf32, #tpu.memory_space<vmem>>, %arg17: memref<!tpu.dma_semaphore, #tpu.memory_space<semaphore_mem>>) attributes {dimension_semantics = [#tpu.dimension_semantics<core_parallel>, #tpu.dimension_semantics<subcore_parallel>], iteration_bounds = array<i64: 2, 16>, scalar_prefetch = 0 : i64, scratch_operands = 10 : i64, tpu.core_type = #tpu.core_type<sc_vector_subcore>, window_params = [{transform_indices = #map}, {transform_indices = #map1}, {transform_indices = #map}, {transform_indices = #map}, {transform_indices = #map}, {transform_indices = #map2}]} {
    %mul3A = arith.constant 624 : i32
    %mul3A_0 = arith.muli %arg1, %mul3A : i32
    "tpu.region"() ({
      %run_scoped3A_369 = tpu.sem_alloc : memref<!tpu.dma_semaphore, #tpu.memory_space<semaphore_mem>>
      %dma_start3A_370 = arith.constant 0 : i32
      %dma_start3A_371 = tpu.memref_slice %arg8[%mul3A_0, %dma_start3A_370] : memref<10000x64xf32, #tpu.memory_space<vmem_shared>> -> memref<624x64xf32, #tpu.memory_space<vmem_shared>>
      %dma_start3A_372 = arith.constant 0 : i32
      %dma_start3A_373 = tpu.memref_slice %arg4[%mul3A_0, %dma_start3A_372] : memref<10000x64xf32, #tpu.memory_space<hbm>> -> memref<624x64xf32, #tpu.memory_space<hbm>>
      tpu.enqueue_dma source(%dma_start3A_373 : memref<624x64xf32, #tpu.memory_space<hbm>>) target(%dma_start3A_371 : memref<624x64xf32, #tpu.memory_space<vmem_shared>>) target_semaphore(%run_scoped3A_369 : memref<!tpu.dma_semaphore, #tpu.memory_space<semaphore_mem>>)
      %dma_wait3A_374 = arith.constant 0 : i32
      %dma_wait3A_375 = tpu.memref_slice %arg8[%mul3A_0, %dma_wait3A_374] : memref<10000x64xf32, #tpu.memory_space<vmem_shared>> -> memref<624x64xf32, #tpu.memory_space<vmem_shared>>
      %dma_wait3A_376 = arith.constant 0 : i32
      %dma_wait3A_377 = tpu.memref_slice %arg4[%mul3A_0, %dma_wait3A_376] : memref<10000x64xf32, #tpu.memory_space<hbm>> -> memref<624x64xf32, #tpu.memory_space<hbm>>
      tpu.wait_dma2 semaphore(%run_scoped3A_369 : memref<!tpu.dma_semaphore, #tpu.memory_space<semaphore_mem>>) src(%dma_wait3A_377 : memref<624x64xf32, #tpu.memory_space<hbm>>) dst(%dma_wait3A_375 : memref<624x64xf32, #tpu.memory_space<vmem_shared>>)
      tpu.yield
    }) : () -> ()
    "tpu.region"() ({
      %run_scoped3A_369 = tpu.sem_alloc : memref<!tpu.dma_semaphore, #tpu.memory_space<semaphore_mem>>
      %dma_start3A_370 = arith.constant 0 : i32
      %dma_start3A_371 = tpu.memref_slice %arg15[%mul3A_0, %dma_start3A_370] : memref<10000x16xf32, #tpu.memory_space<vmem_shared>> -> memref<624x16xf32, #tpu.memory_space<vmem_shared>>
      %dma_start3A_372 = arith.constant 0 : i32
      %dma_start3A_373 = tpu.memref_slice %arg5[%mul3A_0, %dma_start3A_372] : memref<10000x16xf32, #tpu.memory_space<hbm>> -> memref<624x16xf32, #tpu.memory_space<hbm>>
      tpu.enqueue_dma source(%dma_start3A_373 : memref<624x16xf32, #tpu.memory_space<hbm>>) target(%dma_start3A_371 : memref<624x16xf32, #tpu.memory_space<vmem_shared>>) target_semaphore(%run_scoped3A_369 : memref<!tpu.dma_semaphore, #tpu.memory_space<semaphore_mem>>)
      %dma_wait3A_374 = arith.constant 0 : i32
      %dma_wait3A_375 = tpu.memref_slice %arg15[%mul3A_0, %dma_wait3A_374] : memref<10000x16xf32, #tpu.memory_space<vmem_shared>> -> memref<624x16xf32, #tpu.memory_space<vmem_shared>>
      %dma_wait3A_376 = arith.constant 0 : i32
      %dma_wait3A_377 = tpu.memref_slice %arg5[%mul3A_0, %dma_wait3A_376] : memref<10000x16xf32, #tpu.memory_space<hbm>> -> memref<624x16xf32, #tpu.memory_space<hbm>>
      tpu.wait_dma2 semaphore(%run_scoped3A_369 : memref<!tpu.dma_semaphore, #tpu.memory_space<semaphore_mem>>) src(%dma_wait3A_377 : memref<624x16xf32, #tpu.memory_space<hbm>>) dst(%dma_wait3A_375 : memref<624x16xf32, #tpu.memory_space<vmem_shared>>)
      tpu.yield
    }) : () -> ()
    "tpu.region"() ({
      %run_scoped3A_369 = tpu.sem_alloc : memref<!tpu.dma_semaphore, #tpu.memory_space<semaphore_mem>>
      tpu.enqueue_dma source(%arg6 : memref<80x16xf32, #tpu.memory_space<hbm>>) target(%arg16 : memref<80x16xf32, #tpu.memory_space<vmem>>) target_semaphore(%run_scoped3A_369 : memref<!tpu.dma_semaphore, #tpu.memory_space<semaphore_mem>>)
      tpu.wait_dma2 semaphore(%run_scoped3A_369 : memref<!tpu.dma_semaphore, #tpu.memory_space<semaphore_mem>>) src(%arg6 : memref<80x16xf32, #tpu.memory_space<hbm>>) dst(%arg16 : memref<80x16xf32, #tpu.memory_space<vmem>>)
      tpu.yield
    }) : () -> ()
    %eq3A = arith.constant 0 : i32
    %eq3A_1 = arith.cmpi eq, %arg1, %eq3A : i32
    %convert_element_type3A = arith.extui %eq3A_1 : i1 to i32
    %cond3A = arith.constant 0 : i32
    %cond3A_2 = arith.cmpi ne, %convert_element_type3A, %cond3A : i32
    scf.if %cond3A_2 {
      "tpu.region"() ({
        %run_scoped3A_369 = tpu.sem_alloc : memref<!tpu.dma_semaphore, #tpu.memory_space<semaphore_mem>>
        %dma_start3A_370 = arith.constant 9984 : i32
        %dma_start3A_371 = arith.constant 0 : i32
        %dma_start3A_372 = tpu.memref_slice %arg8[%dma_start3A_370, %dma_start3A_371] : memref<10000x64xf32, #tpu.memory_space<vmem_shared>> -> memref<16x64xf32, #tpu.memory_space<vmem_shared>>
        %dma_start3A_373 = arith.constant 9984 : i32
        %dma_start3A_374 = arith.constant 0 : i32
        %dma_start3A_375 = tpu.memref_slice %arg4[%dma_start3A_373, %dma_start3A_374] : memref<10000x64xf32, #tpu.memory_space<hbm>> -> memref<16x64xf32, #tpu.memory_space<hbm>>
        tpu.enqueue_dma source(%dma_start3A_375 : memref<16x64xf32, #tpu.memory_space<hbm>>) target(%dma_start3A_372 : memref<16x64xf32, #tpu.memory_space<vmem_shared>>) target_semaphore(%run_scoped3A_369 : memref<!tpu.dma_semaphore, #tpu.memory_space<semaphore_mem>>)
        %dma_wait3A_376 = arith.constant 9984 : i32
        %dma_wait3A_377 = arith.constant 0 : i32
        %dma_wait3A_378 = tpu.memref_slice %arg8[%dma_wait3A_376, %dma_wait3A_377] : memref<10000x64xf32, #tpu.memory_space<vmem_shared>> -> memref<16x64xf32, #tpu.memory_space<vmem_shared>>
        %dma_wait3A_379 = arith.constant 9984 : i32
        %dma_wait3A_380 = arith.constant 0 : i32
        %dma_wait3A_381 = tpu.memref_slice %arg4[%dma_wait3A_379, %dma_wait3A_380] : memref<10000x64xf32, #tpu.memory_space<hbm>> -> memref<16x64xf32, #tpu.memory_space<hbm>>
        tpu.wait_dma2 semaphore(%run_scoped3A_369 : memref<!tpu.dma_semaphore, #tpu.memory_space<semaphore_mem>>) src(%dma_wait3A_381 : memref<16x64xf32, #tpu.memory_space<hbm>>) dst(%dma_wait3A_378 : memref<16x64xf32, #tpu.memory_space<vmem_shared>>)
        tpu.yield
      }) : () -> ()
      "tpu.region"() ({
        %run_scoped3A_369 = tpu.sem_alloc : memref<!tpu.dma_semaphore, #tpu.memory_space<semaphore_mem>>
        %dma_start3A_370 = arith.constant 9984 : i32
        %dma_start3A_371 = arith.constant 0 : i32
        %dma_start3A_372 = tpu.memref_slice %arg15[%dma_start3A_370, %dma_start3A_371] : memref<10000x16xf32, #tpu.memory_space<vmem_shared>> -> memref<16x16xf32, #tpu.memory_space<vmem_shared>>
        %dma_start3A_373 = arith.constant 9984 : i32
        %dma_start3A_374 = arith.constant 0 : i32
        %dma_start3A_375 = tpu.memref_slice %arg5[%dma_start3A_373, %dma_start3A_374] : memref<10000x16xf32, #tpu.memory_space<hbm>> -> memref<16x16xf32, #tpu.memory_space<hbm>>
        tpu.enqueue_dma source(%dma_start3A_375 : memref<16x16xf32, #tpu.memory_space<hbm>>) target(%dma_start3A_372 : memref<16x16xf32, #tpu.memory_space<vmem_shared>>) target_semaphore(%run_scoped3A_369 : memref<!tpu.dma_semaphore, #tpu.memory_space<semaphore_mem>>)
        %dma_wait3A_376 = arith.constant 9984 : i32
        %dma_wait3A_377 = arith.constant 0 : i32
        %dma_wait3A_378 = tpu.memref_slice %arg15[%dma_wait3A_376, %dma_wait3A_377] : memref<10000x16xf32, #tpu.memory_space<vmem_shared>> -> memref<16x16xf32, #tpu.memory_space<vmem_shared>>
        %dma_wait3A_379 = arith.constant 9984 : i32
        %dma_wait3A_380 = arith.constant 0 : i32
        %dma_wait3A_381 = tpu.memref_slice %arg5[%dma_wait3A_379, %dma_wait3A_380] : memref<10000x16xf32, #tpu.memory_space<hbm>> -> memref<16x16xf32, #tpu.memory_space<hbm>>
        tpu.wait_dma2 semaphore(%run_scoped3A_369 : memref<!tpu.dma_semaphore, #tpu.memory_space<semaphore_mem>>) src(%dma_wait3A_381 : memref<16x16xf32, #tpu.memory_space<hbm>>) dst(%dma_wait3A_378 : memref<16x16xf32, #tpu.memory_space<vmem_shared>>)
        tpu.yield
      }) : () -> ()
    } else {
    }
    %mul3A_3 = arith.constant 16 : i32
    %mul3A_4 = arith.muli %arg0, %mul3A_3 : i32
    %add3A = arith.addi %mul3A_4, %arg1 : i32
    %run_scoped3A = arith.constant 0 : i32
    "tpu.region"() ({
      %run_scoped3A_369 = tpu.sem_alloc : memref<!tpu.dma_semaphore, #tpu.memory_space<semaphore_mem>>
      %dma_start3A_370 = arith.constant 0 : i32
      %dma_start3A_371 = arith.constant 0 : i32
      %dma_start3A_372 = tpu.memref_slice %arg3[%run_scoped3A, %add3A, %dma_start3A_370, %dma_start3A_371] : memref<2x32x125x80xi32, #tpu.memory_space<hbm>> -> memref<1x1x125x80xi32, #tpu.memory_space<hbm>>
      %dma_start3A_373 = tpu.memref_squeeze %dma_start3A_372 : memref<1x1x125x80xi32, #tpu.memory_space<hbm>> -> memref<125x80xi32, #tpu.memory_space<hbm>>
      %dma_start3A_374 = arith.constant 0 : i32
      %dma_start3A_375 = arith.constant 0 : i32
      %dma_start3A_376 = tpu.memref_slice %arg3[%run_scoped3A, %add3A, %dma_start3A_374, %dma_start3A_375] : memref<2x32x125x80xi32, #tpu.memory_space<hbm>> -> memref<1x1x125x80xi32, #tpu.memory_space<hbm>>
      %dma_start3A_377 = tpu.memref_squeeze %dma_start3A_376 : memref<1x1x125x80xi32, #tpu.memory_space<hbm>> -> memref<125x80xi32, #tpu.memory_space<hbm>>
      tpu.enqueue_dma source(%dma_start3A_377 : memref<125x80xi32, #tpu.memory_space<hbm>>) target(%arg9 : memref<125x80xi32, #tpu.memory_space<vmem>>) target_semaphore(%run_scoped3A_369 : memref<!tpu.dma_semaphore, #tpu.memory_space<semaphore_mem>>)
      %dma_wait3A_378 = arith.constant 0 : i32
      %dma_wait3A_379 = arith.constant 0 : i32
      %dma_wait3A_380 = tpu.memref_slice %arg3[%run_scoped3A, %add3A, %dma_wait3A_378, %dma_wait3A_379] : memref<2x32x125x80xi32, #tpu.memory_space<hbm>> -> memref<1x1x125x80xi32, #tpu.memory_space<hbm>>
      %dma_wait3A_381 = tpu.memref_squeeze %dma_wait3A_380 : memref<1x1x125x80xi32, #tpu.memory_space<hbm>> -> memref<125x80xi32, #tpu.memory_space<hbm>>
      %dma_wait3A_382 = arith.constant 0 : i32
      %dma_wait3A_383 = arith.constant 0 : i32
      %dma_wait3A_384 = tpu.memref_slice %arg3[%run_scoped3A, %add3A, %dma_wait3A_382, %dma_wait3A_383] : memref<2x32x125x80xi32, #tpu.memory_space<hbm>> -> memref<1x1x125x80xi32, #tpu.memory_space<hbm>>
      %dma_wait3A_385 = tpu.memref_squeeze %dma_wait3A_384 : memref<1x1x125x80xi32, #tpu.memory_space<hbm>> -> memref<125x80xi32, #tpu.memory_space<hbm>>
      tpu.wait_dma2 semaphore(%run_scoped3A_369 : memref<!tpu.dma_semaphore, #tpu.memory_space<semaphore_mem>>) src(%dma_wait3A_385 : memref<125x80xi32, #tpu.memory_space<hbm>>) dst(%arg9 : memref<125x80xi32, #tpu.memory_space<vmem>>)
      tpu.yield
    }) : () -> ()
    %run_scoped3A_5 = arith.constant 1 : i32
    "tpu.region"() ({
      %run_scoped3A_369 = tpu.sem_alloc : memref<!tpu.dma_semaphore, #tpu.memory_space<semaphore_mem>>
      %dma_start3A_370 = arith.constant 0 : i32
      %dma_start3A_371 = arith.constant 0 : i32
      %dma_start3A_372 = tpu.memref_slice %arg3[%run_scoped3A_5, %add3A, %dma_start3A_370, %dma_start3A_371] : memref<2x32x125x80xi32, #tpu.memory_space<hbm>> -> memref<1x1x125x80xi32, #tpu.memory_space<hbm>>
      %dma_start3A_373 = tpu.memref_squeeze %dma_start3A_372 : memref<1x1x125x80xi32, #tpu.memory_space<hbm>> -> memref<125x80xi32, #tpu.memory_space<hbm>>
      %dma_start3A_374 = arith.constant 0 : i32
      %dma_start3A_375 = arith.constant 0 : i32
      %dma_start3A_376 = tpu.memref_slice %arg3[%run_scoped3A_5, %add3A, %dma_start3A_374, %dma_start3A_375] : memref<2x32x125x80xi32, #tpu.memory_space<hbm>> -> memref<1x1x125x80xi32, #tpu.memory_space<hbm>>
      %dma_start3A_377 = tpu.memref_squeeze %dma_start3A_376 : memref<1x1x125x80xi32, #tpu.memory_space<hbm>> -> memref<125x80xi32, #tpu.memory_space<hbm>>
      tpu.enqueue_dma source(%dma_start3A_377 : memref<125x80xi32, #tpu.memory_space<hbm>>) target(%arg10 : memref<125x80xi32, #tpu.memory_space<vmem>>) target_semaphore(%run_scoped3A_369 : memref<!tpu.dma_semaphore, #tpu.memory_space<semaphore_mem>>)
      %dma_wait3A_378 = arith.constant 0 : i32
      %dma_wait3A_379 = arith.constant 0 : i32
      %dma_wait3A_380 = tpu.memref_slice %arg3[%run_scoped3A_5, %add3A, %dma_wait3A_378, %dma_wait3A_379] : memref<2x32x125x80xi32, #tpu.memory_space<hbm>> -> memref<1x1x125x80xi32, #tpu.memory_space<hbm>>
      %dma_wait3A_381 = tpu.memref_squeeze %dma_wait3A_380 : memref<1x1x125x80xi32, #tpu.memory_space<hbm>> -> memref<125x80xi32, #tpu.memory_space<hbm>>
      %dma_wait3A_382 = arith.constant 0 : i32
      %dma_wait3A_383 = arith.constant 0 : i32
      %dma_wait3A_384 = tpu.memref_slice %arg3[%run_scoped3A_5, %add3A, %dma_wait3A_382, %dma_wait3A_383] : memref<2x32x125x80xi32, #tpu.memory_space<hbm>> -> memref<1x1x125x80xi32, #tpu.memory_space<hbm>>
      %dma_wait3A_385 = tpu.memref_squeeze %dma_wait3A_384 : memref<1x1x125x80xi32, #tpu.memory_space<hbm>> -> memref<125x80xi32, #tpu.memory_space<hbm>>
      tpu.wait_dma2 semaphore(%run_scoped3A_369 : memref<!tpu.dma_semaphore, #tpu.memory_space<semaphore_mem>>) src(%dma_wait3A_385 : memref<125x80xi32, #tpu.memory_space<hbm>>) dst(%arg10 : memref<125x80xi32, #tpu.memory_space<vmem>>)
      tpu.yield
    }) : () -> ()
    %barrier3A = arith.constant 0 : index
    tpu.barrier barrier_id(%barrier3A)
    %scan3A = arith.constant 0 : i32
    %scan3A_6 = arith.constant 0 : i32
    %scan3A_7 = arith.constant 12 : i32
    %scan3A_8 = arith.addi %scan3A_6, %scan3A_7 : i32
    %scan3A_9 = arith.constant 1 : i32
    scf.for %scan3A_369 = %scan3A_6 to %scan3A_8 step %scan3A_9  : i32 {
      %mul3A_370 = arith.constant 2 : i32
      %mul3A_371 = arith.muli %scan3A_369, %mul3A_370 : i32
      %mul3A_372 = arith.constant 5 : i32
      %mul3A_373 = arith.muli %mul3A_371, %mul3A_372 : i32
      %add3A_374 = arith.constant 5 : i32
      %add3A_375 = arith.addi %mul3A_373, %add3A_374 : i32
      %gt3A = arith.constant 0 : i32
      %gt3A_376 = arith.cmpi sgt, %scan3A_369, %gt3A : i32
      %convert_element_type3A_377 = arith.extui %gt3A_376 : i1 to i32
      %cond3A_378 = arith.constant 0 : i32
      %cond3A_379 = arith.cmpi ne, %convert_element_type3A_377, %cond3A_378 : i32
      scf.if %cond3A_379 {
        %dma_wait3A_775 = arith.constant 0 : i32
        %dma_wait3A_776 = arith.constant 0 : i32
        %dma_wait3A_777 = tpu.memref_slice %arg11[%dma_wait3A_775, %dma_wait3A_776] : memref<800x64xf32, #tpu.memory_space<vmem>> -> memref<400x64xf32, #tpu.memory_space<vmem>>
        %dma_wait3A_778 = arith.constant 0 : i32
        %dma_wait3A_779 = arith.constant 0 : i32
        %dma_wait3A_780 = tpu.memref_slice %arg2[%dma_wait3A_778, %dma_wait3A_779] : memref<10000x64xf32, #tpu.memory_space<hbm>> -> memref<400x64xf32, #tpu.memory_space<hbm>>
        %dma_wait3A_781 = arith.constant 0 : i32
        %dma_wait3A_782 = arith.constant 0 : i32
        %dma_wait3A_783 = tpu.memref_slice %arg11[%dma_wait3A_781, %dma_wait3A_782] : memref<800x64xf32, #tpu.memory_space<vmem>> -> memref<400x64xf32, #tpu.memory_space<vmem>>
        %dma_wait3A_784 = arith.constant 0 : i32
        %dma_wait3A_785 = arith.constant 0 : i32
        %dma_wait3A_786 = tpu.memref_slice %arg2[%dma_wait3A_784, %dma_wait3A_785] : memref<10000x64xf32, #tpu.memory_space<hbm>> -> memref<400x64xf32, #tpu.memory_space<hbm>>
        tpu.wait_dma2 semaphore(%arg13 : memref<!tpu.dma_semaphore, #tpu.memory_space<semaphore_mem>>) src(%dma_wait3A_786 : memref<400x64xf32, #tpu.memory_space<hbm>>) dst(%dma_wait3A_783 : memref<400x64xf32, #tpu.memory_space<vmem>>)
        %dma_wait3A_787 = arith.constant 0 : i32
        %dma_wait3A_788 = arith.constant 0 : i32
        %dma_wait3A_789 = tpu.memref_slice %arg5[%dma_wait3A_787, %dma_wait3A_788] : memref<10000x16xf32, #tpu.memory_space<hbm>> -> memref<80x16xf32, #tpu.memory_space<hbm>>
        %dma_wait3A_790 = arith.constant 0 : i32
        %dma_wait3A_791 = arith.constant 0 : i32
        %dma_wait3A_792 = tpu.memref_slice %arg5[%dma_wait3A_790, %dma_wait3A_791] : memref<10000x16xf32, #tpu.memory_space<hbm>> -> memref<80x16xf32, #tpu.memory_space<hbm>>
        tpu.wait_dma2 semaphore(%arg17 : memref<!tpu.dma_semaphore, #tpu.memory_space<semaphore_mem>>) src(%dma_wait3A_792 : memref<80x16xf32, #tpu.memory_space<hbm>>) dst(%arg16 : memref<80x16xf32, #tpu.memory_space<vmem>>)
        %dma_wait3A_793 = arith.constant 0 : i32
        %dma_wait3A_794 = arith.constant 0 : i32
        %dma_wait3A_795 = tpu.memref_slice %arg5[%dma_wait3A_793, %dma_wait3A_794] : memref<10000x16xf32, #tpu.memory_space<hbm>> -> memref<80x16xf32, #tpu.memory_space<hbm>>
        %dma_wait3A_796 = arith.constant 0 : i32
        %dma_wait3A_797 = arith.constant 0 : i32
        %dma_wait3A_798 = tpu.memref_slice %arg5[%dma_wait3A_796, %dma_wait3A_797] : memref<10000x16xf32, #tpu.memory_space<hbm>> -> memref<80x16xf32, #tpu.memory_space<hbm>>
        tpu.wait_dma2 semaphore(%arg17 : memref<!tpu.dma_semaphore, #tpu.memory_space<semaphore_mem>>) src(%dma_wait3A_798 : memref<80x16xf32, #tpu.memory_space<hbm>>) dst(%arg16 : memref<80x16xf32, #tpu.memory_space<vmem>>)
        %dma_wait3A_799 = arith.constant 0 : i32
        %dma_wait3A_800 = arith.constant 0 : i32
        %dma_wait3A_801 = tpu.memref_slice %arg5[%dma_wait3A_799, %dma_wait3A_800] : memref<10000x16xf32, #tpu.memory_space<hbm>> -> memref<80x16xf32, #tpu.memory_space<hbm>>
        %dma_wait3A_802 = arith.constant 0 : i32
        %dma_wait3A_803 = arith.constant 0 : i32
        %dma_wait3A_804 = tpu.memref_slice %arg5[%dma_wait3A_802, %dma_wait3A_803] : memref<10000x16xf32, #tpu.memory_space<hbm>> -> memref<80x16xf32, #tpu.memory_space<hbm>>
        tpu.wait_dma2 semaphore(%arg17 : memref<!tpu.dma_semaphore, #tpu.memory_space<semaphore_mem>>) src(%dma_wait3A_804 : memref<80x16xf32, #tpu.memory_space<hbm>>) dst(%arg16 : memref<80x16xf32, #tpu.memory_space<vmem>>)
        %dma_wait3A_805 = arith.constant 0 : i32
        %dma_wait3A_806 = arith.constant 0 : i32
        %dma_wait3A_807 = tpu.memref_slice %arg5[%dma_wait3A_805, %dma_wait3A_806] : memref<10000x16xf32, #tpu.memory_space<hbm>> -> memref<80x16xf32, #tpu.memory_space<hbm>>
        %dma_wait3A_808 = arith.constant 0 : i32
        %dma_wait3A_809 = arith.constant 0 : i32
        %dma_wait3A_810 = tpu.memref_slice %arg5[%dma_wait3A_808, %dma_wait3A_809] : memref<10000x16xf32, #tpu.memory_space<hbm>> -> memref<80x16xf32, #tpu.memory_space<hbm>>
        tpu.wait_dma2 semaphore(%arg17 : memref<!tpu.dma_semaphore, #tpu.memory_space<semaphore_mem>>) src(%dma_wait3A_810 : memref<80x16xf32, #tpu.memory_space<hbm>>) dst(%arg16 : memref<80x16xf32, #tpu.memory_space<vmem>>)
        %dma_wait3A_811 = arith.constant 0 : i32
        %dma_wait3A_812 = arith.constant 0 : i32
        %dma_wait3A_813 = tpu.memref_slice %arg5[%dma_wait3A_811, %dma_wait3A_812] : memref<10000x16xf32, #tpu.memory_space<hbm>> -> memref<80x16xf32, #tpu.memory_space<hbm>>
        %dma_wait3A_814 = arith.constant 0 : i32
        %dma_wait3A_815 = arith.constant 0 : i32
        %dma_wait3A_816 = tpu.memref_slice %arg5[%dma_wait3A_814, %dma_wait3A_815] : memref<10000x16xf32, #tpu.memory_space<hbm>> -> memref<80x16xf32, #tpu.memory_space<hbm>>
        tpu.wait_dma2 semaphore(%arg17 : memref<!tpu.dma_semaphore, #tpu.memory_space<semaphore_mem>>) src(%dma_wait3A_816 : memref<80x16xf32, #tpu.memory_space<hbm>>) dst(%arg16 : memref<80x16xf32, #tpu.memory_space<vmem>>)
      } else {
      }
      %add3A_380 = arith.constant 0 : i32
      %add3A_381 = arith.addi %mul3A_373, %add3A_380 : i32
      %dma_start3A_382 = arith.constant 0 : i32
      %dma_start3A_383 = arith.constant 0 : i32
      %dma_start3A_384 = tpu.memref_slice %arg11[%dma_start3A_382, %dma_start3A_383] : memref<800x64xf32, #tpu.memory_space<vmem>> -> memref<80x64xf32, #tpu.memory_space<vmem>>
      %dma_start3A_385 = arith.constant 0 : i32
      %dma_start3A_386 = tpu.memref_slice %arg9[%add3A_381, %dma_start3A_385] : memref<125x80xi32, #tpu.memory_space<vmem>> -> memref<1x80xi32, #tpu.memory_space<vmem>>
      %dma_start3A_387 = tpu.memref_squeeze %dma_start3A_386 : memref<1x80xi32, #tpu.memory_space<vmem>> -> memref<80xi32, #tpu.memory_space<vmem>>
      %dma_start3A_388 = arith.constant 0 : i32
      %dma_start3A_389 = arith.constant 0 : i32
      %dma_start3A_390 = tpu.memref_slice %arg2[%dma_start3A_388, %dma_start3A_389] : memref<10000x64xf32, #tpu.memory_space<hbm>> -> memref<10000x64xf32, #tpu.memory_space<hbm>>
      tpu.enqueue_indirect_dma source(%dma_start3A_390 : memref<10000x64xf32, #tpu.memory_space<hbm>>) target(%dma_start3A_384 : memref<80x64xf32, #tpu.memory_space<vmem>>) offsets(%dma_start3A_387 : memref<80xi32, #tpu.memory_space<vmem>>) semaphore(%arg12 : memref<!tpu.dma_semaphore, #tpu.memory_space<semaphore_mem>>)
      %add3A_391 = arith.constant 1 : i32
      %add3A_392 = arith.addi %mul3A_373, %add3A_391 : i32
      %dma_start3A_393 = arith.constant 80 : i32
      %dma_start3A_394 = arith.constant 0 : i32
      %dma_start3A_395 = tpu.memref_slice %arg11[%dma_start3A_393, %dma_start3A_394] : memref<800x64xf32, #tpu.memory_space<vmem>> -> memref<80x64xf32, #tpu.memory_space<vmem>>
      %dma_start3A_396 = arith.constant 0 : i32
      %dma_start3A_397 = tpu.memref_slice %arg9[%add3A_392, %dma_start3A_396] : memref<125x80xi32, #tpu.memory_space<vmem>> -> memref<1x80xi32, #tpu.memory_space<vmem>>
      %dma_start3A_398 = tpu.memref_squeeze %dma_start3A_397 : memref<1x80xi32, #tpu.memory_space<vmem>> -> memref<80xi32, #tpu.memory_space<vmem>>
      %dma_start3A_399 = arith.constant 0 : i32
      %dma_start3A_400 = arith.constant 0 : i32
      %dma_start3A_401 = tpu.memref_slice %arg2[%dma_start3A_399, %dma_start3A_400] : memref<10000x64xf32, #tpu.memory_space<hbm>> -> memref<10000x64xf32, #tpu.memory_space<hbm>>
      tpu.enqueue_indirect_dma source(%dma_start3A_401 : memref<10000x64xf32, #tpu.memory_space<hbm>>) target(%dma_start3A_395 : memref<80x64xf32, #tpu.memory_space<vmem>>) offsets(%dma_start3A_398 : memref<80xi32, #tpu.memory_space<vmem>>) semaphore(%arg12 : memref<!tpu.dma_semaphore, #tpu.memory_space<semaphore_mem>>)
      %add3A_402 = arith.constant 2 : i32
      %add3A_403 = arith.addi %mul3A_373, %add3A_402 : i32
      %dma_start3A_404 = arith.constant 160 : i32
      %dma_start3A_405 = arith.constant 0 : i32
      %dma_start3A_406 = tpu.memref_slice %arg11[%dma_start3A_404, %dma_start3A_405] : memref<800x64xf32, #tpu.memory_space<vmem>> -> memref<80x64xf32, #tpu.memory_space<vmem>>
      %dma_start3A_407 = arith.constant 0 : i32
      %dma_start3A_408 = tpu.memref_slice %arg9[%add3A_403, %dma_start3A_407] : memref<125x80xi32, #tpu.memory_space<vmem>> -> memref<1x80xi32, #tpu.memory_space<vmem>>
      %dma_start3A_409 = tpu.memref_squeeze %dma_start3A_408 : memref<1x80xi32, #tpu.memory_space<vmem>> -> memref<80xi32, #tpu.memory_space<vmem>>
      %dma_start3A_410 = arith.constant 0 : i32
      %dma_start3A_411 = arith.constant 0 : i32
      %dma_start3A_412 = tpu.memref_slice %arg2[%dma_start3A_410, %dma_start3A_411] : memref<10000x64xf32, #tpu.memory_space<hbm>> -> memref<10000x64xf32, #tpu.memory_space<hbm>>
      tpu.enqueue_indirect_dma source(%dma_start3A_412 : memref<10000x64xf32, #tpu.memory_space<hbm>>) target(%dma_start3A_406 : memref<80x64xf32, #tpu.memory_space<vmem>>) offsets(%dma_start3A_409 : memref<80xi32, #tpu.memory_space<vmem>>) semaphore(%arg12 : memref<!tpu.dma_semaphore, #tpu.memory_space<semaphore_mem>>)
      %add3A_413 = arith.constant 3 : i32
      %add3A_414 = arith.addi %mul3A_373, %add3A_413 : i32
      %dma_start3A_415 = arith.constant 240 : i32
      %dma_start3A_416 = arith.constant 0 : i32
      %dma_start3A_417 = tpu.memref_slice %arg11[%dma_start3A_415, %dma_start3A_416] : memref<800x64xf32, #tpu.memory_space<vmem>> -> memref<80x64xf32, #tpu.memory_space<vmem>>
      %dma_start3A_418 = arith.constant 0 : i32
      %dma_start3A_419 = tpu.memref_slice %arg9[%add3A_414, %dma_start3A_418] : memref<125x80xi32, #tpu.memory_space<vmem>> -> memref<1x80xi32, #tpu.memory_space<vmem>>
      %dma_start3A_420 = tpu.memref_squeeze %dma_start3A_419 : memref<1x80xi32, #tpu.memory_space<vmem>> -> memref<80xi32, #tpu.memory_space<vmem>>
      %dma_start3A_421 = arith.constant 0 : i32
      %dma_start3A_422 = arith.constant 0 : i32
      %dma_start3A_423 = tpu.memref_slice %arg2[%dma_start3A_421, %dma_start3A_422] : memref<10000x64xf32, #tpu.memory_space<hbm>> -> memref<10000x64xf32, #tpu.memory_space<hbm>>
      tpu.enqueue_indirect_dma source(%dma_start3A_423 : memref<10000x64xf32, #tpu.memory_space<hbm>>) target(%dma_start3A_417 : memref<80x64xf32, #tpu.memory_space<vmem>>) offsets(%dma_start3A_420 : memref<80xi32, #tpu.memory_space<vmem>>) semaphore(%arg12 : memref<!tpu.dma_semaphore, #tpu.memory_space<semaphore_mem>>)
      %add3A_424 = arith.constant 4 : i32
      %add3A_425 = arith.addi %mul3A_373, %add3A_424 : i32
      %dma_start3A_426 = arith.constant 320 : i32
      %dma_start3A_427 = arith.constant 0 : i32
      %dma_start3A_428 = tpu.memref_slice %arg11[%dma_start3A_426, %dma_start3A_427] : memref<800x64xf32, #tpu.memory_space<vmem>> -> memref<80x64xf32, #tpu.memory_space<vmem>>
      %dma_start3A_429 = arith.constant 0 : i32
      %dma_start3A_430 = tpu.memref_slice %arg9[%add3A_425, %dma_start3A_429] : memref<125x80xi32, #tpu.memory_space<vmem>> -> memref<1x80xi32, #tpu.memory_space<vmem>>
      %dma_start3A_431 = tpu.memref_squeeze %dma_start3A_430 : memref<1x80xi32, #tpu.memory_space<vmem>> -> memref<80xi32, #tpu.memory_space<vmem>>
      %dma_start3A_432 = arith.constant 0 : i32
      %dma_start3A_433 = arith.constant 0 : i32
      %dma_start3A_434 = tpu.memref_slice %arg2[%dma_start3A_432, %dma_start3A_433] : memref<10000x64xf32, #tpu.memory_space<hbm>> -> memref<10000x64xf32, #tpu.memory_space<hbm>>
      tpu.enqueue_indirect_dma source(%dma_start3A_434 : memref<10000x64xf32, #tpu.memory_space<hbm>>) target(%dma_start3A_428 : memref<80x64xf32, #tpu.memory_space<vmem>>) offsets(%dma_start3A_431 : memref<80xi32, #tpu.memory_space<vmem>>) semaphore(%arg12 : memref<!tpu.dma_semaphore, #tpu.memory_space<semaphore_mem>>)
      %gt3A_435 = arith.constant 0 : i32
      %gt3A_436 = arith.cmpi sgt, %scan3A_369, %gt3A_435 : i32
      %convert_element_type3A_437 = arith.extui %gt3A_436 : i1 to i32
      %cond3A_438 = arith.constant 0 : i32
      %cond3A_439 = arith.cmpi ne, %convert_element_type3A_437, %cond3A_438 : i32
      scf.if %cond3A_439 {
        %dma_wait3A_775 = arith.constant 0 : i32
        %dma_wait3A_776 = arith.constant 0 : i32
        %dma_wait3A_777 = tpu.memref_slice %arg11[%dma_wait3A_775, %dma_wait3A_776] : memref<800x64xf32, #tpu.memory_space<vmem>> -> memref<400x64xf32, #tpu.memory_space<vmem>>
        %dma_wait3A_778 = arith.constant 0 : i32
        %dma_wait3A_779 = arith.constant 0 : i32
        %dma_wait3A_780 = tpu.memref_slice %arg2[%dma_wait3A_778, %dma_wait3A_779] : memref<10000x64xf32, #tpu.memory_space<hbm>> -> memref<400x64xf32, #tpu.memory_space<hbm>>
        %dma_wait3A_781 = arith.constant 0 : i32
        %dma_wait3A_782 = arith.constant 0 : i32
        %dma_wait3A_783 = tpu.memref_slice %arg11[%dma_wait3A_781, %dma_wait3A_782] : memref<800x64xf32, #tpu.memory_space<vmem>> -> memref<400x64xf32, #tpu.memory_space<vmem>>
        %dma_wait3A_784 = arith.constant 0 : i32
        %dma_wait3A_785 = arith.constant 0 : i32
        %dma_wait3A_786 = tpu.memref_slice %arg2[%dma_wait3A_784, %dma_wait3A_785] : memref<10000x64xf32, #tpu.memory_space<hbm>> -> memref<400x64xf32, #tpu.memory_space<hbm>>
        tpu.wait_dma2 semaphore(%arg14 : memref<!tpu.dma_semaphore, #tpu.memory_space<semaphore_mem>>) src(%dma_wait3A_786 : memref<400x64xf32, #tpu.memory_space<hbm>>) dst(%dma_wait3A_783 : memref<400x64xf32, #tpu.memory_space<vmem>>)
        %dma_wait3A_787 = arith.constant 0 : i32
        %dma_wait3A_788 = arith.constant 0 : i32
        %dma_wait3A_789 = tpu.memref_slice %arg5[%dma_wait3A_787, %dma_wait3A_788] : memref<10000x16xf32, #tpu.memory_space<hbm>> -> memref<80x16xf32, #tpu.memory_space<hbm>>
        %dma_wait3A_790 = arith.constant 0 : i32
        %dma_wait3A_791 = arith.constant 0 : i32
        %dma_wait3A_792 = tpu.memref_slice %arg5[%dma_wait3A_790, %dma_wait3A_791] : memref<10000x16xf32, #tpu.memory_space<hbm>> -> memref<80x16xf32, #tpu.memory_space<hbm>>
        tpu.wait_dma2 semaphore(%arg17 : memref<!tpu.dma_semaphore, #tpu.memory_space<semaphore_mem>>) src(%dma_wait3A_792 : memref<80x16xf32, #tpu.memory_space<hbm>>) dst(%arg16 : memref<80x16xf32, #tpu.memory_space<vmem>>)
        %dma_wait3A_793 = arith.constant 0 : i32
        %dma_wait3A_794 = arith.constant 0 : i32
        %dma_wait3A_795 = tpu.memref_slice %arg5[%dma_wait3A_793, %dma_wait3A_794] : memref<10000x16xf32, #tpu.memory_space<hbm>> -> memref<80x16xf32, #tpu.memory_space<hbm>>
        %dma_wait3A_796 = arith.constant 0 : i32
        %dma_wait3A_797 = arith.constant 0 : i32
        %dma_wait3A_798 = tpu.memref_slice %arg5[%dma_wait3A_796, %dma_wait3A_797] : memref<10000x16xf32, #tpu.memory_space<hbm>> -> memref<80x16xf32, #tpu.memory_space<hbm>>
        tpu.wait_dma2 semaphore(%arg17 : memref<!tpu.dma_semaphore, #tpu.memory_space<semaphore_mem>>) src(%dma_wait3A_798 : memref<80x16xf32, #tpu.memory_space<hbm>>) dst(%arg16 : memref<80x16xf32, #tpu.memory_space<vmem>>)
        %dma_wait3A_799 = arith.constant 0 : i32
        %dma_wait3A_800 = arith.constant 0 : i32
        %dma_wait3A_801 = tpu.memref_slice %arg5[%dma_wait3A_799, %dma_wait3A_800] : memref<10000x16xf32, #tpu.memory_space<hbm>> -> memref<80x16xf32, #tpu.memory_space<hbm>>
        %dma_wait3A_802 = arith.constant 0 : i32
        %dma_wait3A_803 = arith.constant 0 : i32
        %dma_wait3A_804 = tpu.memref_slice %arg5[%dma_wait3A_802, %dma_wait3A_803] : memref<10000x16xf32, #tpu.memory_space<hbm>> -> memref<80x16xf32, #tpu.memory_space<hbm>>
        tpu.wait_dma2 semaphore(%arg17 : memref<!tpu.dma_semaphore, #tpu.memory_space<semaphore_mem>>) src(%dma_wait3A_804 : memref<80x16xf32, #tpu.memory_space<hbm>>) dst(%arg16 : memref<80x16xf32, #tpu.memory_space<vmem>>)
        %dma_wait3A_805 = arith.constant 0 : i32
        %dma_wait3A_806 = arith.constant 0 : i32
        %dma_wait3A_807 = tpu.memref_slice %arg5[%dma_wait3A_805, %dma_wait3A_806] : memref<10000x16xf32, #tpu.memory_space<hbm>> -> memref<80x16xf32, #tpu.memory_space<hbm>>
        %dma_wait3A_808 = arith.constant 0 : i32
        %dma_wait3A_809 = arith.constant 0 : i32
        %dma_wait3A_810 = tpu.memref_slice %arg5[%dma_wait3A_808, %dma_wait3A_809] : memref<10000x16xf32, #tpu.memory_space<hbm>> -> memref<80x16xf32, #tpu.memory_space<hbm>>
        tpu.wait_dma2 semaphore(%arg17 : memref<!tpu.dma_semaphore, #tpu.memory_space<semaphore_mem>>) src(%dma_wait3A_810 : memref<80x16xf32, #tpu.memory_space<hbm>>) dst(%arg16 : memref<80x16xf32, #tpu.memory_space<vmem>>)
        %dma_wait3A_811 = arith.constant 0 : i32
        %dma_wait3A_812 = arith.constant 0 : i32
        %dma_wait3A_813 = tpu.memref_slice %arg5[%dma_wait3A_811, %dma_wait3A_812] : memref<10000x16xf32, #tpu.memory_space<hbm>> -> memref<80x16xf32, #tpu.memory_space<hbm>>
        %dma_wait3A_814 = arith.constant 0 : i32
        %dma_wait3A_815 = arith.constant 0 : i32
        %dma_wait3A_816 = tpu.memref_slice %arg5[%dma_wait3A_814, %dma_wait3A_815] : memref<10000x16xf32, #tpu.memory_space<hbm>> -> memref<80x16xf32, #tpu.memory_space<hbm>>
        tpu.wait_dma2 semaphore(%arg17 : memref<!tpu.dma_semaphore, #tpu.memory_space<semaphore_mem>>) src(%dma_wait3A_816 : memref<80x16xf32, #tpu.memory_space<hbm>>) dst(%arg16 : memref<80x16xf32, #tpu.memory_space<vmem>>)
      } else {
      }
      %add3A_440 = arith.constant 0 : i32
      %add3A_441 = arith.addi %add3A_375, %add3A_440 : i32
      %dma_start3A_442 = arith.constant 400 : i32
      %dma_start3A_443 = arith.constant 0 : i32
      %dma_start3A_444 = tpu.memref_slice %arg11[%dma_start3A_442, %dma_start3A_443] : memref<800x64xf32, #tpu.memory_space<vmem>> -> memref<80x64xf32, #tpu.memory_space<vmem>>
      %dma_start3A_445 = arith.constant 0 : i32
      %dma_start3A_446 = tpu.memref_slice %arg9[%add3A_441, %dma_start3A_445] : memref<125x80xi32, #tpu.memory_space<vmem>> -> memref<1x80xi32, #tpu.memory_space<vmem>>
      %dma_start3A_447 = tpu.memref_squeeze %dma_start3A_446 : memref<1x80xi32, #tpu.memory_space<vmem>> -> memref<80xi32, #tpu.memory_space<vmem>>
      %dma_start3A_448 = arith.constant 0 : i32
      %dma_start3A_449 = arith.constant 0 : i32
      %dma_start3A_450 = tpu.memref_slice %arg2[%dma_start3A_448, %dma_start3A_449] : memref<10000x64xf32, #tpu.memory_space<hbm>> -> memref<10000x64xf32, #tpu.memory_space<hbm>>
      tpu.enqueue_indirect_dma source(%dma_start3A_450 : memref<10000x64xf32, #tpu.memory_space<hbm>>) target(%dma_start3A_444 : memref<80x64xf32, #tpu.memory_space<vmem>>) offsets(%dma_start3A_447 : memref<80xi32, #tpu.memory_space<vmem>>) semaphore(%arg12 : memref<!tpu.dma_semaphore, #tpu.memory_space<semaphore_mem>>)
      %add3A_451 = arith.constant 1 : i32
      %add3A_452 = arith.addi %add3A_375, %add3A_451 : i32
      %dma_start3A_453 = arith.constant 480 : i32
      %dma_start3A_454 = arith.constant 0 : i32
      %dma_start3A_455 = tpu.memref_slice %arg11[%dma_start3A_453, %dma_start3A_454] : memref<800x64xf32, #tpu.memory_space<vmem>> -> memref<80x64xf32, #tpu.memory_space<vmem>>
      %dma_start3A_456 = arith.constant 0 : i32
      %dma_start3A_457 = tpu.memref_slice %arg9[%add3A_452, %dma_start3A_456] : memref<125x80xi32, #tpu.memory_space<vmem>> -> memref<1x80xi32, #tpu.memory_space<vmem>>
      %dma_start3A_458 = tpu.memref_squeeze %dma_start3A_457 : memref<1x80xi32, #tpu.memory_space<vmem>> -> memref<80xi32, #tpu.memory_space<vmem>>
      %dma_start3A_459 = arith.constant 0 : i32
      %dma_start3A_460 = arith.constant 0 : i32
      %dma_start3A_461 = tpu.memref_slice %arg2[%dma_start3A_459, %dma_start3A_460] : memref<10000x64xf32, #tpu.memory_space<hbm>> -> memref<10000x64xf32, #tpu.memory_space<hbm>>
      tpu.enqueue_indirect_dma source(%dma_start3A_461 : memref<10000x64xf32, #tpu.memory_space<hbm>>) target(%dma_start3A_455 : memref<80x64xf32, #tpu.memory_space<vmem>>) offsets(%dma_start3A_458 : memref<80xi32, #tpu.memory_space<vmem>>) semaphore(%arg12 : memref<!tpu.dma_semaphore, #tpu.memory_space<semaphore_mem>>)
      %add3A_462 = arith.constant 2 : i32
      %add3A_463 = arith.addi %add3A_375, %add3A_462 : i32
      %dma_start3A_464 = arith.constant 560 : i32
      %dma_start3A_465 = arith.constant 0 : i32
      %dma_start3A_466 = tpu.memref_slice %arg11[%dma_start3A_464, %dma_start3A_465] : memref<800x64xf32, #tpu.memory_space<vmem>> -> memref<80x64xf32, #tpu.memory_space<vmem>>
      %dma_start3A_467 = arith.constant 0 : i32
      %dma_start3A_468 = tpu.memref_slice %arg9[%add3A_463, %dma_start3A_467] : memref<125x80xi32, #tpu.memory_space<vmem>> -> memref<1x80xi32, #tpu.memory_space<vmem>>
      %dma_start3A_469 = tpu.memref_squeeze %dma_start3A_468 : memref<1x80xi32, #tpu.memory_space<vmem>> -> memref<80xi32, #tpu.memory_space<vmem>>
      %dma_start3A_470 = arith.constant 0 : i32
      %dma_start3A_471 = arith.constant 0 : i32
      %dma_start3A_472 = tpu.memref_slice %arg2[%dma_start3A_470, %dma_start3A_471] : memref<10000x64xf32, #tpu.memory_space<hbm>> -> memref<10000x64xf32, #tpu.memory_space<hbm>>
      tpu.enqueue_indirect_dma source(%dma_start3A_472 : memref<10000x64xf32, #tpu.memory_space<hbm>>) target(%dma_start3A_466 : memref<80x64xf32, #tpu.memory_space<vmem>>) offsets(%dma_start3A_469 : memref<80xi32, #tpu.memory_space<vmem>>) semaphore(%arg12 : memref<!tpu.dma_semaphore, #tpu.memory_space<semaphore_mem>>)
      %add3A_473 = arith.constant 3 : i32
      %add3A_474 = arith.addi %add3A_375, %add3A_473 : i32
      %dma_start3A_475 = arith.constant 640 : i32
      %dma_start3A_476 = arith.constant 0 : i32
      %dma_start3A_477 = tpu.memref_slice %arg11[%dma_start3A_475, %dma_start3A_476] : memref<800x64xf32, #tpu.memory_space<vmem>> -> memref<80x64xf32, #tpu.memory_space<vmem>>
      %dma_start3A_478 = arith.constant 0 : i32
      %dma_start3A_479 = tpu.memref_slice %arg9[%add3A_474, %dma_start3A_478] : memref<125x80xi32, #tpu.memory_space<vmem>> -> memref<1x80xi32, #tpu.memory_space<vmem>>
      %dma_start3A_480 = tpu.memref_squeeze %dma_start3A_479 : memref<1x80xi32, #tpu.memory_space<vmem>> -> memref<80xi32, #tpu.memory_space<vmem>>
      %dma_start3A_481 = arith.constant 0 : i32
      %dma_start3A_482 = arith.constant 0 : i32
      %dma_start3A_483 = tpu.memref_slice %arg2[%dma_start3A_481, %dma_start3A_482] : memref<10000x64xf32, #tpu.memory_space<hbm>> -> memref<10000x64xf32, #tpu.memory_space<hbm>>
      tpu.enqueue_indirect_dma source(%dma_start3A_483 : memref<10000x64xf32, #tpu.memory_space<hbm>>) target(%dma_start3A_477 : memref<80x64xf32, #tpu.memory_space<vmem>>) offsets(%dma_start3A_480 : memref<80xi32, #tpu.memory_space<vmem>>) semaphore(%arg12 : memref<!tpu.dma_semaphore, #tpu.memory_space<semaphore_mem>>)
      %add3A_484 = arith.constant 4 : i32
      %add3A_485 = arith.addi %add3A_375, %add3A_484 : i32
      %dma_start3A_486 = arith.constant 720 : i32
      %dma_start3A_487 = arith.constant 0 : i32
      %dma_start3A_488 = tpu.memref_slice %arg11[%dma_start3A_486, %dma_start3A_487] : memref<800x64xf32, #tpu.memory_space<vmem>> -> memref<80x64xf32, #tpu.memory_space<vmem>>
      %dma_start3A_489 = arith.constant 0 : i32
      %dma_start3A_490 = tpu.memref_slice %arg9[%add3A_485, %dma_start3A_489] : memref<125x80xi32, #tpu.memory_space<vmem>> -> memref<1x80xi32, #tpu.memory_space<vmem>>
      %dma_start3A_491 = tpu.memref_squeeze %dma_start3A_490 : memref<1x80xi32, #tpu.memory_space<vmem>> -> memref<80xi32, #tpu.memory_space<vmem>>
      %dma_start3A_492 = arith.constant 0 : i32
      %dma_start3A_493 = arith.constant 0 : i32
      %dma_start3A_494 = tpu.memref_slice %arg2[%dma_start3A_492, %dma_start3A_493] : memref<10000x64xf32, #tpu.memory_space<hbm>> -> memref<10000x64xf32, #tpu.memory_space<hbm>>
      tpu.enqueue_indirect_dma source(%dma_start3A_494 : memref<10000x64xf32, #tpu.memory_space<hbm>>) target(%dma_start3A_488 : memref<80x64xf32, #tpu.memory_space<vmem>>) offsets(%dma_start3A_491 : memref<80xi32, #tpu.memory_space<vmem>>) semaphore(%arg12 : memref<!tpu.dma_semaphore, #tpu.memory_space<semaphore_mem>>)
      %dma_wait3A_495 = arith.constant 0 : i32
      %dma_wait3A_496 = arith.constant 0 : i32
      %dma_wait3A_497 = tpu.memref_slice %arg11[%dma_wait3A_495, %dma_wait3A_496] : memref<800x64xf32, #tpu.memory_space<vmem>> -> memref<80x64xf32, #tpu.memory_space<vmem>>
      %dma_wait3A_498 = arith.constant 0 : i32
      %dma_wait3A_499 = tpu.memref_slice %arg9[%add3A_381, %dma_wait3A_498] : memref<125x80xi32, #tpu.memory_space<vmem>> -> memref<1x80xi32, #tpu.memory_space<vmem>>
      %dma_wait3A_500 = tpu.memref_squeeze %dma_wait3A_499 : memref<1x80xi32, #tpu.memory_space<vmem>> -> memref<80xi32, #tpu.memory_space<vmem>>
      %dma_wait3A_501 = arith.constant 0 : i32
      %dma_wait3A_502 = arith.constant 0 : i32
      %dma_wait3A_503 = tpu.memref_slice %arg2[%dma_wait3A_501, %dma_wait3A_502] : memref<10000x64xf32, #tpu.memory_space<hbm>> -> memref<10000x64xf32, #tpu.memory_space<hbm>>
      tpu.wait_indirect_dma semaphore(%arg12 : memref<!tpu.dma_semaphore, #tpu.memory_space<semaphore_mem>>) src(%dma_wait3A_503 : memref<10000x64xf32, #tpu.memory_space<hbm>>) dst(%dma_wait3A_497 : memref<80x64xf32, #tpu.memory_space<vmem>>)
      %dma_wait3A_504 = arith.constant 80 : i32
      %dma_wait3A_505 = arith.constant 0 : i32
      %dma_wait3A_506 = tpu.memref_slice %arg11[%dma_wait3A_504, %dma_wait3A_505] : memref<800x64xf32, #tpu.memory_space<vmem>> -> memref<80x64xf32, #tpu.memory_space<vmem>>
      %dma_wait3A_507 = arith.constant 0 : i32
      %dma_wait3A_508 = tpu.memref_slice %arg9[%add3A_392, %dma_wait3A_507] : memref<125x80xi32, #tpu.memory_space<vmem>> -> memref<1x80xi32, #tpu.memory_space<vmem>>
      %dma_wait3A_509 = tpu.memref_squeeze %dma_wait3A_508 : memref<1x80xi32, #tpu.memory_space<vmem>> -> memref<80xi32, #tpu.memory_space<vmem>>
      %dma_wait3A_510 = arith.constant 0 : i32
      %dma_wait3A_511 = arith.constant 0 : i32
      %dma_wait3A_512 = tpu.memref_slice %arg2[%dma_wait3A_510, %dma_wait3A_511] : memref<10000x64xf32, #tpu.memory_space<hbm>> -> memref<10000x64xf32, #tpu.memory_space<hbm>>
      tpu.wait_indirect_dma semaphore(%arg12 : memref<!tpu.dma_semaphore, #tpu.memory_space<semaphore_mem>>) src(%dma_wait3A_512 : memref<10000x64xf32, #tpu.memory_space<hbm>>) dst(%dma_wait3A_506 : memref<80x64xf32, #tpu.memory_space<vmem>>)
      %dma_wait3A_513 = arith.constant 160 : i32
      %dma_wait3A_514 = arith.constant 0 : i32
      %dma_wait3A_515 = tpu.memref_slice %arg11[%dma_wait3A_513, %dma_wait3A_514] : memref<800x64xf32, #tpu.memory_space<vmem>> -> memref<80x64xf32, #tpu.memory_space<vmem>>
      %dma_wait3A_516 = arith.constant 0 : i32
      %dma_wait3A_517 = tpu.memref_slice %arg9[%add3A_403, %dma_wait3A_516] : memref<125x80xi32, #tpu.memory_space<vmem>> -> memref<1x80xi32, #tpu.memory_space<vmem>>
      %dma_wait3A_518 = tpu.memref_squeeze %dma_wait3A_517 : memref<1x80xi32, #tpu.memory_space<vmem>> -> memref<80xi32, #tpu.memory_space<vmem>>
      %dma_wait3A_519 = arith.constant 0 : i32
      %dma_wait3A_520 = arith.constant 0 : i32
      %dma_wait3A_521 = tpu.memref_slice %arg2[%dma_wait3A_519, %dma_wait3A_520] : memref<10000x64xf32, #tpu.memory_space<hbm>> -> memref<10000x64xf32, #tpu.memory_space<hbm>>
      tpu.wait_indirect_dma semaphore(%arg12 : memref<!tpu.dma_semaphore, #tpu.memory_space<semaphore_mem>>) src(%dma_wait3A_521 : memref<10000x64xf32, #tpu.memory_space<hbm>>) dst(%dma_wait3A_515 : memref<80x64xf32, #tpu.memory_space<vmem>>)
      %dma_wait3A_522 = arith.constant 240 : i32
      %dma_wait3A_523 = arith.constant 0 : i32
      %dma_wait3A_524 = tpu.memref_slice %arg11[%dma_wait3A_522, %dma_wait3A_523] : memref<800x64xf32, #tpu.memory_space<vmem>> -> memref<80x64xf32, #tpu.memory_space<vmem>>
      %dma_wait3A_525 = arith.constant 0 : i32
      %dma_wait3A_526 = tpu.memref_slice %arg9[%add3A_414, %dma_wait3A_525] : memref<125x80xi32, #tpu.memory_space<vmem>> -> memref<1x80xi32, #tpu.memory_space<vmem>>
      %dma_wait3A_527 = tpu.memref_squeeze %dma_wait3A_526 : memref<1x80xi32, #tpu.memory_space<vmem>> -> memref<80xi32, #tpu.memory_space<vmem>>
      %dma_wait3A_528 = arith.constant 0 : i32
      %dma_wait3A_529 = arith.constant 0 : i32
      %dma_wait3A_530 = tpu.memref_slice %arg2[%dma_wait3A_528, %dma_wait3A_529] : memref<10000x64xf32, #tpu.memory_space<hbm>> -> memref<10000x64xf32, #tpu.memory_space<hbm>>
      tpu.wait_indirect_dma semaphore(%arg12 : memref<!tpu.dma_semaphore, #tpu.memory_space<semaphore_mem>>) src(%dma_wait3A_530 : memref<10000x64xf32, #tpu.memory_space<hbm>>) dst(%dma_wait3A_524 : memref<80x64xf32, #tpu.memory_space<vmem>>)
      %dma_wait3A_531 = arith.constant 320 : i32
      %dma_wait3A_532 = arith.constant 0 : i32
      %dma_wait3A_533 = tpu.memref_slice %arg11[%dma_wait3A_531, %dma_wait3A_532] : memref<800x64xf32, #tpu.memory_space<vmem>> -> memref<80x64xf32, #tpu.memory_space<vmem>>
      %dma_wait3A_534 = arith.constant 0 : i32
      %dma_wait3A_535 = tpu.memref_slice %arg9[%add3A_425, %dma_wait3A_534] : memref<125x80xi32, #tpu.memory_space<vmem>> -> memref<1x80xi32, #tpu.memory_space<vmem>>
      %dma_wait3A_536 = tpu.memref_squeeze %dma_wait3A_535 : memref<1x80xi32, #tpu.memory_space<vmem>> -> memref<80xi32, #tpu.memory_space<vmem>>
      %dma_wait3A_537 = arith.constant 0 : i32
      %dma_wait3A_538 = arith.constant 0 : i32
      %dma_wait3A_539 = tpu.memref_slice %arg2[%dma_wait3A_537, %dma_wait3A_538] : memref<10000x64xf32, #tpu.memory_space<hbm>> -> memref<10000x64xf32, #tpu.memory_space<hbm>>
      tpu.wait_indirect_dma semaphore(%arg12 : memref<!tpu.dma_semaphore, #tpu.memory_space<semaphore_mem>>) src(%dma_wait3A_539 : memref<10000x64xf32, #tpu.memory_space<hbm>>) dst(%dma_wait3A_533 : memref<80x64xf32, #tpu.memory_space<vmem>>)
      %add3A_540 = arith.constant 0 : i32
      %add3A_541 = arith.addi %mul3A_373, %add3A_540 : i32
      %dma_start3A_542 = arith.constant 0 : i32
      %dma_start3A_543 = arith.constant 0 : i32
      %dma_start3A_544 = tpu.memref_slice %arg11[%dma_start3A_542, %dma_start3A_543] : memref<800x64xf32, #tpu.memory_space<vmem>> -> memref<80x64xf32, #tpu.memory_space<vmem>>
      %dma_start3A_545 = arith.constant 0 : i32
      %dma_start3A_546 = tpu.memref_slice %arg10[%add3A_541, %dma_start3A_545] : memref<125x80xi32, #tpu.memory_space<vmem>> -> memref<1x80xi32, #tpu.memory_space<vmem>>
      %dma_start3A_547 = tpu.memref_squeeze %dma_start3A_546 : memref<1x80xi32, #tpu.memory_space<vmem>> -> memref<80xi32, #tpu.memory_space<vmem>>
      %dma_start3A_548 = arith.constant 0 : i32
      %dma_start3A_549 = arith.constant 0 : i32
      %dma_start3A_550 = tpu.memref_slice %arg8[%dma_start3A_548, %dma_start3A_549] : memref<10000x64xf32, #tpu.memory_space<vmem_shared>> -> memref<10000x64xf32, #tpu.memory_space<vmem_shared>>
      tpu.enqueue_indirect_dma source(%dma_start3A_544 : memref<80x64xf32, #tpu.memory_space<vmem>>) target(%dma_start3A_550 : memref<10000x64xf32, #tpu.memory_space<vmem_shared>>) offsets(%dma_start3A_547 : memref<80xi32, #tpu.memory_space<vmem>>) semaphore(%arg13 : memref<!tpu.dma_semaphore, #tpu.memory_space<semaphore_mem>>) {add = true}
      %add3A_551 = arith.constant 1 : i32
      %add3A_552 = arith.addi %mul3A_373, %add3A_551 : i32
      %dma_start3A_553 = arith.constant 80 : i32
      %dma_start3A_554 = arith.constant 0 : i32
      %dma_start3A_555 = tpu.memref_slice %arg11[%dma_start3A_553, %dma_start3A_554] : memref<800x64xf32, #tpu.memory_space<vmem>> -> memref<80x64xf32, #tpu.memory_space<vmem>>
      %dma_start3A_556 = arith.constant 0 : i32
      %dma_start3A_557 = tpu.memref_slice %arg10[%add3A_552, %dma_start3A_556] : memref<125x80xi32, #tpu.memory_space<vmem>> -> memref<1x80xi32, #tpu.memory_space<vmem>>
      %dma_start3A_558 = tpu.memref_squeeze %dma_start3A_557 : memref<1x80xi32, #tpu.memory_space<vmem>> -> memref<80xi32, #tpu.memory_space<vmem>>
      %dma_start3A_559 = arith.constant 0 : i32
      %dma_start3A_560 = arith.constant 0 : i32
      %dma_start3A_561 = tpu.memref_slice %arg8[%dma_start3A_559, %dma_start3A_560] : memref<10000x64xf32, #tpu.memory_space<vmem_shared>> -> memref<10000x64xf32, #tpu.memory_space<vmem_shared>>
      tpu.enqueue_indirect_dma source(%dma_start3A_555 : memref<80x64xf32, #tpu.memory_space<vmem>>) target(%dma_start3A_561 : memref<10000x64xf32, #tpu.memory_space<vmem_shared>>) offsets(%dma_start3A_558 : memref<80xi32, #tpu.memory_space<vmem>>) semaphore(%arg13 : memref<!tpu.dma_semaphore, #tpu.memory_space<semaphore_mem>>) {add = true}
      %add3A_562 = arith.constant 2 : i32
      %add3A_563 = arith.addi %mul3A_373, %add3A_562 : i32
      %dma_start3A_564 = arith.constant 160 : i32
      %dma_start3A_565 = arith.constant 0 : i32
      %dma_start3A_566 = tpu.memref_slice %arg11[%dma_start3A_564, %dma_start3A_565] : memref<800x64xf32, #tpu.memory_space<vmem>> -> memref<80x64xf32, #tpu.memory_space<vmem>>
      %dma_start3A_567 = arith.constant 0 : i32
      %dma_start3A_568 = tpu.memref_slice %arg10[%add3A_563, %dma_start3A_567] : memref<125x80xi32, #tpu.memory_space<vmem>> -> memref<1x80xi32, #tpu.memory_space<vmem>>
      %dma_start3A_569 = tpu.memref_squeeze %dma_start3A_568 : memref<1x80xi32, #tpu.memory_space<vmem>> -> memref<80xi32, #tpu.memory_space<vmem>>
      %dma_start3A_570 = arith.constant 0 : i32
      %dma_start3A_571 = arith.constant 0 : i32
      %dma_start3A_572 = tpu.memref_slice %arg8[%dma_start3A_570, %dma_start3A_571] : memref<10000x64xf32, #tpu.memory_space<vmem_shared>> -> memref<10000x64xf32, #tpu.memory_space<vmem_shared>>
      tpu.enqueue_indirect_dma source(%dma_start3A_566 : memref<80x64xf32, #tpu.memory_space<vmem>>) target(%dma_start3A_572 : memref<10000x64xf32, #tpu.memory_space<vmem_shared>>) offsets(%dma_start3A_569 : memref<80xi32, #tpu.memory_space<vmem>>) semaphore(%arg13 : memref<!tpu.dma_semaphore, #tpu.memory_space<semaphore_mem>>) {add = true}
      %add3A_573 = arith.constant 3 : i32
      %add3A_574 = arith.addi %mul3A_373, %add3A_573 : i32
      %dma_start3A_575 = arith.constant 240 : i32
      %dma_start3A_576 = arith.constant 0 : i32
      %dma_start3A_577 = tpu.memref_slice %arg11[%dma_start3A_575, %dma_start3A_576] : memref<800x64xf32, #tpu.memory_space<vmem>> -> memref<80x64xf32, #tpu.memory_space<vmem>>
      %dma_start3A_578 = arith.constant 0 : i32
      %dma_start3A_579 = tpu.memref_slice %arg10[%add3A_574, %dma_start3A_578] : memref<125x80xi32, #tpu.memory_space<vmem>> -> memref<1x80xi32, #tpu.memory_space<vmem>>
      %dma_start3A_580 = tpu.memref_squeeze %dma_start3A_579 : memref<1x80xi32, #tpu.memory_space<vmem>> -> memref<80xi32, #tpu.memory_space<vmem>>
      %dma_start3A_581 = arith.constant 0 : i32
      %dma_start3A_582 = arith.constant 0 : i32
      %dma_start3A_583 = tpu.memref_slice %arg8[%dma_start3A_581, %dma_start3A_582] : memref<10000x64xf32, #tpu.memory_space<vmem_shared>> -> memref<10000x64xf32, #tpu.memory_space<vmem_shared>>
      tpu.enqueue_indirect_dma source(%dma_start3A_577 : memref<80x64xf32, #tpu.memory_space<vmem>>) target(%dma_start3A_583 : memref<10000x64xf32, #tpu.memory_space<vmem_shared>>) offsets(%dma_start3A_580 : memref<80xi32, #tpu.memory_space<vmem>>) semaphore(%arg13 : memref<!tpu.dma_semaphore, #tpu.memory_space<semaphore_mem>>) {add = true}
      %add3A_584 = arith.constant 4 : i32
      %add3A_585 = arith.addi %mul3A_373, %add3A_584 : i32
      %dma_start3A_586 = arith.constant 320 : i32
      %dma_start3A_587 = arith.constant 0 : i32
      %dma_start3A_588 = tpu.memref_slice %arg11[%dma_start3A_586, %dma_start3A_587] : memref<800x64xf32, #tpu.memory_space<vmem>> -> memref<80x64xf32, #tpu.memory_space<vmem>>
      %dma_start3A_589 = arith.constant 0 : i32
      %dma_start3A_590 = tpu.memref_slice %arg10[%add3A_585, %dma_start3A_589] : memref<125x80xi32, #tpu.memory_space<vmem>> -> memref<1x80xi32, #tpu.memory_space<vmem>>
      %dma_start3A_591 = tpu.memref_squeeze %dma_start3A_590 : memref<1x80xi32, #tpu.memory_space<vmem>> -> memref<80xi32, #tpu.memory_space<vmem>>
      %dma_start3A_592 = arith.constant 0 : i32
      %dma_start3A_593 = arith.constant 0 : i32
      %dma_start3A_594 = tpu.memref_slice %arg8[%dma_start3A_592, %dma_start3A_593] : memref<10000x64xf32, #tpu.memory_space<vmem_shared>> -> memref<10000x64xf32, #tpu.memory_space<vmem_shared>>
      tpu.enqueue_indirect_dma source(%dma_start3A_588 : memref<80x64xf32, #tpu.memory_space<vmem>>) target(%dma_start3A_594 : memref<10000x64xf32, #tpu.memory_space<vmem_shared>>) offsets(%dma_start3A_591 : memref<80xi32, #tpu.memory_space<vmem>>) semaphore(%arg13 : memref<!tpu.dma_semaphore, #tpu.memory_space<semaphore_mem>>) {add = true}
      %add3A_595 = arith.constant 0 : i32
      %add3A_596 = arith.addi %mul3A_373, %add3A_595 : i32
      %dma_start3A_597 = arith.constant 0 : i32
      %dma_start3A_598 = tpu.memref_slice %arg10[%add3A_596, %dma_start3A_597] : memref<125x80xi32, #tpu.memory_space<vmem>> -> memref<1x80xi32, #tpu.memory_space<vmem>>
      %dma_start3A_599 = tpu.memref_squeeze %dma_start3A_598 : memref<1x80xi32, #tpu.memory_space<vmem>> -> memref<80xi32, #tpu.memory_space<vmem>>
      %dma_start3A_600 = arith.constant 0 : i32
      %dma_start3A_601 = arith.constant 0 : i32
      %dma_start3A_602 = tpu.memref_slice %arg15[%dma_start3A_600, %dma_start3A_601] : memref<10000x16xf32, #tpu.memory_space<vmem_shared>> -> memref<10000x16xf32, #tpu.memory_space<vmem_shared>>
      tpu.enqueue_indirect_dma source(%arg16 : memref<80x16xf32, #tpu.memory_space<vmem>>) target(%dma_start3A_602 : memref<10000x16xf32, #tpu.memory_space<vmem_shared>>) offsets(%dma_start3A_599 : memref<80xi32, #tpu.memory_space<vmem>>) semaphore(%arg17 : memref<!tpu.dma_semaphore, #tpu.memory_space<semaphore_mem>>) {add = true}
      %add3A_603 = arith.constant 1 : i32
      %add3A_604 = arith.addi %mul3A_373, %add3A_603 : i32
      %dma_start3A_605 = arith.constant 0 : i32
      %dma_start3A_606 = tpu.memref_slice %arg10[%add3A_604, %dma_start3A_605] : memref<125x80xi32, #tpu.memory_space<vmem>> -> memref<1x80xi32, #tpu.memory_space<vmem>>
      %dma_start3A_607 = tpu.memref_squeeze %dma_start3A_606 : memref<1x80xi32, #tpu.memory_space<vmem>> -> memref<80xi32, #tpu.memory_space<vmem>>
      %dma_start3A_608 = arith.constant 0 : i32
      %dma_start3A_609 = arith.constant 0 : i32
      %dma_start3A_610 = tpu.memref_slice %arg15[%dma_start3A_608, %dma_start3A_609] : memref<10000x16xf32, #tpu.memory_space<vmem_shared>> -> memref<10000x16xf32, #tpu.memory_space<vmem_shared>>
      tpu.enqueue_indirect_dma source(%arg16 : memref<80x16xf32, #tpu.memory_space<vmem>>) target(%dma_start3A_610 : memref<10000x16xf32, #tpu.memory_space<vmem_shared>>) offsets(%dma_start3A_607 : memref<80xi32, #tpu.memory_space<vmem>>) semaphore(%arg17 : memref<!tpu.dma_semaphore, #tpu.memory_space<semaphore_mem>>) {add = true}
      %add3A_611 = arith.constant 2 : i32
      %add3A_612 = arith.addi %mul3A_373, %add3A_611 : i32
      %dma_start3A_613 = arith.constant 0 : i32
      %dma_start3A_614 = tpu.memref_slice %arg10[%add3A_612, %dma_start3A_613] : memref<125x80xi32, #tpu.memory_space<vmem>> -> memref<1x80xi32, #tpu.memory_space<vmem>>
      %dma_start3A_615 = tpu.memref_squeeze %dma_start3A_614 : memref<1x80xi32, #tpu.memory_space<vmem>> -> memref<80xi32, #tpu.memory_space<vmem>>
      %dma_start3A_616 = arith.constant 0 : i32
      %dma_start3A_617 = arith.constant 0 : i32
      %dma_start3A_618 = tpu.memref_slice %arg15[%dma_start3A_616, %dma_start3A_617] : memref<10000x16xf32, #tpu.memory_space<vmem_shared>> -> memref<10000x16xf32, #tpu.memory_space<vmem_shared>>
      tpu.enqueue_indirect_dma source(%arg16 : memref<80x16xf32, #tpu.memory_space<vmem>>) target(%dma_start3A_618 : memref<10000x16xf32, #tpu.memory_space<vmem_shared>>) offsets(%dma_start3A_615 : memref<80xi32, #tpu.memory_space<vmem>>) semaphore(%arg17 : memref<!tpu.dma_semaphore, #tpu.memory_space<semaphore_mem>>) {add = true}
      %add3A_619 = arith.constant 3 : i32
      %add3A_620 = arith.addi %mul3A_373, %add3A_619 : i32
      %dma_start3A_621 = arith.constant 0 : i32
      %dma_start3A_622 = tpu.memref_slice %arg10[%add3A_620, %dma_start3A_621] : memref<125x80xi32, #tpu.memory_space<vmem>> -> memref<1x80xi32, #tpu.memory_space<vmem>>
      %dma_start3A_623 = tpu.memref_squeeze %dma_start3A_622 : memref<1x80xi32, #tpu.memory_space<vmem>> -> memref<80xi32, #tpu.memory_space<vmem>>
      %dma_start3A_624 = arith.constant 0 : i32
      %dma_start3A_625 = arith.constant 0 : i32
      %dma_start3A_626 = tpu.memref_slice %arg15[%dma_start3A_624, %dma_start3A_625] : memref<10000x16xf32, #tpu.memory_space<vmem_shared>> -> memref<10000x16xf32, #tpu.memory_space<vmem_shared>>
      tpu.enqueue_indirect_dma source(%arg16 : memref<80x16xf32, #tpu.memory_space<vmem>>) target(%dma_start3A_626 : memref<10000x16xf32, #tpu.memory_space<vmem_shared>>) offsets(%dma_start3A_623 : memref<80xi32, #tpu.memory_space<vmem>>) semaphore(%arg17 : memref<!tpu.dma_semaphore, #tpu.memory_space<semaphore_mem>>) {add = true}
      %add3A_627 = arith.constant 4 : i32
      %add3A_628 = arith.addi %mul3A_373, %add3A_627 : i32
      %dma_start3A_629 = arith.constant 0 : i32
      %dma_start3A_630 = tpu.memref_slice %arg10[%add3A_628, %dma_start3A_629] : memref<125x80xi32, #tpu.memory_space<vmem>> -> memref<1x80xi32, #tpu.memory_space<vmem>>
      %dma_start3A_631 = tpu.memref_squeeze %dma_start3A_630 : memref<1x80xi32, #tpu.memory_space<vmem>> -> memref<80xi32, #tpu.memory_space<vmem>>
      %dma_start3A_632 = arith.constant 0 : i32
      %dma_start3A_633 = arith.constant 0 : i32
      %dma_start3A_634 = tpu.memref_slice %arg15[%dma_start3A_632, %dma_start3A_633] : memref<10000x16xf32, #tpu.memory_space<vmem_shared>> -> memref<10000x16xf32, #tpu.memory_space<vmem_shared>>
      tpu.enqueue_indirect_dma source(%arg16 : memref<80x16xf32, #tpu.memory_space<vmem>>) target(%dma_start3A_634 : memref<10000x16xf32, #tpu.memory_space<vmem_shared>>) offsets(%dma_start3A_631 : memref<80xi32, #tpu.memory_space<vmem>>) semaphore(%arg17 : memref<!tpu.dma_semaphore, #tpu.memory_space<semaphore_mem>>) {add = true}
      %dma_wait3A_635 = arith.constant 400 : i32
      %dma_wait3A_636 = arith.constant 0 : i32
      %dma_wait3A_637 = tpu.memref_slice %arg11[%dma_wait3A_635, %dma_wait3A_636] : memref<800x64xf32, #tpu.memory_space<vmem>> -> memref<80x64xf32, #tpu.memory_space<vmem>>
      %dma_wait3A_638 = arith.constant 0 : i32
      %dma_wait3A_639 = tpu.memref_slice %arg9[%add3A_441, %dma_wait3A_638] : memref<125x80xi32, #tpu.memory_space<vmem>> -> memref<1x80xi32, #tpu.memory_space<vmem>>
      %dma_wait3A_640 = tpu.memref_squeeze %dma_wait3A_639 : memref<1x80xi32, #tpu.memory_space<vmem>> -> memref<80xi32, #tpu.memory_space<vmem>>
      %dma_wait3A_641 = arith.constant 0 : i32
      %dma_wait3A_642 = arith.constant 0 : i32
      %dma_wait3A_643 = tpu.memref_slice %arg2[%dma_wait3A_641, %dma_wait3A_642] : memref<10000x64xf32, #tpu.memory_space<hbm>> -> memref<10000x64xf32, #tpu.memory_space<hbm>>
      tpu.wait_indirect_dma semaphore(%arg12 : memref<!tpu.dma_semaphore, #tpu.memory_space<semaphore_mem>>) src(%dma_wait3A_643 : memref<10000x64xf32, #tpu.memory_space<hbm>>) dst(%dma_wait3A_637 : memref<80x64xf32, #tpu.memory_space<vmem>>)
      %dma_wait3A_644 = arith.constant 480 : i32
      %dma_wait3A_645 = arith.constant 0 : i32
      %dma_wait3A_646 = tpu.memref_slice %arg11[%dma_wait3A_644, %dma_wait3A_645] : memref<800x64xf32, #tpu.memory_space<vmem>> -> memref<80x64xf32, #tpu.memory_space<vmem>>
      %dma_wait3A_647 = arith.constant 0 : i32
      %dma_wait3A_648 = tpu.memref_slice %arg9[%add3A_452, %dma_wait3A_647] : memref<125x80xi32, #tpu.memory_space<vmem>> -> memref<1x80xi32, #tpu.memory_space<vmem>>
      %dma_wait3A_649 = tpu.memref_squeeze %dma_wait3A_648 : memref<1x80xi32, #tpu.memory_space<vmem>> -> memref<80xi32, #tpu.memory_space<vmem>>
      %dma_wait3A_650 = arith.constant 0 : i32
      %dma_wait3A_651 = arith.constant 0 : i32
      %dma_wait3A_652 = tpu.memref_slice %arg2[%dma_wait3A_650, %dma_wait3A_651] : memref<10000x64xf32, #tpu.memory_space<hbm>> -> memref<10000x64xf32, #tpu.memory_space<hbm>>
      tpu.wait_indirect_dma semaphore(%arg12 : memref<!tpu.dma_semaphore, #tpu.memory_space<semaphore_mem>>) src(%dma_wait3A_652 : memref<10000x64xf32, #tpu.memory_space<hbm>>) dst(%dma_wait3A_646 : memref<80x64xf32, #tpu.memory_space<vmem>>)
      %dma_wait3A_653 = arith.constant 560 : i32
      %dma_wait3A_654 = arith.constant 0 : i32
      %dma_wait3A_655 = tpu.memref_slice %arg11[%dma_wait3A_653, %dma_wait3A_654] : memref<800x64xf32, #tpu.memory_space<vmem>> -> memref<80x64xf32, #tpu.memory_space<vmem>>
      %dma_wait3A_656 = arith.constant 0 : i32
      %dma_wait3A_657 = tpu.memref_slice %arg9[%add3A_463, %dma_wait3A_656] : memref<125x80xi32, #tpu.memory_space<vmem>> -> memref<1x80xi32, #tpu.memory_space<vmem>>
      %dma_wait3A_658 = tpu.memref_squeeze %dma_wait3A_657 : memref<1x80xi32, #tpu.memory_space<vmem>> -> memref<80xi32, #tpu.memory_space<vmem>>
      %dma_wait3A_659 = arith.constant 0 : i32
      %dma_wait3A_660 = arith.constant 0 : i32
      %dma_wait3A_661 = tpu.memref_slice %arg2[%dma_wait3A_659, %dma_wait3A_660] : memref<10000x64xf32, #tpu.memory_space<hbm>> -> memref<10000x64xf32, #tpu.memory_space<hbm>>
      tpu.wait_indirect_dma semaphore(%arg12 : memref<!tpu.dma_semaphore, #tpu.memory_space<semaphore_mem>>) src(%dma_wait3A_661 : memref<10000x64xf32, #tpu.memory_space<hbm>>) dst(%dma_wait3A_655 : memref<80x64xf32, #tpu.memory_space<vmem>>)
      %dma_wait3A_662 = arith.constant 640 : i32
      %dma_wait3A_663 = arith.constant 0 : i32
      %dma_wait3A_664 = tpu.memref_slice %arg11[%dma_wait3A_662, %dma_wait3A_663] : memref<800x64xf32, #tpu.memory_space<vmem>> -> memref<80x64xf32, #tpu.memory_space<vmem>>
      %dma_wait3A_665 = arith.constant 0 : i32
      %dma_wait3A_666 = tpu.memref_slice %arg9[%add3A_474, %dma_wait3A_665] : memref<125x80xi32, #tpu.memory_space<vmem>> -> memref<1x80xi32, #tpu.memory_space<vmem>>
      %dma_wait3A_667 = tpu.memref_squeeze %dma_wait3A_666 : memref<1x80xi32, #tpu.memory_space<vmem>> -> memref<80xi32, #tpu.memory_space<vmem>>
      %dma_wait3A_668 = arith.constant 0 : i32
      %dma_wait3A_669 = arith.constant 0 : i32
      %dma_wait3A_670 = tpu.memref_slice %arg2[%dma_wait3A_668, %dma_wait3A_669] : memref<10000x64xf32, #tpu.memory_space<hbm>> -> memref<10000x64xf32, #tpu.memory_space<hbm>>
      tpu.wait_indirect_dma semaphore(%arg12 : memref<!tpu.dma_semaphore, #tpu.memory_space<semaphore_mem>>) src(%dma_wait3A_670 : memref<10000x64xf32, #tpu.memory_space<hbm>>) dst(%dma_wait3A_664 : memref<80x64xf32, #tpu.memory_space<vmem>>)
      %dma_wait3A_671 = arith.constant 720 : i32
      %dma_wait3A_672 = arith.constant 0 : i32
      %dma_wait3A_673 = tpu.memref_slice %arg11[%dma_wait3A_671, %dma_wait3A_672] : memref<800x64xf32, #tpu.memory_space<vmem>> -> memref<80x64xf32, #tpu.memory_space<vmem>>
      %dma_wait3A_674 = arith.constant 0 : i32
      %dma_wait3A_675 = tpu.memref_slice %arg9[%add3A_485, %dma_wait3A_674] : memref<125x80xi32, #tpu.memory_space<vmem>> -> memref<1x80xi32, #tpu.memory_space<vmem>>
      %dma_wait3A_676 = tpu.memref_squeeze %dma_wait3A_675 : memref<1x80xi32, #tpu.memory_space<vmem>> -> memref<80xi32, #tpu.memory_space<vmem>>
      %dma_wait3A_677 = arith.constant 0 : i32
      %dma_wait3A_678 = arith.constant 0 : i32
      %dma_wait3A_679 = tpu.memref_slice %arg2[%dma_wait3A_677, %dma_wait3A_678] : memref<10000x64xf32, #tpu.memory_space<hbm>> -> memref<10000x64xf32, #tpu.memory_space<hbm>>
      tpu.wait_indirect_dma semaphore(%arg12 : memref<!tpu.dma_semaphore, #tpu.memory_space<semaphore_mem>>) src(%dma_wait3A_679 : memref<10000x64xf32, #tpu.memory_space<hbm>>) dst(%dma_wait3A_673 : memref<80x64xf32, #tpu.memory_space<vmem>>)
      %add3A_680 = arith.constant 0 : i32
      %add3A_681 = arith.addi %add3A_375, %add3A_680 : i32
      %dma_start3A_682 = arith.constant 400 : i32
      %dma_start3A_683 = arith.constant 0 : i32
      %dma_start3A_684 = tpu.memref_slice %arg11[%dma_start3A_682, %dma_start3A_683] : memref<800x64xf32, #tpu.memory_space<vmem>> -> memref<80x64xf32, #tpu.memory_space<vmem>>
      %dma_start3A_685 = arith.constant 0 : i32
      %dma_start3A_686 = tpu.memref_slice %arg10[%add3A_681, %dma_start3A_685] : memref<125x80xi32, #tpu.memory_space<vmem>> -> memref<1x80xi32, #tpu.memory_space<vmem>>
      %dma_start3A_687 = tpu.memref_squeeze %dma_start3A_686 : memref<1x80xi32, #tpu.memory_space<vmem>> -> memref<80xi32, #tpu.memory_space<vmem>>
      %dma_start3A_688 = arith.constant 0 : i32
      %dma_start3A_689 = arith.constant 0 : i32
      %dma_start3A_690 = tpu.memref_slice %arg8[%dma_start3A_688, %dma_start3A_689] : memref<10000x64xf32, #tpu.memory_space<vmem_shared>> -> memref<10000x64xf32, #tpu.memory_space<vmem_shared>>
      tpu.enqueue_indirect_dma source(%dma_start3A_684 : memref<80x64xf32, #tpu.memory_space<vmem>>) target(%dma_start3A_690 : memref<10000x64xf32, #tpu.memory_space<vmem_shared>>) offsets(%dma_start3A_687 : memref<80xi32, #tpu.memory_space<vmem>>) semaphore(%arg14 : memref<!tpu.dma_semaphore, #tpu.memory_space<semaphore_mem>>) {add = true}
      %add3A_691 = arith.constant 1 : i32
      %add3A_692 = arith.addi %add3A_375, %add3A_691 : i32
      %dma_start3A_693 = arith.constant 480 : i32
      %dma_start3A_694 = arith.constant 0 : i32
      %dma_start3A_695 = tpu.memref_slice %arg11[%dma_start3A_693, %dma_start3A_694] : memref<800x64xf32, #tpu.memory_space<vmem>> -> memref<80x64xf32, #tpu.memory_space<vmem>>
      %dma_start3A_696 = arith.constant 0 : i32
      %dma_start3A_697 = tpu.memref_slice %arg10[%add3A_692, %dma_start3A_696] : memref<125x80xi32, #tpu.memory_space<vmem>> -> memref<1x80xi32, #tpu.memory_space<vmem>>
      %dma_start3A_698 = tpu.memref_squeeze %dma_start3A_697 : memref<1x80xi32, #tpu.memory_space<vmem>> -> memref<80xi32, #tpu.memory_space<vmem>>
      %dma_start3A_699 = arith.constant 0 : i32
      %dma_start3A_700 = arith.constant 0 : i32
      %dma_start3A_701 = tpu.memref_slice %arg8[%dma_start3A_699, %dma_start3A_700] : memref<10000x64xf32, #tpu.memory_space<vmem_shared>> -> memref<10000x64xf32, #tpu.memory_space<vmem_shared>>
      tpu.enqueue_indirect_dma source(%dma_start3A_695 : memref<80x64xf32, #tpu.memory_space<vmem>>) target(%dma_start3A_701 : memref<10000x64xf32, #tpu.memory_space<vmem_shared>>) offsets(%dma_start3A_698 : memref<80xi32, #tpu.memory_space<vmem>>) semaphore(%arg14 : memref<!tpu.dma_semaphore, #tpu.memory_space<semaphore_mem>>) {add = true}
      %add3A_702 = arith.constant 2 : i32
      %add3A_703 = arith.addi %add3A_375, %add3A_702 : i32
      %dma_start3A_704 = arith.constant 560 : i32
      %dma_start3A_705 = arith.constant 0 : i32
      %dma_start3A_706 = tpu.memref_slice %arg11[%dma_start3A_704, %dma_start3A_705] : memref<800x64xf32, #tpu.memory_space<vmem>> -> memref<80x64xf32, #tpu.memory_space<vmem>>
      %dma_start3A_707 = arith.constant 0 : i32
      %dma_start3A_708 = tpu.memref_slice %arg10[%add3A_703, %dma_start3A_707] : memref<125x80xi32, #tpu.memory_space<vmem>> -> memref<1x80xi32, #tpu.memory_space<vmem>>
      %dma_start3A_709 = tpu.memref_squeeze %dma_start3A_708 : memref<1x80xi32, #tpu.memory_space<vmem>> -> memref<80xi32, #tpu.memory_space<vmem>>
      %dma_start3A_710 = arith.constant 0 : i32
      %dma_start3A_711 = arith.constant 0 : i32
      %dma_start3A_712 = tpu.memref_slice %arg8[%dma_start3A_710, %dma_start3A_711] : memref<10000x64xf32, #tpu.memory_space<vmem_shared>> -> memref<10000x64xf32, #tpu.memory_space<vmem_shared>>
      tpu.enqueue_indirect_dma source(%dma_start3A_706 : memref<80x64xf32, #tpu.memory_space<vmem>>) target(%dma_start3A_712 : memref<10000x64xf32, #tpu.memory_space<vmem_shared>>) offsets(%dma_start3A_709 : memref<80xi32, #tpu.memory_space<vmem>>) semaphore(%arg14 : memref<!tpu.dma_semaphore, #tpu.memory_space<semaphore_mem>>) {add = true}
      %add3A_713 = arith.constant 3 : i32
      %add3A_714 = arith.addi %add3A_375, %add3A_713 : i32
      %dma_start3A_715 = arith.constant 640 : i32
      %dma_start3A_716 = arith.constant 0 : i32
      %dma_start3A_717 = tpu.memref_slice %arg11[%dma_start3A_715, %dma_start3A_716] : memref<800x64xf32, #tpu.memory_space<vmem>> -> memref<80x64xf32, #tpu.memory_space<vmem>>
      %dma_start3A_718 = arith.constant 0 : i32
      %dma_start3A_719 = tpu.memref_slice %arg10[%add3A_714, %dma_start3A_718] : memref<125x80xi32, #tpu.memory_space<vmem>> -> memref<1x80xi32, #tpu.memory_space<vmem>>
      %dma_start3A_720 = tpu.memref_squeeze %dma_start3A_719 : memref<1x80xi32, #tpu.memory_space<vmem>> -> memref<80xi32, #tpu.memory_space<vmem>>
      %dma_start3A_721 = arith.constant 0 : i32
      %dma_start3A_722 = arith.constant 0 : i32
      %dma_start3A_723 = tpu.memref_slice %arg8[%dma_start3A_721, %dma_start3A_722] : memref<10000x64xf32, #tpu.memory_space<vmem_shared>> -> memref<10000x64xf32, #tpu.memory_space<vmem_shared>>
      tpu.enqueue_indirect_dma source(%dma_start3A_717 : memref<80x64xf32, #tpu.memory_space<vmem>>) target(%dma_start3A_723 : memref<10000x64xf32, #tpu.memory_space<vmem_shared>>) offsets(%dma_start3A_720 : memref<80xi32, #tpu.memory_space<vmem>>) semaphore(%arg14 : memref<!tpu.dma_semaphore, #tpu.memory_space<semaphore_mem>>) {add = true}
      %add3A_724 = arith.constant 4 : i32
      %add3A_725 = arith.addi %add3A_375, %add3A_724 : i32
      %dma_start3A_726 = arith.constant 720 : i32
      %dma_start3A_727 = arith.constant 0 : i32
      %dma_start3A_728 = tpu.memref_slice %arg11[%dma_start3A_726, %dma_start3A_727] : memref<800x64xf32, #tpu.memory_space<vmem>> -> memref<80x64xf32, #tpu.memory_space<vmem>>
      %dma_start3A_729 = arith.constant 0 : i32
      %dma_start3A_730 = tpu.memref_slice %arg10[%add3A_725, %dma_start3A_729] : memref<125x80xi32, #tpu.memory_space<vmem>> -> memref<1x80xi32, #tpu.memory_space<vmem>>
      %dma_start3A_731 = tpu.memref_squeeze %dma_start3A_730 : memref<1x80xi32, #tpu.memory_space<vmem>> -> memref<80xi32, #tpu.memory_space<vmem>>
      %dma_start3A_732 = arith.constant 0 : i32
      %dma_start3A_733 = arith.constant 0 : i32
      %dma_start3A_734 = tpu.memref_slice %arg8[%dma_start3A_732, %dma_start3A_733] : memref<10000x64xf32, #tpu.memory_space<vmem_shared>> -> memref<10000x64xf32, #tpu.memory_space<vmem_shared>>
      tpu.enqueue_indirect_dma source(%dma_start3A_728 : memref<80x64xf32, #tpu.memory_space<vmem>>) target(%dma_start3A_734 : memref<10000x64xf32, #tpu.memory_space<vmem_shared>>) offsets(%dma_start3A_731 : memref<80xi32, #tpu.memory_space<vmem>>) semaphore(%arg14 : memref<!tpu.dma_semaphore, #tpu.memory_space<semaphore_mem>>) {add = true}
      %add3A_735 = arith.constant 0 : i32
      %add3A_736 = arith.addi %add3A_375, %add3A_735 : i32
      %dma_start3A_737 = arith.constant 0 : i32
      %dma_start3A_738 = tpu.memref_slice %arg10[%add3A_736, %dma_start3A_737] : memref<125x80xi32, #tpu.memory_space<vmem>> -> memref<1x80xi32, #tpu.memory_space<vmem>>
      %dma_start3A_739 = tpu.memref_squeeze %dma_start3A_738 : memref<1x80xi32, #tpu.memory_space<vmem>> -> memref<80xi32, #tpu.memory_space<vmem>>
      %dma_start3A_740 = arith.constant 0 : i32
      %dma_start3A_741 = arith.constant 0 : i32
      %dma_start3A_742 = tpu.memref_slice %arg15[%dma_start3A_740, %dma_start3A_741] : memref<10000x16xf32, #tpu.memory_space<vmem_shared>> -> memref<10000x16xf32, #tpu.memory_space<vmem_shared>>
      tpu.enqueue_indirect_dma source(%arg16 : memref<80x16xf32, #tpu.memory_space<vmem>>) target(%dma_start3A_742 : memref<10000x16xf32, #tpu.memory_space<vmem_shared>>) offsets(%dma_start3A_739 : memref<80xi32, #tpu.memory_space<vmem>>) semaphore(%arg17 : memref<!tpu.dma_semaphore, #tpu.memory_space<semaphore_mem>>) {add = true}
      %add3A_743 = arith.constant 1 : i32
      %add3A_744 = arith.addi %add3A_375, %add3A_743 : i32
      %dma_start3A_745 = arith.constant 0 : i32
      %dma_start3A_746 = tpu.memref_slice %arg10[%add3A_744, %dma_start3A_745] : memref<125x80xi32, #tpu.memory_space<vmem>> -> memref<1x80xi32, #tpu.memory_space<vmem>>
      %dma_start3A_747 = tpu.memref_squeeze %dma_start3A_746 : memref<1x80xi32, #tpu.memory_space<vmem>> -> memref<80xi32, #tpu.memory_space<vmem>>
      %dma_start3A_748 = arith.constant 0 : i32
      %dma_start3A_749 = arith.constant 0 : i32
      %dma_start3A_750 = tpu.memref_slice %arg15[%dma_start3A_748, %dma_start3A_749] : memref<10000x16xf32, #tpu.memory_space<vmem_shared>> -> memref<10000x16xf32, #tpu.memory_space<vmem_shared>>
      tpu.enqueue_indirect_dma source(%arg16 : memref<80x16xf32, #tpu.memory_space<vmem>>) target(%dma_start3A_750 : memref<10000x16xf32, #tpu.memory_space<vmem_shared>>) offsets(%dma_start3A_747 : memref<80xi32, #tpu.memory_space<vmem>>) semaphore(%arg17 : memref<!tpu.dma_semaphore, #tpu.memory_space<semaphore_mem>>) {add = true}
      %add3A_751 = arith.constant 2 : i32
      %add3A_752 = arith.addi %add3A_375, %add3A_751 : i32
      %dma_start3A_753 = arith.constant 0 : i32
      %dma_start3A_754 = tpu.memref_slice %arg10[%add3A_752, %dma_start3A_753] : memref<125x80xi32, #tpu.memory_space<vmem>> -> memref<1x80xi32, #tpu.memory_space<vmem>>
      %dma_start3A_755 = tpu.memref_squeeze %dma_start3A_754 : memref<1x80xi32, #tpu.memory_space<vmem>> -> memref<80xi32, #tpu.memory_space<vmem>>
      %dma_start3A_756 = arith.constant 0 : i32
      %dma_start3A_757 = arith.constant 0 : i32
      %dma_start3A_758 = tpu.memref_slice %arg15[%dma_start3A_756, %dma_start3A_757] : memref<10000x16xf32, #tpu.memory_space<vmem_shared>> -> memref<10000x16xf32, #tpu.memory_space<vmem_shared>>
      tpu.enqueue_indirect_dma source(%arg16 : memref<80x16xf32, #tpu.memory_space<vmem>>) target(%dma_start3A_758 : memref<10000x16xf32, #tpu.memory_space<vmem_shared>>) offsets(%dma_start3A_755 : memref<80xi32, #tpu.memory_space<vmem>>) semaphore(%arg17 : memref<!tpu.dma_semaphore, #tpu.memory_space<semaphore_mem>>) {add = true}
      %add3A_759 = arith.constant 3 : i32
      %add3A_760 = arith.addi %add3A_375, %add3A_759 : i32
      %dma_start3A_761 = arith.constant 0 : i32
      %dma_start3A_762 = tpu.memref_slice %arg10[%add3A_760, %dma_start3A_761] : memref<125x80xi32, #tpu.memory_space<vmem>> -> memref<1x80xi32, #tpu.memory_space<vmem>>
      %dma_start3A_763 = tpu.memref_squeeze %dma_start3A_762 : memref<1x80xi32, #tpu.memory_space<vmem>> -> memref<80xi32, #tpu.memory_space<vmem>>
      %dma_start3A_764 = arith.constant 0 : i32
      %dma_start3A_765 = arith.constant 0 : i32
      %dma_start3A_766 = tpu.memref_slice %arg15[%dma_start3A_764, %dma_start3A_765] : memref<10000x16xf32, #tpu.memory_space<vmem_shared>> -> memref<10000x16xf32, #tpu.memory_space<vmem_shared>>
      tpu.enqueue_indirect_dma source(%arg16 : memref<80x16xf32, #tpu.memory_space<vmem>>) target(%dma_start3A_766 : memref<10000x16xf32, #tpu.memory_space<vmem_shared>>) offsets(%dma_start3A_763 : memref<80xi32, #tpu.memory_space<vmem>>) semaphore(%arg17 : memref<!tpu.dma_semaphore, #tpu.memory_space<semaphore_mem>>) {add = true}
      %add3A_767 = arith.constant 4 : i32
      %add3A_768 = arith.addi %add3A_375, %add3A_767 : i32
      %dma_start3A_769 = arith.constant 0 : i32
      %dma_start3A_770 = tpu.memref_slice %arg10[%add3A_768, %dma_start3A_769] : memref<125x80xi32, #tpu.memory_space<vmem>> -> memref<1x80xi32, #tpu.memory_space<vmem>>
      %dma_start3A_771 = tpu.memref_squeeze %dma_start3A_770 : memref<1x80xi32, #tpu.memory_space<vmem>> -> memref<80xi32, #tpu.memory_space<vmem>>
      %dma_start3A_772 = arith.constant 0 : i32
      %dma_start3A_773 = arith.constant 0 : i32
      %dma_start3A_774 = tpu.memref_slice %arg15[%dma_start3A_772, %dma_start3A_773] : memref<10000x16xf32, #tpu.memory_space<vmem_shared>> -> memref<10000x16xf32, #tpu.memory_space<vmem_shared>>
      tpu.enqueue_indirect_dma source(%arg16 : memref<80x16xf32, #tpu.memory_space<vmem>>) target(%dma_start3A_774 : memref<10000x16xf32, #tpu.memory_space<vmem_shared>>) offsets(%dma_start3A_771 : memref<80xi32, #tpu.memory_space<vmem>>) semaphore(%arg17 : memref<!tpu.dma_semaphore, #tpu.memory_space<semaphore_mem>>) {add = true}
    }
    %scan3A_10 = arith.constant 12 : i32
    %dma_wait3A = arith.constant 0 : i32
    %dma_wait3A_11 = arith.constant 0 : i32
    %dma_wait3A_12 = tpu.memref_slice %arg11[%dma_wait3A, %dma_wait3A_11] : memref<800x64xf32, #tpu.memory_space<vmem>> -> memref<400x64xf32, #tpu.memory_space<vmem>>
    %dma_wait3A_13 = arith.constant 0 : i32
    %dma_wait3A_14 = arith.constant 0 : i32
    %dma_wait3A_15 = tpu.memref_slice %arg2[%dma_wait3A_13, %dma_wait3A_14] : memref<10000x64xf32, #tpu.memory_space<hbm>> -> memref<400x64xf32, #tpu.memory_space<hbm>>
    %dma_wait3A_16 = arith.constant 0 : i32
    %dma_wait3A_17 = arith.constant 0 : i32
    %dma_wait3A_18 = tpu.memref_slice %arg11[%dma_wait3A_16, %dma_wait3A_17] : memref<800x64xf32, #tpu.memory_space<vmem>> -> memref<400x64xf32, #tpu.memory_space<vmem>>
    %dma_wait3A_19 = arith.constant 0 : i32
    %dma_wait3A_20 = arith.constant 0 : i32
    %dma_wait3A_21 = tpu.memref_slice %arg2[%dma_wait3A_19, %dma_wait3A_20] : memref<10000x64xf32, #tpu.memory_space<hbm>> -> memref<400x64xf32, #tpu.memory_space<hbm>>
    tpu.wait_dma2 semaphore(%arg13 : memref<!tpu.dma_semaphore, #tpu.memory_space<semaphore_mem>>) src(%dma_wait3A_21 : memref<400x64xf32, #tpu.memory_space<hbm>>) dst(%dma_wait3A_18 : memref<400x64xf32, #tpu.memory_space<vmem>>)
    %dma_wait3A_22 = arith.constant 0 : i32
    %dma_wait3A_23 = arith.constant 0 : i32
    %dma_wait3A_24 = tpu.memref_slice %arg11[%dma_wait3A_22, %dma_wait3A_23] : memref<800x64xf32, #tpu.memory_space<vmem>> -> memref<400x64xf32, #tpu.memory_space<vmem>>
    %dma_wait3A_25 = arith.constant 0 : i32
    %dma_wait3A_26 = arith.constant 0 : i32
    %dma_wait3A_27 = tpu.memref_slice %arg2[%dma_wait3A_25, %dma_wait3A_26] : memref<10000x64xf32, #tpu.memory_space<hbm>> -> memref<400x64xf32, #tpu.memory_space<hbm>>
    %dma_wait3A_28 = arith.constant 0 : i32
    %dma_wait3A_29 = arith.constant 0 : i32
    %dma_wait3A_30 = tpu.memref_slice %arg11[%dma_wait3A_28, %dma_wait3A_29] : memref<800x64xf32, #tpu.memory_space<vmem>> -> memref<400x64xf32, #tpu.memory_space<vmem>>
    %dma_wait3A_31 = arith.constant 0 : i32
    %dma_wait3A_32 = arith.constant 0 : i32
    %dma_wait3A_33 = tpu.memref_slice %arg2[%dma_wait3A_31, %dma_wait3A_32] : memref<10000x64xf32, #tpu.memory_space<hbm>> -> memref<400x64xf32, #tpu.memory_space<hbm>>
    tpu.wait_dma2 semaphore(%arg14 : memref<!tpu.dma_semaphore, #tpu.memory_space<semaphore_mem>>) src(%dma_wait3A_33 : memref<400x64xf32, #tpu.memory_space<hbm>>) dst(%dma_wait3A_30 : memref<400x64xf32, #tpu.memory_space<vmem>>)
    %dma_wait3A_34 = arith.constant 0 : i32
    %dma_wait3A_35 = arith.constant 0 : i32
    %dma_wait3A_36 = tpu.memref_slice %arg5[%dma_wait3A_34, %dma_wait3A_35] : memref<10000x16xf32, #tpu.memory_space<hbm>> -> memref<80x16xf32, #tpu.memory_space<hbm>>
    %dma_wait3A_37 = arith.constant 0 : i32
    %dma_wait3A_38 = arith.constant 0 : i32
    %dma_wait3A_39 = tpu.memref_slice %arg5[%dma_wait3A_37, %dma_wait3A_38] : memref<10000x16xf32, #tpu.memory_space<hbm>> -> memref<80x16xf32, #tpu.memory_space<hbm>>
    tpu.wait_dma2 semaphore(%arg17 : memref<!tpu.dma_semaphore, #tpu.memory_space<semaphore_mem>>) src(%dma_wait3A_39 : memref<80x16xf32, #tpu.memory_space<hbm>>) dst(%arg16 : memref<80x16xf32, #tpu.memory_space<vmem>>)
    %dma_wait3A_40 = arith.constant 0 : i32
    %dma_wait3A_41 = arith.constant 0 : i32
    %dma_wait3A_42 = tpu.memref_slice %arg5[%dma_wait3A_40, %dma_wait3A_41] : memref<10000x16xf32, #tpu.memory_space<hbm>> -> memref<80x16xf32, #tpu.memory_space<hbm>>
    %dma_wait3A_43 = arith.constant 0 : i32
    %dma_wait3A_44 = arith.constant 0 : i32
    %dma_wait3A_45 = tpu.memref_slice %arg5[%dma_wait3A_43, %dma_wait3A_44] : memref<10000x16xf32, #tpu.memory_space<hbm>> -> memref<80x16xf32, #tpu.memory_space<hbm>>
    tpu.wait_dma2 semaphore(%arg17 : memref<!tpu.dma_semaphore, #tpu.memory_space<semaphore_mem>>) src(%dma_wait3A_45 : memref<80x16xf32, #tpu.memory_space<hbm>>) dst(%arg16 : memref<80x16xf32, #tpu.memory_space<vmem>>)
    %dma_wait3A_46 = arith.constant 0 : i32
    %dma_wait3A_47 = arith.constant 0 : i32
    %dma_wait3A_48 = tpu.memref_slice %arg5[%dma_wait3A_46, %dma_wait3A_47] : memref<10000x16xf32, #tpu.memory_space<hbm>> -> memref<80x16xf32, #tpu.memory_space<hbm>>
    %dma_wait3A_49 = arith.constant 0 : i32
    %dma_wait3A_50 = arith.constant 0 : i32
    %dma_wait3A_51 = tpu.memref_slice %arg5[%dma_wait3A_49, %dma_wait3A_50] : memref<10000x16xf32, #tpu.memory_space<hbm>> -> memref<80x16xf32, #tpu.memory_space<hbm>>
    tpu.wait_dma2 semaphore(%arg17 : memref<!tpu.dma_semaphore, #tpu.memory_space<semaphore_mem>>) src(%dma_wait3A_51 : memref<80x16xf32, #tpu.memory_space<hbm>>) dst(%arg16 : memref<80x16xf32, #tpu.memory_space<vmem>>)
    %dma_wait3A_52 = arith.constant 0 : i32
    %dma_wait3A_53 = arith.constant 0 : i32
    %dma_wait3A_54 = tpu.memref_slice %arg5[%dma_wait3A_52, %dma_wait3A_53] : memref<10000x16xf32, #tpu.memory_space<hbm>> -> memref<80x16xf32, #tpu.memory_space<hbm>>
    %dma_wait3A_55 = arith.constant 0 : i32
    %dma_wait3A_56 = arith.constant 0 : i32
    %dma_wait3A_57 = tpu.memref_slice %arg5[%dma_wait3A_55, %dma_wait3A_56] : memref<10000x16xf32, #tpu.memory_space<hbm>> -> memref<80x16xf32, #tpu.memory_space<hbm>>
    tpu.wait_dma2 semaphore(%arg17 : memref<!tpu.dma_semaphore, #tpu.memory_space<semaphore_mem>>) src(%dma_wait3A_57 : memref<80x16xf32, #tpu.memory_space<hbm>>) dst(%arg16 : memref<80x16xf32, #tpu.memory_space<vmem>>)
    %dma_wait3A_58 = arith.constant 0 : i32
    %dma_wait3A_59 = arith.constant 0 : i32
    %dma_wait3A_60 = tpu.memref_slice %arg5[%dma_wait3A_58, %dma_wait3A_59] : memref<10000x16xf32, #tpu.memory_space<hbm>> -> memref<80x16xf32, #tpu.memory_space<hbm>>
    %dma_wait3A_61 = arith.constant 0 : i32
    %dma_wait3A_62 = arith.constant 0 : i32
    %dma_wait3A_63 = tpu.memref_slice %arg5[%dma_wait3A_61, %dma_wait3A_62] : memref<10000x16xf32, #tpu.memory_space<hbm>> -> memref<80x16xf32, #tpu.memory_space<hbm>>
    tpu.wait_dma2 semaphore(%arg17 : memref<!tpu.dma_semaphore, #tpu.memory_space<semaphore_mem>>) src(%dma_wait3A_63 : memref<80x16xf32, #tpu.memory_space<hbm>>) dst(%arg16 : memref<80x16xf32, #tpu.memory_space<vmem>>)
    %dma_wait3A_64 = arith.constant 0 : i32
    %dma_wait3A_65 = arith.constant 0 : i32
    %dma_wait3A_66 = tpu.memref_slice %arg5[%dma_wait3A_64, %dma_wait3A_65] : memref<10000x16xf32, #tpu.memory_space<hbm>> -> memref<80x16xf32, #tpu.memory_space<hbm>>
    %dma_wait3A_67 = arith.constant 0 : i32
    %dma_wait3A_68 = arith.constant 0 : i32
    %dma_wait3A_69 = tpu.memref_slice %arg5[%dma_wait3A_67, %dma_wait3A_68] : memref<10000x16xf32, #tpu.memory_space<hbm>> -> memref<80x16xf32, #tpu.memory_space<hbm>>
    tpu.wait_dma2 semaphore(%arg17 : memref<!tpu.dma_semaphore, #tpu.memory_space<semaphore_mem>>) src(%dma_wait3A_69 : memref<80x16xf32, #tpu.memory_space<hbm>>) dst(%arg16 : memref<80x16xf32, #tpu.memory_space<vmem>>)
    %dma_wait3A_70 = arith.constant 0 : i32
    %dma_wait3A_71 = arith.constant 0 : i32
    %dma_wait3A_72 = tpu.memref_slice %arg5[%dma_wait3A_70, %dma_wait3A_71] : memref<10000x16xf32, #tpu.memory_space<hbm>> -> memref<80x16xf32, #tpu.memory_space<hbm>>
    %dma_wait3A_73 = arith.constant 0 : i32
    %dma_wait3A_74 = arith.constant 0 : i32
    %dma_wait3A_75 = tpu.memref_slice %arg5[%dma_wait3A_73, %dma_wait3A_74] : memref<10000x16xf32, #tpu.memory_space<hbm>> -> memref<80x16xf32, #tpu.memory_space<hbm>>
    tpu.wait_dma2 semaphore(%arg17 : memref<!tpu.dma_semaphore, #tpu.memory_space<semaphore_mem>>) src(%dma_wait3A_75 : memref<80x16xf32, #tpu.memory_space<hbm>>) dst(%arg16 : memref<80x16xf32, #tpu.memory_space<vmem>>)
    %dma_wait3A_76 = arith.constant 0 : i32
    %dma_wait3A_77 = arith.constant 0 : i32
    %dma_wait3A_78 = tpu.memref_slice %arg5[%dma_wait3A_76, %dma_wait3A_77] : memref<10000x16xf32, #tpu.memory_space<hbm>> -> memref<80x16xf32, #tpu.memory_space<hbm>>
    %dma_wait3A_79 = arith.constant 0 : i32
    %dma_wait3A_80 = arith.constant 0 : i32
    %dma_wait3A_81 = tpu.memref_slice %arg5[%dma_wait3A_79, %dma_wait3A_80] : memref<10000x16xf32, #tpu.memory_space<hbm>> -> memref<80x16xf32, #tpu.memory_space<hbm>>
    tpu.wait_dma2 semaphore(%arg17 : memref<!tpu.dma_semaphore, #tpu.memory_space<semaphore_mem>>) src(%dma_wait3A_81 : memref<80x16xf32, #tpu.memory_space<hbm>>) dst(%arg16 : memref<80x16xf32, #tpu.memory_space<vmem>>)
    %dma_wait3A_82 = arith.constant 0 : i32
    %dma_wait3A_83 = arith.constant 0 : i32
    %dma_wait3A_84 = tpu.memref_slice %arg5[%dma_wait3A_82, %dma_wait3A_83] : memref<10000x16xf32, #tpu.memory_space<hbm>> -> memref<80x16xf32, #tpu.memory_space<hbm>>
    %dma_wait3A_85 = arith.constant 0 : i32
    %dma_wait3A_86 = arith.constant 0 : i32
    %dma_wait3A_87 = tpu.memref_slice %arg5[%dma_wait3A_85, %dma_wait3A_86] : memref<10000x16xf32, #tpu.memory_space<hbm>> -> memref<80x16xf32, #tpu.memory_space<hbm>>
    tpu.wait_dma2 semaphore(%arg17 : memref<!tpu.dma_semaphore, #tpu.memory_space<semaphore_mem>>) src(%dma_wait3A_87 : memref<80x16xf32, #tpu.memory_space<hbm>>) dst(%arg16 : memref<80x16xf32, #tpu.memory_space<vmem>>)
    %dma_wait3A_88 = arith.constant 0 : i32
    %dma_wait3A_89 = arith.constant 0 : i32
    %dma_wait3A_90 = tpu.memref_slice %arg5[%dma_wait3A_88, %dma_wait3A_89] : memref<10000x16xf32, #tpu.memory_space<hbm>> -> memref<80x16xf32, #tpu.memory_space<hbm>>
    %dma_wait3A_91 = arith.constant 0 : i32
    %dma_wait3A_92 = arith.constant 0 : i32
    %dma_wait3A_93 = tpu.memref_slice %arg5[%dma_wait3A_91, %dma_wait3A_92] : memref<10000x16xf32, #tpu.memory_space<hbm>> -> memref<80x16xf32, #tpu.memory_space<hbm>>
    tpu.wait_dma2 semaphore(%arg17 : memref<!tpu.dma_semaphore, #tpu.memory_space<semaphore_mem>>) src(%dma_wait3A_93 : memref<80x16xf32, #tpu.memory_space<hbm>>) dst(%arg16 : memref<80x16xf32, #tpu.memory_space<vmem>>)
    %dma_start3A = arith.constant 120 : i32
    %dma_start3A_94 = arith.constant 0 : i32
    %dma_start3A_95 = arith.constant 0 : i32
    %dma_start3A_96 = tpu.memref_slice %arg11[%dma_start3A_94, %dma_start3A_95] : memref<800x64xf32, #tpu.memory_space<vmem>> -> memref<80x64xf32, #tpu.memory_space<vmem>>
    %dma_start3A_97 = arith.constant 0 : i32
    %dma_start3A_98 = tpu.memref_slice %arg9[%dma_start3A, %dma_start3A_97] : memref<125x80xi32, #tpu.memory_space<vmem>> -> memref<1x80xi32, #tpu.memory_space<vmem>>
    %dma_start3A_99 = tpu.memref_squeeze %dma_start3A_98 : memref<1x80xi32, #tpu.memory_space<vmem>> -> memref<80xi32, #tpu.memory_space<vmem>>
    %dma_start3A_100 = arith.constant 0 : i32
    %dma_start3A_101 = arith.constant 0 : i32
    %dma_start3A_102 = tpu.memref_slice %arg2[%dma_start3A_100, %dma_start3A_101] : memref<10000x64xf32, #tpu.memory_space<hbm>> -> memref<10000x64xf32, #tpu.memory_space<hbm>>
    tpu.enqueue_indirect_dma source(%dma_start3A_102 : memref<10000x64xf32, #tpu.memory_space<hbm>>) target(%dma_start3A_96 : memref<80x64xf32, #tpu.memory_space<vmem>>) offsets(%dma_start3A_99 : memref<80xi32, #tpu.memory_space<vmem>>) semaphore(%arg12 : memref<!tpu.dma_semaphore, #tpu.memory_space<semaphore_mem>>)
    %dma_start3A_103 = arith.constant 121 : i32
    %dma_start3A_104 = arith.constant 80 : i32
    %dma_start3A_105 = arith.constant 0 : i32
    %dma_start3A_106 = tpu.memref_slice %arg11[%dma_start3A_104, %dma_start3A_105] : memref<800x64xf32, #tpu.memory_space<vmem>> -> memref<80x64xf32, #tpu.memory_space<vmem>>
    %dma_start3A_107 = arith.constant 0 : i32
    %dma_start3A_108 = tpu.memref_slice %arg9[%dma_start3A_103, %dma_start3A_107] : memref<125x80xi32, #tpu.memory_space<vmem>> -> memref<1x80xi32, #tpu.memory_space<vmem>>
    %dma_start3A_109 = tpu.memref_squeeze %dma_start3A_108 : memref<1x80xi32, #tpu.memory_space<vmem>> -> memref<80xi32, #tpu.memory_space<vmem>>
    %dma_start3A_110 = arith.constant 0 : i32
    %dma_start3A_111 = arith.constant 0 : i32
    %dma_start3A_112 = tpu.memref_slice %arg2[%dma_start3A_110, %dma_start3A_111] : memref<10000x64xf32, #tpu.memory_space<hbm>> -> memref<10000x64xf32, #tpu.memory_space<hbm>>
    tpu.enqueue_indirect_dma source(%dma_start3A_112 : memref<10000x64xf32, #tpu.memory_space<hbm>>) target(%dma_start3A_106 : memref<80x64xf32, #tpu.memory_space<vmem>>) offsets(%dma_start3A_109 : memref<80xi32, #tpu.memory_space<vmem>>) semaphore(%arg12 : memref<!tpu.dma_semaphore, #tpu.memory_space<semaphore_mem>>)
    %dma_start3A_113 = arith.constant 122 : i32
    %dma_start3A_114 = arith.constant 160 : i32
    %dma_start3A_115 = arith.constant 0 : i32
    %dma_start3A_116 = tpu.memref_slice %arg11[%dma_start3A_114, %dma_start3A_115] : memref<800x64xf32, #tpu.memory_space<vmem>> -> memref<80x64xf32, #tpu.memory_space<vmem>>
    %dma_start3A_117 = arith.constant 0 : i32
    %dma_start3A_118 = tpu.memref_slice %arg9[%dma_start3A_113, %dma_start3A_117] : memref<125x80xi32, #tpu.memory_space<vmem>> -> memref<1x80xi32, #tpu.memory_space<vmem>>
    %dma_start3A_119 = tpu.memref_squeeze %dma_start3A_118 : memref<1x80xi32, #tpu.memory_space<vmem>> -> memref<80xi32, #tpu.memory_space<vmem>>
    %dma_start3A_120 = arith.constant 0 : i32
    %dma_start3A_121 = arith.constant 0 : i32
    %dma_start3A_122 = tpu.memref_slice %arg2[%dma_start3A_120, %dma_start3A_121] : memref<10000x64xf32, #tpu.memory_space<hbm>> -> memref<10000x64xf32, #tpu.memory_space<hbm>>
    tpu.enqueue_indirect_dma source(%dma_start3A_122 : memref<10000x64xf32, #tpu.memory_space<hbm>>) target(%dma_start3A_116 : memref<80x64xf32, #tpu.memory_space<vmem>>) offsets(%dma_start3A_119 : memref<80xi32, #tpu.memory_space<vmem>>) semaphore(%arg12 : memref<!tpu.dma_semaphore, #tpu.memory_space<semaphore_mem>>)
    %dma_start3A_123 = arith.constant 123 : i32
    %dma_start3A_124 = arith.constant 240 : i32
    %dma_start3A_125 = arith.constant 0 : i32
    %dma_start3A_126 = tpu.memref_slice %arg11[%dma_start3A_124, %dma_start3A_125] : memref<800x64xf32, #tpu.memory_space<vmem>> -> memref<80x64xf32, #tpu.memory_space<vmem>>
    %dma_start3A_127 = arith.constant 0 : i32
    %dma_start3A_128 = tpu.memref_slice %arg9[%dma_start3A_123, %dma_start3A_127] : memref<125x80xi32, #tpu.memory_space<vmem>> -> memref<1x80xi32, #tpu.memory_space<vmem>>
    %dma_start3A_129 = tpu.memref_squeeze %dma_start3A_128 : memref<1x80xi32, #tpu.memory_space<vmem>> -> memref<80xi32, #tpu.memory_space<vmem>>
    %dma_start3A_130 = arith.constant 0 : i32
    %dma_start3A_131 = arith.constant 0 : i32
    %dma_start3A_132 = tpu.memref_slice %arg2[%dma_start3A_130, %dma_start3A_131] : memref<10000x64xf32, #tpu.memory_space<hbm>> -> memref<10000x64xf32, #tpu.memory_space<hbm>>
    tpu.enqueue_indirect_dma source(%dma_start3A_132 : memref<10000x64xf32, #tpu.memory_space<hbm>>) target(%dma_start3A_126 : memref<80x64xf32, #tpu.memory_space<vmem>>) offsets(%dma_start3A_129 : memref<80xi32, #tpu.memory_space<vmem>>) semaphore(%arg12 : memref<!tpu.dma_semaphore, #tpu.memory_space<semaphore_mem>>)
    %dma_start3A_133 = arith.constant 124 : i32
    %dma_start3A_134 = arith.constant 320 : i32
    %dma_start3A_135 = arith.constant 0 : i32
    %dma_start3A_136 = tpu.memref_slice %arg11[%dma_start3A_134, %dma_start3A_135] : memref<800x64xf32, #tpu.memory_space<vmem>> -> memref<80x64xf32, #tpu.memory_space<vmem>>
    %dma_start3A_137 = arith.constant 0 : i32
    %dma_start3A_138 = tpu.memref_slice %arg9[%dma_start3A_133, %dma_start3A_137] : memref<125x80xi32, #tpu.memory_space<vmem>> -> memref<1x80xi32, #tpu.memory_space<vmem>>
    %dma_start3A_139 = tpu.memref_squeeze %dma_start3A_138 : memref<1x80xi32, #tpu.memory_space<vmem>> -> memref<80xi32, #tpu.memory_space<vmem>>
    %dma_start3A_140 = arith.constant 0 : i32
    %dma_start3A_141 = arith.constant 0 : i32
    %dma_start3A_142 = tpu.memref_slice %arg2[%dma_start3A_140, %dma_start3A_141] : memref<10000x64xf32, #tpu.memory_space<hbm>> -> memref<10000x64xf32, #tpu.memory_space<hbm>>
    tpu.enqueue_indirect_dma source(%dma_start3A_142 : memref<10000x64xf32, #tpu.memory_space<hbm>>) target(%dma_start3A_136 : memref<80x64xf32, #tpu.memory_space<vmem>>) offsets(%dma_start3A_139 : memref<80xi32, #tpu.memory_space<vmem>>) semaphore(%arg12 : memref<!tpu.dma_semaphore, #tpu.memory_space<semaphore_mem>>)
    %dma_wait3A_143 = arith.constant 120 : i32
    %dma_wait3A_144 = arith.constant 0 : i32
    %dma_wait3A_145 = arith.constant 0 : i32
    %dma_wait3A_146 = tpu.memref_slice %arg11[%dma_wait3A_144, %dma_wait3A_145] : memref<800x64xf32, #tpu.memory_space<vmem>> -> memref<80x64xf32, #tpu.memory_space<vmem>>
    %dma_wait3A_147 = arith.constant 0 : i32
    %dma_wait3A_148 = tpu.memref_slice %arg9[%dma_wait3A_143, %dma_wait3A_147] : memref<125x80xi32, #tpu.memory_space<vmem>> -> memref<1x80xi32, #tpu.memory_space<vmem>>
    %dma_wait3A_149 = tpu.memref_squeeze %dma_wait3A_148 : memref<1x80xi32, #tpu.memory_space<vmem>> -> memref<80xi32, #tpu.memory_space<vmem>>
    %dma_wait3A_150 = arith.constant 0 : i32
    %dma_wait3A_151 = arith.constant 0 : i32
    %dma_wait3A_152 = tpu.memref_slice %arg2[%dma_wait3A_150, %dma_wait3A_151] : memref<10000x64xf32, #tpu.memory_space<hbm>> -> memref<10000x64xf32, #tpu.memory_space<hbm>>
    tpu.wait_indirect_dma semaphore(%arg12 : memref<!tpu.dma_semaphore, #tpu.memory_space<semaphore_mem>>) src(%dma_wait3A_152 : memref<10000x64xf32, #tpu.memory_space<hbm>>) dst(%dma_wait3A_146 : memref<80x64xf32, #tpu.memory_space<vmem>>)
    %dma_wait3A_153 = arith.constant 121 : i32
    %dma_wait3A_154 = arith.constant 80 : i32
    %dma_wait3A_155 = arith.constant 0 : i32
    %dma_wait3A_156 = tpu.memref_slice %arg11[%dma_wait3A_154, %dma_wait3A_155] : memref<800x64xf32, #tpu.memory_space<vmem>> -> memref<80x64xf32, #tpu.memory_space<vmem>>
    %dma_wait3A_157 = arith.constant 0 : i32
    %dma_wait3A_158 = tpu.memref_slice %arg9[%dma_wait3A_153, %dma_wait3A_157] : memref<125x80xi32, #tpu.memory_space<vmem>> -> memref<1x80xi32, #tpu.memory_space<vmem>>
    %dma_wait3A_159 = tpu.memref_squeeze %dma_wait3A_158 : memref<1x80xi32, #tpu.memory_space<vmem>> -> memref<80xi32, #tpu.memory_space<vmem>>
    %dma_wait3A_160 = arith.constant 0 : i32
    %dma_wait3A_161 = arith.constant 0 : i32
    %dma_wait3A_162 = tpu.memref_slice %arg2[%dma_wait3A_160, %dma_wait3A_161] : memref<10000x64xf32, #tpu.memory_space<hbm>> -> memref<10000x64xf32, #tpu.memory_space<hbm>>
    tpu.wait_indirect_dma semaphore(%arg12 : memref<!tpu.dma_semaphore, #tpu.memory_space<semaphore_mem>>) src(%dma_wait3A_162 : memref<10000x64xf32, #tpu.memory_space<hbm>>) dst(%dma_wait3A_156 : memref<80x64xf32, #tpu.memory_space<vmem>>)
    %dma_wait3A_163 = arith.constant 122 : i32
    %dma_wait3A_164 = arith.constant 160 : i32
    %dma_wait3A_165 = arith.constant 0 : i32
    %dma_wait3A_166 = tpu.memref_slice %arg11[%dma_wait3A_164, %dma_wait3A_165] : memref<800x64xf32, #tpu.memory_space<vmem>> -> memref<80x64xf32, #tpu.memory_space<vmem>>
    %dma_wait3A_167 = arith.constant 0 : i32
    %dma_wait3A_168 = tpu.memref_slice %arg9[%dma_wait3A_163, %dma_wait3A_167] : memref<125x80xi32, #tpu.memory_space<vmem>> -> memref<1x80xi32, #tpu.memory_space<vmem>>
    %dma_wait3A_169 = tpu.memref_squeeze %dma_wait3A_168 : memref<1x80xi32, #tpu.memory_space<vmem>> -> memref<80xi32, #tpu.memory_space<vmem>>
    %dma_wait3A_170 = arith.constant 0 : i32
    %dma_wait3A_171 = arith.constant 0 : i32
    %dma_wait3A_172 = tpu.memref_slice %arg2[%dma_wait3A_170, %dma_wait3A_171] : memref<10000x64xf32, #tpu.memory_space<hbm>> -> memref<10000x64xf32, #tpu.memory_space<hbm>>
    tpu.wait_indirect_dma semaphore(%arg12 : memref<!tpu.dma_semaphore, #tpu.memory_space<semaphore_mem>>) src(%dma_wait3A_172 : memref<10000x64xf32, #tpu.memory_space<hbm>>) dst(%dma_wait3A_166 : memref<80x64xf32, #tpu.memory_space<vmem>>)
    %dma_wait3A_173 = arith.constant 123 : i32
    %dma_wait3A_174 = arith.constant 240 : i32
    %dma_wait3A_175 = arith.constant 0 : i32
    %dma_wait3A_176 = tpu.memref_slice %arg11[%dma_wait3A_174, %dma_wait3A_175] : memref<800x64xf32, #tpu.memory_space<vmem>> -> memref<80x64xf32, #tpu.memory_space<vmem>>
    %dma_wait3A_177 = arith.constant 0 : i32
    %dma_wait3A_178 = tpu.memref_slice %arg9[%dma_wait3A_173, %dma_wait3A_177] : memref<125x80xi32, #tpu.memory_space<vmem>> -> memref<1x80xi32, #tpu.memory_space<vmem>>
    %dma_wait3A_179 = tpu.memref_squeeze %dma_wait3A_178 : memref<1x80xi32, #tpu.memory_space<vmem>> -> memref<80xi32, #tpu.memory_space<vmem>>
    %dma_wait3A_180 = arith.constant 0 : i32
    %dma_wait3A_181 = arith.constant 0 : i32
    %dma_wait3A_182 = tpu.memref_slice %arg2[%dma_wait3A_180, %dma_wait3A_181] : memref<10000x64xf32, #tpu.memory_space<hbm>> -> memref<10000x64xf32, #tpu.memory_space<hbm>>
    tpu.wait_indirect_dma semaphore(%arg12 : memref<!tpu.dma_semaphore, #tpu.memory_space<semaphore_mem>>) src(%dma_wait3A_182 : memref<10000x64xf32, #tpu.memory_space<hbm>>) dst(%dma_wait3A_176 : memref<80x64xf32, #tpu.memory_space<vmem>>)
    %dma_wait3A_183 = arith.constant 124 : i32
    %dma_wait3A_184 = arith.constant 320 : i32
    %dma_wait3A_185 = arith.constant 0 : i32
    %dma_wait3A_186 = tpu.memref_slice %arg11[%dma_wait3A_184, %dma_wait3A_185] : memref<800x64xf32, #tpu.memory_space<vmem>> -> memref<80x64xf32, #tpu.memory_space<vmem>>
    %dma_wait3A_187 = arith.constant 0 : i32
    %dma_wait3A_188 = tpu.memref_slice %arg9[%dma_wait3A_183, %dma_wait3A_187] : memref<125x80xi32, #tpu.memory_space<vmem>> -> memref<1x80xi32, #tpu.memory_space<vmem>>
    %dma_wait3A_189 = tpu.memref_squeeze %dma_wait3A_188 : memref<1x80xi32, #tpu.memory_space<vmem>> -> memref<80xi32, #tpu.memory_space<vmem>>
    %dma_wait3A_190 = arith.constant 0 : i32
    %dma_wait3A_191 = arith.constant 0 : i32
    %dma_wait3A_192 = tpu.memref_slice %arg2[%dma_wait3A_190, %dma_wait3A_191] : memref<10000x64xf32, #tpu.memory_space<hbm>> -> memref<10000x64xf32, #tpu.memory_space<hbm>>
    tpu.wait_indirect_dma semaphore(%arg12 : memref<!tpu.dma_semaphore, #tpu.memory_space<semaphore_mem>>) src(%dma_wait3A_192 : memref<10000x64xf32, #tpu.memory_space<hbm>>) dst(%dma_wait3A_186 : memref<80x64xf32, #tpu.memory_space<vmem>>)
    %dma_start3A_193 = arith.constant 120 : i32
    %dma_start3A_194 = arith.constant 0 : i32
    %dma_start3A_195 = arith.constant 0 : i32
    %dma_start3A_196 = tpu.memref_slice %arg11[%dma_start3A_194, %dma_start3A_195] : memref<800x64xf32, #tpu.memory_space<vmem>> -> memref<80x64xf32, #tpu.memory_space<vmem>>
    %dma_start3A_197 = arith.constant 0 : i32
    %dma_start3A_198 = tpu.memref_slice %arg10[%dma_start3A_193, %dma_start3A_197] : memref<125x80xi32, #tpu.memory_space<vmem>> -> memref<1x80xi32, #tpu.memory_space<vmem>>
    %dma_start3A_199 = tpu.memref_squeeze %dma_start3A_198 : memref<1x80xi32, #tpu.memory_space<vmem>> -> memref<80xi32, #tpu.memory_space<vmem>>
    %dma_start3A_200 = arith.constant 0 : i32
    %dma_start3A_201 = arith.constant 0 : i32
    %dma_start3A_202 = tpu.memref_slice %arg8[%dma_start3A_200, %dma_start3A_201] : memref<10000x64xf32, #tpu.memory_space<vmem_shared>> -> memref<10000x64xf32, #tpu.memory_space<vmem_shared>>
    tpu.enqueue_indirect_dma source(%dma_start3A_196 : memref<80x64xf32, #tpu.memory_space<vmem>>) target(%dma_start3A_202 : memref<10000x64xf32, #tpu.memory_space<vmem_shared>>) offsets(%dma_start3A_199 : memref<80xi32, #tpu.memory_space<vmem>>) semaphore(%arg13 : memref<!tpu.dma_semaphore, #tpu.memory_space<semaphore_mem>>) {add = true}
    %dma_start3A_203 = arith.constant 121 : i32
    %dma_start3A_204 = arith.constant 80 : i32
    %dma_start3A_205 = arith.constant 0 : i32
    %dma_start3A_206 = tpu.memref_slice %arg11[%dma_start3A_204, %dma_start3A_205] : memref<800x64xf32, #tpu.memory_space<vmem>> -> memref<80x64xf32, #tpu.memory_space<vmem>>
    %dma_start3A_207 = arith.constant 0 : i32
    %dma_start3A_208 = tpu.memref_slice %arg10[%dma_start3A_203, %dma_start3A_207] : memref<125x80xi32, #tpu.memory_space<vmem>> -> memref<1x80xi32, #tpu.memory_space<vmem>>
    %dma_start3A_209 = tpu.memref_squeeze %dma_start3A_208 : memref<1x80xi32, #tpu.memory_space<vmem>> -> memref<80xi32, #tpu.memory_space<vmem>>
    %dma_start3A_210 = arith.constant 0 : i32
    %dma_start3A_211 = arith.constant 0 : i32
    %dma_start3A_212 = tpu.memref_slice %arg8[%dma_start3A_210, %dma_start3A_211] : memref<10000x64xf32, #tpu.memory_space<vmem_shared>> -> memref<10000x64xf32, #tpu.memory_space<vmem_shared>>
    tpu.enqueue_indirect_dma source(%dma_start3A_206 : memref<80x64xf32, #tpu.memory_space<vmem>>) target(%dma_start3A_212 : memref<10000x64xf32, #tpu.memory_space<vmem_shared>>) offsets(%dma_start3A_209 : memref<80xi32, #tpu.memory_space<vmem>>) semaphore(%arg13 : memref<!tpu.dma_semaphore, #tpu.memory_space<semaphore_mem>>) {add = true}
    %dma_start3A_213 = arith.constant 122 : i32
    %dma_start3A_214 = arith.constant 160 : i32
    %dma_start3A_215 = arith.constant 0 : i32
    %dma_start3A_216 = tpu.memref_slice %arg11[%dma_start3A_214, %dma_start3A_215] : memref<800x64xf32, #tpu.memory_space<vmem>> -> memref<80x64xf32, #tpu.memory_space<vmem>>
    %dma_start3A_217 = arith.constant 0 : i32
    %dma_start3A_218 = tpu.memref_slice %arg10[%dma_start3A_213, %dma_start3A_217] : memref<125x80xi32, #tpu.memory_space<vmem>> -> memref<1x80xi32, #tpu.memory_space<vmem>>
    %dma_start3A_219 = tpu.memref_squeeze %dma_start3A_218 : memref<1x80xi32, #tpu.memory_space<vmem>> -> memref<80xi32, #tpu.memory_space<vmem>>
    %dma_start3A_220 = arith.constant 0 : i32
    %dma_start3A_221 = arith.constant 0 : i32
    %dma_start3A_222 = tpu.memref_slice %arg8[%dma_start3A_220, %dma_start3A_221] : memref<10000x64xf32, #tpu.memory_space<vmem_shared>> -> memref<10000x64xf32, #tpu.memory_space<vmem_shared>>
    tpu.enqueue_indirect_dma source(%dma_start3A_216 : memref<80x64xf32, #tpu.memory_space<vmem>>) target(%dma_start3A_222 : memref<10000x64xf32, #tpu.memory_space<vmem_shared>>) offsets(%dma_start3A_219 : memref<80xi32, #tpu.memory_space<vmem>>) semaphore(%arg13 : memref<!tpu.dma_semaphore, #tpu.memory_space<semaphore_mem>>) {add = true}
    %dma_start3A_223 = arith.constant 123 : i32
    %dma_start3A_224 = arith.constant 240 : i32
    %dma_start3A_225 = arith.constant 0 : i32
    %dma_start3A_226 = tpu.memref_slice %arg11[%dma_start3A_224, %dma_start3A_225] : memref<800x64xf32, #tpu.memory_space<vmem>> -> memref<80x64xf32, #tpu.memory_space<vmem>>
    %dma_start3A_227 = arith.constant 0 : i32
    %dma_start3A_228 = tpu.memref_slice %arg10[%dma_start3A_223, %dma_start3A_227] : memref<125x80xi32, #tpu.memory_space<vmem>> -> memref<1x80xi32, #tpu.memory_space<vmem>>
    %dma_start3A_229 = tpu.memref_squeeze %dma_start3A_228 : memref<1x80xi32, #tpu.memory_space<vmem>> -> memref<80xi32, #tpu.memory_space<vmem>>
    %dma_start3A_230 = arith.constant 0 : i32
    %dma_start3A_231 = arith.constant 0 : i32
    %dma_start3A_232 = tpu.memref_slice %arg8[%dma_start3A_230, %dma_start3A_231] : memref<10000x64xf32, #tpu.memory_space<vmem_shared>> -> memref<10000x64xf32, #tpu.memory_space<vmem_shared>>
    tpu.enqueue_indirect_dma source(%dma_start3A_226 : memref<80x64xf32, #tpu.memory_space<vmem>>) target(%dma_start3A_232 : memref<10000x64xf32, #tpu.memory_space<vmem_shared>>) offsets(%dma_start3A_229 : memref<80xi32, #tpu.memory_space<vmem>>) semaphore(%arg13 : memref<!tpu.dma_semaphore, #tpu.memory_space<semaphore_mem>>) {add = true}
    %dma_start3A_233 = arith.constant 124 : i32
    %dma_start3A_234 = arith.constant 320 : i32
    %dma_start3A_235 = arith.constant 0 : i32
    %dma_start3A_236 = tpu.memref_slice %arg11[%dma_start3A_234, %dma_start3A_235] : memref<800x64xf32, #tpu.memory_space<vmem>> -> memref<80x64xf32, #tpu.memory_space<vmem>>
    %dma_start3A_237 = arith.constant 0 : i32
    %dma_start3A_238 = tpu.memref_slice %arg10[%dma_start3A_233, %dma_start3A_237] : memref<125x80xi32, #tpu.memory_space<vmem>> -> memref<1x80xi32, #tpu.memory_space<vmem>>
    %dma_start3A_239 = tpu.memref_squeeze %dma_start3A_238 : memref<1x80xi32, #tpu.memory_space<vmem>> -> memref<80xi32, #tpu.memory_space<vmem>>
    %dma_start3A_240 = arith.constant 0 : i32
    %dma_start3A_241 = arith.constant 0 : i32
    %dma_start3A_242 = tpu.memref_slice %arg8[%dma_start3A_240, %dma_start3A_241] : memref<10000x64xf32, #tpu.memory_space<vmem_shared>> -> memref<10000x64xf32, #tpu.memory_space<vmem_shared>>
    tpu.enqueue_indirect_dma source(%dma_start3A_236 : memref<80x64xf32, #tpu.memory_space<vmem>>) target(%dma_start3A_242 : memref<10000x64xf32, #tpu.memory_space<vmem_shared>>) offsets(%dma_start3A_239 : memref<80xi32, #tpu.memory_space<vmem>>) semaphore(%arg13 : memref<!tpu.dma_semaphore, #tpu.memory_space<semaphore_mem>>) {add = true}
    %dma_start3A_243 = arith.constant 120 : i32
    %dma_start3A_244 = arith.constant 0 : i32
    %dma_start3A_245 = tpu.memref_slice %arg10[%dma_start3A_243, %dma_start3A_244] : memref<125x80xi32, #tpu.memory_space<vmem>> -> memref<1x80xi32, #tpu.memory_space<vmem>>
    %dma_start3A_246 = tpu.memref_squeeze %dma_start3A_245 : memref<1x80xi32, #tpu.memory_space<vmem>> -> memref<80xi32, #tpu.memory_space<vmem>>
    %dma_start3A_247 = arith.constant 0 : i32
    %dma_start3A_248 = arith.constant 0 : i32
    %dma_start3A_249 = tpu.memref_slice %arg15[%dma_start3A_247, %dma_start3A_248] : memref<10000x16xf32, #tpu.memory_space<vmem_shared>> -> memref<10000x16xf32, #tpu.memory_space<vmem_shared>>
    tpu.enqueue_indirect_dma source(%arg16 : memref<80x16xf32, #tpu.memory_space<vmem>>) target(%dma_start3A_249 : memref<10000x16xf32, #tpu.memory_space<vmem_shared>>) offsets(%dma_start3A_246 : memref<80xi32, #tpu.memory_space<vmem>>) semaphore(%arg17 : memref<!tpu.dma_semaphore, #tpu.memory_space<semaphore_mem>>) {add = true}
    %dma_start3A_250 = arith.constant 121 : i32
    %dma_start3A_251 = arith.constant 0 : i32
    %dma_start3A_252 = tpu.memref_slice %arg10[%dma_start3A_250, %dma_start3A_251] : memref<125x80xi32, #tpu.memory_space<vmem>> -> memref<1x80xi32, #tpu.memory_space<vmem>>
    %dma_start3A_253 = tpu.memref_squeeze %dma_start3A_252 : memref<1x80xi32, #tpu.memory_space<vmem>> -> memref<80xi32, #tpu.memory_space<vmem>>
    %dma_start3A_254 = arith.constant 0 : i32
    %dma_start3A_255 = arith.constant 0 : i32
    %dma_start3A_256 = tpu.memref_slice %arg15[%dma_start3A_254, %dma_start3A_255] : memref<10000x16xf32, #tpu.memory_space<vmem_shared>> -> memref<10000x16xf32, #tpu.memory_space<vmem_shared>>
    tpu.enqueue_indirect_dma source(%arg16 : memref<80x16xf32, #tpu.memory_space<vmem>>) target(%dma_start3A_256 : memref<10000x16xf32, #tpu.memory_space<vmem_shared>>) offsets(%dma_start3A_253 : memref<80xi32, #tpu.memory_space<vmem>>) semaphore(%arg17 : memref<!tpu.dma_semaphore, #tpu.memory_space<semaphore_mem>>) {add = true}
    %dma_start3A_257 = arith.constant 122 : i32
    %dma_start3A_258 = arith.constant 0 : i32
    %dma_start3A_259 = tpu.memref_slice %arg10[%dma_start3A_257, %dma_start3A_258] : memref<125x80xi32, #tpu.memory_space<vmem>> -> memref<1x80xi32, #tpu.memory_space<vmem>>
    %dma_start3A_260 = tpu.memref_squeeze %dma_start3A_259 : memref<1x80xi32, #tpu.memory_space<vmem>> -> memref<80xi32, #tpu.memory_space<vmem>>
    %dma_start3A_261 = arith.constant 0 : i32
    %dma_start3A_262 = arith.constant 0 : i32
    %dma_start3A_263 = tpu.memref_slice %arg15[%dma_start3A_261, %dma_start3A_262] : memref<10000x16xf32, #tpu.memory_space<vmem_shared>> -> memref<10000x16xf32, #tpu.memory_space<vmem_shared>>
    tpu.enqueue_indirect_dma source(%arg16 : memref<80x16xf32, #tpu.memory_space<vmem>>) target(%dma_start3A_263 : memref<10000x16xf32, #tpu.memory_space<vmem_shared>>) offsets(%dma_start3A_260 : memref<80xi32, #tpu.memory_space<vmem>>) semaphore(%arg17 : memref<!tpu.dma_semaphore, #tpu.memory_space<semaphore_mem>>) {add = true}
    %dma_start3A_264 = arith.constant 123 : i32
    %dma_start3A_265 = arith.constant 0 : i32
    %dma_start3A_266 = tpu.memref_slice %arg10[%dma_start3A_264, %dma_start3A_265] : memref<125x80xi32, #tpu.memory_space<vmem>> -> memref<1x80xi32, #tpu.memory_space<vmem>>
    %dma_start3A_267 = tpu.memref_squeeze %dma_start3A_266 : memref<1x80xi32, #tpu.memory_space<vmem>> -> memref<80xi32, #tpu.memory_space<vmem>>
    %dma_start3A_268 = arith.constant 0 : i32
    %dma_start3A_269 = arith.constant 0 : i32
    %dma_start3A_270 = tpu.memref_slice %arg15[%dma_start3A_268, %dma_start3A_269] : memref<10000x16xf32, #tpu.memory_space<vmem_shared>> -> memref<10000x16xf32, #tpu.memory_space<vmem_shared>>
    tpu.enqueue_indirect_dma source(%arg16 : memref<80x16xf32, #tpu.memory_space<vmem>>) target(%dma_start3A_270 : memref<10000x16xf32, #tpu.memory_space<vmem_shared>>) offsets(%dma_start3A_267 : memref<80xi32, #tpu.memory_space<vmem>>) semaphore(%arg17 : memref<!tpu.dma_semaphore, #tpu.memory_space<semaphore_mem>>) {add = true}
    %dma_start3A_271 = arith.constant 124 : i32
    %dma_start3A_272 = arith.constant 0 : i32
    %dma_start3A_273 = tpu.memref_slice %arg10[%dma_start3A_271, %dma_start3A_272] : memref<125x80xi32, #tpu.memory_space<vmem>> -> memref<1x80xi32, #tpu.memory_space<vmem>>
    %dma_start3A_274 = tpu.memref_squeeze %dma_start3A_273 : memref<1x80xi32, #tpu.memory_space<vmem>> -> memref<80xi32, #tpu.memory_space<vmem>>
    %dma_start3A_275 = arith.constant 0 : i32
    %dma_start3A_276 = arith.constant 0 : i32
    %dma_start3A_277 = tpu.memref_slice %arg15[%dma_start3A_275, %dma_start3A_276] : memref<10000x16xf32, #tpu.memory_space<vmem_shared>> -> memref<10000x16xf32, #tpu.memory_space<vmem_shared>>
    tpu.enqueue_indirect_dma source(%arg16 : memref<80x16xf32, #tpu.memory_space<vmem>>) target(%dma_start3A_277 : memref<10000x16xf32, #tpu.memory_space<vmem_shared>>) offsets(%dma_start3A_274 : memref<80xi32, #tpu.memory_space<vmem>>) semaphore(%arg17 : memref<!tpu.dma_semaphore, #tpu.memory_space<semaphore_mem>>) {add = true}
    %dma_wait3A_278 = arith.constant 120 : i32
    %dma_wait3A_279 = arith.constant 0 : i32
    %dma_wait3A_280 = arith.constant 0 : i32
    %dma_wait3A_281 = tpu.memref_slice %arg11[%dma_wait3A_279, %dma_wait3A_280] : memref<800x64xf32, #tpu.memory_space<vmem>> -> memref<80x64xf32, #tpu.memory_space<vmem>>
    %dma_wait3A_282 = arith.constant 0 : i32
    %dma_wait3A_283 = tpu.memref_slice %arg10[%dma_wait3A_278, %dma_wait3A_282] : memref<125x80xi32, #tpu.memory_space<vmem>> -> memref<1x80xi32, #tpu.memory_space<vmem>>
    %dma_wait3A_284 = tpu.memref_squeeze %dma_wait3A_283 : memref<1x80xi32, #tpu.memory_space<vmem>> -> memref<80xi32, #tpu.memory_space<vmem>>
    %dma_wait3A_285 = arith.constant 0 : i32
    %dma_wait3A_286 = arith.constant 0 : i32
    %dma_wait3A_287 = tpu.memref_slice %arg8[%dma_wait3A_285, %dma_wait3A_286] : memref<10000x64xf32, #tpu.memory_space<vmem_shared>> -> memref<10000x64xf32, #tpu.memory_space<vmem_shared>>
    tpu.wait_indirect_dma semaphore(%arg13 : memref<!tpu.dma_semaphore, #tpu.memory_space<semaphore_mem>>) src(%dma_wait3A_281 : memref<80x64xf32, #tpu.memory_space<vmem>>) dst(%dma_wait3A_287 : memref<10000x64xf32, #tpu.memory_space<vmem_shared>>)
    %dma_wait3A_288 = arith.constant 121 : i32
    %dma_wait3A_289 = arith.constant 80 : i32
    %dma_wait3A_290 = arith.constant 0 : i32
    %dma_wait3A_291 = tpu.memref_slice %arg11[%dma_wait3A_289, %dma_wait3A_290] : memref<800x64xf32, #tpu.memory_space<vmem>> -> memref<80x64xf32, #tpu.memory_space<vmem>>
    %dma_wait3A_292 = arith.constant 0 : i32
    %dma_wait3A_293 = tpu.memref_slice %arg10[%dma_wait3A_288, %dma_wait3A_292] : memref<125x80xi32, #tpu.memory_space<vmem>> -> memref<1x80xi32, #tpu.memory_space<vmem>>
    %dma_wait3A_294 = tpu.memref_squeeze %dma_wait3A_293 : memref<1x80xi32, #tpu.memory_space<vmem>> -> memref<80xi32, #tpu.memory_space<vmem>>
    %dma_wait3A_295 = arith.constant 0 : i32
    %dma_wait3A_296 = arith.constant 0 : i32
    %dma_wait3A_297 = tpu.memref_slice %arg8[%dma_wait3A_295, %dma_wait3A_296] : memref<10000x64xf32, #tpu.memory_space<vmem_shared>> -> memref<10000x64xf32, #tpu.memory_space<vmem_shared>>
    tpu.wait_indirect_dma semaphore(%arg13 : memref<!tpu.dma_semaphore, #tpu.memory_space<semaphore_mem>>) src(%dma_wait3A_291 : memref<80x64xf32, #tpu.memory_space<vmem>>) dst(%dma_wait3A_297 : memref<10000x64xf32, #tpu.memory_space<vmem_shared>>)
    %dma_wait3A_298 = arith.constant 122 : i32
    %dma_wait3A_299 = arith.constant 160 : i32
    %dma_wait3A_300 = arith.constant 0 : i32
    %dma_wait3A_301 = tpu.memref_slice %arg11[%dma_wait3A_299, %dma_wait3A_300] : memref<800x64xf32, #tpu.memory_space<vmem>> -> memref<80x64xf32, #tpu.memory_space<vmem>>
    %dma_wait3A_302 = arith.constant 0 : i32
    %dma_wait3A_303 = tpu.memref_slice %arg10[%dma_wait3A_298, %dma_wait3A_302] : memref<125x80xi32, #tpu.memory_space<vmem>> -> memref<1x80xi32, #tpu.memory_space<vmem>>
    %dma_wait3A_304 = tpu.memref_squeeze %dma_wait3A_303 : memref<1x80xi32, #tpu.memory_space<vmem>> -> memref<80xi32, #tpu.memory_space<vmem>>
    %dma_wait3A_305 = arith.constant 0 : i32
    %dma_wait3A_306 = arith.constant 0 : i32
    %dma_wait3A_307 = tpu.memref_slice %arg8[%dma_wait3A_305, %dma_wait3A_306] : memref<10000x64xf32, #tpu.memory_space<vmem_shared>> -> memref<10000x64xf32, #tpu.memory_space<vmem_shared>>
    tpu.wait_indirect_dma semaphore(%arg13 : memref<!tpu.dma_semaphore, #tpu.memory_space<semaphore_mem>>) src(%dma_wait3A_301 : memref<80x64xf32, #tpu.memory_space<vmem>>) dst(%dma_wait3A_307 : memref<10000x64xf32, #tpu.memory_space<vmem_shared>>)
    %dma_wait3A_308 = arith.constant 123 : i32
    %dma_wait3A_309 = arith.constant 240 : i32
    %dma_wait3A_310 = arith.constant 0 : i32
    %dma_wait3A_311 = tpu.memref_slice %arg11[%dma_wait3A_309, %dma_wait3A_310] : memref<800x64xf32, #tpu.memory_space<vmem>> -> memref<80x64xf32, #tpu.memory_space<vmem>>
    %dma_wait3A_312 = arith.constant 0 : i32
    %dma_wait3A_313 = tpu.memref_slice %arg10[%dma_wait3A_308, %dma_wait3A_312] : memref<125x80xi32, #tpu.memory_space<vmem>> -> memref<1x80xi32, #tpu.memory_space<vmem>>
    %dma_wait3A_314 = tpu.memref_squeeze %dma_wait3A_313 : memref<1x80xi32, #tpu.memory_space<vmem>> -> memref<80xi32, #tpu.memory_space<vmem>>
    %dma_wait3A_315 = arith.constant 0 : i32
    %dma_wait3A_316 = arith.constant 0 : i32
    %dma_wait3A_317 = tpu.memref_slice %arg8[%dma_wait3A_315, %dma_wait3A_316] : memref<10000x64xf32, #tpu.memory_space<vmem_shared>> -> memref<10000x64xf32, #tpu.memory_space<vmem_shared>>
    tpu.wait_indirect_dma semaphore(%arg13 : memref<!tpu.dma_semaphore, #tpu.memory_space<semaphore_mem>>) src(%dma_wait3A_311 : memref<80x64xf32, #tpu.memory_space<vmem>>) dst(%dma_wait3A_317 : memref<10000x64xf32, #tpu.memory_space<vmem_shared>>)
    %dma_wait3A_318 = arith.constant 124 : i32
    %dma_wait3A_319 = arith.constant 320 : i32
    %dma_wait3A_320 = arith.constant 0 : i32
    %dma_wait3A_321 = tpu.memref_slice %arg11[%dma_wait3A_319, %dma_wait3A_320] : memref<800x64xf32, #tpu.memory_space<vmem>> -> memref<80x64xf32, #tpu.memory_space<vmem>>
    %dma_wait3A_322 = arith.constant 0 : i32
    %dma_wait3A_323 = tpu.memref_slice %arg10[%dma_wait3A_318, %dma_wait3A_322] : memref<125x80xi32, #tpu.memory_space<vmem>> -> memref<1x80xi32, #tpu.memory_space<vmem>>
    %dma_wait3A_324 = tpu.memref_squeeze %dma_wait3A_323 : memref<1x80xi32, #tpu.memory_space<vmem>> -> memref<80xi32, #tpu.memory_space<vmem>>
    %dma_wait3A_325 = arith.constant 0 : i32
    %dma_wait3A_326 = arith.constant 0 : i32
    %dma_wait3A_327 = tpu.memref_slice %arg8[%dma_wait3A_325, %dma_wait3A_326] : memref<10000x64xf32, #tpu.memory_space<vmem_shared>> -> memref<10000x64xf32, #tpu.memory_space<vmem_shared>>
    tpu.wait_indirect_dma semaphore(%arg13 : memref<!tpu.dma_semaphore, #tpu.memory_space<semaphore_mem>>) src(%dma_wait3A_321 : memref<80x64xf32, #tpu.memory_space<vmem>>) dst(%dma_wait3A_327 : memref<10000x64xf32, #tpu.memory_space<vmem_shared>>)
    %dma_wait3A_328 = arith.constant 120 : i32
    %dma_wait3A_329 = arith.constant 0 : i32
    %dma_wait3A_330 = tpu.memref_slice %arg10[%dma_wait3A_328, %dma_wait3A_329] : memref<125x80xi32, #tpu.memory_space<vmem>> -> memref<1x80xi32, #tpu.memory_space<vmem>>
    %dma_wait3A_331 = tpu.memref_squeeze %dma_wait3A_330 : memref<1x80xi32, #tpu.memory_space<vmem>> -> memref<80xi32, #tpu.memory_space<vmem>>
    %dma_wait3A_332 = arith.constant 0 : i32
    %dma_wait3A_333 = arith.constant 0 : i32
    %dma_wait3A_334 = tpu.memref_slice %arg15[%dma_wait3A_332, %dma_wait3A_333] : memref<10000x16xf32, #tpu.memory_space<vmem_shared>> -> memref<10000x16xf32, #tpu.memory_space<vmem_shared>>
    tpu.wait_indirect_dma semaphore(%arg17 : memref<!tpu.dma_semaphore, #tpu.memory_space<semaphore_mem>>) src(%arg16 : memref<80x16xf32, #tpu.memory_space<vmem>>) dst(%dma_wait3A_334 : memref<10000x16xf32, #tpu.memory_space<vmem_shared>>)
    %dma_wait3A_335 = arith.constant 121 : i32
    %dma_wait3A_336 = arith.constant 0 : i32
    %dma_wait3A_337 = tpu.memref_slice %arg10[%dma_wait3A_335, %dma_wait3A_336] : memref<125x80xi32, #tpu.memory_space<vmem>> -> memref<1x80xi32, #tpu.memory_space<vmem>>
    %dma_wait3A_338 = tpu.memref_squeeze %dma_wait3A_337 : memref<1x80xi32, #tpu.memory_space<vmem>> -> memref<80xi32, #tpu.memory_space<vmem>>
    %dma_wait3A_339 = arith.constant 0 : i32
    %dma_wait3A_340 = arith.constant 0 : i32
    %dma_wait3A_341 = tpu.memref_slice %arg15[%dma_wait3A_339, %dma_wait3A_340] : memref<10000x16xf32, #tpu.memory_space<vmem_shared>> -> memref<10000x16xf32, #tpu.memory_space<vmem_shared>>
    tpu.wait_indirect_dma semaphore(%arg17 : memref<!tpu.dma_semaphore, #tpu.memory_space<semaphore_mem>>) src(%arg16 : memref<80x16xf32, #tpu.memory_space<vmem>>) dst(%dma_wait3A_341 : memref<10000x16xf32, #tpu.memory_space<vmem_shared>>)
    %dma_wait3A_342 = arith.constant 122 : i32
    %dma_wait3A_343 = arith.constant 0 : i32
    %dma_wait3A_344 = tpu.memref_slice %arg10[%dma_wait3A_342, %dma_wait3A_343] : memref<125x80xi32, #tpu.memory_space<vmem>> -> memref<1x80xi32, #tpu.memory_space<vmem>>
    %dma_wait3A_345 = tpu.memref_squeeze %dma_wait3A_344 : memref<1x80xi32, #tpu.memory_space<vmem>> -> memref<80xi32, #tpu.memory_space<vmem>>
    %dma_wait3A_346 = arith.constant 0 : i32
    %dma_wait3A_347 = arith.constant 0 : i32
    %dma_wait3A_348 = tpu.memref_slice %arg15[%dma_wait3A_346, %dma_wait3A_347] : memref<10000x16xf32, #tpu.memory_space<vmem_shared>> -> memref<10000x16xf32, #tpu.memory_space<vmem_shared>>
    tpu.wait_indirect_dma semaphore(%arg17 : memref<!tpu.dma_semaphore, #tpu.memory_space<semaphore_mem>>) src(%arg16 : memref<80x16xf32, #tpu.memory_space<vmem>>) dst(%dma_wait3A_348 : memref<10000x16xf32, #tpu.memory_space<vmem_shared>>)
    %dma_wait3A_349 = arith.constant 123 : i32
    %dma_wait3A_350 = arith.constant 0 : i32
    %dma_wait3A_351 = tpu.memref_slice %arg10[%dma_wait3A_349, %dma_wait3A_350] : memref<125x80xi32, #tpu.memory_space<vmem>> -> memref<1x80xi32, #tpu.memory_space<vmem>>
    %dma_wait3A_352 = tpu.memref_squeeze %dma_wait3A_351 : memref<1x80xi32, #tpu.memory_space<vmem>> -> memref<80xi32, #tpu.memory_space<vmem>>
    %dma_wait3A_353 = arith.constant 0 : i32
    %dma_wait3A_354 = arith.constant 0 : i32
    %dma_wait3A_355 = tpu.memref_slice %arg15[%dma_wait3A_353, %dma_wait3A_354] : memref<10000x16xf32, #tpu.memory_space<vmem_shared>> -> memref<10000x16xf32, #tpu.memory_space<vmem_shared>>
    tpu.wait_indirect_dma semaphore(%arg17 : memref<!tpu.dma_semaphore, #tpu.memory_space<semaphore_mem>>) src(%arg16 : memref<80x16xf32, #tpu.memory_space<vmem>>) dst(%dma_wait3A_355 : memref<10000x16xf32, #tpu.memory_space<vmem_shared>>)
    %dma_wait3A_356 = arith.constant 124 : i32
    %dma_wait3A_357 = arith.constant 0 : i32
    %dma_wait3A_358 = tpu.memref_slice %arg10[%dma_wait3A_356, %dma_wait3A_357] : memref<125x80xi32, #tpu.memory_space<vmem>> -> memref<1x80xi32, #tpu.memory_space<vmem>>
    %dma_wait3A_359 = tpu.memref_squeeze %dma_wait3A_358 : memref<1x80xi32, #tpu.memory_space<vmem>> -> memref<80xi32, #tpu.memory_space<vmem>>
    %dma_wait3A_360 = arith.constant 0 : i32
    %dma_wait3A_361 = arith.constant 0 : i32
    %dma_wait3A_362 = tpu.memref_slice %arg15[%dma_wait3A_360, %dma_wait3A_361] : memref<10000x16xf32, #tpu.memory_space<vmem_shared>> -> memref<10000x16xf32, #tpu.memory_space<vmem_shared>>
    tpu.wait_indirect_dma semaphore(%arg17 : memref<!tpu.dma_semaphore, #tpu.memory_space<semaphore_mem>>) src(%arg16 : memref<80x16xf32, #tpu.memory_space<vmem>>) dst(%dma_wait3A_362 : memref<10000x16xf32, #tpu.memory_space<vmem_shared>>)
    %barrier3A_363 = arith.constant 0 : index
    tpu.barrier barrier_id(%barrier3A_363)
    "tpu.region"() ({
      %run_scoped3A_369 = tpu.sem_alloc : memref<!tpu.dma_semaphore, #tpu.memory_space<semaphore_mem>>
      %dma_start3A_370 = arith.constant 0 : i32
      %dma_start3A_371 = tpu.memref_slice %arg7[%arg0, %mul3A_0, %dma_start3A_370] : memref<2x10000x128xf32, #tpu.memory_space<hbm>> -> memref<1x624x64xf32, #tpu.memory_space<hbm>>
      %dma_start3A_372 = tpu.memref_squeeze %dma_start3A_371 : memref<1x624x64xf32, #tpu.memory_space<hbm>> -> memref<624x64xf32, #tpu.memory_space<hbm>>
      %dma_start3A_373 = arith.constant 0 : i32
      %dma_start3A_374 = tpu.memref_slice %arg8[%mul3A_0, %dma_start3A_373] : memref<10000x64xf32, #tpu.memory_space<vmem_shared>> -> memref<624x64xf32, #tpu.memory_space<vmem_shared>>
      tpu.enqueue_dma source(%dma_start3A_374 : memref<624x64xf32, #tpu.memory_space<vmem_shared>>) target(%dma_start3A_372 : memref<624x64xf32, #tpu.memory_space<hbm>>) target_semaphore(%run_scoped3A_369 : memref<!tpu.dma_semaphore, #tpu.memory_space<semaphore_mem>>)
      %dma_wait3A_375 = arith.constant 0 : i32
      %dma_wait3A_376 = tpu.memref_slice %arg7[%arg0, %mul3A_0, %dma_wait3A_375] : memref<2x10000x128xf32, #tpu.memory_space<hbm>> -> memref<1x624x64xf32, #tpu.memory_space<hbm>>
      %dma_wait3A_377 = tpu.memref_squeeze %dma_wait3A_376 : memref<1x624x64xf32, #tpu.memory_space<hbm>> -> memref<624x64xf32, #tpu.memory_space<hbm>>
      %dma_wait3A_378 = arith.constant 0 : i32
      %dma_wait3A_379 = tpu.memref_slice %arg8[%mul3A_0, %dma_wait3A_378] : memref<10000x64xf32, #tpu.memory_space<vmem_shared>> -> memref<624x64xf32, #tpu.memory_space<vmem_shared>>
      tpu.wait_dma2 semaphore(%run_scoped3A_369 : memref<!tpu.dma_semaphore, #tpu.memory_space<semaphore_mem>>) src(%dma_wait3A_379 : memref<624x64xf32, #tpu.memory_space<vmem_shared>>) dst(%dma_wait3A_377 : memref<624x64xf32, #tpu.memory_space<hbm>>)
      tpu.yield
    }) : () -> ()
    "tpu.region"() ({
      %run_scoped3A_369 = tpu.sem_alloc : memref<!tpu.dma_semaphore, #tpu.memory_space<semaphore_mem>>
      %dma_start3A_370 = arith.constant 64 : i32
      %dma_start3A_371 = tpu.memref_slice %arg7[%arg0, %mul3A_0, %dma_start3A_370] : memref<2x10000x128xf32, #tpu.memory_space<hbm>> -> memref<1x624x16xf32, #tpu.memory_space<hbm>>
      %dma_start3A_372 = tpu.memref_squeeze %dma_start3A_371 : memref<1x624x16xf32, #tpu.memory_space<hbm>> -> memref<624x16xf32, #tpu.memory_space<hbm>>
      %dma_start3A_373 = arith.constant 0 : i32
      %dma_start3A_374 = tpu.memref_slice %arg15[%mul3A_0, %dma_start3A_373] : memref<10000x16xf32, #tpu.memory_space<vmem_shared>> -> memref<624x16xf32, #tpu.memory_space<vmem_shared>>
      tpu.enqueue_dma source(%dma_start3A_374 : memref<624x16xf32, #tpu.memory_space<vmem_shared>>) target(%dma_start3A_372 : memref<624x16xf32, #tpu.memory_space<hbm>>) target_semaphore(%run_scoped3A_369 : memref<!tpu.dma_semaphore, #tpu.memory_space<semaphore_mem>>)
      %dma_wait3A_375 = arith.constant 64 : i32
      %dma_wait3A_376 = tpu.memref_slice %arg7[%arg0, %mul3A_0, %dma_wait3A_375] : memref<2x10000x128xf32, #tpu.memory_space<hbm>> -> memref<1x624x16xf32, #tpu.memory_space<hbm>>
      %dma_wait3A_377 = tpu.memref_squeeze %dma_wait3A_376 : memref<1x624x16xf32, #tpu.memory_space<hbm>> -> memref<624x16xf32, #tpu.memory_space<hbm>>
      %dma_wait3A_378 = arith.constant 0 : i32
      %dma_wait3A_379 = tpu.memref_slice %arg15[%mul3A_0, %dma_wait3A_378] : memref<10000x16xf32, #tpu.memory_space<vmem_shared>> -> memref<624x16xf32, #tpu.memory_space<vmem_shared>>
      tpu.wait_dma2 semaphore(%run_scoped3A_369 : memref<!tpu.dma_semaphore, #tpu.memory_space<semaphore_mem>>) src(%dma_wait3A_379 : memref<624x16xf32, #tpu.memory_space<vmem_shared>>) dst(%dma_wait3A_377 : memref<624x16xf32, #tpu.memory_space<hbm>>)
      tpu.yield
    }) : () -> ()
    %eq3A_364 = arith.constant 0 : i32
    %eq3A_365 = arith.cmpi eq, %arg1, %eq3A_364 : i32
    %convert_element_type3A_366 = arith.extui %eq3A_365 : i1 to i32
    %cond3A_367 = arith.constant 0 : i32
    %cond3A_368 = arith.cmpi ne, %convert_element_type3A_366, %cond3A_367 : i32
    scf.if %cond3A_368 {
      "tpu.region"() ({
        %run_scoped3A_369 = tpu.sem_alloc : memref<!tpu.dma_semaphore, #tpu.memory_space<semaphore_mem>>
        %dma_start3A_370 = arith.constant 9984 : i32
        %dma_start3A_371 = arith.constant 0 : i32
        %dma_start3A_372 = tpu.memref_slice %arg7[%arg0, %dma_start3A_370, %dma_start3A_371] : memref<2x10000x128xf32, #tpu.memory_space<hbm>> -> memref<1x16x64xf32, #tpu.memory_space<hbm>>
        %dma_start3A_373 = tpu.memref_squeeze %dma_start3A_372 : memref<1x16x64xf32, #tpu.memory_space<hbm>> -> memref<16x64xf32, #tpu.memory_space<hbm>>
        %dma_start3A_374 = arith.constant 9984 : i32
        %dma_start3A_375 = arith.constant 0 : i32
        %dma_start3A_376 = tpu.memref_slice %arg8[%dma_start3A_374, %dma_start3A_375] : memref<10000x64xf32, #tpu.memory_space<vmem_shared>> -> memref<16x64xf32, #tpu.memory_space<vmem_shared>>
        tpu.enqueue_dma source(%dma_start3A_376 : memref<16x64xf32, #tpu.memory_space<vmem_shared>>) target(%dma_start3A_373 : memref<16x64xf32, #tpu.memory_space<hbm>>) target_semaphore(%run_scoped3A_369 : memref<!tpu.dma_semaphore, #tpu.memory_space<semaphore_mem>>)
        %dma_wait3A_377 = arith.constant 9984 : i32
        %dma_wait3A_378 = arith.constant 0 : i32
        %dma_wait3A_379 = tpu.memref_slice %arg7[%arg0, %dma_wait3A_377, %dma_wait3A_378] : memref<2x10000x128xf32, #tpu.memory_space<hbm>> -> memref<1x16x64xf32, #tpu.memory_space<hbm>>
        %dma_wait3A_380 = tpu.memref_squeeze %dma_wait3A_379 : memref<1x16x64xf32, #tpu.memory_space<hbm>> -> memref<16x64xf32, #tpu.memory_space<hbm>>
        %dma_wait3A_381 = arith.constant 9984 : i32
        %dma_wait3A_382 = arith.constant 0 : i32
        %dma_wait3A_383 = tpu.memref_slice %arg8[%dma_wait3A_381, %dma_wait3A_382] : memref<10000x64xf32, #tpu.memory_space<vmem_shared>> -> memref<16x64xf32, #tpu.memory_space<vmem_shared>>
        tpu.wait_dma2 semaphore(%run_scoped3A_369 : memref<!tpu.dma_semaphore, #tpu.memory_space<semaphore_mem>>) src(%dma_wait3A_383 : memref<16x64xf32, #tpu.memory_space<vmem_shared>>) dst(%dma_wait3A_380 : memref<16x64xf32, #tpu.memory_space<hbm>>)
        tpu.yield
      }) : () -> ()
      "tpu.region"() ({
        %run_scoped3A_369 = tpu.sem_alloc : memref<!tpu.dma_semaphore, #tpu.memory_space<semaphore_mem>>
        %dma_start3A_370 = arith.constant 9984 : i32
        %dma_start3A_371 = arith.constant 64 : i32
        %dma_start3A_372 = tpu.memref_slice %arg7[%arg0, %dma_start3A_370, %dma_start3A_371] : memref<2x10000x128xf32, #tpu.memory_space<hbm>> -> memref<1x16x16xf32, #tpu.memory_space<hbm>>
        %dma_start3A_373 = tpu.memref_squeeze %dma_start3A_372 : memref<1x16x16xf32, #tpu.memory_space<hbm>> -> memref<16x16xf32, #tpu.memory_space<hbm>>
        %dma_start3A_374 = arith.constant 9984 : i32
        %dma_start3A_375 = arith.constant 0 : i32
        %dma_start3A_376 = tpu.memref_slice %arg15[%dma_start3A_374, %dma_start3A_375] : memref<10000x16xf32, #tpu.memory_space<vmem_shared>> -> memref<16x16xf32, #tpu.memory_space<vmem_shared>>
        tpu.enqueue_dma source(%dma_start3A_376 : memref<16x16xf32, #tpu.memory_space<vmem_shared>>) target(%dma_start3A_373 : memref<16x16xf32, #tpu.memory_space<hbm>>) target_semaphore(%run_scoped3A_369 : memref<!tpu.dma_semaphore, #tpu.memory_space<semaphore_mem>>)
        %dma_wait3A_377 = arith.constant 9984 : i32
        %dma_wait3A_378 = arith.constant 64 : i32
        %dma_wait3A_379 = tpu.memref_slice %arg7[%arg0, %dma_wait3A_377, %dma_wait3A_378] : memref<2x10000x128xf32, #tpu.memory_space<hbm>> -> memref<1x16x16xf32, #tpu.memory_space<hbm>>
        %dma_wait3A_380 = tpu.memref_squeeze %dma_wait3A_379 : memref<1x16x16xf32, #tpu.memory_space<hbm>> -> memref<16x16xf32, #tpu.memory_space<hbm>>
        %dma_wait3A_381 = arith.constant 9984 : i32
        %dma_wait3A_382 = arith.constant 0 : i32
        %dma_wait3A_383 = tpu.memref_slice %arg15[%dma_wait3A_381, %dma_wait3A_382] : memref<10000x16xf32, #tpu.memory_space<vmem_shared>> -> memref<16x16xf32, #tpu.memory_space<vmem_shared>>
        tpu.wait_dma2 semaphore(%run_scoped3A_369 : memref<!tpu.dma_semaphore, #tpu.memory_space<semaphore_mem>>) src(%dma_wait3A_383 : memref<16x16xf32, #tpu.memory_space<vmem_shared>>) dst(%dma_wait3A_380 : memref<16x16xf32, #tpu.memory_space<hbm>>)
        tpu.yield
      }) : () -> ()
    } else {
    }
    return
  }
}

#map = affine_map<(d0, d1) -> (0, 0)>
#map1 = affine_map<(d0, d1) -> (0, 0, 0, 0)>
#map2 = affine_map<(d0, d1) -> (0, 0, 0)>
module attributes {stable_mosaic.version = 14 : i64} {
  func.func @seg(%arg0: i32, %arg1: i32, %arg2: memref<10000x64xf32, #tpu.memory_space<hbm>>, %arg3: memref<2x32x125x80xi32, #tpu.memory_space<hbm>>, %arg4: memref<10000x64xf32, #tpu.memory_space<hbm>>, %arg5: memref<2x10000x128xf32, #tpu.memory_space<hbm>>, %arg6: memref<10000x64xf32, #tpu.memory_space<vmem_shared>>, %arg7: memref<125x80xi32, #tpu.memory_space<vmem>>, %arg8: memref<125x80xi32, #tpu.memory_space<vmem>>, %arg9: memref<800x64xf32, #tpu.memory_space<vmem>>, %arg10: memref<!tpu.dma_semaphore, #tpu.memory_space<semaphore_mem>>, %arg11: memref<!tpu.dma_semaphore, #tpu.memory_space<semaphore_mem>>, %arg12: memref<!tpu.dma_semaphore, #tpu.memory_space<semaphore_mem>>) attributes {dimension_semantics = [#tpu.dimension_semantics<core_parallel>, #tpu.dimension_semantics<subcore_parallel>], iteration_bounds = array<i64: 2, 16>, scalar_prefetch = 0 : i64, scratch_operands = 7 : i64, tpu.core_type = #tpu.core_type<sc_vector_subcore>, window_params = [{transform_indices = #map}, {transform_indices = #map1}, {transform_indices = #map}, {transform_indices = #map2}]} {
    %mul3A = arith.constant 624 : i32
    %mul3A_0 = arith.muli %arg1, %mul3A : i32
    "tpu.region"() ({
      %run_scoped3A_239 = tpu.sem_alloc : memref<!tpu.dma_semaphore, #tpu.memory_space<semaphore_mem>>
      %dma_start3A_240 = arith.constant 0 : i32
      %dma_start3A_241 = tpu.memref_slice %arg6[%mul3A_0, %dma_start3A_240] : memref<10000x64xf32, #tpu.memory_space<vmem_shared>> -> memref<624x64xf32, #tpu.memory_space<vmem_shared>>
      %dma_start3A_242 = arith.constant 0 : i32
      %dma_start3A_243 = tpu.memref_slice %arg4[%mul3A_0, %dma_start3A_242] : memref<10000x64xf32, #tpu.memory_space<hbm>> -> memref<624x64xf32, #tpu.memory_space<hbm>>
      tpu.enqueue_dma source(%dma_start3A_243 : memref<624x64xf32, #tpu.memory_space<hbm>>) target(%dma_start3A_241 : memref<624x64xf32, #tpu.memory_space<vmem_shared>>) target_semaphore(%run_scoped3A_239 : memref<!tpu.dma_semaphore, #tpu.memory_space<semaphore_mem>>)
      %dma_wait3A_244 = arith.constant 0 : i32
      %dma_wait3A_245 = tpu.memref_slice %arg6[%mul3A_0, %dma_wait3A_244] : memref<10000x64xf32, #tpu.memory_space<vmem_shared>> -> memref<624x64xf32, #tpu.memory_space<vmem_shared>>
      %dma_wait3A_246 = arith.constant 0 : i32
      %dma_wait3A_247 = tpu.memref_slice %arg4[%mul3A_0, %dma_wait3A_246] : memref<10000x64xf32, #tpu.memory_space<hbm>> -> memref<624x64xf32, #tpu.memory_space<hbm>>
      tpu.wait_dma2 semaphore(%run_scoped3A_239 : memref<!tpu.dma_semaphore, #tpu.memory_space<semaphore_mem>>) src(%dma_wait3A_247 : memref<624x64xf32, #tpu.memory_space<hbm>>) dst(%dma_wait3A_245 : memref<624x64xf32, #tpu.memory_space<vmem_shared>>)
      tpu.yield
    }) : () -> ()
    %eq3A = arith.constant 0 : i32
    %eq3A_1 = arith.cmpi eq, %arg1, %eq3A : i32
    %convert_element_type3A = arith.extui %eq3A_1 : i1 to i32
    %cond3A = arith.constant 0 : i32
    %cond3A_2 = arith.cmpi ne, %convert_element_type3A, %cond3A : i32
    scf.if %cond3A_2 {
      "tpu.region"() ({
        %run_scoped3A_239 = tpu.sem_alloc : memref<!tpu.dma_semaphore, #tpu.memory_space<semaphore_mem>>
        %dma_start3A_240 = arith.constant 9984 : i32
        %dma_start3A_241 = arith.constant 0 : i32
        %dma_start3A_242 = tpu.memref_slice %arg6[%dma_start3A_240, %dma_start3A_241] : memref<10000x64xf32, #tpu.memory_space<vmem_shared>> -> memref<16x64xf32, #tpu.memory_space<vmem_shared>>
        %dma_start3A_243 = arith.constant 9984 : i32
        %dma_start3A_244 = arith.constant 0 : i32
        %dma_start3A_245 = tpu.memref_slice %arg4[%dma_start3A_243, %dma_start3A_244] : memref<10000x64xf32, #tpu.memory_space<hbm>> -> memref<16x64xf32, #tpu.memory_space<hbm>>
        tpu.enqueue_dma source(%dma_start3A_245 : memref<16x64xf32, #tpu.memory_space<hbm>>) target(%dma_start3A_242 : memref<16x64xf32, #tpu.memory_space<vmem_shared>>) target_semaphore(%run_scoped3A_239 : memref<!tpu.dma_semaphore, #tpu.memory_space<semaphore_mem>>)
        %dma_wait3A_246 = arith.constant 9984 : i32
        %dma_wait3A_247 = arith.constant 0 : i32
        %dma_wait3A_248 = tpu.memref_slice %arg6[%dma_wait3A_246, %dma_wait3A_247] : memref<10000x64xf32, #tpu.memory_space<vmem_shared>> -> memref<16x64xf32, #tpu.memory_space<vmem_shared>>
        %dma_wait3A_249 = arith.constant 9984 : i32
        %dma_wait3A_250 = arith.constant 0 : i32
        %dma_wait3A_251 = tpu.memref_slice %arg4[%dma_wait3A_249, %dma_wait3A_250] : memref<10000x64xf32, #tpu.memory_space<hbm>> -> memref<16x64xf32, #tpu.memory_space<hbm>>
        tpu.wait_dma2 semaphore(%run_scoped3A_239 : memref<!tpu.dma_semaphore, #tpu.memory_space<semaphore_mem>>) src(%dma_wait3A_251 : memref<16x64xf32, #tpu.memory_space<hbm>>) dst(%dma_wait3A_248 : memref<16x64xf32, #tpu.memory_space<vmem_shared>>)
        tpu.yield
      }) : () -> ()
    } else {
    }
    %mul3A_3 = arith.constant 16 : i32
    %mul3A_4 = arith.muli %arg0, %mul3A_3 : i32
    %add3A = arith.addi %mul3A_4, %arg1 : i32
    %run_scoped3A = arith.constant 0 : i32
    "tpu.region"() ({
      %run_scoped3A_239 = tpu.sem_alloc : memref<!tpu.dma_semaphore, #tpu.memory_space<semaphore_mem>>
      %dma_start3A_240 = arith.constant 0 : i32
      %dma_start3A_241 = arith.constant 0 : i32
      %dma_start3A_242 = tpu.memref_slice %arg3[%run_scoped3A, %add3A, %dma_start3A_240, %dma_start3A_241] : memref<2x32x125x80xi32, #tpu.memory_space<hbm>> -> memref<1x1x125x80xi32, #tpu.memory_space<hbm>>
      %dma_start3A_243 = tpu.memref_squeeze %dma_start3A_242 : memref<1x1x125x80xi32, #tpu.memory_space<hbm>> -> memref<125x80xi32, #tpu.memory_space<hbm>>
      %dma_start3A_244 = arith.constant 0 : i32
      %dma_start3A_245 = arith.constant 0 : i32
      %dma_start3A_246 = tpu.memref_slice %arg3[%run_scoped3A, %add3A, %dma_start3A_244, %dma_start3A_245] : memref<2x32x125x80xi32, #tpu.memory_space<hbm>> -> memref<1x1x125x80xi32, #tpu.memory_space<hbm>>
      %dma_start3A_247 = tpu.memref_squeeze %dma_start3A_246 : memref<1x1x125x80xi32, #tpu.memory_space<hbm>> -> memref<125x80xi32, #tpu.memory_space<hbm>>
      tpu.enqueue_dma source(%dma_start3A_247 : memref<125x80xi32, #tpu.memory_space<hbm>>) target(%arg7 : memref<125x80xi32, #tpu.memory_space<vmem>>) target_semaphore(%run_scoped3A_239 : memref<!tpu.dma_semaphore, #tpu.memory_space<semaphore_mem>>)
      %dma_wait3A_248 = arith.constant 0 : i32
      %dma_wait3A_249 = arith.constant 0 : i32
      %dma_wait3A_250 = tpu.memref_slice %arg3[%run_scoped3A, %add3A, %dma_wait3A_248, %dma_wait3A_249] : memref<2x32x125x80xi32, #tpu.memory_space<hbm>> -> memref<1x1x125x80xi32, #tpu.memory_space<hbm>>
      %dma_wait3A_251 = tpu.memref_squeeze %dma_wait3A_250 : memref<1x1x125x80xi32, #tpu.memory_space<hbm>> -> memref<125x80xi32, #tpu.memory_space<hbm>>
      %dma_wait3A_252 = arith.constant 0 : i32
      %dma_wait3A_253 = arith.constant 0 : i32
      %dma_wait3A_254 = tpu.memref_slice %arg3[%run_scoped3A, %add3A, %dma_wait3A_252, %dma_wait3A_253] : memref<2x32x125x80xi32, #tpu.memory_space<hbm>> -> memref<1x1x125x80xi32, #tpu.memory_space<hbm>>
      %dma_wait3A_255 = tpu.memref_squeeze %dma_wait3A_254 : memref<1x1x125x80xi32, #tpu.memory_space<hbm>> -> memref<125x80xi32, #tpu.memory_space<hbm>>
      tpu.wait_dma2 semaphore(%run_scoped3A_239 : memref<!tpu.dma_semaphore, #tpu.memory_space<semaphore_mem>>) src(%dma_wait3A_255 : memref<125x80xi32, #tpu.memory_space<hbm>>) dst(%arg7 : memref<125x80xi32, #tpu.memory_space<vmem>>)
      tpu.yield
    }) : () -> ()
    %run_scoped3A_5 = arith.constant 1 : i32
    "tpu.region"() ({
      %run_scoped3A_239 = tpu.sem_alloc : memref<!tpu.dma_semaphore, #tpu.memory_space<semaphore_mem>>
      %dma_start3A_240 = arith.constant 0 : i32
      %dma_start3A_241 = arith.constant 0 : i32
      %dma_start3A_242 = tpu.memref_slice %arg3[%run_scoped3A_5, %add3A, %dma_start3A_240, %dma_start3A_241] : memref<2x32x125x80xi32, #tpu.memory_space<hbm>> -> memref<1x1x125x80xi32, #tpu.memory_space<hbm>>
      %dma_start3A_243 = tpu.memref_squeeze %dma_start3A_242 : memref<1x1x125x80xi32, #tpu.memory_space<hbm>> -> memref<125x80xi32, #tpu.memory_space<hbm>>
      %dma_start3A_244 = arith.constant 0 : i32
      %dma_start3A_245 = arith.constant 0 : i32
      %dma_start3A_246 = tpu.memref_slice %arg3[%run_scoped3A_5, %add3A, %dma_start3A_244, %dma_start3A_245] : memref<2x32x125x80xi32, #tpu.memory_space<hbm>> -> memref<1x1x125x80xi32, #tpu.memory_space<hbm>>
      %dma_start3A_247 = tpu.memref_squeeze %dma_start3A_246 : memref<1x1x125x80xi32, #tpu.memory_space<hbm>> -> memref<125x80xi32, #tpu.memory_space<hbm>>
      tpu.enqueue_dma source(%dma_start3A_247 : memref<125x80xi32, #tpu.memory_space<hbm>>) target(%arg8 : memref<125x80xi32, #tpu.memory_space<vmem>>) target_semaphore(%run_scoped3A_239 : memref<!tpu.dma_semaphore, #tpu.memory_space<semaphore_mem>>)
      %dma_wait3A_248 = arith.constant 0 : i32
      %dma_wait3A_249 = arith.constant 0 : i32
      %dma_wait3A_250 = tpu.memref_slice %arg3[%run_scoped3A_5, %add3A, %dma_wait3A_248, %dma_wait3A_249] : memref<2x32x125x80xi32, #tpu.memory_space<hbm>> -> memref<1x1x125x80xi32, #tpu.memory_space<hbm>>
      %dma_wait3A_251 = tpu.memref_squeeze %dma_wait3A_250 : memref<1x1x125x80xi32, #tpu.memory_space<hbm>> -> memref<125x80xi32, #tpu.memory_space<hbm>>
      %dma_wait3A_252 = arith.constant 0 : i32
      %dma_wait3A_253 = arith.constant 0 : i32
      %dma_wait3A_254 = tpu.memref_slice %arg3[%run_scoped3A_5, %add3A, %dma_wait3A_252, %dma_wait3A_253] : memref<2x32x125x80xi32, #tpu.memory_space<hbm>> -> memref<1x1x125x80xi32, #tpu.memory_space<hbm>>
      %dma_wait3A_255 = tpu.memref_squeeze %dma_wait3A_254 : memref<1x1x125x80xi32, #tpu.memory_space<hbm>> -> memref<125x80xi32, #tpu.memory_space<hbm>>
      tpu.wait_dma2 semaphore(%run_scoped3A_239 : memref<!tpu.dma_semaphore, #tpu.memory_space<semaphore_mem>>) src(%dma_wait3A_255 : memref<125x80xi32, #tpu.memory_space<hbm>>) dst(%arg8 : memref<125x80xi32, #tpu.memory_space<vmem>>)
      tpu.yield
    }) : () -> ()
    %barrier3A = arith.constant 0 : index
    tpu.barrier barrier_id(%barrier3A)
    %scan3A = arith.constant 0 : i32
    %scan3A_6 = arith.constant 0 : i32
    %scan3A_7 = arith.constant 12 : i32
    %scan3A_8 = arith.addi %scan3A_6, %scan3A_7 : i32
    %scan3A_9 = arith.constant 1 : i32
    scf.for %scan3A_239 = %scan3A_6 to %scan3A_8 step %scan3A_9  : i32 {
      %mul3A_240 = arith.constant 2 : i32
      %mul3A_241 = arith.muli %scan3A_239, %mul3A_240 : i32
      %mul3A_242 = arith.constant 5 : i32
      %mul3A_243 = arith.muli %mul3A_241, %mul3A_242 : i32
      %add3A_244 = arith.constant 5 : i32
      %add3A_245 = arith.addi %mul3A_243, %add3A_244 : i32
      %gt3A = arith.constant 0 : i32
      %gt3A_246 = arith.cmpi sgt, %scan3A_239, %gt3A : i32
      %convert_element_type3A_247 = arith.extui %gt3A_246 : i1 to i32
      %cond3A_248 = arith.constant 0 : i32
      %cond3A_249 = arith.cmpi ne, %convert_element_type3A_247, %cond3A_248 : i32
      scf.if %cond3A_249 {
        %dma_wait3A_565 = arith.constant 0 : i32
        %dma_wait3A_566 = arith.constant 0 : i32
        %dma_wait3A_567 = tpu.memref_slice %arg9[%dma_wait3A_565, %dma_wait3A_566] : memref<800x64xf32, #tpu.memory_space<vmem>> -> memref<400x64xf32, #tpu.memory_space<vmem>>
        %dma_wait3A_568 = arith.constant 0 : i32
        %dma_wait3A_569 = arith.constant 0 : i32
        %dma_wait3A_570 = tpu.memref_slice %arg2[%dma_wait3A_568, %dma_wait3A_569] : memref<10000x64xf32, #tpu.memory_space<hbm>> -> memref<400x64xf32, #tpu.memory_space<hbm>>
        %dma_wait3A_571 = arith.constant 0 : i32
        %dma_wait3A_572 = arith.constant 0 : i32
        %dma_wait3A_573 = tpu.memref_slice %arg9[%dma_wait3A_571, %dma_wait3A_572] : memref<800x64xf32, #tpu.memory_space<vmem>> -> memref<400x64xf32, #tpu.memory_space<vmem>>
        %dma_wait3A_574 = arith.constant 0 : i32
        %dma_wait3A_575 = arith.constant 0 : i32
        %dma_wait3A_576 = tpu.memref_slice %arg2[%dma_wait3A_574, %dma_wait3A_575] : memref<10000x64xf32, #tpu.memory_space<hbm>> -> memref<400x64xf32, #tpu.memory_space<hbm>>
        tpu.wait_dma2 semaphore(%arg11 : memref<!tpu.dma_semaphore, #tpu.memory_space<semaphore_mem>>) src(%dma_wait3A_576 : memref<400x64xf32, #tpu.memory_space<hbm>>) dst(%dma_wait3A_573 : memref<400x64xf32, #tpu.memory_space<vmem>>)
      } else {
      }
      %add3A_250 = arith.constant 0 : i32
      %add3A_251 = arith.addi %mul3A_243, %add3A_250 : i32
      %dma_start3A_252 = arith.constant 0 : i32
      %dma_start3A_253 = arith.constant 0 : i32
      %dma_start3A_254 = tpu.memref_slice %arg9[%dma_start3A_252, %dma_start3A_253] : memref<800x64xf32, #tpu.memory_space<vmem>> -> memref<80x64xf32, #tpu.memory_space<vmem>>
      %dma_start3A_255 = arith.constant 0 : i32
      %dma_start3A_256 = tpu.memref_slice %arg7[%add3A_251, %dma_start3A_255] : memref<125x80xi32, #tpu.memory_space<vmem>> -> memref<1x80xi32, #tpu.memory_space<vmem>>
      %dma_start3A_257 = tpu.memref_squeeze %dma_start3A_256 : memref<1x80xi32, #tpu.memory_space<vmem>> -> memref<80xi32, #tpu.memory_space<vmem>>
      %dma_start3A_258 = arith.constant 0 : i32
      %dma_start3A_259 = arith.constant 0 : i32
      %dma_start3A_260 = tpu.memref_slice %arg2[%dma_start3A_258, %dma_start3A_259] : memref<10000x64xf32, #tpu.memory_space<hbm>> -> memref<10000x64xf32, #tpu.memory_space<hbm>>
      tpu.enqueue_indirect_dma source(%dma_start3A_260 : memref<10000x64xf32, #tpu.memory_space<hbm>>) target(%dma_start3A_254 : memref<80x64xf32, #tpu.memory_space<vmem>>) offsets(%dma_start3A_257 : memref<80xi32, #tpu.memory_space<vmem>>) semaphore(%arg10 : memref<!tpu.dma_semaphore, #tpu.memory_space<semaphore_mem>>)
      %add3A_261 = arith.constant 1 : i32
      %add3A_262 = arith.addi %mul3A_243, %add3A_261 : i32
      %dma_start3A_263 = arith.constant 80 : i32
      %dma_start3A_264 = arith.constant 0 : i32
      %dma_start3A_265 = tpu.memref_slice %arg9[%dma_start3A_263, %dma_start3A_264] : memref<800x64xf32, #tpu.memory_space<vmem>> -> memref<80x64xf32, #tpu.memory_space<vmem>>
      %dma_start3A_266 = arith.constant 0 : i32
      %dma_start3A_267 = tpu.memref_slice %arg7[%add3A_262, %dma_start3A_266] : memref<125x80xi32, #tpu.memory_space<vmem>> -> memref<1x80xi32, #tpu.memory_space<vmem>>
      %dma_start3A_268 = tpu.memref_squeeze %dma_start3A_267 : memref<1x80xi32, #tpu.memory_space<vmem>> -> memref<80xi32, #tpu.memory_space<vmem>>
      %dma_start3A_269 = arith.constant 0 : i32
      %dma_start3A_270 = arith.constant 0 : i32
      %dma_start3A_271 = tpu.memref_slice %arg2[%dma_start3A_269, %dma_start3A_270] : memref<10000x64xf32, #tpu.memory_space<hbm>> -> memref<10000x64xf32, #tpu.memory_space<hbm>>
      tpu.enqueue_indirect_dma source(%dma_start3A_271 : memref<10000x64xf32, #tpu.memory_space<hbm>>) target(%dma_start3A_265 : memref<80x64xf32, #tpu.memory_space<vmem>>) offsets(%dma_start3A_268 : memref<80xi32, #tpu.memory_space<vmem>>) semaphore(%arg10 : memref<!tpu.dma_semaphore, #tpu.memory_space<semaphore_mem>>)
      %add3A_272 = arith.constant 2 : i32
      %add3A_273 = arith.addi %mul3A_243, %add3A_272 : i32
      %dma_start3A_274 = arith.constant 160 : i32
      %dma_start3A_275 = arith.constant 0 : i32
      %dma_start3A_276 = tpu.memref_slice %arg9[%dma_start3A_274, %dma_start3A_275] : memref<800x64xf32, #tpu.memory_space<vmem>> -> memref<80x64xf32, #tpu.memory_space<vmem>>
      %dma_start3A_277 = arith.constant 0 : i32
      %dma_start3A_278 = tpu.memref_slice %arg7[%add3A_273, %dma_start3A_277] : memref<125x80xi32, #tpu.memory_space<vmem>> -> memref<1x80xi32, #tpu.memory_space<vmem>>
      %dma_start3A_279 = tpu.memref_squeeze %dma_start3A_278 : memref<1x80xi32, #tpu.memory_space<vmem>> -> memref<80xi32, #tpu.memory_space<vmem>>
      %dma_start3A_280 = arith.constant 0 : i32
      %dma_start3A_281 = arith.constant 0 : i32
      %dma_start3A_282 = tpu.memref_slice %arg2[%dma_start3A_280, %dma_start3A_281] : memref<10000x64xf32, #tpu.memory_space<hbm>> -> memref<10000x64xf32, #tpu.memory_space<hbm>>
      tpu.enqueue_indirect_dma source(%dma_start3A_282 : memref<10000x64xf32, #tpu.memory_space<hbm>>) target(%dma_start3A_276 : memref<80x64xf32, #tpu.memory_space<vmem>>) offsets(%dma_start3A_279 : memref<80xi32, #tpu.memory_space<vmem>>) semaphore(%arg10 : memref<!tpu.dma_semaphore, #tpu.memory_space<semaphore_mem>>)
      %add3A_283 = arith.constant 3 : i32
      %add3A_284 = arith.addi %mul3A_243, %add3A_283 : i32
      %dma_start3A_285 = arith.constant 240 : i32
      %dma_start3A_286 = arith.constant 0 : i32
      %dma_start3A_287 = tpu.memref_slice %arg9[%dma_start3A_285, %dma_start3A_286] : memref<800x64xf32, #tpu.memory_space<vmem>> -> memref<80x64xf32, #tpu.memory_space<vmem>>
      %dma_start3A_288 = arith.constant 0 : i32
      %dma_start3A_289 = tpu.memref_slice %arg7[%add3A_284, %dma_start3A_288] : memref<125x80xi32, #tpu.memory_space<vmem>> -> memref<1x80xi32, #tpu.memory_space<vmem>>
      %dma_start3A_290 = tpu.memref_squeeze %dma_start3A_289 : memref<1x80xi32, #tpu.memory_space<vmem>> -> memref<80xi32, #tpu.memory_space<vmem>>
      %dma_start3A_291 = arith.constant 0 : i32
      %dma_start3A_292 = arith.constant 0 : i32
      %dma_start3A_293 = tpu.memref_slice %arg2[%dma_start3A_291, %dma_start3A_292] : memref<10000x64xf32, #tpu.memory_space<hbm>> -> memref<10000x64xf32, #tpu.memory_space<hbm>>
      tpu.enqueue_indirect_dma source(%dma_start3A_293 : memref<10000x64xf32, #tpu.memory_space<hbm>>) target(%dma_start3A_287 : memref<80x64xf32, #tpu.memory_space<vmem>>) offsets(%dma_start3A_290 : memref<80xi32, #tpu.memory_space<vmem>>) semaphore(%arg10 : memref<!tpu.dma_semaphore, #tpu.memory_space<semaphore_mem>>)
      %add3A_294 = arith.constant 4 : i32
      %add3A_295 = arith.addi %mul3A_243, %add3A_294 : i32
      %dma_start3A_296 = arith.constant 320 : i32
      %dma_start3A_297 = arith.constant 0 : i32
      %dma_start3A_298 = tpu.memref_slice %arg9[%dma_start3A_296, %dma_start3A_297] : memref<800x64xf32, #tpu.memory_space<vmem>> -> memref<80x64xf32, #tpu.memory_space<vmem>>
      %dma_start3A_299 = arith.constant 0 : i32
      %dma_start3A_300 = tpu.memref_slice %arg7[%add3A_295, %dma_start3A_299] : memref<125x80xi32, #tpu.memory_space<vmem>> -> memref<1x80xi32, #tpu.memory_space<vmem>>
      %dma_start3A_301 = tpu.memref_squeeze %dma_start3A_300 : memref<1x80xi32, #tpu.memory_space<vmem>> -> memref<80xi32, #tpu.memory_space<vmem>>
      %dma_start3A_302 = arith.constant 0 : i32
      %dma_start3A_303 = arith.constant 0 : i32
      %dma_start3A_304 = tpu.memref_slice %arg2[%dma_start3A_302, %dma_start3A_303] : memref<10000x64xf32, #tpu.memory_space<hbm>> -> memref<10000x64xf32, #tpu.memory_space<hbm>>
      tpu.enqueue_indirect_dma source(%dma_start3A_304 : memref<10000x64xf32, #tpu.memory_space<hbm>>) target(%dma_start3A_298 : memref<80x64xf32, #tpu.memory_space<vmem>>) offsets(%dma_start3A_301 : memref<80xi32, #tpu.memory_space<vmem>>) semaphore(%arg10 : memref<!tpu.dma_semaphore, #tpu.memory_space<semaphore_mem>>)
      %gt3A_305 = arith.constant 0 : i32
      %gt3A_306 = arith.cmpi sgt, %scan3A_239, %gt3A_305 : i32
      %convert_element_type3A_307 = arith.extui %gt3A_306 : i1 to i32
      %cond3A_308 = arith.constant 0 : i32
      %cond3A_309 = arith.cmpi ne, %convert_element_type3A_307, %cond3A_308 : i32
      scf.if %cond3A_309 {
        %dma_wait3A_565 = arith.constant 0 : i32
        %dma_wait3A_566 = arith.constant 0 : i32
        %dma_wait3A_567 = tpu.memref_slice %arg9[%dma_wait3A_565, %dma_wait3A_566] : memref<800x64xf32, #tpu.memory_space<vmem>> -> memref<400x64xf32, #tpu.memory_space<vmem>>
        %dma_wait3A_568 = arith.constant 0 : i32
        %dma_wait3A_569 = arith.constant 0 : i32
        %dma_wait3A_570 = tpu.memref_slice %arg2[%dma_wait3A_568, %dma_wait3A_569] : memref<10000x64xf32, #tpu.memory_space<hbm>> -> memref<400x64xf32, #tpu.memory_space<hbm>>
        %dma_wait3A_571 = arith.constant 0 : i32
        %dma_wait3A_572 = arith.constant 0 : i32
        %dma_wait3A_573 = tpu.memref_slice %arg9[%dma_wait3A_571, %dma_wait3A_572] : memref<800x64xf32, #tpu.memory_space<vmem>> -> memref<400x64xf32, #tpu.memory_space<vmem>>
        %dma_wait3A_574 = arith.constant 0 : i32
        %dma_wait3A_575 = arith.constant 0 : i32
        %dma_wait3A_576 = tpu.memref_slice %arg2[%dma_wait3A_574, %dma_wait3A_575] : memref<10000x64xf32, #tpu.memory_space<hbm>> -> memref<400x64xf32, #tpu.memory_space<hbm>>
        tpu.wait_dma2 semaphore(%arg12 : memref<!tpu.dma_semaphore, #tpu.memory_space<semaphore_mem>>) src(%dma_wait3A_576 : memref<400x64xf32, #tpu.memory_space<hbm>>) dst(%dma_wait3A_573 : memref<400x64xf32, #tpu.memory_space<vmem>>)
      } else {
      }
      %add3A_310 = arith.constant 0 : i32
      %add3A_311 = arith.addi %add3A_245, %add3A_310 : i32
      %dma_start3A_312 = arith.constant 400 : i32
      %dma_start3A_313 = arith.constant 0 : i32
      %dma_start3A_314 = tpu.memref_slice %arg9[%dma_start3A_312, %dma_start3A_313] : memref<800x64xf32, #tpu.memory_space<vmem>> -> memref<80x64xf32, #tpu.memory_space<vmem>>
      %dma_start3A_315 = arith.constant 0 : i32
      %dma_start3A_316 = tpu.memref_slice %arg7[%add3A_311, %dma_start3A_315] : memref<125x80xi32, #tpu.memory_space<vmem>> -> memref<1x80xi32, #tpu.memory_space<vmem>>
      %dma_start3A_317 = tpu.memref_squeeze %dma_start3A_316 : memref<1x80xi32, #tpu.memory_space<vmem>> -> memref<80xi32, #tpu.memory_space<vmem>>
      %dma_start3A_318 = arith.constant 0 : i32
      %dma_start3A_319 = arith.constant 0 : i32
      %dma_start3A_320 = tpu.memref_slice %arg2[%dma_start3A_318, %dma_start3A_319] : memref<10000x64xf32, #tpu.memory_space<hbm>> -> memref<10000x64xf32, #tpu.memory_space<hbm>>
      tpu.enqueue_indirect_dma source(%dma_start3A_320 : memref<10000x64xf32, #tpu.memory_space<hbm>>) target(%dma_start3A_314 : memref<80x64xf32, #tpu.memory_space<vmem>>) offsets(%dma_start3A_317 : memref<80xi32, #tpu.memory_space<vmem>>) semaphore(%arg10 : memref<!tpu.dma_semaphore, #tpu.memory_space<semaphore_mem>>)
      %add3A_321 = arith.constant 1 : i32
      %add3A_322 = arith.addi %add3A_245, %add3A_321 : i32
      %dma_start3A_323 = arith.constant 480 : i32
      %dma_start3A_324 = arith.constant 0 : i32
      %dma_start3A_325 = tpu.memref_slice %arg9[%dma_start3A_323, %dma_start3A_324] : memref<800x64xf32, #tpu.memory_space<vmem>> -> memref<80x64xf32, #tpu.memory_space<vmem>>
      %dma_start3A_326 = arith.constant 0 : i32
      %dma_start3A_327 = tpu.memref_slice %arg7[%add3A_322, %dma_start3A_326] : memref<125x80xi32, #tpu.memory_space<vmem>> -> memref<1x80xi32, #tpu.memory_space<vmem>>
      %dma_start3A_328 = tpu.memref_squeeze %dma_start3A_327 : memref<1x80xi32, #tpu.memory_space<vmem>> -> memref<80xi32, #tpu.memory_space<vmem>>
      %dma_start3A_329 = arith.constant 0 : i32
      %dma_start3A_330 = arith.constant 0 : i32
      %dma_start3A_331 = tpu.memref_slice %arg2[%dma_start3A_329, %dma_start3A_330] : memref<10000x64xf32, #tpu.memory_space<hbm>> -> memref<10000x64xf32, #tpu.memory_space<hbm>>
      tpu.enqueue_indirect_dma source(%dma_start3A_331 : memref<10000x64xf32, #tpu.memory_space<hbm>>) target(%dma_start3A_325 : memref<80x64xf32, #tpu.memory_space<vmem>>) offsets(%dma_start3A_328 : memref<80xi32, #tpu.memory_space<vmem>>) semaphore(%arg10 : memref<!tpu.dma_semaphore, #tpu.memory_space<semaphore_mem>>)
      %add3A_332 = arith.constant 2 : i32
      %add3A_333 = arith.addi %add3A_245, %add3A_332 : i32
      %dma_start3A_334 = arith.constant 560 : i32
      %dma_start3A_335 = arith.constant 0 : i32
      %dma_start3A_336 = tpu.memref_slice %arg9[%dma_start3A_334, %dma_start3A_335] : memref<800x64xf32, #tpu.memory_space<vmem>> -> memref<80x64xf32, #tpu.memory_space<vmem>>
      %dma_start3A_337 = arith.constant 0 : i32
      %dma_start3A_338 = tpu.memref_slice %arg7[%add3A_333, %dma_start3A_337] : memref<125x80xi32, #tpu.memory_space<vmem>> -> memref<1x80xi32, #tpu.memory_space<vmem>>
      %dma_start3A_339 = tpu.memref_squeeze %dma_start3A_338 : memref<1x80xi32, #tpu.memory_space<vmem>> -> memref<80xi32, #tpu.memory_space<vmem>>
      %dma_start3A_340 = arith.constant 0 : i32
      %dma_start3A_341 = arith.constant 0 : i32
      %dma_start3A_342 = tpu.memref_slice %arg2[%dma_start3A_340, %dma_start3A_341] : memref<10000x64xf32, #tpu.memory_space<hbm>> -> memref<10000x64xf32, #tpu.memory_space<hbm>>
      tpu.enqueue_indirect_dma source(%dma_start3A_342 : memref<10000x64xf32, #tpu.memory_space<hbm>>) target(%dma_start3A_336 : memref<80x64xf32, #tpu.memory_space<vmem>>) offsets(%dma_start3A_339 : memref<80xi32, #tpu.memory_space<vmem>>) semaphore(%arg10 : memref<!tpu.dma_semaphore, #tpu.memory_space<semaphore_mem>>)
      %add3A_343 = arith.constant 3 : i32
      %add3A_344 = arith.addi %add3A_245, %add3A_343 : i32
      %dma_start3A_345 = arith.constant 640 : i32
      %dma_start3A_346 = arith.constant 0 : i32
      %dma_start3A_347 = tpu.memref_slice %arg9[%dma_start3A_345, %dma_start3A_346] : memref<800x64xf32, #tpu.memory_space<vmem>> -> memref<80x64xf32, #tpu.memory_space<vmem>>
      %dma_start3A_348 = arith.constant 0 : i32
      %dma_start3A_349 = tpu.memref_slice %arg7[%add3A_344, %dma_start3A_348] : memref<125x80xi32, #tpu.memory_space<vmem>> -> memref<1x80xi32, #tpu.memory_space<vmem>>
      %dma_start3A_350 = tpu.memref_squeeze %dma_start3A_349 : memref<1x80xi32, #tpu.memory_space<vmem>> -> memref<80xi32, #tpu.memory_space<vmem>>
      %dma_start3A_351 = arith.constant 0 : i32
      %dma_start3A_352 = arith.constant 0 : i32
      %dma_start3A_353 = tpu.memref_slice %arg2[%dma_start3A_351, %dma_start3A_352] : memref<10000x64xf32, #tpu.memory_space<hbm>> -> memref<10000x64xf32, #tpu.memory_space<hbm>>
      tpu.enqueue_indirect_dma source(%dma_start3A_353 : memref<10000x64xf32, #tpu.memory_space<hbm>>) target(%dma_start3A_347 : memref<80x64xf32, #tpu.memory_space<vmem>>) offsets(%dma_start3A_350 : memref<80xi32, #tpu.memory_space<vmem>>) semaphore(%arg10 : memref<!tpu.dma_semaphore, #tpu.memory_space<semaphore_mem>>)
      %add3A_354 = arith.constant 4 : i32
      %add3A_355 = arith.addi %add3A_245, %add3A_354 : i32
      %dma_start3A_356 = arith.constant 720 : i32
      %dma_start3A_357 = arith.constant 0 : i32
      %dma_start3A_358 = tpu.memref_slice %arg9[%dma_start3A_356, %dma_start3A_357] : memref<800x64xf32, #tpu.memory_space<vmem>> -> memref<80x64xf32, #tpu.memory_space<vmem>>
      %dma_start3A_359 = arith.constant 0 : i32
      %dma_start3A_360 = tpu.memref_slice %arg7[%add3A_355, %dma_start3A_359] : memref<125x80xi32, #tpu.memory_space<vmem>> -> memref<1x80xi32, #tpu.memory_space<vmem>>
      %dma_start3A_361 = tpu.memref_squeeze %dma_start3A_360 : memref<1x80xi32, #tpu.memory_space<vmem>> -> memref<80xi32, #tpu.memory_space<vmem>>
      %dma_start3A_362 = arith.constant 0 : i32
      %dma_start3A_363 = arith.constant 0 : i32
      %dma_start3A_364 = tpu.memref_slice %arg2[%dma_start3A_362, %dma_start3A_363] : memref<10000x64xf32, #tpu.memory_space<hbm>> -> memref<10000x64xf32, #tpu.memory_space<hbm>>
      tpu.enqueue_indirect_dma source(%dma_start3A_364 : memref<10000x64xf32, #tpu.memory_space<hbm>>) target(%dma_start3A_358 : memref<80x64xf32, #tpu.memory_space<vmem>>) offsets(%dma_start3A_361 : memref<80xi32, #tpu.memory_space<vmem>>) semaphore(%arg10 : memref<!tpu.dma_semaphore, #tpu.memory_space<semaphore_mem>>)
      %dma_wait3A_365 = arith.constant 0 : i32
      %dma_wait3A_366 = arith.constant 0 : i32
      %dma_wait3A_367 = tpu.memref_slice %arg9[%dma_wait3A_365, %dma_wait3A_366] : memref<800x64xf32, #tpu.memory_space<vmem>> -> memref<80x64xf32, #tpu.memory_space<vmem>>
      %dma_wait3A_368 = arith.constant 0 : i32
      %dma_wait3A_369 = tpu.memref_slice %arg7[%add3A_251, %dma_wait3A_368] : memref<125x80xi32, #tpu.memory_space<vmem>> -> memref<1x80xi32, #tpu.memory_space<vmem>>
      %dma_wait3A_370 = tpu.memref_squeeze %dma_wait3A_369 : memref<1x80xi32, #tpu.memory_space<vmem>> -> memref<80xi32, #tpu.memory_space<vmem>>
      %dma_wait3A_371 = arith.constant 0 : i32
      %dma_wait3A_372 = arith.constant 0 : i32
      %dma_wait3A_373 = tpu.memref_slice %arg2[%dma_wait3A_371, %dma_wait3A_372] : memref<10000x64xf32, #tpu.memory_space<hbm>> -> memref<10000x64xf32, #tpu.memory_space<hbm>>
      tpu.wait_indirect_dma semaphore(%arg10 : memref<!tpu.dma_semaphore, #tpu.memory_space<semaphore_mem>>) src(%dma_wait3A_373 : memref<10000x64xf32, #tpu.memory_space<hbm>>) dst(%dma_wait3A_367 : memref<80x64xf32, #tpu.memory_space<vmem>>)
      %dma_wait3A_374 = arith.constant 80 : i32
      %dma_wait3A_375 = arith.constant 0 : i32
      %dma_wait3A_376 = tpu.memref_slice %arg9[%dma_wait3A_374, %dma_wait3A_375] : memref<800x64xf32, #tpu.memory_space<vmem>> -> memref<80x64xf32, #tpu.memory_space<vmem>>
      %dma_wait3A_377 = arith.constant 0 : i32
      %dma_wait3A_378 = tpu.memref_slice %arg7[%add3A_262, %dma_wait3A_377] : memref<125x80xi32, #tpu.memory_space<vmem>> -> memref<1x80xi32, #tpu.memory_space<vmem>>
      %dma_wait3A_379 = tpu.memref_squeeze %dma_wait3A_378 : memref<1x80xi32, #tpu.memory_space<vmem>> -> memref<80xi32, #tpu.memory_space<vmem>>
      %dma_wait3A_380 = arith.constant 0 : i32
      %dma_wait3A_381 = arith.constant 0 : i32
      %dma_wait3A_382 = tpu.memref_slice %arg2[%dma_wait3A_380, %dma_wait3A_381] : memref<10000x64xf32, #tpu.memory_space<hbm>> -> memref<10000x64xf32, #tpu.memory_space<hbm>>
      tpu.wait_indirect_dma semaphore(%arg10 : memref<!tpu.dma_semaphore, #tpu.memory_space<semaphore_mem>>) src(%dma_wait3A_382 : memref<10000x64xf32, #tpu.memory_space<hbm>>) dst(%dma_wait3A_376 : memref<80x64xf32, #tpu.memory_space<vmem>>)
      %dma_wait3A_383 = arith.constant 160 : i32
      %dma_wait3A_384 = arith.constant 0 : i32
      %dma_wait3A_385 = tpu.memref_slice %arg9[%dma_wait3A_383, %dma_wait3A_384] : memref<800x64xf32, #tpu.memory_space<vmem>> -> memref<80x64xf32, #tpu.memory_space<vmem>>
      %dma_wait3A_386 = arith.constant 0 : i32
      %dma_wait3A_387 = tpu.memref_slice %arg7[%add3A_273, %dma_wait3A_386] : memref<125x80xi32, #tpu.memory_space<vmem>> -> memref<1x80xi32, #tpu.memory_space<vmem>>
      %dma_wait3A_388 = tpu.memref_squeeze %dma_wait3A_387 : memref<1x80xi32, #tpu.memory_space<vmem>> -> memref<80xi32, #tpu.memory_space<vmem>>
      %dma_wait3A_389 = arith.constant 0 : i32
      %dma_wait3A_390 = arith.constant 0 : i32
      %dma_wait3A_391 = tpu.memref_slice %arg2[%dma_wait3A_389, %dma_wait3A_390] : memref<10000x64xf32, #tpu.memory_space<hbm>> -> memref<10000x64xf32, #tpu.memory_space<hbm>>
      tpu.wait_indirect_dma semaphore(%arg10 : memref<!tpu.dma_semaphore, #tpu.memory_space<semaphore_mem>>) src(%dma_wait3A_391 : memref<10000x64xf32, #tpu.memory_space<hbm>>) dst(%dma_wait3A_385 : memref<80x64xf32, #tpu.memory_space<vmem>>)
      %dma_wait3A_392 = arith.constant 240 : i32
      %dma_wait3A_393 = arith.constant 0 : i32
      %dma_wait3A_394 = tpu.memref_slice %arg9[%dma_wait3A_392, %dma_wait3A_393] : memref<800x64xf32, #tpu.memory_space<vmem>> -> memref<80x64xf32, #tpu.memory_space<vmem>>
      %dma_wait3A_395 = arith.constant 0 : i32
      %dma_wait3A_396 = tpu.memref_slice %arg7[%add3A_284, %dma_wait3A_395] : memref<125x80xi32, #tpu.memory_space<vmem>> -> memref<1x80xi32, #tpu.memory_space<vmem>>
      %dma_wait3A_397 = tpu.memref_squeeze %dma_wait3A_396 : memref<1x80xi32, #tpu.memory_space<vmem>> -> memref<80xi32, #tpu.memory_space<vmem>>
      %dma_wait3A_398 = arith.constant 0 : i32
      %dma_wait3A_399 = arith.constant 0 : i32
      %dma_wait3A_400 = tpu.memref_slice %arg2[%dma_wait3A_398, %dma_wait3A_399] : memref<10000x64xf32, #tpu.memory_space<hbm>> -> memref<10000x64xf32, #tpu.memory_space<hbm>>
      tpu.wait_indirect_dma semaphore(%arg10 : memref<!tpu.dma_semaphore, #tpu.memory_space<semaphore_mem>>) src(%dma_wait3A_400 : memref<10000x64xf32, #tpu.memory_space<hbm>>) dst(%dma_wait3A_394 : memref<80x64xf32, #tpu.memory_space<vmem>>)
      %dma_wait3A_401 = arith.constant 320 : i32
      %dma_wait3A_402 = arith.constant 0 : i32
      %dma_wait3A_403 = tpu.memref_slice %arg9[%dma_wait3A_401, %dma_wait3A_402] : memref<800x64xf32, #tpu.memory_space<vmem>> -> memref<80x64xf32, #tpu.memory_space<vmem>>
      %dma_wait3A_404 = arith.constant 0 : i32
      %dma_wait3A_405 = tpu.memref_slice %arg7[%add3A_295, %dma_wait3A_404] : memref<125x80xi32, #tpu.memory_space<vmem>> -> memref<1x80xi32, #tpu.memory_space<vmem>>
      %dma_wait3A_406 = tpu.memref_squeeze %dma_wait3A_405 : memref<1x80xi32, #tpu.memory_space<vmem>> -> memref<80xi32, #tpu.memory_space<vmem>>
      %dma_wait3A_407 = arith.constant 0 : i32
      %dma_wait3A_408 = arith.constant 0 : i32
      %dma_wait3A_409 = tpu.memref_slice %arg2[%dma_wait3A_407, %dma_wait3A_408] : memref<10000x64xf32, #tpu.memory_space<hbm>> -> memref<10000x64xf32, #tpu.memory_space<hbm>>
      tpu.wait_indirect_dma semaphore(%arg10 : memref<!tpu.dma_semaphore, #tpu.memory_space<semaphore_mem>>) src(%dma_wait3A_409 : memref<10000x64xf32, #tpu.memory_space<hbm>>) dst(%dma_wait3A_403 : memref<80x64xf32, #tpu.memory_space<vmem>>)
      %add3A_410 = arith.constant 0 : i32
      %add3A_411 = arith.addi %mul3A_243, %add3A_410 : i32
      %dma_start3A_412 = arith.constant 0 : i32
      %dma_start3A_413 = arith.constant 0 : i32
      %dma_start3A_414 = tpu.memref_slice %arg9[%dma_start3A_412, %dma_start3A_413] : memref<800x64xf32, #tpu.memory_space<vmem>> -> memref<80x64xf32, #tpu.memory_space<vmem>>
      %dma_start3A_415 = arith.constant 0 : i32
      %dma_start3A_416 = tpu.memref_slice %arg8[%add3A_411, %dma_start3A_415] : memref<125x80xi32, #tpu.memory_space<vmem>> -> memref<1x80xi32, #tpu.memory_space<vmem>>
      %dma_start3A_417 = tpu.memref_squeeze %dma_start3A_416 : memref<1x80xi32, #tpu.memory_space<vmem>> -> memref<80xi32, #tpu.memory_space<vmem>>
      %dma_start3A_418 = arith.constant 0 : i32
      %dma_start3A_419 = arith.constant 0 : i32
      %dma_start3A_420 = tpu.memref_slice %arg6[%dma_start3A_418, %dma_start3A_419] : memref<10000x64xf32, #tpu.memory_space<vmem_shared>> -> memref<10000x64xf32, #tpu.memory_space<vmem_shared>>
      tpu.enqueue_indirect_dma source(%dma_start3A_414 : memref<80x64xf32, #tpu.memory_space<vmem>>) target(%dma_start3A_420 : memref<10000x64xf32, #tpu.memory_space<vmem_shared>>) offsets(%dma_start3A_417 : memref<80xi32, #tpu.memory_space<vmem>>) semaphore(%arg11 : memref<!tpu.dma_semaphore, #tpu.memory_space<semaphore_mem>>) {add = true}
      %add3A_421 = arith.constant 1 : i32
      %add3A_422 = arith.addi %mul3A_243, %add3A_421 : i32
      %dma_start3A_423 = arith.constant 80 : i32
      %dma_start3A_424 = arith.constant 0 : i32
      %dma_start3A_425 = tpu.memref_slice %arg9[%dma_start3A_423, %dma_start3A_424] : memref<800x64xf32, #tpu.memory_space<vmem>> -> memref<80x64xf32, #tpu.memory_space<vmem>>
      %dma_start3A_426 = arith.constant 0 : i32
      %dma_start3A_427 = tpu.memref_slice %arg8[%add3A_422, %dma_start3A_426] : memref<125x80xi32, #tpu.memory_space<vmem>> -> memref<1x80xi32, #tpu.memory_space<vmem>>
      %dma_start3A_428 = tpu.memref_squeeze %dma_start3A_427 : memref<1x80xi32, #tpu.memory_space<vmem>> -> memref<80xi32, #tpu.memory_space<vmem>>
      %dma_start3A_429 = arith.constant 0 : i32
      %dma_start3A_430 = arith.constant 0 : i32
      %dma_start3A_431 = tpu.memref_slice %arg6[%dma_start3A_429, %dma_start3A_430] : memref<10000x64xf32, #tpu.memory_space<vmem_shared>> -> memref<10000x64xf32, #tpu.memory_space<vmem_shared>>
      tpu.enqueue_indirect_dma source(%dma_start3A_425 : memref<80x64xf32, #tpu.memory_space<vmem>>) target(%dma_start3A_431 : memref<10000x64xf32, #tpu.memory_space<vmem_shared>>) offsets(%dma_start3A_428 : memref<80xi32, #tpu.memory_space<vmem>>) semaphore(%arg11 : memref<!tpu.dma_semaphore, #tpu.memory_space<semaphore_mem>>) {add = true}
      %add3A_432 = arith.constant 2 : i32
      %add3A_433 = arith.addi %mul3A_243, %add3A_432 : i32
      %dma_start3A_434 = arith.constant 160 : i32
      %dma_start3A_435 = arith.constant 0 : i32
      %dma_start3A_436 = tpu.memref_slice %arg9[%dma_start3A_434, %dma_start3A_435] : memref<800x64xf32, #tpu.memory_space<vmem>> -> memref<80x64xf32, #tpu.memory_space<vmem>>
      %dma_start3A_437 = arith.constant 0 : i32
      %dma_start3A_438 = tpu.memref_slice %arg8[%add3A_433, %dma_start3A_437] : memref<125x80xi32, #tpu.memory_space<vmem>> -> memref<1x80xi32, #tpu.memory_space<vmem>>
      %dma_start3A_439 = tpu.memref_squeeze %dma_start3A_438 : memref<1x80xi32, #tpu.memory_space<vmem>> -> memref<80xi32, #tpu.memory_space<vmem>>
      %dma_start3A_440 = arith.constant 0 : i32
      %dma_start3A_441 = arith.constant 0 : i32
      %dma_start3A_442 = tpu.memref_slice %arg6[%dma_start3A_440, %dma_start3A_441] : memref<10000x64xf32, #tpu.memory_space<vmem_shared>> -> memref<10000x64xf32, #tpu.memory_space<vmem_shared>>
      tpu.enqueue_indirect_dma source(%dma_start3A_436 : memref<80x64xf32, #tpu.memory_space<vmem>>) target(%dma_start3A_442 : memref<10000x64xf32, #tpu.memory_space<vmem_shared>>) offsets(%dma_start3A_439 : memref<80xi32, #tpu.memory_space<vmem>>) semaphore(%arg11 : memref<!tpu.dma_semaphore, #tpu.memory_space<semaphore_mem>>) {add = true}
      %add3A_443 = arith.constant 3 : i32
      %add3A_444 = arith.addi %mul3A_243, %add3A_443 : i32
      %dma_start3A_445 = arith.constant 240 : i32
      %dma_start3A_446 = arith.constant 0 : i32
      %dma_start3A_447 = tpu.memref_slice %arg9[%dma_start3A_445, %dma_start3A_446] : memref<800x64xf32, #tpu.memory_space<vmem>> -> memref<80x64xf32, #tpu.memory_space<vmem>>
      %dma_start3A_448 = arith.constant 0 : i32
      %dma_start3A_449 = tpu.memref_slice %arg8[%add3A_444, %dma_start3A_448] : memref<125x80xi32, #tpu.memory_space<vmem>> -> memref<1x80xi32, #tpu.memory_space<vmem>>
      %dma_start3A_450 = tpu.memref_squeeze %dma_start3A_449 : memref<1x80xi32, #tpu.memory_space<vmem>> -> memref<80xi32, #tpu.memory_space<vmem>>
      %dma_start3A_451 = arith.constant 0 : i32
      %dma_start3A_452 = arith.constant 0 : i32
      %dma_start3A_453 = tpu.memref_slice %arg6[%dma_start3A_451, %dma_start3A_452] : memref<10000x64xf32, #tpu.memory_space<vmem_shared>> -> memref<10000x64xf32, #tpu.memory_space<vmem_shared>>
      tpu.enqueue_indirect_dma source(%dma_start3A_447 : memref<80x64xf32, #tpu.memory_space<vmem>>) target(%dma_start3A_453 : memref<10000x64xf32, #tpu.memory_space<vmem_shared>>) offsets(%dma_start3A_450 : memref<80xi32, #tpu.memory_space<vmem>>) semaphore(%arg11 : memref<!tpu.dma_semaphore, #tpu.memory_space<semaphore_mem>>) {add = true}
      %add3A_454 = arith.constant 4 : i32
      %add3A_455 = arith.addi %mul3A_243, %add3A_454 : i32
      %dma_start3A_456 = arith.constant 320 : i32
      %dma_start3A_457 = arith.constant 0 : i32
      %dma_start3A_458 = tpu.memref_slice %arg9[%dma_start3A_456, %dma_start3A_457] : memref<800x64xf32, #tpu.memory_space<vmem>> -> memref<80x64xf32, #tpu.memory_space<vmem>>
      %dma_start3A_459 = arith.constant 0 : i32
      %dma_start3A_460 = tpu.memref_slice %arg8[%add3A_455, %dma_start3A_459] : memref<125x80xi32, #tpu.memory_space<vmem>> -> memref<1x80xi32, #tpu.memory_space<vmem>>
      %dma_start3A_461 = tpu.memref_squeeze %dma_start3A_460 : memref<1x80xi32, #tpu.memory_space<vmem>> -> memref<80xi32, #tpu.memory_space<vmem>>
      %dma_start3A_462 = arith.constant 0 : i32
      %dma_start3A_463 = arith.constant 0 : i32
      %dma_start3A_464 = tpu.memref_slice %arg6[%dma_start3A_462, %dma_start3A_463] : memref<10000x64xf32, #tpu.memory_space<vmem_shared>> -> memref<10000x64xf32, #tpu.memory_space<vmem_shared>>
      tpu.enqueue_indirect_dma source(%dma_start3A_458 : memref<80x64xf32, #tpu.memory_space<vmem>>) target(%dma_start3A_464 : memref<10000x64xf32, #tpu.memory_space<vmem_shared>>) offsets(%dma_start3A_461 : memref<80xi32, #tpu.memory_space<vmem>>) semaphore(%arg11 : memref<!tpu.dma_semaphore, #tpu.memory_space<semaphore_mem>>) {add = true}
      %dma_wait3A_465 = arith.constant 400 : i32
      %dma_wait3A_466 = arith.constant 0 : i32
      %dma_wait3A_467 = tpu.memref_slice %arg9[%dma_wait3A_465, %dma_wait3A_466] : memref<800x64xf32, #tpu.memory_space<vmem>> -> memref<80x64xf32, #tpu.memory_space<vmem>>
      %dma_wait3A_468 = arith.constant 0 : i32
      %dma_wait3A_469 = tpu.memref_slice %arg7[%add3A_311, %dma_wait3A_468] : memref<125x80xi32, #tpu.memory_space<vmem>> -> memref<1x80xi32, #tpu.memory_space<vmem>>
      %dma_wait3A_470 = tpu.memref_squeeze %dma_wait3A_469 : memref<1x80xi32, #tpu.memory_space<vmem>> -> memref<80xi32, #tpu.memory_space<vmem>>
      %dma_wait3A_471 = arith.constant 0 : i32
      %dma_wait3A_472 = arith.constant 0 : i32
      %dma_wait3A_473 = tpu.memref_slice %arg2[%dma_wait3A_471, %dma_wait3A_472] : memref<10000x64xf32, #tpu.memory_space<hbm>> -> memref<10000x64xf32, #tpu.memory_space<hbm>>
      tpu.wait_indirect_dma semaphore(%arg10 : memref<!tpu.dma_semaphore, #tpu.memory_space<semaphore_mem>>) src(%dma_wait3A_473 : memref<10000x64xf32, #tpu.memory_space<hbm>>) dst(%dma_wait3A_467 : memref<80x64xf32, #tpu.memory_space<vmem>>)
      %dma_wait3A_474 = arith.constant 480 : i32
      %dma_wait3A_475 = arith.constant 0 : i32
      %dma_wait3A_476 = tpu.memref_slice %arg9[%dma_wait3A_474, %dma_wait3A_475] : memref<800x64xf32, #tpu.memory_space<vmem>> -> memref<80x64xf32, #tpu.memory_space<vmem>>
      %dma_wait3A_477 = arith.constant 0 : i32
      %dma_wait3A_478 = tpu.memref_slice %arg7[%add3A_322, %dma_wait3A_477] : memref<125x80xi32, #tpu.memory_space<vmem>> -> memref<1x80xi32, #tpu.memory_space<vmem>>
      %dma_wait3A_479 = tpu.memref_squeeze %dma_wait3A_478 : memref<1x80xi32, #tpu.memory_space<vmem>> -> memref<80xi32, #tpu.memory_space<vmem>>
      %dma_wait3A_480 = arith.constant 0 : i32
      %dma_wait3A_481 = arith.constant 0 : i32
      %dma_wait3A_482 = tpu.memref_slice %arg2[%dma_wait3A_480, %dma_wait3A_481] : memref<10000x64xf32, #tpu.memory_space<hbm>> -> memref<10000x64xf32, #tpu.memory_space<hbm>>
      tpu.wait_indirect_dma semaphore(%arg10 : memref<!tpu.dma_semaphore, #tpu.memory_space<semaphore_mem>>) src(%dma_wait3A_482 : memref<10000x64xf32, #tpu.memory_space<hbm>>) dst(%dma_wait3A_476 : memref<80x64xf32, #tpu.memory_space<vmem>>)
      %dma_wait3A_483 = arith.constant 560 : i32
      %dma_wait3A_484 = arith.constant 0 : i32
      %dma_wait3A_485 = tpu.memref_slice %arg9[%dma_wait3A_483, %dma_wait3A_484] : memref<800x64xf32, #tpu.memory_space<vmem>> -> memref<80x64xf32, #tpu.memory_space<vmem>>
      %dma_wait3A_486 = arith.constant 0 : i32
      %dma_wait3A_487 = tpu.memref_slice %arg7[%add3A_333, %dma_wait3A_486] : memref<125x80xi32, #tpu.memory_space<vmem>> -> memref<1x80xi32, #tpu.memory_space<vmem>>
      %dma_wait3A_488 = tpu.memref_squeeze %dma_wait3A_487 : memref<1x80xi32, #tpu.memory_space<vmem>> -> memref<80xi32, #tpu.memory_space<vmem>>
      %dma_wait3A_489 = arith.constant 0 : i32
      %dma_wait3A_490 = arith.constant 0 : i32
      %dma_wait3A_491 = tpu.memref_slice %arg2[%dma_wait3A_489, %dma_wait3A_490] : memref<10000x64xf32, #tpu.memory_space<hbm>> -> memref<10000x64xf32, #tpu.memory_space<hbm>>
      tpu.wait_indirect_dma semaphore(%arg10 : memref<!tpu.dma_semaphore, #tpu.memory_space<semaphore_mem>>) src(%dma_wait3A_491 : memref<10000x64xf32, #tpu.memory_space<hbm>>) dst(%dma_wait3A_485 : memref<80x64xf32, #tpu.memory_space<vmem>>)
      %dma_wait3A_492 = arith.constant 640 : i32
      %dma_wait3A_493 = arith.constant 0 : i32
      %dma_wait3A_494 = tpu.memref_slice %arg9[%dma_wait3A_492, %dma_wait3A_493] : memref<800x64xf32, #tpu.memory_space<vmem>> -> memref<80x64xf32, #tpu.memory_space<vmem>>
      %dma_wait3A_495 = arith.constant 0 : i32
      %dma_wait3A_496 = tpu.memref_slice %arg7[%add3A_344, %dma_wait3A_495] : memref<125x80xi32, #tpu.memory_space<vmem>> -> memref<1x80xi32, #tpu.memory_space<vmem>>
      %dma_wait3A_497 = tpu.memref_squeeze %dma_wait3A_496 : memref<1x80xi32, #tpu.memory_space<vmem>> -> memref<80xi32, #tpu.memory_space<vmem>>
      %dma_wait3A_498 = arith.constant 0 : i32
      %dma_wait3A_499 = arith.constant 0 : i32
      %dma_wait3A_500 = tpu.memref_slice %arg2[%dma_wait3A_498, %dma_wait3A_499] : memref<10000x64xf32, #tpu.memory_space<hbm>> -> memref<10000x64xf32, #tpu.memory_space<hbm>>
      tpu.wait_indirect_dma semaphore(%arg10 : memref<!tpu.dma_semaphore, #tpu.memory_space<semaphore_mem>>) src(%dma_wait3A_500 : memref<10000x64xf32, #tpu.memory_space<hbm>>) dst(%dma_wait3A_494 : memref<80x64xf32, #tpu.memory_space<vmem>>)
      %dma_wait3A_501 = arith.constant 720 : i32
      %dma_wait3A_502 = arith.constant 0 : i32
      %dma_wait3A_503 = tpu.memref_slice %arg9[%dma_wait3A_501, %dma_wait3A_502] : memref<800x64xf32, #tpu.memory_space<vmem>> -> memref<80x64xf32, #tpu.memory_space<vmem>>
      %dma_wait3A_504 = arith.constant 0 : i32
      %dma_wait3A_505 = tpu.memref_slice %arg7[%add3A_355, %dma_wait3A_504] : memref<125x80xi32, #tpu.memory_space<vmem>> -> memref<1x80xi32, #tpu.memory_space<vmem>>
      %dma_wait3A_506 = tpu.memref_squeeze %dma_wait3A_505 : memref<1x80xi32, #tpu.memory_space<vmem>> -> memref<80xi32, #tpu.memory_space<vmem>>
      %dma_wait3A_507 = arith.constant 0 : i32
      %dma_wait3A_508 = arith.constant 0 : i32
      %dma_wait3A_509 = tpu.memref_slice %arg2[%dma_wait3A_507, %dma_wait3A_508] : memref<10000x64xf32, #tpu.memory_space<hbm>> -> memref<10000x64xf32, #tpu.memory_space<hbm>>
      tpu.wait_indirect_dma semaphore(%arg10 : memref<!tpu.dma_semaphore, #tpu.memory_space<semaphore_mem>>) src(%dma_wait3A_509 : memref<10000x64xf32, #tpu.memory_space<hbm>>) dst(%dma_wait3A_503 : memref<80x64xf32, #tpu.memory_space<vmem>>)
      %add3A_510 = arith.constant 0 : i32
      %add3A_511 = arith.addi %add3A_245, %add3A_510 : i32
      %dma_start3A_512 = arith.constant 400 : i32
      %dma_start3A_513 = arith.constant 0 : i32
      %dma_start3A_514 = tpu.memref_slice %arg9[%dma_start3A_512, %dma_start3A_513] : memref<800x64xf32, #tpu.memory_space<vmem>> -> memref<80x64xf32, #tpu.memory_space<vmem>>
      %dma_start3A_515 = arith.constant 0 : i32
      %dma_start3A_516 = tpu.memref_slice %arg8[%add3A_511, %dma_start3A_515] : memref<125x80xi32, #tpu.memory_space<vmem>> -> memref<1x80xi32, #tpu.memory_space<vmem>>
      %dma_start3A_517 = tpu.memref_squeeze %dma_start3A_516 : memref<1x80xi32, #tpu.memory_space<vmem>> -> memref<80xi32, #tpu.memory_space<vmem>>
      %dma_start3A_518 = arith.constant 0 : i32
      %dma_start3A_519 = arith.constant 0 : i32
      %dma_start3A_520 = tpu.memref_slice %arg6[%dma_start3A_518, %dma_start3A_519] : memref<10000x64xf32, #tpu.memory_space<vmem_shared>> -> memref<10000x64xf32, #tpu.memory_space<vmem_shared>>
      tpu.enqueue_indirect_dma source(%dma_start3A_514 : memref<80x64xf32, #tpu.memory_space<vmem>>) target(%dma_start3A_520 : memref<10000x64xf32, #tpu.memory_space<vmem_shared>>) offsets(%dma_start3A_517 : memref<80xi32, #tpu.memory_space<vmem>>) semaphore(%arg12 : memref<!tpu.dma_semaphore, #tpu.memory_space<semaphore_mem>>) {add = true}
      %add3A_521 = arith.constant 1 : i32
      %add3A_522 = arith.addi %add3A_245, %add3A_521 : i32
      %dma_start3A_523 = arith.constant 480 : i32
      %dma_start3A_524 = arith.constant 0 : i32
      %dma_start3A_525 = tpu.memref_slice %arg9[%dma_start3A_523, %dma_start3A_524] : memref<800x64xf32, #tpu.memory_space<vmem>> -> memref<80x64xf32, #tpu.memory_space<vmem>>
      %dma_start3A_526 = arith.constant 0 : i32
      %dma_start3A_527 = tpu.memref_slice %arg8[%add3A_522, %dma_start3A_526] : memref<125x80xi32, #tpu.memory_space<vmem>> -> memref<1x80xi32, #tpu.memory_space<vmem>>
      %dma_start3A_528 = tpu.memref_squeeze %dma_start3A_527 : memref<1x80xi32, #tpu.memory_space<vmem>> -> memref<80xi32, #tpu.memory_space<vmem>>
      %dma_start3A_529 = arith.constant 0 : i32
      %dma_start3A_530 = arith.constant 0 : i32
      %dma_start3A_531 = tpu.memref_slice %arg6[%dma_start3A_529, %dma_start3A_530] : memref<10000x64xf32, #tpu.memory_space<vmem_shared>> -> memref<10000x64xf32, #tpu.memory_space<vmem_shared>>
      tpu.enqueue_indirect_dma source(%dma_start3A_525 : memref<80x64xf32, #tpu.memory_space<vmem>>) target(%dma_start3A_531 : memref<10000x64xf32, #tpu.memory_space<vmem_shared>>) offsets(%dma_start3A_528 : memref<80xi32, #tpu.memory_space<vmem>>) semaphore(%arg12 : memref<!tpu.dma_semaphore, #tpu.memory_space<semaphore_mem>>) {add = true}
      %add3A_532 = arith.constant 2 : i32
      %add3A_533 = arith.addi %add3A_245, %add3A_532 : i32
      %dma_start3A_534 = arith.constant 560 : i32
      %dma_start3A_535 = arith.constant 0 : i32
      %dma_start3A_536 = tpu.memref_slice %arg9[%dma_start3A_534, %dma_start3A_535] : memref<800x64xf32, #tpu.memory_space<vmem>> -> memref<80x64xf32, #tpu.memory_space<vmem>>
      %dma_start3A_537 = arith.constant 0 : i32
      %dma_start3A_538 = tpu.memref_slice %arg8[%add3A_533, %dma_start3A_537] : memref<125x80xi32, #tpu.memory_space<vmem>> -> memref<1x80xi32, #tpu.memory_space<vmem>>
      %dma_start3A_539 = tpu.memref_squeeze %dma_start3A_538 : memref<1x80xi32, #tpu.memory_space<vmem>> -> memref<80xi32, #tpu.memory_space<vmem>>
      %dma_start3A_540 = arith.constant 0 : i32
      %dma_start3A_541 = arith.constant 0 : i32
      %dma_start3A_542 = tpu.memref_slice %arg6[%dma_start3A_540, %dma_start3A_541] : memref<10000x64xf32, #tpu.memory_space<vmem_shared>> -> memref<10000x64xf32, #tpu.memory_space<vmem_shared>>
      tpu.enqueue_indirect_dma source(%dma_start3A_536 : memref<80x64xf32, #tpu.memory_space<vmem>>) target(%dma_start3A_542 : memref<10000x64xf32, #tpu.memory_space<vmem_shared>>) offsets(%dma_start3A_539 : memref<80xi32, #tpu.memory_space<vmem>>) semaphore(%arg12 : memref<!tpu.dma_semaphore, #tpu.memory_space<semaphore_mem>>) {add = true}
      %add3A_543 = arith.constant 3 : i32
      %add3A_544 = arith.addi %add3A_245, %add3A_543 : i32
      %dma_start3A_545 = arith.constant 640 : i32
      %dma_start3A_546 = arith.constant 0 : i32
      %dma_start3A_547 = tpu.memref_slice %arg9[%dma_start3A_545, %dma_start3A_546] : memref<800x64xf32, #tpu.memory_space<vmem>> -> memref<80x64xf32, #tpu.memory_space<vmem>>
      %dma_start3A_548 = arith.constant 0 : i32
      %dma_start3A_549 = tpu.memref_slice %arg8[%add3A_544, %dma_start3A_548] : memref<125x80xi32, #tpu.memory_space<vmem>> -> memref<1x80xi32, #tpu.memory_space<vmem>>
      %dma_start3A_550 = tpu.memref_squeeze %dma_start3A_549 : memref<1x80xi32, #tpu.memory_space<vmem>> -> memref<80xi32, #tpu.memory_space<vmem>>
      %dma_start3A_551 = arith.constant 0 : i32
      %dma_start3A_552 = arith.constant 0 : i32
      %dma_start3A_553 = tpu.memref_slice %arg6[%dma_start3A_551, %dma_start3A_552] : memref<10000x64xf32, #tpu.memory_space<vmem_shared>> -> memref<10000x64xf32, #tpu.memory_space<vmem_shared>>
      tpu.enqueue_indirect_dma source(%dma_start3A_547 : memref<80x64xf32, #tpu.memory_space<vmem>>) target(%dma_start3A_553 : memref<10000x64xf32, #tpu.memory_space<vmem_shared>>) offsets(%dma_start3A_550 : memref<80xi32, #tpu.memory_space<vmem>>) semaphore(%arg12 : memref<!tpu.dma_semaphore, #tpu.memory_space<semaphore_mem>>) {add = true}
      %add3A_554 = arith.constant 4 : i32
      %add3A_555 = arith.addi %add3A_245, %add3A_554 : i32
      %dma_start3A_556 = arith.constant 720 : i32
      %dma_start3A_557 = arith.constant 0 : i32
      %dma_start3A_558 = tpu.memref_slice %arg9[%dma_start3A_556, %dma_start3A_557] : memref<800x64xf32, #tpu.memory_space<vmem>> -> memref<80x64xf32, #tpu.memory_space<vmem>>
      %dma_start3A_559 = arith.constant 0 : i32
      %dma_start3A_560 = tpu.memref_slice %arg8[%add3A_555, %dma_start3A_559] : memref<125x80xi32, #tpu.memory_space<vmem>> -> memref<1x80xi32, #tpu.memory_space<vmem>>
      %dma_start3A_561 = tpu.memref_squeeze %dma_start3A_560 : memref<1x80xi32, #tpu.memory_space<vmem>> -> memref<80xi32, #tpu.memory_space<vmem>>
      %dma_start3A_562 = arith.constant 0 : i32
      %dma_start3A_563 = arith.constant 0 : i32
      %dma_start3A_564 = tpu.memref_slice %arg6[%dma_start3A_562, %dma_start3A_563] : memref<10000x64xf32, #tpu.memory_space<vmem_shared>> -> memref<10000x64xf32, #tpu.memory_space<vmem_shared>>
      tpu.enqueue_indirect_dma source(%dma_start3A_558 : memref<80x64xf32, #tpu.memory_space<vmem>>) target(%dma_start3A_564 : memref<10000x64xf32, #tpu.memory_space<vmem_shared>>) offsets(%dma_start3A_561 : memref<80xi32, #tpu.memory_space<vmem>>) semaphore(%arg12 : memref<!tpu.dma_semaphore, #tpu.memory_space<semaphore_mem>>) {add = true}
    }
    %scan3A_10 = arith.constant 12 : i32
    %dma_wait3A = arith.constant 0 : i32
    %dma_wait3A_11 = arith.constant 0 : i32
    %dma_wait3A_12 = tpu.memref_slice %arg9[%dma_wait3A, %dma_wait3A_11] : memref<800x64xf32, #tpu.memory_space<vmem>> -> memref<400x64xf32, #tpu.memory_space<vmem>>
    %dma_wait3A_13 = arith.constant 0 : i32
    %dma_wait3A_14 = arith.constant 0 : i32
    %dma_wait3A_15 = tpu.memref_slice %arg2[%dma_wait3A_13, %dma_wait3A_14] : memref<10000x64xf32, #tpu.memory_space<hbm>> -> memref<400x64xf32, #tpu.memory_space<hbm>>
    %dma_wait3A_16 = arith.constant 0 : i32
    %dma_wait3A_17 = arith.constant 0 : i32
    %dma_wait3A_18 = tpu.memref_slice %arg9[%dma_wait3A_16, %dma_wait3A_17] : memref<800x64xf32, #tpu.memory_space<vmem>> -> memref<400x64xf32, #tpu.memory_space<vmem>>
    %dma_wait3A_19 = arith.constant 0 : i32
    %dma_wait3A_20 = arith.constant 0 : i32
    %dma_wait3A_21 = tpu.memref_slice %arg2[%dma_wait3A_19, %dma_wait3A_20] : memref<10000x64xf32, #tpu.memory_space<hbm>> -> memref<400x64xf32, #tpu.memory_space<hbm>>
    tpu.wait_dma2 semaphore(%arg11 : memref<!tpu.dma_semaphore, #tpu.memory_space<semaphore_mem>>) src(%dma_wait3A_21 : memref<400x64xf32, #tpu.memory_space<hbm>>) dst(%dma_wait3A_18 : memref<400x64xf32, #tpu.memory_space<vmem>>)
    %dma_wait3A_22 = arith.constant 0 : i32
    %dma_wait3A_23 = arith.constant 0 : i32
    %dma_wait3A_24 = tpu.memref_slice %arg9[%dma_wait3A_22, %dma_wait3A_23] : memref<800x64xf32, #tpu.memory_space<vmem>> -> memref<400x64xf32, #tpu.memory_space<vmem>>
    %dma_wait3A_25 = arith.constant 0 : i32
    %dma_wait3A_26 = arith.constant 0 : i32
    %dma_wait3A_27 = tpu.memref_slice %arg2[%dma_wait3A_25, %dma_wait3A_26] : memref<10000x64xf32, #tpu.memory_space<hbm>> -> memref<400x64xf32, #tpu.memory_space<hbm>>
    %dma_wait3A_28 = arith.constant 0 : i32
    %dma_wait3A_29 = arith.constant 0 : i32
    %dma_wait3A_30 = tpu.memref_slice %arg9[%dma_wait3A_28, %dma_wait3A_29] : memref<800x64xf32, #tpu.memory_space<vmem>> -> memref<400x64xf32, #tpu.memory_space<vmem>>
    %dma_wait3A_31 = arith.constant 0 : i32
    %dma_wait3A_32 = arith.constant 0 : i32
    %dma_wait3A_33 = tpu.memref_slice %arg2[%dma_wait3A_31, %dma_wait3A_32] : memref<10000x64xf32, #tpu.memory_space<hbm>> -> memref<400x64xf32, #tpu.memory_space<hbm>>
    tpu.wait_dma2 semaphore(%arg12 : memref<!tpu.dma_semaphore, #tpu.memory_space<semaphore_mem>>) src(%dma_wait3A_33 : memref<400x64xf32, #tpu.memory_space<hbm>>) dst(%dma_wait3A_30 : memref<400x64xf32, #tpu.memory_space<vmem>>)
    %dma_start3A = arith.constant 120 : i32
    %dma_start3A_34 = arith.constant 0 : i32
    %dma_start3A_35 = arith.constant 0 : i32
    %dma_start3A_36 = tpu.memref_slice %arg9[%dma_start3A_34, %dma_start3A_35] : memref<800x64xf32, #tpu.memory_space<vmem>> -> memref<80x64xf32, #tpu.memory_space<vmem>>
    %dma_start3A_37 = arith.constant 0 : i32
    %dma_start3A_38 = tpu.memref_slice %arg7[%dma_start3A, %dma_start3A_37] : memref<125x80xi32, #tpu.memory_space<vmem>> -> memref<1x80xi32, #tpu.memory_space<vmem>>
    %dma_start3A_39 = tpu.memref_squeeze %dma_start3A_38 : memref<1x80xi32, #tpu.memory_space<vmem>> -> memref<80xi32, #tpu.memory_space<vmem>>
    %dma_start3A_40 = arith.constant 0 : i32
    %dma_start3A_41 = arith.constant 0 : i32
    %dma_start3A_42 = tpu.memref_slice %arg2[%dma_start3A_40, %dma_start3A_41] : memref<10000x64xf32, #tpu.memory_space<hbm>> -> memref<10000x64xf32, #tpu.memory_space<hbm>>
    tpu.enqueue_indirect_dma source(%dma_start3A_42 : memref<10000x64xf32, #tpu.memory_space<hbm>>) target(%dma_start3A_36 : memref<80x64xf32, #tpu.memory_space<vmem>>) offsets(%dma_start3A_39 : memref<80xi32, #tpu.memory_space<vmem>>) semaphore(%arg10 : memref<!tpu.dma_semaphore, #tpu.memory_space<semaphore_mem>>)
    %dma_start3A_43 = arith.constant 121 : i32
    %dma_start3A_44 = arith.constant 80 : i32
    %dma_start3A_45 = arith.constant 0 : i32
    %dma_start3A_46 = tpu.memref_slice %arg9[%dma_start3A_44, %dma_start3A_45] : memref<800x64xf32, #tpu.memory_space<vmem>> -> memref<80x64xf32, #tpu.memory_space<vmem>>
    %dma_start3A_47 = arith.constant 0 : i32
    %dma_start3A_48 = tpu.memref_slice %arg7[%dma_start3A_43, %dma_start3A_47] : memref<125x80xi32, #tpu.memory_space<vmem>> -> memref<1x80xi32, #tpu.memory_space<vmem>>
    %dma_start3A_49 = tpu.memref_squeeze %dma_start3A_48 : memref<1x80xi32, #tpu.memory_space<vmem>> -> memref<80xi32, #tpu.memory_space<vmem>>
    %dma_start3A_50 = arith.constant 0 : i32
    %dma_start3A_51 = arith.constant 0 : i32
    %dma_start3A_52 = tpu.memref_slice %arg2[%dma_start3A_50, %dma_start3A_51] : memref<10000x64xf32, #tpu.memory_space<hbm>> -> memref<10000x64xf32, #tpu.memory_space<hbm>>
    tpu.enqueue_indirect_dma source(%dma_start3A_52 : memref<10000x64xf32, #tpu.memory_space<hbm>>) target(%dma_start3A_46 : memref<80x64xf32, #tpu.memory_space<vmem>>) offsets(%dma_start3A_49 : memref<80xi32, #tpu.memory_space<vmem>>) semaphore(%arg10 : memref<!tpu.dma_semaphore, #tpu.memory_space<semaphore_mem>>)
    %dma_start3A_53 = arith.constant 122 : i32
    %dma_start3A_54 = arith.constant 160 : i32
    %dma_start3A_55 = arith.constant 0 : i32
    %dma_start3A_56 = tpu.memref_slice %arg9[%dma_start3A_54, %dma_start3A_55] : memref<800x64xf32, #tpu.memory_space<vmem>> -> memref<80x64xf32, #tpu.memory_space<vmem>>
    %dma_start3A_57 = arith.constant 0 : i32
    %dma_start3A_58 = tpu.memref_slice %arg7[%dma_start3A_53, %dma_start3A_57] : memref<125x80xi32, #tpu.memory_space<vmem>> -> memref<1x80xi32, #tpu.memory_space<vmem>>
    %dma_start3A_59 = tpu.memref_squeeze %dma_start3A_58 : memref<1x80xi32, #tpu.memory_space<vmem>> -> memref<80xi32, #tpu.memory_space<vmem>>
    %dma_start3A_60 = arith.constant 0 : i32
    %dma_start3A_61 = arith.constant 0 : i32
    %dma_start3A_62 = tpu.memref_slice %arg2[%dma_start3A_60, %dma_start3A_61] : memref<10000x64xf32, #tpu.memory_space<hbm>> -> memref<10000x64xf32, #tpu.memory_space<hbm>>
    tpu.enqueue_indirect_dma source(%dma_start3A_62 : memref<10000x64xf32, #tpu.memory_space<hbm>>) target(%dma_start3A_56 : memref<80x64xf32, #tpu.memory_space<vmem>>) offsets(%dma_start3A_59 : memref<80xi32, #tpu.memory_space<vmem>>) semaphore(%arg10 : memref<!tpu.dma_semaphore, #tpu.memory_space<semaphore_mem>>)
    %dma_start3A_63 = arith.constant 123 : i32
    %dma_start3A_64 = arith.constant 240 : i32
    %dma_start3A_65 = arith.constant 0 : i32
    %dma_start3A_66 = tpu.memref_slice %arg9[%dma_start3A_64, %dma_start3A_65] : memref<800x64xf32, #tpu.memory_space<vmem>> -> memref<80x64xf32, #tpu.memory_space<vmem>>
    %dma_start3A_67 = arith.constant 0 : i32
    %dma_start3A_68 = tpu.memref_slice %arg7[%dma_start3A_63, %dma_start3A_67] : memref<125x80xi32, #tpu.memory_space<vmem>> -> memref<1x80xi32, #tpu.memory_space<vmem>>
    %dma_start3A_69 = tpu.memref_squeeze %dma_start3A_68 : memref<1x80xi32, #tpu.memory_space<vmem>> -> memref<80xi32, #tpu.memory_space<vmem>>
    %dma_start3A_70 = arith.constant 0 : i32
    %dma_start3A_71 = arith.constant 0 : i32
    %dma_start3A_72 = tpu.memref_slice %arg2[%dma_start3A_70, %dma_start3A_71] : memref<10000x64xf32, #tpu.memory_space<hbm>> -> memref<10000x64xf32, #tpu.memory_space<hbm>>
    tpu.enqueue_indirect_dma source(%dma_start3A_72 : memref<10000x64xf32, #tpu.memory_space<hbm>>) target(%dma_start3A_66 : memref<80x64xf32, #tpu.memory_space<vmem>>) offsets(%dma_start3A_69 : memref<80xi32, #tpu.memory_space<vmem>>) semaphore(%arg10 : memref<!tpu.dma_semaphore, #tpu.memory_space<semaphore_mem>>)
    %dma_start3A_73 = arith.constant 124 : i32
    %dma_start3A_74 = arith.constant 320 : i32
    %dma_start3A_75 = arith.constant 0 : i32
    %dma_start3A_76 = tpu.memref_slice %arg9[%dma_start3A_74, %dma_start3A_75] : memref<800x64xf32, #tpu.memory_space<vmem>> -> memref<80x64xf32, #tpu.memory_space<vmem>>
    %dma_start3A_77 = arith.constant 0 : i32
    %dma_start3A_78 = tpu.memref_slice %arg7[%dma_start3A_73, %dma_start3A_77] : memref<125x80xi32, #tpu.memory_space<vmem>> -> memref<1x80xi32, #tpu.memory_space<vmem>>
    %dma_start3A_79 = tpu.memref_squeeze %dma_start3A_78 : memref<1x80xi32, #tpu.memory_space<vmem>> -> memref<80xi32, #tpu.memory_space<vmem>>
    %dma_start3A_80 = arith.constant 0 : i32
    %dma_start3A_81 = arith.constant 0 : i32
    %dma_start3A_82 = tpu.memref_slice %arg2[%dma_start3A_80, %dma_start3A_81] : memref<10000x64xf32, #tpu.memory_space<hbm>> -> memref<10000x64xf32, #tpu.memory_space<hbm>>
    tpu.enqueue_indirect_dma source(%dma_start3A_82 : memref<10000x64xf32, #tpu.memory_space<hbm>>) target(%dma_start3A_76 : memref<80x64xf32, #tpu.memory_space<vmem>>) offsets(%dma_start3A_79 : memref<80xi32, #tpu.memory_space<vmem>>) semaphore(%arg10 : memref<!tpu.dma_semaphore, #tpu.memory_space<semaphore_mem>>)
    %dma_wait3A_83 = arith.constant 120 : i32
    %dma_wait3A_84 = arith.constant 0 : i32
    %dma_wait3A_85 = arith.constant 0 : i32
    %dma_wait3A_86 = tpu.memref_slice %arg9[%dma_wait3A_84, %dma_wait3A_85] : memref<800x64xf32, #tpu.memory_space<vmem>> -> memref<80x64xf32, #tpu.memory_space<vmem>>
    %dma_wait3A_87 = arith.constant 0 : i32
    %dma_wait3A_88 = tpu.memref_slice %arg7[%dma_wait3A_83, %dma_wait3A_87] : memref<125x80xi32, #tpu.memory_space<vmem>> -> memref<1x80xi32, #tpu.memory_space<vmem>>
    %dma_wait3A_89 = tpu.memref_squeeze %dma_wait3A_88 : memref<1x80xi32, #tpu.memory_space<vmem>> -> memref<80xi32, #tpu.memory_space<vmem>>
    %dma_wait3A_90 = arith.constant 0 : i32
    %dma_wait3A_91 = arith.constant 0 : i32
    %dma_wait3A_92 = tpu.memref_slice %arg2[%dma_wait3A_90, %dma_wait3A_91] : memref<10000x64xf32, #tpu.memory_space<hbm>> -> memref<10000x64xf32, #tpu.memory_space<hbm>>
    tpu.wait_indirect_dma semaphore(%arg10 : memref<!tpu.dma_semaphore, #tpu.memory_space<semaphore_mem>>) src(%dma_wait3A_92 : memref<10000x64xf32, #tpu.memory_space<hbm>>) dst(%dma_wait3A_86 : memref<80x64xf32, #tpu.memory_space<vmem>>)
    %dma_wait3A_93 = arith.constant 121 : i32
    %dma_wait3A_94 = arith.constant 80 : i32
    %dma_wait3A_95 = arith.constant 0 : i32
    %dma_wait3A_96 = tpu.memref_slice %arg9[%dma_wait3A_94, %dma_wait3A_95] : memref<800x64xf32, #tpu.memory_space<vmem>> -> memref<80x64xf32, #tpu.memory_space<vmem>>
    %dma_wait3A_97 = arith.constant 0 : i32
    %dma_wait3A_98 = tpu.memref_slice %arg7[%dma_wait3A_93, %dma_wait3A_97] : memref<125x80xi32, #tpu.memory_space<vmem>> -> memref<1x80xi32, #tpu.memory_space<vmem>>
    %dma_wait3A_99 = tpu.memref_squeeze %dma_wait3A_98 : memref<1x80xi32, #tpu.memory_space<vmem>> -> memref<80xi32, #tpu.memory_space<vmem>>
    %dma_wait3A_100 = arith.constant 0 : i32
    %dma_wait3A_101 = arith.constant 0 : i32
    %dma_wait3A_102 = tpu.memref_slice %arg2[%dma_wait3A_100, %dma_wait3A_101] : memref<10000x64xf32, #tpu.memory_space<hbm>> -> memref<10000x64xf32, #tpu.memory_space<hbm>>
    tpu.wait_indirect_dma semaphore(%arg10 : memref<!tpu.dma_semaphore, #tpu.memory_space<semaphore_mem>>) src(%dma_wait3A_102 : memref<10000x64xf32, #tpu.memory_space<hbm>>) dst(%dma_wait3A_96 : memref<80x64xf32, #tpu.memory_space<vmem>>)
    %dma_wait3A_103 = arith.constant 122 : i32
    %dma_wait3A_104 = arith.constant 160 : i32
    %dma_wait3A_105 = arith.constant 0 : i32
    %dma_wait3A_106 = tpu.memref_slice %arg9[%dma_wait3A_104, %dma_wait3A_105] : memref<800x64xf32, #tpu.memory_space<vmem>> -> memref<80x64xf32, #tpu.memory_space<vmem>>
    %dma_wait3A_107 = arith.constant 0 : i32
    %dma_wait3A_108 = tpu.memref_slice %arg7[%dma_wait3A_103, %dma_wait3A_107] : memref<125x80xi32, #tpu.memory_space<vmem>> -> memref<1x80xi32, #tpu.memory_space<vmem>>
    %dma_wait3A_109 = tpu.memref_squeeze %dma_wait3A_108 : memref<1x80xi32, #tpu.memory_space<vmem>> -> memref<80xi32, #tpu.memory_space<vmem>>
    %dma_wait3A_110 = arith.constant 0 : i32
    %dma_wait3A_111 = arith.constant 0 : i32
    %dma_wait3A_112 = tpu.memref_slice %arg2[%dma_wait3A_110, %dma_wait3A_111] : memref<10000x64xf32, #tpu.memory_space<hbm>> -> memref<10000x64xf32, #tpu.memory_space<hbm>>
    tpu.wait_indirect_dma semaphore(%arg10 : memref<!tpu.dma_semaphore, #tpu.memory_space<semaphore_mem>>) src(%dma_wait3A_112 : memref<10000x64xf32, #tpu.memory_space<hbm>>) dst(%dma_wait3A_106 : memref<80x64xf32, #tpu.memory_space<vmem>>)
    %dma_wait3A_113 = arith.constant 123 : i32
    %dma_wait3A_114 = arith.constant 240 : i32
    %dma_wait3A_115 = arith.constant 0 : i32
    %dma_wait3A_116 = tpu.memref_slice %arg9[%dma_wait3A_114, %dma_wait3A_115] : memref<800x64xf32, #tpu.memory_space<vmem>> -> memref<80x64xf32, #tpu.memory_space<vmem>>
    %dma_wait3A_117 = arith.constant 0 : i32
    %dma_wait3A_118 = tpu.memref_slice %arg7[%dma_wait3A_113, %dma_wait3A_117] : memref<125x80xi32, #tpu.memory_space<vmem>> -> memref<1x80xi32, #tpu.memory_space<vmem>>
    %dma_wait3A_119 = tpu.memref_squeeze %dma_wait3A_118 : memref<1x80xi32, #tpu.memory_space<vmem>> -> memref<80xi32, #tpu.memory_space<vmem>>
    %dma_wait3A_120 = arith.constant 0 : i32
    %dma_wait3A_121 = arith.constant 0 : i32
    %dma_wait3A_122 = tpu.memref_slice %arg2[%dma_wait3A_120, %dma_wait3A_121] : memref<10000x64xf32, #tpu.memory_space<hbm>> -> memref<10000x64xf32, #tpu.memory_space<hbm>>
    tpu.wait_indirect_dma semaphore(%arg10 : memref<!tpu.dma_semaphore, #tpu.memory_space<semaphore_mem>>) src(%dma_wait3A_122 : memref<10000x64xf32, #tpu.memory_space<hbm>>) dst(%dma_wait3A_116 : memref<80x64xf32, #tpu.memory_space<vmem>>)
    %dma_wait3A_123 = arith.constant 124 : i32
    %dma_wait3A_124 = arith.constant 320 : i32
    %dma_wait3A_125 = arith.constant 0 : i32
    %dma_wait3A_126 = tpu.memref_slice %arg9[%dma_wait3A_124, %dma_wait3A_125] : memref<800x64xf32, #tpu.memory_space<vmem>> -> memref<80x64xf32, #tpu.memory_space<vmem>>
    %dma_wait3A_127 = arith.constant 0 : i32
    %dma_wait3A_128 = tpu.memref_slice %arg7[%dma_wait3A_123, %dma_wait3A_127] : memref<125x80xi32, #tpu.memory_space<vmem>> -> memref<1x80xi32, #tpu.memory_space<vmem>>
    %dma_wait3A_129 = tpu.memref_squeeze %dma_wait3A_128 : memref<1x80xi32, #tpu.memory_space<vmem>> -> memref<80xi32, #tpu.memory_space<vmem>>
    %dma_wait3A_130 = arith.constant 0 : i32
    %dma_wait3A_131 = arith.constant 0 : i32
    %dma_wait3A_132 = tpu.memref_slice %arg2[%dma_wait3A_130, %dma_wait3A_131] : memref<10000x64xf32, #tpu.memory_space<hbm>> -> memref<10000x64xf32, #tpu.memory_space<hbm>>
    tpu.wait_indirect_dma semaphore(%arg10 : memref<!tpu.dma_semaphore, #tpu.memory_space<semaphore_mem>>) src(%dma_wait3A_132 : memref<10000x64xf32, #tpu.memory_space<hbm>>) dst(%dma_wait3A_126 : memref<80x64xf32, #tpu.memory_space<vmem>>)
    %dma_start3A_133 = arith.constant 120 : i32
    %dma_start3A_134 = arith.constant 0 : i32
    %dma_start3A_135 = arith.constant 0 : i32
    %dma_start3A_136 = tpu.memref_slice %arg9[%dma_start3A_134, %dma_start3A_135] : memref<800x64xf32, #tpu.memory_space<vmem>> -> memref<80x64xf32, #tpu.memory_space<vmem>>
    %dma_start3A_137 = arith.constant 0 : i32
    %dma_start3A_138 = tpu.memref_slice %arg8[%dma_start3A_133, %dma_start3A_137] : memref<125x80xi32, #tpu.memory_space<vmem>> -> memref<1x80xi32, #tpu.memory_space<vmem>>
    %dma_start3A_139 = tpu.memref_squeeze %dma_start3A_138 : memref<1x80xi32, #tpu.memory_space<vmem>> -> memref<80xi32, #tpu.memory_space<vmem>>
    %dma_start3A_140 = arith.constant 0 : i32
    %dma_start3A_141 = arith.constant 0 : i32
    %dma_start3A_142 = tpu.memref_slice %arg6[%dma_start3A_140, %dma_start3A_141] : memref<10000x64xf32, #tpu.memory_space<vmem_shared>> -> memref<10000x64xf32, #tpu.memory_space<vmem_shared>>
    tpu.enqueue_indirect_dma source(%dma_start3A_136 : memref<80x64xf32, #tpu.memory_space<vmem>>) target(%dma_start3A_142 : memref<10000x64xf32, #tpu.memory_space<vmem_shared>>) offsets(%dma_start3A_139 : memref<80xi32, #tpu.memory_space<vmem>>) semaphore(%arg11 : memref<!tpu.dma_semaphore, #tpu.memory_space<semaphore_mem>>) {add = true}
    %dma_start3A_143 = arith.constant 121 : i32
    %dma_start3A_144 = arith.constant 80 : i32
    %dma_start3A_145 = arith.constant 0 : i32
    %dma_start3A_146 = tpu.memref_slice %arg9[%dma_start3A_144, %dma_start3A_145] : memref<800x64xf32, #tpu.memory_space<vmem>> -> memref<80x64xf32, #tpu.memory_space<vmem>>
    %dma_start3A_147 = arith.constant 0 : i32
    %dma_start3A_148 = tpu.memref_slice %arg8[%dma_start3A_143, %dma_start3A_147] : memref<125x80xi32, #tpu.memory_space<vmem>> -> memref<1x80xi32, #tpu.memory_space<vmem>>
    %dma_start3A_149 = tpu.memref_squeeze %dma_start3A_148 : memref<1x80xi32, #tpu.memory_space<vmem>> -> memref<80xi32, #tpu.memory_space<vmem>>
    %dma_start3A_150 = arith.constant 0 : i32
    %dma_start3A_151 = arith.constant 0 : i32
    %dma_start3A_152 = tpu.memref_slice %arg6[%dma_start3A_150, %dma_start3A_151] : memref<10000x64xf32, #tpu.memory_space<vmem_shared>> -> memref<10000x64xf32, #tpu.memory_space<vmem_shared>>
    tpu.enqueue_indirect_dma source(%dma_start3A_146 : memref<80x64xf32, #tpu.memory_space<vmem>>) target(%dma_start3A_152 : memref<10000x64xf32, #tpu.memory_space<vmem_shared>>) offsets(%dma_start3A_149 : memref<80xi32, #tpu.memory_space<vmem>>) semaphore(%arg11 : memref<!tpu.dma_semaphore, #tpu.memory_space<semaphore_mem>>) {add = true}
    %dma_start3A_153 = arith.constant 122 : i32
    %dma_start3A_154 = arith.constant 160 : i32
    %dma_start3A_155 = arith.constant 0 : i32
    %dma_start3A_156 = tpu.memref_slice %arg9[%dma_start3A_154, %dma_start3A_155] : memref<800x64xf32, #tpu.memory_space<vmem>> -> memref<80x64xf32, #tpu.memory_space<vmem>>
    %dma_start3A_157 = arith.constant 0 : i32
    %dma_start3A_158 = tpu.memref_slice %arg8[%dma_start3A_153, %dma_start3A_157] : memref<125x80xi32, #tpu.memory_space<vmem>> -> memref<1x80xi32, #tpu.memory_space<vmem>>
    %dma_start3A_159 = tpu.memref_squeeze %dma_start3A_158 : memref<1x80xi32, #tpu.memory_space<vmem>> -> memref<80xi32, #tpu.memory_space<vmem>>
    %dma_start3A_160 = arith.constant 0 : i32
    %dma_start3A_161 = arith.constant 0 : i32
    %dma_start3A_162 = tpu.memref_slice %arg6[%dma_start3A_160, %dma_start3A_161] : memref<10000x64xf32, #tpu.memory_space<vmem_shared>> -> memref<10000x64xf32, #tpu.memory_space<vmem_shared>>
    tpu.enqueue_indirect_dma source(%dma_start3A_156 : memref<80x64xf32, #tpu.memory_space<vmem>>) target(%dma_start3A_162 : memref<10000x64xf32, #tpu.memory_space<vmem_shared>>) offsets(%dma_start3A_159 : memref<80xi32, #tpu.memory_space<vmem>>) semaphore(%arg11 : memref<!tpu.dma_semaphore, #tpu.memory_space<semaphore_mem>>) {add = true}
    %dma_start3A_163 = arith.constant 123 : i32
    %dma_start3A_164 = arith.constant 240 : i32
    %dma_start3A_165 = arith.constant 0 : i32
    %dma_start3A_166 = tpu.memref_slice %arg9[%dma_start3A_164, %dma_start3A_165] : memref<800x64xf32, #tpu.memory_space<vmem>> -> memref<80x64xf32, #tpu.memory_space<vmem>>
    %dma_start3A_167 = arith.constant 0 : i32
    %dma_start3A_168 = tpu.memref_slice %arg8[%dma_start3A_163, %dma_start3A_167] : memref<125x80xi32, #tpu.memory_space<vmem>> -> memref<1x80xi32, #tpu.memory_space<vmem>>
    %dma_start3A_169 = tpu.memref_squeeze %dma_start3A_168 : memref<1x80xi32, #tpu.memory_space<vmem>> -> memref<80xi32, #tpu.memory_space<vmem>>
    %dma_start3A_170 = arith.constant 0 : i32
    %dma_start3A_171 = arith.constant 0 : i32
    %dma_start3A_172 = tpu.memref_slice %arg6[%dma_start3A_170, %dma_start3A_171] : memref<10000x64xf32, #tpu.memory_space<vmem_shared>> -> memref<10000x64xf32, #tpu.memory_space<vmem_shared>>
    tpu.enqueue_indirect_dma source(%dma_start3A_166 : memref<80x64xf32, #tpu.memory_space<vmem>>) target(%dma_start3A_172 : memref<10000x64xf32, #tpu.memory_space<vmem_shared>>) offsets(%dma_start3A_169 : memref<80xi32, #tpu.memory_space<vmem>>) semaphore(%arg11 : memref<!tpu.dma_semaphore, #tpu.memory_space<semaphore_mem>>) {add = true}
    %dma_start3A_173 = arith.constant 124 : i32
    %dma_start3A_174 = arith.constant 320 : i32
    %dma_start3A_175 = arith.constant 0 : i32
    %dma_start3A_176 = tpu.memref_slice %arg9[%dma_start3A_174, %dma_start3A_175] : memref<800x64xf32, #tpu.memory_space<vmem>> -> memref<80x64xf32, #tpu.memory_space<vmem>>
    %dma_start3A_177 = arith.constant 0 : i32
    %dma_start3A_178 = tpu.memref_slice %arg8[%dma_start3A_173, %dma_start3A_177] : memref<125x80xi32, #tpu.memory_space<vmem>> -> memref<1x80xi32, #tpu.memory_space<vmem>>
    %dma_start3A_179 = tpu.memref_squeeze %dma_start3A_178 : memref<1x80xi32, #tpu.memory_space<vmem>> -> memref<80xi32, #tpu.memory_space<vmem>>
    %dma_start3A_180 = arith.constant 0 : i32
    %dma_start3A_181 = arith.constant 0 : i32
    %dma_start3A_182 = tpu.memref_slice %arg6[%dma_start3A_180, %dma_start3A_181] : memref<10000x64xf32, #tpu.memory_space<vmem_shared>> -> memref<10000x64xf32, #tpu.memory_space<vmem_shared>>
    tpu.enqueue_indirect_dma source(%dma_start3A_176 : memref<80x64xf32, #tpu.memory_space<vmem>>) target(%dma_start3A_182 : memref<10000x64xf32, #tpu.memory_space<vmem_shared>>) offsets(%dma_start3A_179 : memref<80xi32, #tpu.memory_space<vmem>>) semaphore(%arg11 : memref<!tpu.dma_semaphore, #tpu.memory_space<semaphore_mem>>) {add = true}
    %dma_wait3A_183 = arith.constant 120 : i32
    %dma_wait3A_184 = arith.constant 0 : i32
    %dma_wait3A_185 = arith.constant 0 : i32
    %dma_wait3A_186 = tpu.memref_slice %arg9[%dma_wait3A_184, %dma_wait3A_185] : memref<800x64xf32, #tpu.memory_space<vmem>> -> memref<80x64xf32, #tpu.memory_space<vmem>>
    %dma_wait3A_187 = arith.constant 0 : i32
    %dma_wait3A_188 = tpu.memref_slice %arg8[%dma_wait3A_183, %dma_wait3A_187] : memref<125x80xi32, #tpu.memory_space<vmem>> -> memref<1x80xi32, #tpu.memory_space<vmem>>
    %dma_wait3A_189 = tpu.memref_squeeze %dma_wait3A_188 : memref<1x80xi32, #tpu.memory_space<vmem>> -> memref<80xi32, #tpu.memory_space<vmem>>
    %dma_wait3A_190 = arith.constant 0 : i32
    %dma_wait3A_191 = arith.constant 0 : i32
    %dma_wait3A_192 = tpu.memref_slice %arg6[%dma_wait3A_190, %dma_wait3A_191] : memref<10000x64xf32, #tpu.memory_space<vmem_shared>> -> memref<10000x64xf32, #tpu.memory_space<vmem_shared>>
    tpu.wait_indirect_dma semaphore(%arg11 : memref<!tpu.dma_semaphore, #tpu.memory_space<semaphore_mem>>) src(%dma_wait3A_186 : memref<80x64xf32, #tpu.memory_space<vmem>>) dst(%dma_wait3A_192 : memref<10000x64xf32, #tpu.memory_space<vmem_shared>>)
    %dma_wait3A_193 = arith.constant 121 : i32
    %dma_wait3A_194 = arith.constant 80 : i32
    %dma_wait3A_195 = arith.constant 0 : i32
    %dma_wait3A_196 = tpu.memref_slice %arg9[%dma_wait3A_194, %dma_wait3A_195] : memref<800x64xf32, #tpu.memory_space<vmem>> -> memref<80x64xf32, #tpu.memory_space<vmem>>
    %dma_wait3A_197 = arith.constant 0 : i32
    %dma_wait3A_198 = tpu.memref_slice %arg8[%dma_wait3A_193, %dma_wait3A_197] : memref<125x80xi32, #tpu.memory_space<vmem>> -> memref<1x80xi32, #tpu.memory_space<vmem>>
    %dma_wait3A_199 = tpu.memref_squeeze %dma_wait3A_198 : memref<1x80xi32, #tpu.memory_space<vmem>> -> memref<80xi32, #tpu.memory_space<vmem>>
    %dma_wait3A_200 = arith.constant 0 : i32
    %dma_wait3A_201 = arith.constant 0 : i32
    %dma_wait3A_202 = tpu.memref_slice %arg6[%dma_wait3A_200, %dma_wait3A_201] : memref<10000x64xf32, #tpu.memory_space<vmem_shared>> -> memref<10000x64xf32, #tpu.memory_space<vmem_shared>>
    tpu.wait_indirect_dma semaphore(%arg11 : memref<!tpu.dma_semaphore, #tpu.memory_space<semaphore_mem>>) src(%dma_wait3A_196 : memref<80x64xf32, #tpu.memory_space<vmem>>) dst(%dma_wait3A_202 : memref<10000x64xf32, #tpu.memory_space<vmem_shared>>)
    %dma_wait3A_203 = arith.constant 122 : i32
    %dma_wait3A_204 = arith.constant 160 : i32
    %dma_wait3A_205 = arith.constant 0 : i32
    %dma_wait3A_206 = tpu.memref_slice %arg9[%dma_wait3A_204, %dma_wait3A_205] : memref<800x64xf32, #tpu.memory_space<vmem>> -> memref<80x64xf32, #tpu.memory_space<vmem>>
    %dma_wait3A_207 = arith.constant 0 : i32
    %dma_wait3A_208 = tpu.memref_slice %arg8[%dma_wait3A_203, %dma_wait3A_207] : memref<125x80xi32, #tpu.memory_space<vmem>> -> memref<1x80xi32, #tpu.memory_space<vmem>>
    %dma_wait3A_209 = tpu.memref_squeeze %dma_wait3A_208 : memref<1x80xi32, #tpu.memory_space<vmem>> -> memref<80xi32, #tpu.memory_space<vmem>>
    %dma_wait3A_210 = arith.constant 0 : i32
    %dma_wait3A_211 = arith.constant 0 : i32
    %dma_wait3A_212 = tpu.memref_slice %arg6[%dma_wait3A_210, %dma_wait3A_211] : memref<10000x64xf32, #tpu.memory_space<vmem_shared>> -> memref<10000x64xf32, #tpu.memory_space<vmem_shared>>
    tpu.wait_indirect_dma semaphore(%arg11 : memref<!tpu.dma_semaphore, #tpu.memory_space<semaphore_mem>>) src(%dma_wait3A_206 : memref<80x64xf32, #tpu.memory_space<vmem>>) dst(%dma_wait3A_212 : memref<10000x64xf32, #tpu.memory_space<vmem_shared>>)
    %dma_wait3A_213 = arith.constant 123 : i32
    %dma_wait3A_214 = arith.constant 240 : i32
    %dma_wait3A_215 = arith.constant 0 : i32
    %dma_wait3A_216 = tpu.memref_slice %arg9[%dma_wait3A_214, %dma_wait3A_215] : memref<800x64xf32, #tpu.memory_space<vmem>> -> memref<80x64xf32, #tpu.memory_space<vmem>>
    %dma_wait3A_217 = arith.constant 0 : i32
    %dma_wait3A_218 = tpu.memref_slice %arg8[%dma_wait3A_213, %dma_wait3A_217] : memref<125x80xi32, #tpu.memory_space<vmem>> -> memref<1x80xi32, #tpu.memory_space<vmem>>
    %dma_wait3A_219 = tpu.memref_squeeze %dma_wait3A_218 : memref<1x80xi32, #tpu.memory_space<vmem>> -> memref<80xi32, #tpu.memory_space<vmem>>
    %dma_wait3A_220 = arith.constant 0 : i32
    %dma_wait3A_221 = arith.constant 0 : i32
    %dma_wait3A_222 = tpu.memref_slice %arg6[%dma_wait3A_220, %dma_wait3A_221] : memref<10000x64xf32, #tpu.memory_space<vmem_shared>> -> memref<10000x64xf32, #tpu.memory_space<vmem_shared>>
    tpu.wait_indirect_dma semaphore(%arg11 : memref<!tpu.dma_semaphore, #tpu.memory_space<semaphore_mem>>) src(%dma_wait3A_216 : memref<80x64xf32, #tpu.memory_space<vmem>>) dst(%dma_wait3A_222 : memref<10000x64xf32, #tpu.memory_space<vmem_shared>>)
    %dma_wait3A_223 = arith.constant 124 : i32
    %dma_wait3A_224 = arith.constant 320 : i32
    %dma_wait3A_225 = arith.constant 0 : i32
    %dma_wait3A_226 = tpu.memref_slice %arg9[%dma_wait3A_224, %dma_wait3A_225] : memref<800x64xf32, #tpu.memory_space<vmem>> -> memref<80x64xf32, #tpu.memory_space<vmem>>
    %dma_wait3A_227 = arith.constant 0 : i32
    %dma_wait3A_228 = tpu.memref_slice %arg8[%dma_wait3A_223, %dma_wait3A_227] : memref<125x80xi32, #tpu.memory_space<vmem>> -> memref<1x80xi32, #tpu.memory_space<vmem>>
    %dma_wait3A_229 = tpu.memref_squeeze %dma_wait3A_228 : memref<1x80xi32, #tpu.memory_space<vmem>> -> memref<80xi32, #tpu.memory_space<vmem>>
    %dma_wait3A_230 = arith.constant 0 : i32
    %dma_wait3A_231 = arith.constant 0 : i32
    %dma_wait3A_232 = tpu.memref_slice %arg6[%dma_wait3A_230, %dma_wait3A_231] : memref<10000x64xf32, #tpu.memory_space<vmem_shared>> -> memref<10000x64xf32, #tpu.memory_space<vmem_shared>>
    tpu.wait_indirect_dma semaphore(%arg11 : memref<!tpu.dma_semaphore, #tpu.memory_space<semaphore_mem>>) src(%dma_wait3A_226 : memref<80x64xf32, #tpu.memory_space<vmem>>) dst(%dma_wait3A_232 : memref<10000x64xf32, #tpu.memory_space<vmem_shared>>)
    %barrier3A_233 = arith.constant 0 : index
    tpu.barrier barrier_id(%barrier3A_233)
    "tpu.region"() ({
      %run_scoped3A_239 = tpu.sem_alloc : memref<!tpu.dma_semaphore, #tpu.memory_space<semaphore_mem>>
      %dma_start3A_240 = arith.constant 0 : i32
      %dma_start3A_241 = tpu.memref_slice %arg5[%arg0, %mul3A_0, %dma_start3A_240] : memref<2x10000x128xf32, #tpu.memory_space<hbm>> -> memref<1x624x64xf32, #tpu.memory_space<hbm>>
      %dma_start3A_242 = tpu.memref_squeeze %dma_start3A_241 : memref<1x624x64xf32, #tpu.memory_space<hbm>> -> memref<624x64xf32, #tpu.memory_space<hbm>>
      %dma_start3A_243 = arith.constant 0 : i32
      %dma_start3A_244 = tpu.memref_slice %arg6[%mul3A_0, %dma_start3A_243] : memref<10000x64xf32, #tpu.memory_space<vmem_shared>> -> memref<624x64xf32, #tpu.memory_space<vmem_shared>>
      tpu.enqueue_dma source(%dma_start3A_244 : memref<624x64xf32, #tpu.memory_space<vmem_shared>>) target(%dma_start3A_242 : memref<624x64xf32, #tpu.memory_space<hbm>>) target_semaphore(%run_scoped3A_239 : memref<!tpu.dma_semaphore, #tpu.memory_space<semaphore_mem>>)
      %dma_wait3A_245 = arith.constant 0 : i32
      %dma_wait3A_246 = tpu.memref_slice %arg5[%arg0, %mul3A_0, %dma_wait3A_245] : memref<2x10000x128xf32, #tpu.memory_space<hbm>> -> memref<1x624x64xf32, #tpu.memory_space<hbm>>
      %dma_wait3A_247 = tpu.memref_squeeze %dma_wait3A_246 : memref<1x624x64xf32, #tpu.memory_space<hbm>> -> memref<624x64xf32, #tpu.memory_space<hbm>>
      %dma_wait3A_248 = arith.constant 0 : i32
      %dma_wait3A_249 = tpu.memref_slice %arg6[%mul3A_0, %dma_wait3A_248] : memref<10000x64xf32, #tpu.memory_space<vmem_shared>> -> memref<624x64xf32, #tpu.memory_space<vmem_shared>>
      tpu.wait_dma2 semaphore(%run_scoped3A_239 : memref<!tpu.dma_semaphore, #tpu.memory_space<semaphore_mem>>) src(%dma_wait3A_249 : memref<624x64xf32, #tpu.memory_space<vmem_shared>>) dst(%dma_wait3A_247 : memref<624x64xf32, #tpu.memory_space<hbm>>)
      tpu.yield
    }) : () -> ()
    %eq3A_234 = arith.constant 0 : i32
    %eq3A_235 = arith.cmpi eq, %arg1, %eq3A_234 : i32
    %convert_element_type3A_236 = arith.extui %eq3A_235 : i1 to i32
    %cond3A_237 = arith.constant 0 : i32
    %cond3A_238 = arith.cmpi ne, %convert_element_type3A_236, %cond3A_237 : i32
    scf.if %cond3A_238 {
      "tpu.region"() ({
        %run_scoped3A_239 = tpu.sem_alloc : memref<!tpu.dma_semaphore, #tpu.memory_space<semaphore_mem>>
        %dma_start3A_240 = arith.constant 9984 : i32
        %dma_start3A_241 = arith.constant 0 : i32
        %dma_start3A_242 = tpu.memref_slice %arg5[%arg0, %dma_start3A_240, %dma_start3A_241] : memref<2x10000x128xf32, #tpu.memory_space<hbm>> -> memref<1x16x64xf32, #tpu.memory_space<hbm>>
        %dma_start3A_243 = tpu.memref_squeeze %dma_start3A_242 : memref<1x16x64xf32, #tpu.memory_space<hbm>> -> memref<16x64xf32, #tpu.memory_space<hbm>>
        %dma_start3A_244 = arith.constant 9984 : i32
        %dma_start3A_245 = arith.constant 0 : i32
        %dma_start3A_246 = tpu.memref_slice %arg6[%dma_start3A_244, %dma_start3A_245] : memref<10000x64xf32, #tpu.memory_space<vmem_shared>> -> memref<16x64xf32, #tpu.memory_space<vmem_shared>>
        tpu.enqueue_dma source(%dma_start3A_246 : memref<16x64xf32, #tpu.memory_space<vmem_shared>>) target(%dma_start3A_243 : memref<16x64xf32, #tpu.memory_space<hbm>>) target_semaphore(%run_scoped3A_239 : memref<!tpu.dma_semaphore, #tpu.memory_space<semaphore_mem>>)
        %dma_wait3A_247 = arith.constant 9984 : i32
        %dma_wait3A_248 = arith.constant 0 : i32
        %dma_wait3A_249 = tpu.memref_slice %arg5[%arg0, %dma_wait3A_247, %dma_wait3A_248] : memref<2x10000x128xf32, #tpu.memory_space<hbm>> -> memref<1x16x64xf32, #tpu.memory_space<hbm>>
        %dma_wait3A_250 = tpu.memref_squeeze %dma_wait3A_249 : memref<1x16x64xf32, #tpu.memory_space<hbm>> -> memref<16x64xf32, #tpu.memory_space<hbm>>
        %dma_wait3A_251 = arith.constant 9984 : i32
        %dma_wait3A_252 = arith.constant 0 : i32
        %dma_wait3A_253 = tpu.memref_slice %arg6[%dma_wait3A_251, %dma_wait3A_252] : memref<10000x64xf32, #tpu.memory_space<vmem_shared>> -> memref<16x64xf32, #tpu.memory_space<vmem_shared>>
        tpu.wait_dma2 semaphore(%run_scoped3A_239 : memref<!tpu.dma_semaphore, #tpu.memory_space<semaphore_mem>>) src(%dma_wait3A_253 : memref<16x64xf32, #tpu.memory_space<vmem_shared>>) dst(%dma_wait3A_250 : memref<16x64xf32, #tpu.memory_space<hbm>>)
        tpu.yield
      }) : () -> ()
    } else {
    }
    return
  }
}

module attributes {stable_mosaic.version = 14 : i64} {
  func.func @body(%arg0: i32, %arg1: memref<2000x128xf32, #tpu.memory_space<vmem>>, %arg2: memref<128x64xf32, #tpu.memory_space<vmem>>, %arg3: memref<1x64xf32, #tpu.memory_space<vmem>>, %arg4: memref<2000x64xf32, #tpu.memory_space<vmem>>) attributes {dimension_semantics = [#tpu.dimension_semantics<arbitrary>], iteration_bounds = array<i64: 5>, scalar_prefetch = 0 : i64, scratch_operands = 0 : i64, tpu.core_type = #tpu.core_type<tc>, window_params = [{transform_indices = @transform_0, window_bounds = array<i64: 2000, 128>}, {pipeline_mode = #tpu.pipeline_mode<synchronous>, transform_indices = @transform_1, window_bounds = array<i64: 128, 64>}, {pipeline_mode = #tpu.pipeline_mode<synchronous>, transform_indices = @transform_2, window_bounds = array<i64: 1, 64>}, {transform_indices = @transform_3, window_bounds = array<i64: 2000, 64>}]} {
    %get3A = arith.constant 0 : index
    %get3A_0 = arith.constant 0 : index
    %get3A_1 = vector.load %arg1[%get3A, %get3A_0] : memref<2000x128xf32, #tpu.memory_space<vmem>>, vector<2000x128xf32>
    %get3A_2 = arith.constant 0 : index
    %get3A_3 = arith.constant 0 : index
    %get3A_4 = vector.load %arg2[%get3A_2, %get3A_3] : memref<128x64xf32, #tpu.memory_space<vmem>>, vector<128x64xf32>
    %dot_general3A = arith.constant dense<0.000000e+00> : vector<2000x64xf32>
    %dot_general3A_5 = tpu.matmul %get3A_1, %get3A_4, %dot_general3A {dimension_numbers = #tpu.dot_dimension_numbers<[1], [0], [0], [1], [0, 0, 1, 1], [], []>, transpose_lhs_hint = false} : vector<2000x128xf32>, vector<128x64xf32>, vector<2000x64xf32> -> vector<2000x64xf32>
    %get3A_6 = arith.constant 0 : index
    %get3A_7 = arith.constant 0 : index
    %get3A_8 = vector.load %arg3[%get3A_6, %get3A_7] : memref<1x64xf32, #tpu.memory_space<vmem>>, vector<1x64xf32>
    %add3A = vector.broadcast %get3A_8 : vector<1x64xf32> to vector<2000x64xf32>
    %add3A_9 = arith.addf %dot_general3A_5, %add3A : vector<2000x64xf32>
    %max3A = arith.constant 0.000000e+00 : f32
    %max3A_10 = vector.broadcast %max3A : f32 to vector<2000x64xf32>
    %max3A_11 = arith.maximumf %add3A_9, %max3A_10 : vector<2000x64xf32>
    %swap3A = arith.constant 0 : index
    %swap3A_12 = arith.constant 0 : index
    %swap3A_13 = vector.load %arg4[%swap3A, %swap3A_12] : memref<2000x64xf32, #tpu.memory_space<vmem>>, vector<2000x64xf32>
    tpu.vector_store %arg4[%swap3A, %swap3A_12], %max3A_11 {strides = array<i32>} : memref<2000x64xf32, #tpu.memory_space<vmem>>, vector<2000x64xf32>,
    return
  }
  func.func @transform_0(%arg0: i32) -> (i32, i32) {
    %c0_i32 = arith.constant 0 : i32
    %c0_i32_0 = arith.constant 0 : i32
    return %arg0, %c0_i32 : i32, i32
  }
  func.func @transform_1(%arg0: i32) -> (i32, i32) {
    %c0_i32 = arith.constant 0 : i32
    %c0_i32_0 = arith.constant 0 : i32
    %c0_i32_1 = arith.constant 0 : i32
    return %c0_i32, %c0_i32_0 : i32, i32
  }
  func.func @transform_2(%arg0: i32) -> (i32, i32) {
    %c0_i32 = arith.constant 0 : i32
    %c0_i32_0 = arith.constant 0 : i32
    %c0_i32_1 = arith.constant 0 : i32
    return %c0_i32, %c0_i32_0 : i32, i32
  }
  func.func @transform_3(%arg0: i32) -> (i32, i32) {
    %c0_i32 = arith.constant 0 : i32
    %c0_i32_0 = arith.constant 0 : i32
    return %arg0, %c0_i32 : i32, i32
  }
}

module attributes {stable_mosaic.version = 14 : i64} {
  func.func @body(%arg0: i32, %arg1: memref<2x2000x128xf32, #tpu.memory_space<vmem>>, %arg2: memref<2000x64xf32, #tpu.memory_space<vmem>>, %arg3: memref<64x64xf32, #tpu.memory_space<vmem>>, %arg4: memref<1x64xf32, #tpu.memory_space<vmem>>, %arg5: memref<64x64xf32, #tpu.memory_space<vmem>>, %arg6: memref<2000x64xf32, #tpu.memory_space<vmem>>) attributes {dimension_semantics = [#tpu.dimension_semantics<arbitrary>], iteration_bounds = array<i64: 5>, scalar_prefetch = 0 : i64, scratch_operands = 0 : i64, tpu.core_type = #tpu.core_type<tc>, window_params = [{transform_indices = @transform_0, window_bounds = array<i64: 2, 2000, 128>}, {transform_indices = @transform_1, window_bounds = array<i64: 2000, 64>}, {pipeline_mode = #tpu.pipeline_mode<synchronous>, transform_indices = @transform_2, window_bounds = array<i64: 64, 64>}, {pipeline_mode = #tpu.pipeline_mode<synchronous>, transform_indices = @transform_3, window_bounds = array<i64: 1, 64>}, {pipeline_mode = #tpu.pipeline_mode<synchronous>, transform_indices = @transform_4, window_bounds = array<i64: 64, 64>}, {transform_indices = @transform_5, window_bounds = array<i64: 2000, 64>}]} {
    %get3A = arith.constant 0 : index
    %get3A_0 = arith.constant 0 : index
    %get3A_1 = arith.constant 0 : index
    %get3A_2 = vector.load %arg1[%get3A, %get3A_0, %get3A_1] : memref<2x2000x128xf32, #tpu.memory_space<vmem>>, vector<1x2000x64xf32>
    %get3A_3 = vector.shape_cast %get3A_2 : vector<1x2000x64xf32> to vector<2000x64xf32>
    %get3A_4 = arith.constant 1 : index
    %get3A_5 = arith.constant 0 : index
    %get3A_6 = arith.constant 0 : index
    %get3A_7 = vector.load %arg1[%get3A_4, %get3A_5, %get3A_6] : memref<2x2000x128xf32, #tpu.memory_space<vmem>>, vector<1x2000x64xf32>
    %get3A_8 = vector.shape_cast %get3A_7 : vector<1x2000x64xf32> to vector<2000x64xf32>
    %add3A = arith.addf %get3A_3, %get3A_8 : vector<2000x64xf32>
    %get3A_9 = arith.constant 0 : index
    %get3A_10 = arith.constant 0 : index
    %get3A_11 = arith.constant 64 : index
    %get3A_12 = vector.load %arg1[%get3A_9, %get3A_10, %get3A_11] : memref<2x2000x128xf32, #tpu.memory_space<vmem>>, vector<1x2000x1xf32>
    %get3A_13 = vector.shape_cast %get3A_12 : vector<1x2000x1xf32> to vector<2000x1xf32>
    %get3A_14 = arith.constant 1 : index
    %get3A_15 = arith.constant 0 : index
    %get3A_16 = arith.constant 64 : index
    %get3A_17 = vector.load %arg1[%get3A_14, %get3A_15, %get3A_16] : memref<2x2000x128xf32, #tpu.memory_space<vmem>>, vector<1x2000x1xf32>
    %get3A_18 = vector.shape_cast %get3A_17 : vector<1x2000x1xf32> to vector<2000x1xf32>
    %add3A_19 = arith.addf %get3A_13, %get3A_18 : vector<2000x1xf32>
    %max3A = arith.constant 1.000000e+00 : f32
    %max3A_20 = vector.broadcast %max3A : f32 to vector<2000x1xf32>
    %max3A_21 = arith.maximumf %add3A_19, %max3A_20 : vector<2000x1xf32>
    %div3A = arith.constant 1.000000e+00 : f32
    %div3A_22 = vector.broadcast %div3A : f32 to vector<2000x1xf32>
    %div3A_23 = arith.divf %div3A_22, %max3A_21 : vector<2000x1xf32>
    %mul3A = vector.broadcast %div3A_23 : vector<2000x1xf32> to vector<2000x64xf32>
    %mul3A_24 = arith.mulf %add3A, %mul3A : vector<2000x64xf32>
    %get3A_25 = arith.constant 0 : index
    %get3A_26 = arith.constant 0 : index
    %get3A_27 = vector.load %arg3[%get3A_25, %get3A_26] : memref<64x64xf32, #tpu.memory_space<vmem>>, vector<64x64xf32>
    %dot_general3A = arith.constant dense<0.000000e+00> : vector<2000x64xf32>
    %dot_general3A_28 = tpu.matmul %mul3A_24, %get3A_27, %dot_general3A {dimension_numbers = #tpu.dot_dimension_numbers<[1], [0], [0], [1], [0, 0, 1, 1], [], []>, transpose_lhs_hint = false} : vector<2000x64xf32>, vector<64x64xf32>, vector<2000x64xf32> -> vector<2000x64xf32>
    %get3A_29 = arith.constant 0 : index
    %get3A_30 = arith.constant 0 : index
    %get3A_31 = vector.load %arg2[%get3A_29, %get3A_30] : memref<2000x64xf32, #tpu.memory_space<vmem>>, vector<2000x64xf32>
    %get3A_32 = arith.constant 0 : index
    %get3A_33 = arith.constant 0 : index
    %get3A_34 = vector.load %arg5[%get3A_32, %get3A_33] : memref<64x64xf32, #tpu.memory_space<vmem>>, vector<64x64xf32>
    %dot_general3A_35 = arith.constant dense<0.000000e+00> : vector<2000x64xf32>
    %dot_general3A_36 = tpu.matmul %get3A_31, %get3A_34, %dot_general3A_35 {dimension_numbers = #tpu.dot_dimension_numbers<[1], [0], [0], [1], [0, 0, 1, 1], [], []>, transpose_lhs_hint = false} : vector<2000x64xf32>, vector<64x64xf32>, vector<2000x64xf32> -> vector<2000x64xf32>
    %add3A_37 = arith.addf %dot_general3A_28, %dot_general3A_36 : vector<2000x64xf32>
    %get3A_38 = arith.constant 0 : index
    %get3A_39 = arith.constant 0 : index
    %get3A_40 = vector.load %arg4[%get3A_38, %get3A_39] : memref<1x64xf32, #tpu.memory_space<vmem>>, vector<1x64xf32>
    %add3A_41 = vector.broadcast %get3A_40 : vector<1x64xf32> to vector<2000x64xf32>
    %add3A_42 = arith.addf %add3A_37, %add3A_41 : vector<2000x64xf32>
    %max3A_43 = arith.constant 0.000000e+00 : f32
    %max3A_44 = vector.broadcast %max3A_43 : f32 to vector<2000x64xf32>
    %max3A_45 = arith.maximumf %add3A_42, %max3A_44 : vector<2000x64xf32>
    %swap3A = arith.constant 0 : index
    %swap3A_46 = arith.constant 0 : index
    %swap3A_47 = vector.load %arg6[%swap3A, %swap3A_46] : memref<2000x64xf32, #tpu.memory_space<vmem>>, vector<2000x64xf32>
    tpu.vector_store %arg6[%swap3A, %swap3A_46], %max3A_45 {strides = array<i32>} : memref<2000x64xf32, #tpu.memory_space<vmem>>, vector<2000x64xf32>,
    return
  }
  func.func @transform_0(%arg0: i32) -> (i32, i32, i32) {
    %c0_i32 = arith.constant 0 : i32
    %c0_i32_0 = arith.constant 0 : i32
    %c0_i32_1 = arith.constant 0 : i32
    return %c0_i32, %arg0, %c0_i32_0 : i32, i32, i32
  }
  func.func @transform_1(%arg0: i32) -> (i32, i32) {
    %c0_i32 = arith.constant 0 : i32
    %c0_i32_0 = arith.constant 0 : i32
    return %arg0, %c0_i32 : i32, i32
  }
  func.func @transform_2(%arg0: i32) -> (i32, i32) {
    %c0_i32 = arith.constant 0 : i32
    %c0_i32_0 = arith.constant 0 : i32
    %c0_i32_1 = arith.constant 0 : i32
    return %c0_i32, %c0_i32_0 : i32, i32
  }
  func.func @transform_3(%arg0: i32) -> (i32, i32) {
    %c0_i32 = arith.constant 0 : i32
    %c0_i32_0 = arith.constant 0 : i32
    %c0_i32_1 = arith.constant 0 : i32
    return %c0_i32, %c0_i32_0 : i32, i32
  }
  func.func @transform_4(%arg0: i32) -> (i32, i32) {
    %c0_i32 = arith.constant 0 : i32
    %c0_i32_0 = arith.constant 0 : i32
    %c0_i32_1 = arith.constant 0 : i32
    return %c0_i32, %c0_i32_0 : i32, i32
  }
  func.func @transform_5(%arg0: i32) -> (i32, i32) {
    %c0_i32 = arith.constant 0 : i32
    %c0_i32_0 = arith.constant 0 : i32
    return %arg0, %c0_i32 : i32, i32
  }
}

module attributes {stable_mosaic.version = 14 : i64} {
  func.func @body(%arg0: i32, %arg1: memref<2x2000x128xf32, #tpu.memory_space<vmem>>, %arg2: memref<2x2000x16xf32, #tpu.memory_space<vmem>>, %arg3: memref<2000x64xf32, #tpu.memory_space<vmem>>, %arg4: memref<64x64xf32, #tpu.memory_space<vmem>>, %arg5: memref<1x64xf32, #tpu.memory_space<vmem>>, %arg6: memref<64x64xf32, #tpu.memory_space<vmem>>, %arg7: memref<2000x64xf32, #tpu.memory_space<vmem>>) attributes {dimension_semantics = [#tpu.dimension_semantics<arbitrary>], iteration_bounds = array<i64: 5>, scalar_prefetch = 0 : i64, scratch_operands = 0 : i64, tpu.core_type = #tpu.core_type<tc>, window_params = [{transform_indices = @transform_0, window_bounds = array<i64: 2, 2000, 128>}, {transform_indices = @transform_1, window_bounds = array<i64: 2, 2000, 16>}, {transform_indices = @transform_2, window_bounds = array<i64: 2000, 64>}, {pipeline_mode = #tpu.pipeline_mode<synchronous>, transform_indices = @transform_3, window_bounds = array<i64: 64, 64>}, {pipeline_mode = #tpu.pipeline_mode<synchronous>, transform_indices = @transform_4, window_bounds = array<i64: 1, 64>}, {pipeline_mode = #tpu.pipeline_mode<synchronous>, transform_indices = @transform_5, window_bounds = array<i64: 64, 64>}, {transform_indices = @transform_6, window_bounds = array<i64: 2000, 64>}]} {
    %get3A = arith.constant 0 : index
    %get3A_0 = arith.constant 0 : index
    %get3A_1 = arith.constant 0 : index
    %get3A_2 = vector.load %arg1[%get3A, %get3A_0, %get3A_1] : memref<2x2000x128xf32, #tpu.memory_space<vmem>>, vector<1x2000x64xf32>
    %get3A_3 = vector.shape_cast %get3A_2 : vector<1x2000x64xf32> to vector<2000x64xf32>
    %get3A_4 = arith.constant 1 : index
    %get3A_5 = arith.constant 0 : index
    %get3A_6 = arith.constant 0 : index
    %get3A_7 = vector.load %arg1[%get3A_4, %get3A_5, %get3A_6] : memref<2x2000x128xf32, #tpu.memory_space<vmem>>, vector<1x2000x64xf32>
    %get3A_8 = vector.shape_cast %get3A_7 : vector<1x2000x64xf32> to vector<2000x64xf32>
    %add3A = arith.addf %get3A_3, %get3A_8 : vector<2000x64xf32>
    %get3A_9 = arith.constant 0 : index
    %get3A_10 = arith.constant 0 : index
    %get3A_11 = arith.constant 0 : index
    %get3A_12 = vector.load %arg2[%get3A_9, %get3A_10, %get3A_11] : memref<2x2000x16xf32, #tpu.memory_space<vmem>>, vector<1x2000x1xf32>
    %get3A_13 = vector.shape_cast %get3A_12 : vector<1x2000x1xf32> to vector<2000x1xf32>
    %get3A_14 = arith.constant 1 : index
    %get3A_15 = arith.constant 0 : index
    %get3A_16 = arith.constant 0 : index
    %get3A_17 = vector.load %arg2[%get3A_14, %get3A_15, %get3A_16] : memref<2x2000x16xf32, #tpu.memory_space<vmem>>, vector<1x2000x1xf32>
    %get3A_18 = vector.shape_cast %get3A_17 : vector<1x2000x1xf32> to vector<2000x1xf32>
    %add3A_19 = arith.addf %get3A_13, %get3A_18 : vector<2000x1xf32>
    %max3A = arith.constant 1.000000e+00 : f32
    %max3A_20 = vector.broadcast %max3A : f32 to vector<2000x1xf32>
    %max3A_21 = arith.maximumf %add3A_19, %max3A_20 : vector<2000x1xf32>
    %div3A = arith.constant 1.000000e+00 : f32
    %div3A_22 = vector.broadcast %div3A : f32 to vector<2000x1xf32>
    %div3A_23 = arith.divf %div3A_22, %max3A_21 : vector<2000x1xf32>
    %mul3A = vector.broadcast %div3A_23 : vector<2000x1xf32> to vector<2000x64xf32>
    %mul3A_24 = arith.mulf %add3A, %mul3A : vector<2000x64xf32>
    %get3A_25 = arith.constant 0 : index
    %get3A_26 = arith.constant 0 : index
    %get3A_27 = vector.load %arg4[%get3A_25, %get3A_26] : memref<64x64xf32, #tpu.memory_space<vmem>>, vector<64x64xf32>
    %dot_general3A = arith.constant dense<0.000000e+00> : vector<2000x64xf32>
    %dot_general3A_28 = tpu.matmul %mul3A_24, %get3A_27, %dot_general3A {dimension_numbers = #tpu.dot_dimension_numbers<[1], [0], [0], [1], [0, 0, 1, 1], [], []>, transpose_lhs_hint = false} : vector<2000x64xf32>, vector<64x64xf32>, vector<2000x64xf32> -> vector<2000x64xf32>
    %get3A_29 = arith.constant 0 : index
    %get3A_30 = arith.constant 0 : index
    %get3A_31 = vector.load %arg3[%get3A_29, %get3A_30] : memref<2000x64xf32, #tpu.memory_space<vmem>>, vector<2000x64xf32>
    %get3A_32 = arith.constant 0 : index
    %get3A_33 = arith.constant 0 : index
    %get3A_34 = vector.load %arg6[%get3A_32, %get3A_33] : memref<64x64xf32, #tpu.memory_space<vmem>>, vector<64x64xf32>
    %dot_general3A_35 = arith.constant dense<0.000000e+00> : vector<2000x64xf32>
    %dot_general3A_36 = tpu.matmul %get3A_31, %get3A_34, %dot_general3A_35 {dimension_numbers = #tpu.dot_dimension_numbers<[1], [0], [0], [1], [0, 0, 1, 1], [], []>, transpose_lhs_hint = false} : vector<2000x64xf32>, vector<64x64xf32>, vector<2000x64xf32> -> vector<2000x64xf32>
    %add3A_37 = arith.addf %dot_general3A_28, %dot_general3A_36 : vector<2000x64xf32>
    %get3A_38 = arith.constant 0 : index
    %get3A_39 = arith.constant 0 : index
    %get3A_40 = vector.load %arg5[%get3A_38, %get3A_39] : memref<1x64xf32, #tpu.memory_space<vmem>>, vector<1x64xf32>
    %add3A_41 = vector.broadcast %get3A_40 : vector<1x64xf32> to vector<2000x64xf32>
    %add3A_42 = arith.addf %add3A_37, %add3A_41 : vector<2000x64xf32>
    %max3A_43 = arith.constant 0.000000e+00 : f32
    %max3A_44 = vector.broadcast %max3A_43 : f32 to vector<2000x64xf32>
    %max3A_45 = arith.maximumf %add3A_42, %max3A_44 : vector<2000x64xf32>
    %swap3A = arith.constant 0 : index
    %swap3A_46 = arith.constant 0 : index
    %swap3A_47 = vector.load %arg7[%swap3A, %swap3A_46] : memref<2000x64xf32, #tpu.memory_space<vmem>>, vector<2000x64xf32>
    tpu.vector_store %arg7[%swap3A, %swap3A_46], %max3A_45 {strides = array<i32>} : memref<2000x64xf32, #tpu.memory_space<vmem>>, vector<2000x64xf32>,
    return
  }
  func.func @transform_0(%arg0: i32) -> (i32, i32, i32) {
    %c0_i32 = arith.constant 0 : i32
    %c0_i32_0 = arith.constant 0 : i32
    %c0_i32_1 = arith.constant 0 : i32
    return %c0_i32, %arg0, %c0_i32_0 : i32, i32, i32
  }
  func.func @transform_1(%arg0: i32) -> (i32, i32, i32) {
    %c0_i32 = arith.constant 0 : i32
    %c0_i32_0 = arith.constant 0 : i32
    %c0_i32_1 = arith.constant 0 : i32
    return %c0_i32, %arg0, %c0_i32_0 : i32, i32, i32
  }
  func.func @transform_2(%arg0: i32) -> (i32, i32) {
    %c0_i32 = arith.constant 0 : i32
    %c0_i32_0 = arith.constant 0 : i32
    return %arg0, %c0_i32 : i32, i32
  }
  func.func @transform_3(%arg0: i32) -> (i32, i32) {
    %c0_i32 = arith.constant 0 : i32
    %c0_i32_0 = arith.constant 0 : i32
    %c0_i32_1 = arith.constant 0 : i32
    return %c0_i32, %c0_i32_0 : i32, i32
  }
  func.func @transform_4(%arg0: i32) -> (i32, i32) {
    %c0_i32 = arith.constant 0 : i32
    %c0_i32_0 = arith.constant 0 : i32
    %c0_i32_1 = arith.constant 0 : i32
    return %c0_i32, %c0_i32_0 : i32, i32
  }
  func.func @transform_5(%arg0: i32) -> (i32, i32) {
    %c0_i32 = arith.constant 0 : i32
    %c0_i32_0 = arith.constant 0 : i32
    %c0_i32_1 = arith.constant 0 : i32
    return %c0_i32, %c0_i32_0 : i32, i32
  }
  func.func @transform_6(%arg0: i32) -> (i32, i32) {
    %c0_i32 = arith.constant 0 : i32
    %c0_i32_0 = arith.constant 0 : i32
    return %arg0, %c0_i32 : i32, i32
  }
}

module attributes {stable_mosaic.version = 14 : i64} {
  func.func @body(%arg0: i32, %arg1: memref<2x1000x128xf32, #tpu.memory_space<vmem>>, %arg2: memref<2x1000x16xf32, #tpu.memory_space<vmem>>, %arg3: memref<1000x64xf32, #tpu.memory_space<vmem>>, %arg4: memref<64x64xf32, #tpu.memory_space<vmem>>, %arg5: memref<1x64xf32, #tpu.memory_space<vmem>>, %arg6: memref<64x64xf32, #tpu.memory_space<vmem>>, %arg7: memref<1000x1xi32, #tpu.memory_space<vmem>>, %arg8: memref<64x16xf32, #tpu.memory_space<vmem>>, %arg9: memref<64x64xf32, #tpu.memory_space<vmem>>, %arg10: memref<64x64xf32, #tpu.memory_space<vmem>>, %arg11: memref<16x64xf32, #tpu.memory_space<vmem>>, %arg12: memref<1x64xf32, #tpu.memory_space<vmem>>, %arg13: memref<64x64xf32, #tpu.memory_space<vmem>>, %arg14: memref<1x64xf32, #tpu.memory_space<vmem>>, %arg15: memref<64x64xf32, #tpu.memory_space<vmem>>, %arg16: memref<64x64xf32, #tpu.memory_space<vmem>>, %arg17: memref<64x64xf32, #tpu.memory_space<vmem>>, %arg18: memref<64x64xf32, #tpu.memory_space<vmem>>) attributes {dimension_semantics = [#tpu.dimension_semantics<arbitrary>], iteration_bounds = array<i64: 10>, scalar_prefetch = 0 : i64, scratch_operands = 3 : i64, tpu.core_type = #tpu.core_type<tc>, window_params = [{transform_indices = @transform_0, window_bounds = array<i64: 2, 1000, 128>}, {transform_indices = @transform_1, window_bounds = array<i64: 2, 1000, 16>}, {transform_indices = @transform_2, window_bounds = array<i64: 1000, 64>}, {pipeline_mode = #tpu.pipeline_mode<synchronous>, transform_indices = @transform_3, window_bounds = array<i64: 64, 64>}, {pipeline_mode = #tpu.pipeline_mode<synchronous>, transform_indices = @transform_4, window_bounds = array<i64: 1, 64>}, {pipeline_mode = #tpu.pipeline_mode<synchronous>, transform_indices = @transform_5, window_bounds = array<i64: 64, 64>}, {transform_indices = @transform_6, window_bounds = array<i64: 1000, 1>}, {pipeline_mode = #tpu.pipeline_mode<synchronous>, transform_indices = @transform_7, window_bounds = array<i64: 64, 16>}, {pipeline_mode = #tpu.pipeline_mode<synchronous>, transform_indices = @transform_8, window_bounds = array<i64: 64, 64>}, {pipeline_mode = #tpu.pipeline_mode<synchronous>, transform_indices = @transform_9, window_bounds = array<i64: 64, 64>}, {pipeline_mode = #tpu.pipeline_mode<synchronous>, transform_indices = @transform_10, window_bounds = array<i64: 16, 64>}, {pipeline_mode = #tpu.pipeline_mode<synchronous>, transform_indices = @transform_11, window_bounds = array<i64: 1, 64>}, {pipeline_mode = #tpu.pipeline_mode<synchronous>, transform_indices = @transform_12, window_bounds = array<i64: 64, 64>}, {pipeline_mode = #tpu.pipeline_mode<synchronous>, transform_indices = @transform_13, window_bounds = array<i64: 1, 64>}, {pipeline_mode = #tpu.pipeline_mode<synchronous>, transform_indices = @transform_14, window_bounds = array<i64: 64, 64>}]} {
    %eq3A = arith.constant 0 : i32
    %eq3A_0 = arith.cmpi eq, %arg0, %eq3A : i32
    %convert_element_type3A = arith.extui %eq3A_0 : i1 to i32
    %cond3A = arith.constant 0 : i32
    %cond3A_1 = arith.cmpi ne, %convert_element_type3A, %cond3A : i32
    scf.if %cond3A_1 {
      %broadcast_in_dim3A_101 = arith.constant 0.000000e+00 : f32
      %broadcast_in_dim3A_102 = vector.broadcast %broadcast_in_dim3A_101 : f32 to vector<64x64xf32>
      %swap3A_103 = arith.constant 0 : index
      %swap3A_104 = arith.constant 0 : index
      %swap3A_105 = vector.load %arg16[%swap3A_103, %swap3A_104] : memref<64x64xf32, #tpu.memory_space<vmem>>, vector<64x64xf32>
      tpu.vector_store %arg16[%swap3A_103, %swap3A_104], %broadcast_in_dim3A_102 {strides = array<i32>} : memref<64x64xf32, #tpu.memory_space<vmem>>, vector<64x64xf32>,
      %broadcast_in_dim3A_106 = arith.constant 0.000000e+00 : f32
      %broadcast_in_dim3A_107 = vector.broadcast %broadcast_in_dim3A_106 : f32 to vector<64x64xf32>
      %swap3A_108 = arith.constant 0 : index
      %swap3A_109 = arith.constant 0 : index
      %swap3A_110 = vector.load %arg17[%swap3A_108, %swap3A_109] : memref<64x64xf32, #tpu.memory_space<vmem>>, vector<64x64xf32>
      tpu.vector_store %arg17[%swap3A_108, %swap3A_109], %broadcast_in_dim3A_107 {strides = array<i32>} : memref<64x64xf32, #tpu.memory_space<vmem>>, vector<64x64xf32>,
      %broadcast_in_dim3A_111 = arith.constant 0.000000e+00 : f32
      %broadcast_in_dim3A_112 = vector.broadcast %broadcast_in_dim3A_111 : f32 to vector<64x64xf32>
      %swap3A_113 = arith.constant 0 : index
      %swap3A_114 = arith.constant 0 : index
      %swap3A_115 = vector.load %arg18[%swap3A_113, %swap3A_114] : memref<64x64xf32, #tpu.memory_space<vmem>>, vector<64x64xf32>
      tpu.vector_store %arg18[%swap3A_113, %swap3A_114], %broadcast_in_dim3A_112 {strides = array<i32>} : memref<64x64xf32, #tpu.memory_space<vmem>>, vector<64x64xf32>,
    } else {
    }
    %get3A = arith.constant 0 : index
    %get3A_2 = arith.constant 0 : index
    %get3A_3 = arith.constant 0 : index
    %get3A_4 = vector.load %arg1[%get3A, %get3A_2, %get3A_3] : memref<2x1000x128xf32, #tpu.memory_space<vmem>>, vector<1x1000x64xf32>
    %get3A_5 = vector.shape_cast %get3A_4 : vector<1x1000x64xf32> to vector<1000x64xf32>
    %get3A_6 = arith.constant 1 : index
    %get3A_7 = arith.constant 0 : index
    %get3A_8 = arith.constant 0 : index
    %get3A_9 = vector.load %arg1[%get3A_6, %get3A_7, %get3A_8] : memref<2x1000x128xf32, #tpu.memory_space<vmem>>, vector<1x1000x64xf32>
    %get3A_10 = vector.shape_cast %get3A_9 : vector<1x1000x64xf32> to vector<1000x64xf32>
    %add3A = arith.addf %get3A_5, %get3A_10 : vector<1000x64xf32>
    %get3A_11 = arith.constant 0 : index
    %get3A_12 = arith.constant 0 : index
    %get3A_13 = arith.constant 0 : index
    %get3A_14 = vector.load %arg2[%get3A_11, %get3A_12, %get3A_13] : memref<2x1000x16xf32, #tpu.memory_space<vmem>>, vector<1x1000x1xf32>
    %get3A_15 = vector.shape_cast %get3A_14 : vector<1x1000x1xf32> to vector<1000x1xf32>
    %get3A_16 = arith.constant 1 : index
    %get3A_17 = arith.constant 0 : index
    %get3A_18 = arith.constant 0 : index
    %get3A_19 = vector.load %arg2[%get3A_16, %get3A_17, %get3A_18] : memref<2x1000x16xf32, #tpu.memory_space<vmem>>, vector<1x1000x1xf32>
    %get3A_20 = vector.shape_cast %get3A_19 : vector<1x1000x1xf32> to vector<1000x1xf32>
    %add3A_21 = arith.addf %get3A_15, %get3A_20 : vector<1000x1xf32>
    %max3A = arith.constant 1.000000e+00 : f32
    %max3A_22 = vector.broadcast %max3A : f32 to vector<1000x1xf32>
    %max3A_23 = arith.maximumf %add3A_21, %max3A_22 : vector<1000x1xf32>
    %div3A = arith.constant 1.000000e+00 : f32
    %div3A_24 = vector.broadcast %div3A : f32 to vector<1000x1xf32>
    %div3A_25 = arith.divf %div3A_24, %max3A_23 : vector<1000x1xf32>
    %mul3A = vector.broadcast %div3A_25 : vector<1000x1xf32> to vector<1000x64xf32>
    %mul3A_26 = arith.mulf %add3A, %mul3A : vector<1000x64xf32>
    %get3A_27 = arith.constant 0 : index
    %get3A_28 = arith.constant 0 : index
    %get3A_29 = vector.load %arg4[%get3A_27, %get3A_28] : memref<64x64xf32, #tpu.memory_space<vmem>>, vector<64x64xf32>
    %dot_general3A = arith.constant dense<0.000000e+00> : vector<1000x64xf32>
    %dot_general3A_30 = tpu.matmul %mul3A_26, %get3A_29, %dot_general3A {dimension_numbers = #tpu.dot_dimension_numbers<[1], [0], [0], [1], [0, 0, 1, 1], [], []>, transpose_lhs_hint = false} : vector<1000x64xf32>, vector<64x64xf32>, vector<1000x64xf32> -> vector<1000x64xf32>
    %get3A_31 = arith.constant 0 : index
    %get3A_32 = arith.constant 0 : index
    %get3A_33 = vector.load %arg3[%get3A_31, %get3A_32] : memref<1000x64xf32, #tpu.memory_space<vmem>>, vector<1000x64xf32>
    %get3A_34 = arith.constant 0 : index
    %get3A_35 = arith.constant 0 : index
    %get3A_36 = vector.load %arg6[%get3A_34, %get3A_35] : memref<64x64xf32, #tpu.memory_space<vmem>>, vector<64x64xf32>
    %dot_general3A_37 = arith.constant dense<0.000000e+00> : vector<1000x64xf32>
    %dot_general3A_38 = tpu.matmul %get3A_33, %get3A_36, %dot_general3A_37 {dimension_numbers = #tpu.dot_dimension_numbers<[1], [0], [0], [1], [0, 0, 1, 1], [], []>, transpose_lhs_hint = false} : vector<1000x64xf32>, vector<64x64xf32>, vector<1000x64xf32> -> vector<1000x64xf32>
    %add3A_39 = arith.addf %dot_general3A_30, %dot_general3A_38 : vector<1000x64xf32>
    %get3A_40 = arith.constant 0 : index
    %get3A_41 = arith.constant 0 : index
    %get3A_42 = vector.load %arg5[%get3A_40, %get3A_41] : memref<1x64xf32, #tpu.memory_space<vmem>>, vector<1x64xf32>
    %add3A_43 = vector.broadcast %get3A_42 : vector<1x64xf32> to vector<1000x64xf32>
    %add3A_44 = arith.addf %add3A_39, %add3A_43 : vector<1000x64xf32>
    %max3A_45 = arith.constant 0.000000e+00 : f32
    %max3A_46 = vector.broadcast %max3A_45 : f32 to vector<1000x64xf32>
    %max3A_47 = arith.maximumf %add3A_44, %max3A_46 : vector<1000x64xf32>
    %get3A_48 = arith.constant 0 : index
    %get3A_49 = arith.constant 0 : index
    %get3A_50 = vector.load %arg7[%get3A_48, %get3A_49] : memref<1000x1xi32, #tpu.memory_space<vmem>>, vector<1000x1xi32>
    %broadcast_in_dim3A = vector.shape_cast %get3A_50 : vector<1000x1xi32> to vector<1000x1xi32>
    %broadcast_in_dim3A_51 = vector.broadcast %broadcast_in_dim3A : vector<1000x1xi32> to vector<1000x64xi32>
    %iota3A = tpu.iota {dimensions = array<i32: 1>} : vector<1000x64xi32>
    %get3A_52 = arith.constant 0 : index
    %get3A_53 = arith.constant 0 : index
    %get3A_54 = vector.load %arg7[%get3A_52, %get3A_53] : memref<1000x1xi32, #tpu.memory_space<vmem>>, vector<1000x1xi32>
    %eq3A_55 = vector.broadcast %get3A_54 : vector<1000x1xi32> to vector<1000x64xi32>
    %eq3A_56 = arith.cmpi eq, %eq3A_55, %iota3A : vector<1000x64xi32>
    %convert_element_type3A_57 = arith.extui %eq3A_56 : vector<1000x64xi1> to vector<1000x64xi32>
    %convert_element_type3A_58 = arith.sitofp %convert_element_type3A_57 : vector<1000x64xi32> to vector<1000x64xf32>
    %get3A_59 = arith.constant 0 : index
    %get3A_60 = arith.constant 0 : index
    %get3A_61 = vector.load %arg16[%get3A_59, %get3A_60] : memref<64x64xf32, #tpu.memory_space<vmem>>, vector<64x64xf32>
    %dot_general3A_62 = arith.constant dense<0.000000e+00> : vector<64x64xf32>
    %dot_general3A_63 = tpu.matmul %convert_element_type3A_58, %max3A_47, %dot_general3A_62 {dimension_numbers = #tpu.dot_dimension_numbers<[0], [0], [1], [1], [0, 1, 1, 1], [], []>, transpose_lhs_hint = false} : vector<1000x64xf32>, vector<1000x64xf32>, vector<64x64xf32> -> vector<64x64xf32>
    %add3A_64 = arith.addf %get3A_61, %dot_general3A_63 : vector<64x64xf32>
    %swap3A = arith.constant 0 : index
    %swap3A_65 = arith.constant 0 : index
    %swap3A_66 = vector.load %arg16[%swap3A, %swap3A_65] : memref<64x64xf32, #tpu.memory_space<vmem>>, vector<64x64xf32>
    tpu.vector_store %arg16[%swap3A, %swap3A_65], %add3A_64 {strides = array<i32>} : memref<64x64xf32, #tpu.memory_space<vmem>>, vector<64x64xf32>,
    %get3A_67 = arith.constant 0 : index
    %get3A_68 = arith.constant 0 : index
    %get3A_69 = vector.load %arg17[%get3A_67, %get3A_68] : memref<64x64xf32, #tpu.memory_space<vmem>>, vector<64x64xf32>
    %broadcast_in_dim3A_70 = arith.constant 1.000000e+00 : f32
    %broadcast_in_dim3A_71 = vector.broadcast %broadcast_in_dim3A_70 : f32 to vector<1000x64xf32>
    %dot_general3A_72 = arith.constant dense<0.000000e+00> : vector<64x64xf32>
    %dot_general3A_73 = tpu.matmul %convert_element_type3A_58, %broadcast_in_dim3A_71, %dot_general3A_72 {dimension_numbers = #tpu.dot_dimension_numbers<[0], [0], [1], [1], [0, 1, 1, 1], [], []>, transpose_lhs_hint = false} : vector<1000x64xf32>, vector<1000x64xf32>, vector<64x64xf32> -> vector<64x64xf32>
    %add3A_74 = arith.addf %get3A_69, %dot_general3A_73 : vector<64x64xf32>
    %swap3A_75 = arith.constant 0 : index
    %swap3A_76 = arith.constant 0 : index
    %swap3A_77 = vector.load %arg17[%swap3A_75, %swap3A_76] : memref<64x64xf32, #tpu.memory_space<vmem>>, vector<64x64xf32>
    tpu.vector_store %arg17[%swap3A_75, %swap3A_76], %add3A_74 {strides = array<i32>} : memref<64x64xf32, #tpu.memory_space<vmem>>, vector<64x64xf32>,
    %get3A_78 = arith.constant 0 : index
    %get3A_79 = arith.constant 0 : index
    %get3A_80 = vector.load %arg7[%get3A_78, %get3A_79] : memref<1000x1xi32, #tpu.memory_space<vmem>>, vector<1x1xi32>
    %get3A_81 = vector.extract %get3A_80[0, 0] : i32 from vector<1x1xi32>
    %get3A_82 = arith.constant 999 : index
    %get3A_83 = arith.constant 0 : index
    %get3A_84 = vector.load %arg7[%get3A_82, %get3A_83] : memref<1000x1xi32, #tpu.memory_space<vmem>>, vector<1x1xi32>
    %get3A_85 = vector.extract %get3A_84[0, 0] : i32 from vector<1x1xi32>
    %add3A_86 = arith.constant 1 : i32
    %add3A_87 = arith.addi %get3A_85, %add3A_86 : i32
    %while3A = arith.constant 0 : i32
    %while3A_88 = arith.subi %add3A_87, %get3A_81 : i32
    %while3A_89 = arith.addi %get3A_81, %while3A_88 : i32
    %while3A_90 = arith.constant 1 : i32
    %while3A_91 = arith.divsi %while3A_88, %while3A_90 : i32
    %while3A_92 = arith.muli %while3A_91, %while3A_90 : i32
    %while3A_93 = arith.addi %get3A_81, %while3A_92 : i32
    %while3A_94 = arith.constant 1 : i32
    scf.for %while3A_101 = %get3A_81 to %while3A_93 step %while3A_94  : i32 {
      %eq3A_102 = vector.broadcast %while3A_101 : i32 to vector<1000x64xi32>
      %eq3A_103 = arith.cmpi eq, %broadcast_in_dim3A_51, %eq3A_102 : vector<1000x64xi32>
      %jit3A = arith.constant 0.000000e+00 : f32
      %broadcast_in_dim3A_104 = vector.broadcast %jit3A : f32 to vector<1000x64xf32>
      %select_n3A = arith.select %eq3A_103, %max3A_47, %broadcast_in_dim3A_104 : vector<1000x64xi1>, vector<1000x64xf32>
      %reduce_max3A = arith.constant dense<0xFF800000> : vector<64xf32>
      %reduce_max3A_105 = vector.multi_reduction <maximumf>, %select_n3A, %reduce_max3A [0] : vector<1000x64xf32> to vector<64xf32>
      %broadcast_in_dim3A_106 = vector.shape_cast %reduce_max3A_105 : vector<64xf32> to vector<1x64xf32>
      %get3A_107 = arith.index_cast %while3A_101 : i32 to index
      %get3A_108 = arith.constant 0 : index
      %get3A_109 = vector.load %arg18[%get3A_107, %get3A_108] : memref<64x64xf32, #tpu.memory_space<vmem>>, vector<1x64xf32>
      %max3A_110 = arith.maximumf %get3A_109, %broadcast_in_dim3A_106 : vector<1x64xf32>
      %swap3A_111 = arith.index_cast %while3A_101 : i32 to index
      %swap3A_112 = arith.constant 0 : index
      %swap3A_113 = vector.load %arg18[%swap3A_111, %swap3A_112] : memref<64x64xf32, #tpu.memory_space<vmem>>, vector<1x64xf32>
      tpu.vector_store %arg18[%swap3A_111, %swap3A_112], %max3A_110 {strides = array<i32>} : memref<64x64xf32, #tpu.memory_space<vmem>>, vector<1x64xf32>,
    }
    %while3A_95 = arith.constant 1 : i32
    scf.for %while3A_101 = %while3A_93 to %while3A_89 step %while3A_95  : i32 {
      %eq3A_102 = vector.broadcast %while3A_101 : i32 to vector<1000x64xi32>
      %eq3A_103 = arith.cmpi eq, %broadcast_in_dim3A_51, %eq3A_102 : vector<1000x64xi32>
      %jit3A = arith.constant 0.000000e+00 : f32
      %broadcast_in_dim3A_104 = vector.broadcast %jit3A : f32 to vector<1000x64xf32>
      %select_n3A = arith.select %eq3A_103, %max3A_47, %broadcast_in_dim3A_104 : vector<1000x64xi1>, vector<1000x64xf32>
      %reduce_max3A = arith.constant dense<0xFF800000> : vector<64xf32>
      %reduce_max3A_105 = vector.multi_reduction <maximumf>, %select_n3A, %reduce_max3A [0] : vector<1000x64xf32> to vector<64xf32>
      %broadcast_in_dim3A_106 = vector.shape_cast %reduce_max3A_105 : vector<64xf32> to vector<1x64xf32>
      %get3A_107 = arith.index_cast %while3A_101 : i32 to index
      %get3A_108 = arith.constant 0 : index
      %get3A_109 = vector.load %arg18[%get3A_107, %get3A_108] : memref<64x64xf32, #tpu.memory_space<vmem>>, vector<1x64xf32>
      %max3A_110 = arith.maximumf %get3A_109, %broadcast_in_dim3A_106 : vector<1x64xf32>
      %swap3A_111 = arith.index_cast %while3A_101 : i32 to index
      %swap3A_112 = arith.constant 0 : index
      %swap3A_113 = vector.load %arg18[%swap3A_111, %swap3A_112] : memref<64x64xf32, #tpu.memory_space<vmem>>, vector<1x64xf32>
      tpu.vector_store %arg18[%swap3A_111, %swap3A_112], %max3A_110 {strides = array<i32>} : memref<64x64xf32, #tpu.memory_space<vmem>>, vector<1x64xf32>,
    }
    %eq3A_96 = arith.constant 9 : i32
    %eq3A_97 = arith.cmpi eq, %arg0, %eq3A_96 : i32
    %convert_element_type3A_98 = arith.extui %eq3A_97 : i1 to i32
    %cond3A_99 = arith.constant 0 : i32
    %cond3A_100 = arith.cmpi ne, %convert_element_type3A_98, %cond3A_99 : i32
    scf.if %cond3A_100 {
      %get3A_101 = arith.constant 0 : index
      %get3A_102 = arith.constant 0 : index
      %get3A_103 = vector.load %arg16[%get3A_101, %get3A_102] : memref<64x64xf32, #tpu.memory_space<vmem>>, vector<64x64xf32>
      %get3A_104 = arith.constant 0 : index
      %get3A_105 = arith.constant 0 : index
      %get3A_106 = vector.load %arg17[%get3A_104, %get3A_105] : memref<64x64xf32, #tpu.memory_space<vmem>>, vector<64x64xf32>
      %max3A_107 = arith.constant 1.000000e+00 : f32
      %max3A_108 = vector.broadcast %max3A_107 : f32 to vector<64x64xf32>
      %max3A_109 = arith.maximumf %get3A_106, %max3A_108 : vector<64x64xf32>
      %div3A_110 = arith.divf %get3A_103, %max3A_109 : vector<64x64xf32>
      %get3A_111 = arith.constant 0 : index
      %get3A_112 = arith.constant 0 : index
      %get3A_113 = vector.load %arg9[%get3A_111, %get3A_112] : memref<64x64xf32, #tpu.memory_space<vmem>>, vector<64x64xf32>
      %dot_general3A_114 = arith.constant dense<0.000000e+00> : vector<64x64xf32>
      %dot_general3A_115 = tpu.matmul %div3A_110, %get3A_113, %dot_general3A_114 {dimension_numbers = #tpu.dot_dimension_numbers<[1], [0], [0], [1], [0, 0, 1, 1], [], []>, transpose_lhs_hint = false} : vector<64x64xf32>, vector<64x64xf32>, vector<64x64xf32> -> vector<64x64xf32>
      %get3A_116 = arith.constant 0 : index
      %get3A_117 = arith.constant 0 : index
      %get3A_118 = vector.load %arg18[%get3A_116, %get3A_117] : memref<64x64xf32, #tpu.memory_space<vmem>>, vector<64x64xf32>
      %get3A_119 = arith.constant 0 : index
      %get3A_120 = arith.constant 0 : index
      %get3A_121 = vector.load %arg10[%get3A_119, %get3A_120] : memref<64x64xf32, #tpu.memory_space<vmem>>, vector<64x64xf32>
      %dot_general3A_122 = arith.constant dense<0.000000e+00> : vector<64x64xf32>
      %dot_general3A_123 = tpu.matmul %get3A_118, %get3A_121, %dot_general3A_122 {dimension_numbers = #tpu.dot_dimension_numbers<[1], [0], [0], [1], [0, 0, 1, 1], [], []>, transpose_lhs_hint = false} : vector<64x64xf32>, vector<64x64xf32>, vector<64x64xf32> -> vector<64x64xf32>
      %add3A_124 = arith.addf %dot_general3A_115, %dot_general3A_123 : vector<64x64xf32>
      %get3A_125 = arith.constant 0 : index
      %get3A_126 = arith.constant 0 : index
      %get3A_127 = vector.load %arg8[%get3A_125, %get3A_126] : memref<64x16xf32, #tpu.memory_space<vmem>>, vector<64x16xf32>
      %get3A_128 = arith.constant 0 : index
      %get3A_129 = arith.constant 0 : index
      %get3A_130 = vector.load %arg11[%get3A_128, %get3A_129] : memref<16x64xf32, #tpu.memory_space<vmem>>, vector<16x64xf32>
      %dot_general3A_131 = arith.constant dense<0.000000e+00> : vector<64x64xf32>
      %dot_general3A_132 = tpu.matmul %get3A_127, %get3A_130, %dot_general3A_131 {dimension_numbers = #tpu.dot_dimension_numbers<[1], [0], [0], [1], [0, 0, 1, 1], [], []>, transpose_lhs_hint = false} : vector<64x16xf32>, vector<16x64xf32>, vector<64x64xf32> -> vector<64x64xf32>
      %add3A_133 = arith.addf %add3A_124, %dot_general3A_132 : vector<64x64xf32>
      %get3A_134 = arith.constant 0 : index
      %get3A_135 = arith.constant 0 : index
      %get3A_136 = vector.load %arg12[%get3A_134, %get3A_135] : memref<1x64xf32, #tpu.memory_space<vmem>>, vector<1x64xf32>
      %add3A_137 = vector.broadcast %get3A_136 : vector<1x64xf32> to vector<64x64xf32>
      %add3A_138 = arith.addf %add3A_133, %add3A_137 : vector<64x64xf32>
      %max3A_139 = arith.constant 0.000000e+00 : f32
      %max3A_140 = vector.broadcast %max3A_139 : f32 to vector<64x64xf32>
      %max3A_141 = arith.maximumf %add3A_138, %max3A_140 : vector<64x64xf32>
      %get3A_142 = arith.constant 0 : index
      %get3A_143 = arith.constant 0 : index
      %get3A_144 = vector.load %arg13[%get3A_142, %get3A_143] : memref<64x64xf32, #tpu.memory_space<vmem>>, vector<64x64xf32>
      %dot_general3A_145 = arith.constant dense<0.000000e+00> : vector<64x64xf32>
      %dot_general3A_146 = tpu.matmul %max3A_141, %get3A_144, %dot_general3A_145 {dimension_numbers = #tpu.dot_dimension_numbers<[1], [0], [0], [1], [0, 0, 1, 1], [], []>, transpose_lhs_hint = false} : vector<64x64xf32>, vector<64x64xf32>, vector<64x64xf32> -> vector<64x64xf32>
      %get3A_147 = arith.constant 0 : index
      %get3A_148 = arith.constant 0 : index
      %get3A_149 = vector.load %arg14[%get3A_147, %get3A_148] : memref<1x64xf32, #tpu.memory_space<vmem>>, vector<1x64xf32>
      %add3A_150 = vector.broadcast %get3A_149 : vector<1x64xf32> to vector<64x64xf32>
      %add3A_151 = arith.addf %dot_general3A_146, %add3A_150 : vector<64x64xf32>
      %max3A_152 = arith.constant 0.000000e+00 : f32
      %max3A_153 = vector.broadcast %max3A_152 : f32 to vector<64x64xf32>
      %max3A_154 = arith.maximumf %add3A_151, %max3A_153 : vector<64x64xf32>
      %swap3A_155 = arith.constant 0 : index
      %swap3A_156 = arith.constant 0 : index
      %swap3A_157 = vector.load %arg15[%swap3A_155, %swap3A_156] : memref<64x64xf32, #tpu.memory_space<vmem>>, vector<64x64xf32>
      tpu.vector_store %arg15[%swap3A_155, %swap3A_156], %max3A_154 {strides = array<i32>} : memref<64x64xf32, #tpu.memory_space<vmem>>, vector<64x64xf32>,
    } else {
    }
    return
  }
  func.func @transform_0(%arg0: i32) -> (i32, i32, i32) {
    %c0_i32 = arith.constant 0 : i32
    %c0_i32_0 = arith.constant 0 : i32
    %c0_i32_1 = arith.constant 0 : i32
    return %c0_i32, %arg0, %c0_i32_0 : i32, i32, i32
  }
  func.func @transform_1(%arg0: i32) -> (i32, i32, i32) {
    %c0_i32 = arith.constant 0 : i32
    %c0_i32_0 = arith.constant 0 : i32
    %c0_i32_1 = arith.constant 0 : i32
    return %c0_i32, %arg0, %c0_i32_0 : i32, i32, i32
  }
  func.func @transform_2(%arg0: i32) -> (i32, i32) {
    %c0_i32 = arith.constant 0 : i32
    %c0_i32_0 = arith.constant 0 : i32
    return %arg0, %c0_i32 : i32, i32
  }
  func.func @transform_3(%arg0: i32) -> (i32, i32) {
    %c0_i32 = arith.constant 0 : i32
    %c0_i32_0 = arith.constant 0 : i32
    %c0_i32_1 = arith.constant 0 : i32
    return %c0_i32, %c0_i32_0 : i32, i32
  }
  func.func @transform_4(%arg0: i32) -> (i32, i32) {
    %c0_i32 = arith.constant 0 : i32
    %c0_i32_0 = arith.constant 0 : i32
    %c0_i32_1 = arith.constant 0 : i32
    return %c0_i32, %c0_i32_0 : i32, i32
  }
  func.func @transform_5(%arg0: i32) -> (i32, i32) {
    %c0_i32 = arith.constant 0 : i32
    %c0_i32_0 = arith.constant 0 : i32
    %c0_i32_1 = arith.constant 0 : i32
    return %c0_i32, %c0_i32_0 : i32, i32
  }
  func.func @transform_6(%arg0: i32) -> (i32, i32) {
    %c0_i32 = arith.constant 0 : i32
    %c0_i32_0 = arith.constant 0 : i32
    return %arg0, %c0_i32 : i32, i32
  }
  func.func @transform_7(%arg0: i32) -> (i32, i32) {
    %c0_i32 = arith.constant 0 : i32
    %c0_i32_0 = arith.constant 0 : i32
    %c0_i32_1 = arith.constant 0 : i32
    return %c0_i32, %c0_i32_0 : i32, i32
  }
  func.func @transform_8(%arg0: i32) -> (i32, i32) {
    %c0_i32 = arith.constant 0 : i32
    %c0_i32_0 = arith.constant 0 : i32
    %c0_i32_1 = arith.constant 0 : i32
    return %c0_i32, %c0_i32_0 : i32, i32
  }
  func.func @transform_9(%arg0: i32) -> (i32, i32) {
    %c0_i32 = arith.constant 0 : i32
    %c0_i32_0 = arith.constant 0 : i32
    %c0_i32_1 = arith.constant 0 : i32
    return %c0_i32, %c0_i32_0 : i32, i32
  }
  func.func @transform_10(%arg0: i32) -> (i32, i32) {
    %c0_i32 = arith.constant 0 : i32
    %c0_i32_0 = arith.constant 0 : i32
    %c0_i32_1 = arith.constant 0 : i32
    return %c0_i32, %c0_i32_0 : i32, i32
  }
  func.func @transform_11(%arg0: i32) -> (i32, i32) {
    %c0_i32 = arith.constant 0 : i32
    %c0_i32_0 = arith.constant 0 : i32
    %c0_i32_1 = arith.constant 0 : i32
    return %c0_i32, %c0_i32_0 : i32, i32
  }
  func.func @transform_12(%arg0: i32) -> (i32, i32) {
    %c0_i32 = arith.constant 0 : i32
    %c0_i32_0 = arith.constant 0 : i32
    %c0_i32_1 = arith.constant 0 : i32
    return %c0_i32, %c0_i32_0 : i32, i32
  }
  func.func @transform_13(%arg0: i32) -> (i32, i32) {
    %c0_i32 = arith.constant 0 : i32
    %c0_i32_0 = arith.constant 0 : i32
    %c0_i32_1 = arith.constant 0 : i32
    return %c0_i32, %c0_i32_0 : i32, i32
  }
  func.func @transform_14(%arg0: i32) -> (i32, i32) {
    %c0_i32 = arith.constant 0 : i32
    %c0_i32_0 = arith.constant 0 : i32
    %c0_i32_1 = arith.constant 0 : i32
    return %c0_i32, %c0_i32_0 : i32, i32
  }
}

</mosaic_0001>

<sc_bundles>
// kernel: kernel.12.cloned.1.call-start
scs
__scs_entry_jumppad:
0x0: {  	(pc) =	sbr.rel $0x88, $3  }
0x1: {  	(tag) =	ssettag $0x0;
	lr =	simm.s32 $0x1  }
0x2: {  	[smem:$0x3F8E] =	sst lr;
	_ =	strace $0xD0000000  }
0x3: {  	_ = 	snop  }
0x4: {  	_ = 	snop  }
0x5: {  	_ = 	snop  }
0x6: {  	_ = 	snop  }
0x7: {  	_ = 	snop  }
__scs_overlays_trampoline_lowered:
0x8: {  	[smem:$0x3F9D] =	sst s0  }
0x9: {  	[smem:$0x3F9E] =	sst s1  }
0xa: {  	[smem:$0x3F9F] =	sst s2  }
0xb: {  	[smem:$0x3FA0] =	sst s3  }
0xc: {  	[smem:$0x3FA1] =	sst s4  }
0xd: {  	[smem:$0x3FA2] =	sst s5  }
0xe: {  	[smem:$0x3FA3] =	sst s6  }
0xf: {  	[smem:$0x3FA4] =	sst s7  }
0x10: {  	[smem:$0x3FA5] =	sst s8  }
0x11: {  	[smem:$0x3FA6] =	sst s9;
	s0 =	simm.s32 @!p0 $0x0  }
0x12: {  	s1 =	sld [smem:$0x3F8C];
	s0 =	simm.s32 @p0 $0x1  }
0x13: {  	[smem:$0x3FA7] =	sst s0;
	s0 =	simm.s32 @!p1 $0x0  }
0x14: {  	s2 =	sld [smem:$0x3F8B];
	s0 =	simm.s32 @p1 $0x1  }
0x15: {  	[smem:$0x3FA8] =	sst s0;
	s0 =	simm.s32 @!p2 $0x0  }
0x16: {  	s3 =	sld [smem:$0x3FDB];
	s0 =	simm.s32 @p2 $0x1  }
0x17: {  	s4 =	simm.s32 $0x1BF5;
	[smem:$0x3FAA] =	sst s0  }
0x18: {  	s0 =	sld [smem:$0x3F8D];
	_ =	swait.ge [sflag:s4], $0x0  }
0x19: {  	s7 =	sld [smem:$0x3F8E]  }
0x1a: {  	s8 =	sadd.s32 $0xFFFFE003, lr  }
0x1b: {  	s9 =	sadd.s32 $0xFFFFFEF7, lr;
	s5 =	simm.s32 $0xFFFFFFFF;
	p2 =	slt.u32 s8, $0xFFFFF086  }
0x1c: {  	p1 =	slt.u32 s9, $0xF7A;
	s5 =	simm.s32 @!p2 $0x0  }
0x1d: {  	s5 =	simm.s32 @p1 $0x1;
	p0 =	seq.s32 s7, s2  }
0x1e: {  	s7 =	smul.u32 @!p0 $0xF7A, s2;
	p2 =	seq.s32 @!p0 s5, $0x0  }
0x1f: {  	s9 =	smul.u32 $0xF7A, s1;
	s8 =	simm.s32 @!p0 $0x1BF5;
	p2 =	por !p2, p0  }
0x20: {  	[sflag:s8] =	ssyncset.s32 @!p0 $0xFFFFF086;
	s6 =	sadd.s32 @!p0 s3, s7;
	s7 =	simm.s32 @!p0 $0x108  }
0x21: {  	s3 =	sadd.s32 s3, s9;
	s6 =	sadd.s32 @!p0 $0x88, s6;
	s7 =	simm.s32 @p2 $0x1082  }
0x22: {  	[simem:s7], [sflag:s8] =	dma.local @!p0 [hbm:s6], $0xF7A  }
0x23: {  	s9 =	sor.u32 $0xD0000000, s2;
	s6 =	simm.s32 $0x108;
	_ =	swait.ge @!p0 [sflag:s8], $0x0  }
0x24: {  	s3 =	sadd.s32 $0x88, s3;
	s6 =	simm.s32 @!p1 $0x1082;
	[sflag:s4] =	ssyncset.s32 $0xFFFFF086  }
0x25: {  	[simem:s6], [sflag:s4] =	dma.local [hbm:s3], $0xF7A  }
0x26: {  	[smem:$0x3F8E] =	sst s1;
	(tag) =	ssettag s2;
	_ =	strace s9  }
0x27: {  	s1 =	sld [smem:$0x3F9E]  }
0x28: {  	s2 =	sld [smem:$0x3F9F]  }
0x29: {  	s4 =	sld [smem:$0x3FA1]  }
0x2a: {  	p0 =	seq.s32 s5, $0x0;
	s5 =	sld [smem:$0x3FA2]  }
0x2b: {  	s6 =	sld [smem:$0x3FA3]  }
0x2c: {  	s7 =	sld [smem:$0x3FA4]  }
0x2d: {  	s3 =	simm.s32 $0x108;
	s8 =	sld [smem:$0x3FA5]  }
0x2e: {  	s3 =	simm.s32 @!p0 $0x1082;
	s9 =	sld [smem:$0x3FA6]  }
0x2f: {  	lr =	sadd.s32 s0, s3;
	s0 =	sld [smem:$0x3F9D]  }
0x30: {  	s3 =	sld [smem:$0x3FA0]  }
0x31: {  	[smem:$0x3FA9] =	sst s10  }
0x32: {  	s10 =	sld [smem:$0x3FA7];
	_ =	sdelay $0x3  }
0x33: {  	p0 =	seq.s32 s10, $0x1;
	s10 =	sld [smem:$0x3FA9];
	_ =	sdelay $0x3  }
0x34: {  	[smem:$0x3FA9] =	sst s10  }
0x35: {  	s10 =	sld [smem:$0x3FA8];
	_ =	sdelay $0x3  }
0x36: {  	p1 =	seq.s32 s10, $0x1;
	s10 =	sld [smem:$0x3FA9];
	_ =	sdelay $0x3  }
0x37: {  	[smem:$0x3FA9] =	sst s10  }
0x38: {  	s10 =	sld [smem:$0x3FAA]  }
0x39: {  	_ = 	snop;
	(pc) =	sbr.ind lr, $3  }
0x3a: {  	_ = 	snop  }
0x3b: {  	_ = 	snop  }
0x3c: {  	p2 =	seq.s32 s10, $0x1;
	s10 =	sld [smem:$0x3FA9]  }
0x3d: {  	_ =	shalt  }
0x3e: {  	_ =	shalt  }
0x3f: {  	_ =	shalt  }
0x40: {  	_ =	shalt  }
0x41: {  	_ =	shalt  }
0x42: {  	_ =	shalt  }
0x43: {  	_ =	shalt  }
0x44: {  	_ =	shalt  }
0x45: {  	_ =	shalt  }
0x46: {  	_ =	shalt  }
0x47: {  	_ =	shalt  }
0x48: {  	_ =	shalt  }
0x49: {  	_ =	shalt  }
0x4a: {  	_ =	shalt  }
0x4b: {  	_ =	shalt  }
0x4c: {  	_ =	shalt  }
0x4d: {  	_ =	shalt  }
0x4e: {  	_ =	shalt  }
0x4f: {  	_ =	shalt  }
0x50: {  	_ =	shalt  }
0x51: {  	_ =	shalt  }
0x52: {  	_ =	shalt  }
0x53: {  	_ =	shalt  }
0x54: {  	_ =	shalt  }
0x55: {  	_ =	shalt  }
0x56: {  	_ =	shalt  }
0x57: {  	_ =	shalt  }
0x58: {  	_ =	shalt  }
0x59: {  	_ =	shalt  }
0x5a: {  	_ =	shalt  }
0x5b: {  	_ =	shalt  }
0x5c: {  	_ =	shalt  }
0x5d: {  	_ =	shalt  }
0x5e: {  	_ =	shalt  }
0x5f: {  	_ =	shalt  }
0x60: {  	_ =	shalt  }
0x61: {  	_ =	shalt  }
0x62: {  	_ =	shalt  }
0x63: {  	_ =	shalt  }
0x64: {  	_ =	shalt  }
0x65: {  	_ =	shalt  }
0x66: {  	_ =	shalt  }
0x67: {  	_ =	shalt  }
0x68: {  	_ =	shalt  }
0x69: {  	_ =	shalt  }
0x6a: {  	_ =	shalt  }
0x6b: {  	_ =	shalt  }
0x6c: {  	_ =	shalt  }
0x6d: {  	_ =	shalt  }
0x6e: {  	_ =	shalt  }
0x6f: {  	_ =	shalt  }
0x70: {  	_ =	shalt  }
0x71: {  	_ =	shalt  }
0x72: {  	_ =	shalt  }
0x73: {  	_ =	shalt  }
0x74: {  	_ =	shalt  }
0x75: {  	_ =	shalt  }
0x76: {  	_ =	shalt  }
0x77: {  	_ =	shalt  }
0x78: {  	_ =	shalt  }
0x79: {  	_ =	shalt  }
0x7a: {  	_ =	shalt  }
0x7b: {  	_ =	shalt  }
0x7c: {  	_ =	shalt  }
0x7d: {  	_ =	shalt  }
0x7e: {  	_ =	shalt  }
0x7f: {  	_ =	shalt  }
0x80: {  	_ =	shalt  }
0x81: {  	_ =	shalt  }
0x82: {  	_ =	shalt  }
0x83: {  	_ =	shalt  }
0x84: {  	_ =	shalt  }
0x85: {  	_ =	shalt  }
0x86: {  	_ =	shalt  }
0x87: {  	_ =	shalt  }
.Lfunc_end0:
.L_simem_size_0:
called_computation.1_lowered:
.L_overlay_start_0:
0x88: {  	s2 =	sld [smem:$0x3FD9]  }
0x89: {  	s3 =	sld [smem:$0x3FFE];
	_ =	sdelay $0x1  }
0x8a: {  	s1 =	srdreg.scid  }
0x8b: {  	s0 =	sand.u32 $0x1, s1  }
0x8c: {  	s16 =	sshll.u32 s0, $0xA;
	s2 =	sadd.s32 s3, s2  }
0x8d: {  	s2 =	sadd.s32 s2, s16  }
0x8e: {  	[smem:$0x3FB5] =	sst s2  }
0x8f: {  	_ = 	snop  }
0x90: {  	(tm) =	ssettm $0x1  }
0x91: {  	s17 =	sld [smem:$0x3FFB];
	_ =	sdelay $0x3  }
0x92: {  	_ =	strace s17  }
0x93: {  	s2 =	sld [smem:$0x3FFC];
	_ =	sdelay $0x3  }
0x94: {  	_ =	strace s2  }
0x95: {  	s2 =	sld [smem:$0x3FFD];
	_ =	sdelay $0x3  }
0x96: {  	_ =	strace s2  }
0x97: {  	_ =	strace $0x8FFFFFFF  }
0x98: {  	s18 =	sld [smem:$0x3FDB];
	_ =	sdelay $0x1  }
0x99: {  	s19 =	simm.s32 $_scs_section_size  }
0x9a: {  	s4 =	simm.s32 $_size__tile_overlayer_lowered;
	s5 =	simm.s32 $_tile_overlayer_lowered  }
0x9b: {  	s22 =	simm.s32 $0x1BFF;
	s21 =	sshll.u32 s5, $0x1;
	s2 =	sadd.s32 s19, s18  }
0x9c: {  	s6 =	simm.s32 $0x0;
	s20 =	sshll.u32 s4, $0x1;
	s4 =	sadd.s32 s21, s2  }
0x9d: {  	[timem:s6], [sflag:s22] =	dma.local [hbm:s4], s20  }
0x9e: {  	_ =	swait.ge [sflag:s22], s20  }
0x9f: {  	s3 =	ssub.s32 $0x0, s20;
	[sflag:s22] =	ssyncset.done $0x0  }
0xa0: {  	[sflag:s22] =	ssyncadd.s32 s3;
	_ =	sdelay $0x1  }
0xa1: {  	s23 =	simm.s32 $0x1B8B  }
0xa2: {  	_ =	swait.ge [sflag:s23], $0x1  }
0xa3: {  	[sflag:s23] =	ssyncset.done $0x0  }
0xa4: {  	s25 =	simm.s32 $0x1B8E;
	s24 =	sld [smem:$0x3FFE];
	[sflag:s23] =	ssyncadd.s32 $0xFFFFFFFF  }
0xa5: {  	s26 =	simm.s32 $execute0_lowered;
	[smem:$0x3FD2] =	sst s25  }
0xa6: {  	s4 =	sshll.u32 s26, $0x1;
	_ =	strace $0x80000049;
	[dreg:$0x1] =	wrdreg $0xFFFFFFFF  }
0xa7: {  	s28 =	simm.s32 $_size_execute0_lowered;
	s2 =	sadd.s32 s2, s4;
	[dreg:$0x0] =	wrdreg $0x0  }
0xa8: {  	s4 =	sshll.u32 s28, $0x1;
	[dreg:$0x2] =	wrdreg s2  }
0xa9: {  	[dreg:$0x3] =	wrdreg s4  }
0xaa: {  	[dreg:$0x4] =	wrdreg $0xC0  }
0xab: {  	_ =	task [dreg:s6], $0x5FFFF  }
0xac: {  	[dreg:$0x1] =	wrdreg $0xFFFFFFFF  }
0xad: {  	[dreg:$0x0] =	wrdreg $0x60  }
0xae: {  	[dreg:$0x2] =	wrdreg s24  }
0xaf: {  	[dreg:$0x3] =	wrdreg $0x0  }
0xb0: {  	[dreg:$0x4] =	wrdreg $0x9  }
0xb1: {  	_ =	task.clear_ibuf [dreg:s6], $0x5FFFF;
	_ =	strace $0x90000049  }
0xb2: {  	s29 =	simm.s32 $0x9;
	_ =	strace $0x8000004B  }
0xb3: {  	_ =	swait.ge [sflag:s29], $0x1  }
0xb4: {  	[sflag:s29] =	ssyncadd.s32 $0xFFFFFFFF  }
0xb5: {  	_ =	strace $0x9000004B  }
0xb6: {  	_ =	sfence  }
0xb7: {  	s30 =	sld [smem:$0x0];
	_ =	sdelay $0x2  }
0xb8: {  	s31 =	sshll.u32 s1, $0xD;
	s1 =	sshrl.u32 s1, $0x2  }
0xb9: {  	s3 =	sand.u32 $0x4000, s31;
	s1 =	sadd.s32 s1, s30  }
0xba: {  	s0 =	sor.u32 s3, s0;
	s1 =	sshll.u32 s1, $0x11  }
0xbb: {  	s0 =	sor.u32 s1, s0  }
0xbc: {  	s0 =	sadd.s32 $0x8F2B, s0  }
0xbd: {  	[sflag:s0] =	ssyncadd.remote.s32 $0x1  }
0xbe: {  	_ =	sfence.sel $0xFFFF  }
0xbf: {  	[dreg:$0x0] =	wrdreg $0xFFFFFFFF;
	(pc) =	sbr.abs _section_cstart, $3  }
0xc0: {  	[dreg:$0x1] =	wrdreg $0xFFFFFFFF  }
0xc1: {  	_ =	task.clear_ibuf [dreg:s6], $0x2FFFF;
	_ =	strace $0x9FFFFFFF  }
0xc2: {  	(tm) =	ssettm $0x7FFFFFFF  }
0xc3: {  	_ =	shalt  }
tec
execute0_lowered:
.L_overlay_start_1:
0x0: {  	(tag) =	ssettag $0x1  }
0x1: {  	s0 =	srdreg.scid;
	s2 =	rddreg [dreg:$0x0]  }
0x2: {  	s12 =	stileid.u32;
	s1 =	rddreg [dreg:$0x1];
	s5 =	simm.s32 $0x0  }
0x3: {  	s17 =	simm.s32 $0x50;
	s18 =	simm.s32 $0xEA60;
	s19 =	simm.s32 $0xFE60  }
0x4: {  	s20 =	simm.s32 $0x11260;
	s21 =	simm.s32 $0x12660;
	s22 =	simm.s32 $0x13A60  }
0x5: {  	s28 =	simm.s32 $0x19E60;
	s29 =	simm.s32 $0x1;
	s30 =	simm.s32 $0x2  }
0x6: {  	s31 =	simm.s32 $0x3;
	s0 =	sand.u32 $0x1, s0;
	[smem:$0x7FF] =	sst s5  }
0x7: {  	s23 =	smul.u32 $0x9C00, s12;
	s9 =	sadd.s32 $0x3EA00, s2;
	s25 =	sshll.u32 s12, $0x6  }
0x8: {  	s10 =	smul.u32 $0x13800, s12;
	s14 =	sadd.s32 $0x9C000, s1;
	p0 =	sne.s32 s12, $0x0  }
0x9: {  	s3 =	sshll.u32 s0, $0x4;
	_ =	strace $0x8000004A;
	s6 =	ssub.s32 $0x2, s0  }
0xa: {  	s0 =	smul.u32 $0x138800, s0;
	s5 =	sor.u32 $0x1C04, s25;
	s14 =	sshrl.u32 @!p0 s14, $0x3  }
0xb: {  	s25 =	simm.s32 $0x17660;
	s3 =	sor.u32 s12, s3;
	s24 =	sshrl.u32 s23, $0x3  }
0xc: {  	s7 =	sshrl.u32 s6, $0x1;
	s13 =	sadd.s32 s23, s1;
	s23 =	simm.s32 $0x14E60  }
0xd: {  	s4 =	smul.u32 $0x2710, s3;
	s3 =	sadd.s32 $0x17600, s2;
	s11 =	ssub.s32 s6, s7  }
0xe: {  	s26 =	sadd.s32 s10, s0;
	s0 =	sshrl.u32 s0, $0x3;
	s12 =	sshrl.u32 s13, $0x3  }
0xf: {  	s13 =	simm.s32 $0x4;
	s0 =	sadd.s32 s9, s0;
	s11 =	smax.u32 s11, $0x1  }
0x10: {  	s4 =	sshrl.u32 s4, $0x3;
	s10 =	sadd.s32 $0x27000, s0;
	s0 =	simm.s32 $0x0  }
0x11: {  	s8 =	sadd.s32 s4, s2;
	s4 =	sadd.s32 s24, s2;
	s2 =	sadd.s32 $0x3E800, s2  }
0x12: {  	s24 =	simm.s32 $0x16260;
	s4 =	sadd.s32 $0x2B000, s4;
	[dreg:$0x4] =	wrdreg s2  }
0x13: {  	s7 =	sadd.s32 $0x3C00, s8;
	s8 =	sadd.s32 $0xD840, s8;
	s2 =	sshrl.u32 s26, $0x3  }
0x14: {  	s26 =	simm.s32 $0x18A60;
	[dreg:$0x3] =	wrdreg s4;
	s9 =	sadd.s32 s9, s2  }
.LBB2_1:
0x15: {  	s2 =	rddreg [dreg:$0x3]  }
0x16: {  	[spmem:s12], [sflag:s5] =	dma.local [hbm:s2], $0x1380  }
0x17: {  	_ =	swait.ge [sflag:s13], $0x1380  }
0x18: {  	[sflag:s13] =	ssyncset.done $0x0  }
0x19: {  	s2 =	rddreg [dreg:$0x4];
	[sflag:s13] =	ssyncadd.s32 $0xFFFFEC80  }
0x1a: {  	[spmem:s14], [sflag:s5] =	dma.local @!p0 [hbm:s2], $0x80  }
0x1b: {  	s2 =	simm.s32 @!p0 $0x4  }
0x1c: {  	_ =	swait.ge @!p0 [sflag:s2], $0x80  }
0x1d: {  	[sflag:s2] =	ssyncset.done @!p0 $0x0  }
0x1e: {  	s15 =	simm.s32 $0x0;
	s4 =	simm.s32 $0x9C40;
	[sflag:s2] =	ssyncadd.s32 @!p0 $0xFFFFFF80  }
0x1f: {  	[tilespmem:s4], [sflag:$0x4] =	stream.linear.gather [hbm4b:s7+s15], $0x2710, $0x38;
	[tilespmem:$0x1B260] =	vst v63  }
0x20: {  	_ =	swait.ge [sflag:s13], $0x2710  }
0x21: {  	[sflag:s13] =	ssyncset.done $0x0  }
0x22: {  	s16 =	simm.s32 $0xC350;
	[sflag:s13] =	ssyncadd.s32 $0xFFFFD8F0  }
0x23: {  	[tilespmem:s16], [sflag:$0x4] =	stream.linear.gather [hbm4b:s8+s15], $0x2710, $0x38;
	[tilespmem:$0x1B260] =	vst v63  }
0x24: {  	_ =	swait.ge [sflag:s13], $0x2710  }
0x25: {  	p1 =	por $0x1, $0x1;
	[sflag:s13] =	ssyncset.done $0x0  }
0x26: {  	p1 =	por p1, p1;
	[sflag:s13] =	ssyncadd.s32 $0xFFFFD8F0  }
0x27: {  	s2 =	simm.s32 @!p1 $0x2;
	[bflag:$0x0] =	sbarrier.arrive $0xFFFF  }
0x28: {  	_ =	swait.ge @!p1 [sflag:s2], $0x6400  }
0x29: {  	[sflag:s2] =	ssyncset.done @!p1 $0x0  }
0x2a: {  	s6 =	simm.s32 $0x9C40;
	[sflag:s2] =	ssyncadd.s32 @!p1 $0xFFFF9C00  }
0x2b: {  	[tilespmem:s18], [sflag:$0x1] =	stream.indirect.gather [hbm4b:s3+s17], $0x40, s6, s17, $0xb8;
	[tilespmem:$0x1B260] =	vst v63  }
0x2c: {  	s15 =	simm.s32 $0x9C90  }
0x2d: {  	[tilespmem:s19], [sflag:$0x1] =	stream.indirect.gather [hbm4b:s3+s17], $0x40, s15, s17, $0xb8;
	[tilespmem:$0x1B260] =	vst v63  }
0x2e: {  	s16 =	simm.s32 $0x9CE0  }
0x2f: {  	[tilespmem:s20], [sflag:$0x1] =	stream.indirect.gather [hbm4b:s3+s17], $0x40, s16, s17, $0xb8;
	[tilespmem:$0x1B260] =	vst v63  }
0x30: {  	s4 =	simm.s32 $0x9D30  }
0x31: {  	[tilespmem:s21], [sflag:$0x1] =	stream.indirect.gather [hbm4b:s3+s17], $0x40, s4, s17, $0xb8;
	[tilespmem:$0x1B260] =	vst v63  }
0x32: {  	s6 =	simm.s32 $0x9D80;
	s15 =	simm.s32 @!p1 $0x3  }
0x33: {  	[tilespmem:s22], [sflag:$0x1] =	stream.indirect.gather [hbm4b:s3+s17], $0x40, s6, s17, $0xb8;
	[tilespmem:$0x1B260] =	vst v63  }
0x34: {  	_ =	swait.ge @!p1 [sflag:s15], $0x6400  }
0x35: {  	[sflag:s15] =	ssyncset.done @!p1 $0x0  }
0x36: {  	[sflag:s15] =	ssyncadd.s32 @!p1 $0xFFFF9C00;
	s15 =	simm.s32 $0x9DD0  }
0x37: {  	[tilespmem:s23], [sflag:$0x1] =	stream.indirect.gather [hbm4b:s3+s17], $0x40, s15, s17, $0xb8;
	[tilespmem:$0x1B260] =	vst v63  }
0x38: {  	s16 =	simm.s32 $0x9E20  }
0x39: {  	[tilespmem:s24], [sflag:$0x1] =	stream.indirect.gather [hbm4b:s3+s17], $0x40, s16, s17, $0xb8;
	[tilespmem:$0x1B260] =	vst v63  }
0x3a: {  	s4 =	simm.s32 $0x9E70  }
0x3b: {  	[tilespmem:s25], [sflag:$0x1] =	stream.indirect.gather [hbm4b:s3+s17], $0x40, s4, s17, $0xb8;
	[tilespmem:$0x1B260] =	vst v63  }
0x3c: {  	s6 =	simm.s32 $0x9EC0  }
0x3d: {  	[tilespmem:s26], [sflag:$0x1] =	stream.indirect.gather [hbm4b:s3+s17], $0x40, s6, s17, $0xb8;
	[tilespmem:$0x1B260] =	vst v63  }
0x3e: {  	s15 =	simm.s32 $0x9F10  }
0x3f: {  	[tilespmem:s28], [sflag:$0x1] =	stream.indirect.gather [hbm4b:s3+s17], $0x40, s15, s17, $0xb8;
	[tilespmem:$0x1B260] =	vst v63  }
0x40: {  	_ =	swait.ge [sflag:s29], $0x1400  }
0x41: {  	[sflag:s29] =	ssyncset.done $0x0  }
0x42: {  	[sflag:s29] =	ssyncadd.s32 $0xFFFFEC00  }
0x43: {  	_ =	swait.ge [sflag:s29], $0x1400  }
0x44: {  	[sflag:s29] =	ssyncset.done $0x0  }
0x45: {  	[sflag:s29] =	ssyncadd.s32 $0xFFFFEC00  }
0x46: {  	_ =	swait.ge [sflag:s29], $0x1400  }
0x47: {  	[sflag:s29] =	ssyncset.done $0x0  }
0x48: {  	[sflag:s29] =	ssyncadd.s32 $0xFFFFEC00  }
0x49: {  	_ =	swait.ge [sflag:s29], $0x1400  }
0x4a: {  	[sflag:s29] =	ssyncset.done $0x0  }
0x4b: {  	[sflag:s29] =	ssyncadd.s32 $0xFFFFEC00  }
0x4c: {  	_ =	swait.ge [sflag:s29], $0x1400  }
0x4d: {  	[sflag:s29] =	ssyncset.done $0x0  }
0x4e: {  	s16 =	simm.s32 $0xC350;
	[sflag:s29] =	ssyncadd.s32 $0xFFFFEC00  }
0x4f: {  	[spmem:s1] =	stream.indirect.scatter.add.f32 [tilespmem:s18], [sflag:$0x2], $0x40, s16, s17, $0xb8;
	[tilespmem:$0x1B260] =	vst v63  }
0x50: {  	s4 =	simm.s32 $0xC3A0  }
0x51: {  	[spmem:s1] =	stream.indirect.scatter.add.f32 [tilespmem:s19], [sflag:$0x2], $0x40, s4, s17, $0xb8;
	[tilespmem:$0x1B260] =	vst v63  }
0x52: {  	s6 =	simm.s32 $0xC3F0  }
0x53: {  	[spmem:s1] =	stream.indirect.scatter.add.f32 [tilespmem:s20], [sflag:$0x2], $0x40, s6, s17, $0xb8;
	[tilespmem:$0x1B260] =	vst v63  }
0x54: {  	s15 =	simm.s32 $0xC440  }
0x55: {  	[spmem:s1] =	stream.indirect.scatter.add.f32 [tilespmem:s21], [sflag:$0x2], $0x40, s15, s17, $0xb8;
	[tilespmem:$0x1B260] =	vst v63  }
0x56: {  	s16 =	simm.s32 $0xC490  }
0x57: {  	[spmem:s1] =	stream.indirect.scatter.add.f32 [tilespmem:s22], [sflag:$0x2], $0x40, s16, s17, $0xb8;
	[tilespmem:$0x1B260] =	vst v63  }
0x58: {  	_ =	swait.ge [sflag:s29], $0x1400  }
0x59: {  	[sflag:s29] =	ssyncset.done $0x0  }
0x5a: {  	[sflag:s29] =	ssyncadd.s32 $0xFFFFEC00  }
0x5b: {  	_ =	swait.ge [sflag:s29], $0x1400  }
0x5c: {  	[sflag:s29] =	ssyncset.done $0x0  }
0x5d: {  	[sflag:s29] =	ssyncadd.s32 $0xFFFFEC00  }
0x5e: {  	_ =	swait.ge [sflag:s29], $0x1400  }
0x5f: {  	[sflag:s29] =	ssyncset.done $0x0  }
0x60: {  	[sflag:s29] =	ssyncadd.s32 $0xFFFFEC00  }
0x61: {  	_ =	swait.ge [sflag:s29], $0x1400  }
0x62: {  	[sflag:s29] =	ssyncset.done $0x0  }
0x63: {  	[sflag:s29] =	ssyncadd.s32 $0xFFFFEC00  }
0x64: {  	_ =	swait.ge [sflag:s29], $0x1400  }
0x65: {  	[sflag:s29] =	ssyncset.done $0x0  }
0x66: {  	s4 =	simm.s32 $0xC4E0;
	[sflag:s29] =	ssyncadd.s32 $0xFFFFEC00  }
0x67: {  	[spmem:s1] =	stream.indirect.scatter.add.f32 [tilespmem:s23], [sflag:$0x3], $0x40, s4, s17, $0xb8;
	[tilespmem:$0x1B260] =	vst v63  }
0x68: {  	s6 =	simm.s32 $0xC530  }
0x69: {  	[spmem:s1] =	stream.indirect.scatter.add.f32 [tilespmem:s24], [sflag:$0x3], $0x40, s6, s17, $0xb8;
	[tilespmem:$0x1B260] =	vst v63  }
0x6a: {  	s15 =	simm.s32 $0xC580  }
0x6b: {  	[spmem:s1] =	stream.indirect.scatter.add.f32 [tilespmem:s25], [sflag:$0x3], $0x40, s15, s17, $0xb8;
	[tilespmem:$0x1B260] =	vst v63  }
0x6c: {  	p6 =	por $0x0, $0x0;
	s2 =	simm.s32 $0xC620;
	s16 =	simm.s32 $0xC5D0  }
0x6d: {  	[spmem:s1] =	stream.indirect.scatter.add.f32 [tilespmem:s26], [sflag:$0x3], $0x40, s16, s17, $0xb8;
	[tilespmem:$0x1B260] =	vst v63  }
0x6e: {  	p1 =	por p6, p6;
	s15 =	simm.s32 $0xC80;
	s16 =	simm.s32 $0x1900  }
.LBB2_2:
0x6f: {  	[spmem:s1] =	stream.indirect.scatter.add.f32 [tilespmem:s28], [sflag:$0x3], $0x40, s2, s17, $0xb8;
	[tilespmem:$0x1B260] =	vst v63  }
0x70: {  	s4 =	smov.u32 s16  }
0x71: {  	s16 =	sadd.s32 $0xC80, s16;
	s6 =	simm.s32 @!p1 $0x2;
	p3 =	seq.s32 s4, $0x0  }
0x72: {  	p2 =	sne.s32 s16, $0x9600;
	_ =	swait.ge @!p1 [sflag:s6], $0x6400  }
0x73: {  	s2 =	sshra.s32 s15, $0x2;
	s15 =	smov.u32 s4;
	[sflag:s6] =	ssyncset.done @!p1 $0x0  }
0x74: {  	s4 =	sadd.s32 $0x9C40, s2;
	[sflag:s6] =	ssyncadd.s32 @!p1 $0xFFFF9C00  }
0x75: {  	[tilespmem:s18], [sflag:$0x1] =	stream.indirect.gather [hbm4b:s3+s17], $0x40, s4, s17, $0xb8;
	[tilespmem:$0x1B260] =	vst v63  }
0x76: {  	s4 =	sadd.s32 $0x9C90, s2  }
0x77: {  	[tilespmem:s19], [sflag:$0x1] =	stream.indirect.gather [hbm4b:s3+s17], $0x40, s4, s17, $0xb8;
	[tilespmem:$0x1B260] =	vst v63  }
0x78: {  	s4 =	sadd.s32 $0x9CE0, s2  }
0x79: {  	[tilespmem:s20], [sflag:$0x1] =	stream.indirect.gather [hbm4b:s3+s17], $0x40, s4, s17, $0xb8;
	[tilespmem:$0x1B260] =	vst v63  }
0x7a: {  	s4 =	sadd.s32 $0x9D30, s2  }
0x7b: {  	[tilespmem:s21], [sflag:$0x1] =	stream.indirect.gather [hbm4b:s3+s17], $0x40, s4, s17, $0xb8;
	[tilespmem:$0x1B260] =	vst v63  }
0x7c: {  	s6 =	simm.s32 @!p1 $0x3;
	s4 =	sadd.s32 $0x9D80, s2  }
0x7d: {  	[tilespmem:s22], [sflag:$0x1] =	stream.indirect.gather [hbm4b:s3+s17], $0x40, s4, s17, $0xb8;
	[tilespmem:$0x1B260] =	vst v63  }
0x7e: {  	_ =	swait.ge @!p1 [sflag:s6], $0x6400  }
0x7f: {  	[sflag:s6] =	ssyncset.done @!p1 $0x0  }
0x80: {  	s4 =	sadd.s32 $0x9DD0, s2;
	[sflag:s6] =	ssyncadd.s32 @!p1 $0xFFFF9C00;
	p1 =	por p3, p3  }
0x81: {  	[tilespmem:s23], [sflag:$0x1] =	stream.indirect.gather [hbm4b:s3+s17], $0x40, s4, s17, $0xb8;
	[tilespmem:$0x1B260] =	vst v63  }
0x82: {  	s4 =	sadd.s32 $0x9E20, s2  }
0x83: {  	[tilespmem:s24], [sflag:$0x1] =	stream.indirect.gather [hbm4b:s3+s17], $0x40, s4, s17, $0xb8;
	[tilespmem:$0x1B260] =	vst v63  }
0x84: {  	s4 =	sadd.s32 $0x9E70, s2  }
0x85: {  	[tilespmem:s25], [sflag:$0x1] =	stream.indirect.gather [hbm4b:s3+s17], $0x40, s4, s17, $0xb8;
	[tilespmem:$0x1B260] =	vst v63  }
0x86: {  	s4 =	sadd.s32 $0x9EC0, s2  }
0x87: {  	[tilespmem:s26], [sflag:$0x1] =	stream.indirect.gather [hbm4b:s3+s17], $0x40, s4, s17, $0xb8;
	[tilespmem:$0x1B260] =	vst v63  }
0x88: {  	s4 =	sadd.s32 $0x9F10, s2  }
0x89: {  	[tilespmem:s28], [sflag:$0x1] =	stream.indirect.gather [hbm4b:s3+s17], $0x40, s4, s17, $0xb8;
	[tilespmem:$0x1B260] =	vst v63  }
0x8a: {  	_ =	swait.ge [sflag:s29], $0x1400  }
0x8b: {  	[sflag:s29] =	ssyncset.done $0x0  }
0x8c: {  	[sflag:s29] =	ssyncadd.s32 $0xFFFFEC00  }
0x8d: {  	_ =	swait.ge [sflag:s29], $0x1400  }
0x8e: {  	[sflag:s29] =	ssyncset.done $0x0  }
0x8f: {  	[sflag:s29] =	ssyncadd.s32 $0xFFFFEC00  }
0x90: {  	_ =	swait.ge [sflag:s29], $0x1400  }
0x91: {  	[sflag:s29] =	ssyncset.done $0x0  }
0x92: {  	[sflag:s29] =	ssyncadd.s32 $0xFFFFEC00  }
0x93: {  	_ =	swait.ge [sflag:s29], $0x1400  }
0x94: {  	[sflag:s29] =	ssyncset.done $0x0  }
0x95: {  	[sflag:s29] =	ssyncadd.s32 $0xFFFFEC00  }
0x96: {  	_ =	swait.ge [sflag:s29], $0x1400  }
0x97: {  	[sflag:s29] =	ssyncset.done $0x0  }
0x98: {  	s4 =	sadd.s32 $0xC350, s2;
	[sflag:s29] =	ssyncadd.s32 $0xFFFFEC00  }
0x99: {  	[spmem:s1] =	stream.indirect.scatter.add.f32 [tilespmem:s18], [sflag:$0x2], $0x40, s4, s17, $0xb8;
	[tilespmem:$0x1B260] =	vst v63  }
0x9a: {  	s4 =	sadd.s32 $0xC3A0, s2  }
0x9b: {  	[spmem:s1] =	stream.indirect.scatter.add.f32 [tilespmem:s19], [sflag:$0x2], $0x40, s4, s17, $0xb8;
	[tilespmem:$0x1B260] =	vst v63  }
0x9c: {  	s4 =	sadd.s32 $0xC3F0, s2  }
0x9d: {  	[spmem:s1] =	stream.indirect.scatter.add.f32 [tilespmem:s20], [sflag:$0x2], $0x40, s4, s17, $0xb8;
	[tilespmem:$0x1B260] =	vst v63  }
0x9e: {  	s4 =	sadd.s32 $0xC440, s2  }
0x9f: {  	[spmem:s1] =	stream.indirect.scatter.add.f32 [tilespmem:s21], [sflag:$0x2], $0x40, s4, s17, $0xb8;
	[tilespmem:$0x1B260] =	vst v63  }
0xa0: {  	s4 =	sadd.s32 $0xC490, s2  }
0xa1: {  	[spmem:s1] =	stream.indirect.scatter.add.f32 [tilespmem:s22], [sflag:$0x2], $0x40, s4, s17, $0xb8;
	[tilespmem:$0x1B260] =	vst v63  }
0xa2: {  	_ =	swait.ge [sflag:s29], $0x1400  }
0xa3: {  	[sflag:s29] =	ssyncset.done $0x0  }
0xa4: {  	[sflag:s29] =	ssyncadd.s32 $0xFFFFEC00  }
0xa5: {  	_ =	swait.ge [sflag:s29], $0x1400  }
0xa6: {  	[sflag:s29] =	ssyncset.done $0x0  }
0xa7: {  	[sflag:s29] =	ssyncadd.s32 $0xFFFFEC00  }
0xa8: {  	_ =	swait.ge [sflag:s29], $0x1400  }
0xa9: {  	[sflag:s29] =	ssyncset.done $0x0  }
0xaa: {  	[sflag:s29] =	ssyncadd.s32 $0xFFFFEC00  }
0xab: {  	_ =	swait.ge [sflag:s29], $0x1400  }
0xac: {  	[sflag:s29] =	ssyncset.done $0x0  }
0xad: {  	[sflag:s29] =	ssyncadd.s32 $0xFFFFEC00  }
0xae: {  	_ =	swait.ge [sflag:s29], $0x1400  }
0xaf: {  	[sflag:s29] =	ssyncset.done $0x0  }
0xb0: {  	s4 =	sadd.s32 $0xC4E0, s2;
	[sflag:s29] =	ssyncadd.s32 $0xFFFFEC00  }
0xb1: {  	[spmem:s1] =	stream.indirect.scatter.add.f32 [tilespmem:s23], [sflag:$0x3], $0x40, s4, s17, $0xb8;
	[tilespmem:$0x1B260] =	vst v63  }
0xb2: {  	s4 =	sadd.s32 $0xC530, s2  }
0xb3: {  	[spmem:s1] =	stream.indirect.scatter.add.f32 [tilespmem:s24], [sflag:$0x3], $0x40, s4, s17, $0xb8;
	[tilespmem:$0x1B260] =	vst v63  }
.Ltmp0:
0xb4: {  	s4 =	sadd.s32 $0xC580, s2;
	(pc) =	sbr.rel @p2 .LBB2_2-.Ltmp0, $4  }
0xb5: {  	[spmem:s1] =	stream.indirect.scatter.add.f32 [tilespmem:s25], [sflag:$0x3], $0x40, s4, s17, $0xb8;
	[tilespmem:$0x1B260] =	vst v63  }
0xb6: {  	s4 =	sadd.s32 $0xC5D0, s2  }
0xb7: {  	[spmem:s1] =	stream.indirect.scatter.add.f32 [tilespmem:s26], [sflag:$0x3], $0x40, s4, s17, $0xb8;
	[tilespmem:$0x1B260] =	vst v63  }
0xb8: {  	s2 =	sadd.s32 $0xC620, s2  }
0xb9: {  	[spmem:s1] =	stream.indirect.scatter.add.f32 [tilespmem:s28], [sflag:$0x3], $0x40, s2, s17, $0xb8;
	[tilespmem:$0x1B260] =	vst v63  }
0xba: {  	s4 =	simm.s32 @!p1 $0x2  }
0xbb: {  	_ =	swait.ge @!p1 [sflag:s4], $0x6400  }
0xbc: {  	s2 =	sshra.s32 s15, $0x2;
	[sflag:s4] =	ssyncset.done @!p1 $0x0  }
0xbd: {  	s15 =	sadd.s32 $0x9C40, s2;
	[sflag:s4] =	ssyncadd.s32 @!p1 $0xFFFF9C00  }
0xbe: {  	[tilespmem:s18], [sflag:$0x1] =	stream.indirect.gather [hbm4b:s3+s17], $0x40, s15, s17, $0xb8;
	[tilespmem:$0x1B260] =	vst v63  }
0xbf: {  	s16 =	sadd.s32 $0x9C90, s2  }
0xc0: {  	[tilespmem:s19], [sflag:$0x1] =	stream.indirect.gather [hbm4b:s3+s17], $0x40, s16, s17, $0xb8;
	[tilespmem:$0x1B260] =	vst v63  }
0xc1: {  	s6 =	sadd.s32 $0x9CE0, s2  }
0xc2: {  	[tilespmem:s20], [sflag:$0x1] =	stream.indirect.gather [hbm4b:s3+s17], $0x40, s6, s17, $0xb8;
	[tilespmem:$0x1B260] =	vst v63  }
0xc3: {  	s15 =	sadd.s32 $0x9D30, s2  }
0xc4: {  	[tilespmem:s21], [sflag:$0x1] =	stream.indirect.gather [hbm4b:s3+s17], $0x40, s15, s17, $0xb8;
	[tilespmem:$0x1B260] =	vst v63  }
0xc5: {  	s16 =	sadd.s32 $0x9D80, s2;
	s6 =	simm.s32 @!p1 $0x3  }
0xc6: {  	[tilespmem:s22], [sflag:$0x1] =	stream.indirect.gather [hbm4b:s3+s17], $0x40, s16, s17, $0xb8;
	[tilespmem:$0x1B260] =	vst v63  }
0xc7: {  	_ =	swait.ge @!p1 [sflag:s6], $0x6400  }
0xc8: {  	[sflag:s6] =	ssyncset.done @!p1 $0x0  }
0xc9: {  	s15 =	sadd.s32 $0x9DD0, s2;
	[sflag:s6] =	ssyncadd.s32 @!p1 $0xFFFF9C00  }
0xca: {  	[tilespmem:s23], [sflag:$0x1] =	stream.indirect.gather [hbm4b:s3+s17], $0x40, s15, s17, $0xb8;
	[tilespmem:$0x1B260] =	vst v63  }
0xcb: {  	s16 =	sadd.s32 $0x9E20, s2  }
0xcc: {  	[tilespmem:s24], [sflag:$0x1] =	stream.indirect.gather [hbm4b:s3+s17], $0x40, s16, s17, $0xb8;
	[tilespmem:$0x1B260] =	vst v63  }
0xcd: {  	s6 =	sadd.s32 $0x9E70, s2  }
0xce: {  	[tilespmem:s25], [sflag:$0x1] =	stream.indirect.gather [hbm4b:s3+s17], $0x40, s6, s17, $0xb8;
	[tilespmem:$0x1B260] =	vst v63  }
0xcf: {  	s15 =	sadd.s32 $0x9EC0, s2  }
0xd0: {  	[tilespmem:s26], [sflag:$0x1] =	stream.indirect.gather [hbm4b:s3+s17], $0x40, s15, s17, $0xb8;
	[tilespmem:$0x1B260] =	vst v63  }
0xd1: {  	s16 =	sadd.s32 $0x9F10, s2  }
0xd2: {  	[tilespmem:s28], [sflag:$0x1] =	stream.indirect.gather [hbm4b:s3+s17], $0x40, s16, s17, $0xb8;
	[tilespmem:$0x1B260] =	vst v63  }
0xd3: {  	_ =	swait.ge [sflag:s29], $0x1400  }
0xd4: {  	[sflag:s29] =	ssyncset.done $0x0  }
0xd5: {  	[sflag:s29] =	ssyncadd.s32 $0xFFFFEC00  }
0xd6: {  	_ =	swait.ge [sflag:s29], $0x1400  }
0xd7: {  	[sflag:s29] =	ssyncset.done $0x0  }
0xd8: {  	[sflag:s29] =	ssyncadd.s32 $0xFFFFEC00  }
0xd9: {  	_ =	swait.ge [sflag:s29], $0x1400  }
0xda: {  	[sflag:s29] =	ssyncset.done $0x0  }
0xdb: {  	[sflag:s29] =	ssyncadd.s32 $0xFFFFEC00  }
0xdc: {  	_ =	swait.ge [sflag:s29], $0x1400  }
0xdd: {  	[sflag:s29] =	ssyncset.done $0x0  }
0xde: {  	[sflag:s29] =	ssyncadd.s32 $0xFFFFEC00  }
0xdf: {  	_ =	swait.ge [sflag:s29], $0x1400  }
0xe0: {  	[sflag:s29] =	ssyncset.done $0x0  }
0xe1: {  	s6 =	sadd.s32 $0xC350, s2;
	[sflag:s29] =	ssyncadd.s32 $0xFFFFEC00  }
0xe2: {  	[spmem:s1] =	stream.indirect.scatter.add.f32 [tilespmem:s18], [sflag:$0x2], $0x40, s6, s17, $0xb8;
	[tilespmem:$0x1B260] =	vst v63  }
0xe3: {  	s15 =	sadd.s32 $0xC3A0, s2  }
0xe4: {  	[spmem:s1] =	stream.indirect.scatter.add.f32 [tilespmem:s19], [sflag:$0x2], $0x40, s15, s17, $0xb8;
	[tilespmem:$0x1B260] =	vst v63  }
0xe5: {  	s16 =	sadd.s32 $0xC3F0, s2  }
0xe6: {  	[spmem:s1] =	stream.indirect.scatter.add.f32 [tilespmem:s20], [sflag:$0x2], $0x40, s16, s17, $0xb8;
	[tilespmem:$0x1B260] =	vst v63  }
0xe7: {  	s6 =	sadd.s32 $0xC440, s2  }
0xe8: {  	[spmem:s1] =	stream.indirect.scatter.add.f32 [tilespmem:s21], [sflag:$0x2], $0x40, s6, s17, $0xb8;
	[tilespmem:$0x1B260] =	vst v63  }
0xe9: {  	s15 =	sadd.s32 $0xC490, s2  }
0xea: {  	[spmem:s1] =	stream.indirect.scatter.add.f32 [tilespmem:s22], [sflag:$0x2], $0x40, s15, s17, $0xb8;
	[tilespmem:$0x1B260] =	vst v63  }
0xeb: {  	_ =	swait.ge [sflag:s29], $0x1400  }
0xec: {  	[sflag:s29] =	ssyncset.done $0x0  }
0xed: {  	[sflag:s29] =	ssyncadd.s32 $0xFFFFEC00  }
0xee: {  	_ =	swait.ge [sflag:s29], $0x1400  }
0xef: {  	[sflag:s29] =	ssyncset.done $0x0  }
0xf0: {  	[sflag:s29] =	ssyncadd.s32 $0xFFFFEC00  }
0xf1: {  	_ =	swait.ge [sflag:s29], $0x1400  }
0xf2: {  	[sflag:s29] =	ssyncset.done $0x0  }
0xf3: {  	[sflag:s29] =	ssyncadd.s32 $0xFFFFEC00  }
0xf4: {  	_ =	swait.ge [sflag:s29], $0x1400  }
0xf5: {  	[sflag:s29] =	ssyncset.done $0x0  }
0xf6: {  	[sflag:s29] =	ssyncadd.s32 $0xFFFFEC00  }
0xf7: {  	_ =	swait.ge [sflag:s29], $0x1400  }
0xf8: {  	[sflag:s29] =	ssyncset.done $0x0  }
0xf9: {  	s16 =	sadd.s32 $0xC4E0, s2;
	[sflag:s29] =	ssyncadd.s32 $0xFFFFEC00  }
0xfa: {  	[spmem:s1] =	stream.indirect.scatter.add.f32 [tilespmem:s23], [sflag:$0x3], $0x40, s16, s17, $0xb8;
	[tilespmem:$0x1B260] =	vst v63  }
0xfb: {  	s6 =	sadd.s32 $0xC530, s2  }
0xfc: {  	[spmem:s1] =	stream.indirect.scatter.add.f32 [tilespmem:s24], [sflag:$0x3], $0x40, s6, s17, $0xb8;
	[tilespmem:$0x1B260] =	vst v63  }
0xfd: {  	s15 =	sadd.s32 $0xC580, s2  }
0xfe: {  	[spmem:s1] =	stream.indirect.scatter.add.f32 [tilespmem:s25], [sflag:$0x3], $0x40, s15, s17, $0xb8;
	[tilespmem:$0x1B260] =	vst v63  }
0xff: {  	s16 =	sadd.s32 $0xC5D0, s2  }
0x100: {  	[spmem:s1] =	stream.indirect.scatter.add.f32 [tilespmem:s26], [sflag:$0x3], $0x40, s16, s17, $0xb8;
	[tilespmem:$0x1B260] =	vst v63  }
0x101: {  	s2 =	sadd.s32 $0xC620, s2  }
0x102: {  	[spmem:s1] =	stream.indirect.scatter.add.f32 [tilespmem:s28], [sflag:$0x3], $0x40, s2, s17, $0xb8;
	[tilespmem:$0x1B260] =	vst v63  }
0x103: {  	_ =	swait.ge [sflag:s30], $0x6400  }
0x104: {  	[sflag:s30] =	ssyncset.done $0x0  }
0x105: {  	[sflag:s30] =	ssyncadd.s32 $0xFFFF9C00  }
0x106: {  	_ =	swait.ge [sflag:s31], $0x6400  }
0x107: {  	[sflag:s31] =	ssyncset.done $0x0  }
0x108: {  	s4 =	simm.s32 $0xC1C0;
	[sflag:s31] =	ssyncadd.s32 $0xFFFF9C00  }
0x109: {  	[tilespmem:s18], [sflag:$0x1] =	stream.indirect.gather [hbm4b:s3+s17], $0x40, s4, s17, $0xb8;
	[tilespmem:$0x1B260] =	vst v63  }
0x10a: {  	s6 =	simm.s32 $0xC210  }
0x10b: {  	[tilespmem:s19], [sflag:$0x1] =	stream.indirect.gather [hbm4b:s3+s17], $0x40, s6, s17, $0xb8;
	[tilespmem:$0x1B260] =	vst v63  }
0x10c: {  	s15 =	simm.s32 $0xC260  }
0x10d: {  	[tilespmem:s20], [sflag:$0x1] =	stream.indirect.gather [hbm4b:s3+s17], $0x40, s15, s17, $0xb8;
	[tilespmem:$0x1B260] =	vst v63  }
0x10e: {  	s16 =	simm.s32 $0xC2B0  }
0x10f: {  	[tilespmem:s21], [sflag:$0x1] =	stream.indirect.gather [hbm4b:s3+s17], $0x40, s16, s17, $0xb8;
	[tilespmem:$0x1B260] =	vst v63  }
0x110: {  	s4 =	simm.s32 $0xC300  }
0x111: {  	[tilespmem:s22], [sflag:$0x1] =	stream.indirect.gather [hbm4b:s3+s17], $0x40, s4, s17, $0xb8;
	[tilespmem:$0x1B260] =	vst v63  }
0x112: {  	_ =	swait.ge [sflag:s29], $0x1400  }
0x113: {  	[sflag:s29] =	ssyncset.done $0x0  }
0x114: {  	[sflag:s29] =	ssyncadd.s32 $0xFFFFEC00  }
0x115: {  	_ =	swait.ge [sflag:s29], $0x1400  }
0x116: {  	[sflag:s29] =	ssyncset.done $0x0  }
0x117: {  	[sflag:s29] =	ssyncadd.s32 $0xFFFFEC00  }
0x118: {  	_ =	swait.ge [sflag:s29], $0x1400  }
0x119: {  	[sflag:s29] =	ssyncset.done $0x0  }
0x11a: {  	[sflag:s29] =	ssyncadd.s32 $0xFFFFEC00  }
0x11b: {  	_ =	swait.ge [sflag:s29], $0x1400  }
0x11c: {  	[sflag:s29] =	ssyncset.done $0x0  }
0x11d: {  	[sflag:s29] =	ssyncadd.s32 $0xFFFFEC00  }
0x11e: {  	_ =	swait.ge [sflag:s29], $0x1400  }
0x11f: {  	[sflag:s29] =	ssyncset.done $0x0  }
0x120: {  	s6 =	simm.s32 $0xE8D0;
	[sflag:s29] =	ssyncadd.s32 $0xFFFFEC00  }
0x121: {  	[spmem:s1] =	stream.indirect.scatter.add.f32 [tilespmem:s18], [sflag:$0x2], $0x40, s6, s17, $0xb8;
	[tilespmem:$0x1B260] =	vst v63  }
0x122: {  	s15 =	simm.s32 $0xE920  }
0x123: {  	[spmem:s1] =	stream.indirect.scatter.add.f32 [tilespmem:s19], [sflag:$0x2], $0x40, s15, s17, $0xb8;
	[tilespmem:$0x1B260] =	vst v63  }
0x124: {  	s16 =	simm.s32 $0xE970  }
0x125: {  	[spmem:s1] =	stream.indirect.scatter.add.f32 [tilespmem:s20], [sflag:$0x2], $0x40, s16, s17, $0xb8;
	[tilespmem:$0x1B260] =	vst v63  }
0x126: {  	s4 =	simm.s32 $0xE9C0  }
0x127: {  	[spmem:s1] =	stream.indirect.scatter.add.f32 [tilespmem:s21], [sflag:$0x2], $0x40, s4, s17, $0xb8;
	[tilespmem:$0x1B260] =	vst v63  }
0x128: {  	s6 =	simm.s32 $0xEA10  }
0x129: {  	[spmem:s1] =	stream.indirect.scatter.add.f32 [tilespmem:s22], [sflag:$0x2], $0x40, s6, s17, $0xb8;
	[tilespmem:$0x1B260] =	vst v63  }
0x12a: {  	_ =	swait.ge [sflag:s30], $0x1400  }
0x12b: {  	[sflag:s30] =	ssyncset.done $0x0  }
0x12c: {  	[sflag:s30] =	ssyncadd.s32 $0xFFFFEC00  }
0x12d: {  	_ =	swait.ge [sflag:s30], $0x1400  }
0x12e: {  	[sflag:s30] =	ssyncset.done $0x0  }
0x12f: {  	[sflag:s30] =	ssyncadd.s32 $0xFFFFEC00  }
0x130: {  	_ =	swait.ge [sflag:s30], $0x1400  }
0x131: {  	[sflag:s30] =	ssyncset.done $0x0  }
0x132: {  	[sflag:s30] =	ssyncadd.s32 $0xFFFFEC00  }
0x133: {  	_ =	swait.ge [sflag:s30], $0x1400  }
0x134: {  	[sflag:s30] =	ssyncset.done $0x0  }
0x135: {  	[sflag:s30] =	ssyncadd.s32 $0xFFFFEC00  }
0x136: {  	_ =	swait.ge [sflag:s30], $0x1400  }
0x137: {  	[sflag:s30] =	ssyncset.done $0x0  }
0x138: {  	[sflag:s30] =	ssyncadd.s32 $0xFFFFEC00  }
0x139: {  	s15 =	simm.s32 $0x10;
	s16 =	simm.s32 $0x8;
	[bflag:$0x0] =	sbarrier.arrive $0xFFFF  }
0x13a: {  	[hbm:s9@s15], [sflag:s5] =	dma.strided [spmem:s12@s16], $0x1380, s29, $0x8   }
0x13b: {  	s0 =	sadd.s32 $0x1, s0;
	_ =	swait.ge [sflag:s13], $0x1380  }
0x13c: {  	p1 =	sne.s32 s0, s11;
	s2 =	simm.s32 @!p0 $0x1;
	[sflag:s13] =	ssyncset.done $0x0  }
0x13d: {  	s4 =	simm.s32 @!p0 $0x10;
	s6 =	simm.s32 @!p0 $0x8;
	[sflag:s13] =	ssyncadd.s32 $0xFFFFEC80  }
0x13e: {  	[hbm:s10@s4], [sflag:s5] =	dma.strided @!p0 [spmem:s14@s6], $0x80, s2, $0x8   }
.Ltmp1:
0x13f: {  	_ = 	snop;
	(pc) =	sbr.rel @p1 .LBB2_1-.Ltmp1, $4  }
0x140: {  	s2 =	simm.s32 @!p0 $0x4  }
0x141: {  	_ =	swait.ge @!p0 [sflag:s2], $0x80  }
0x142: {  	[sflag:s2] =	ssyncset.done @!p0 $0x0  }
0x143: {  	[sflag:s2] =	ssyncadd.s32 @!p0 $0xFFFFFF80  }
0x144: {  	_ =	sfence.sel $0x180000  }
0x145: {  	[bflag:$0x0] =	sbarrier.arrive $0xFFFF  }
0x146: {  	_ =	strace $0x9000004A  }
0x147: {  	[bflag:$0x2] =	sbarrier.arrive $0xFFFF  }
0x148: {  	s0 =	rddreg [dreg:$0x2]  }
0x149: {  	s0 =	sadd.s32 @!p0 $0x100000, s0  }
0x14a: {  	[sflag:s0] =	ssyncadd.tile.s32 @!p0 $0x1;
	_ =	shalt  }
.Lfunc_end2:
_tile_overlayer_lowered:
.L_overlay_start_2:
0x14b: {  	(tag) =	ssettag $0x2  }
0x14c: {  	s0 =	rddreg [dreg:$0x0];
	s2 =	stileid.u32  }
0x14d: {  	s1 =	rddreg [dreg:$0x1];
	p0 =	sne.s32 s2, $0x0  }
0x14e: {  	s3 =	rddreg [dreg:$0x2];
	[bflag:$0x3] =	sbarrier.arrive $0xFFFF;
	s2 =	simm.s32 @!p0 $0x1C04  }
0x14f: {  	[timem:s3], [sflag:s2] =	dma.local @!p0 [hbm:s0], s1  }
0x150: {  	s0 =	simm.s32 @!p0 $0x4  }
0x151: {  	_ =	swait.ge @!p0 [sflag:s0], s1  }
0x152: {  	s1 =	ssub.s32 @!p0 $0x0, s1;
	[sflag:s0] =	ssyncset.done @!p0 $0x0  }
0x153: {  	[sflag:s0] =	ssyncadd.s32 @!p0 s1  }
0x154: {  	[bflag:$0x3] =	sbarrier.arrive $0xFFFF  }
0x155: {  	_ =	shalt  }

// kernel: kernel.15.cloned.1.call-start
scs
__scs_entry_jumppad:
0x0: {  	(pc) =	sbr.rel $0x88, $3  }
0x1: {  	(tag) =	ssettag $0x0;
	lr =	simm.s32 $0x1  }
0x2: {  	[smem:$0x3F8E] =	sst lr;
	_ =	strace $0xD0000000  }
0x3: {  	_ = 	snop  }
0x4: {  	_ = 	snop  }
0x5: {  	_ = 	snop  }
0x6: {  	_ = 	snop  }
0x7: {  	_ = 	snop  }
__scs_overlays_trampoline_lowered:
0x8: {  	[smem:$0x3F9D] =	sst s0  }
0x9: {  	[smem:$0x3F9E] =	sst s1  }
0xa: {  	[smem:$0x3F9F] =	sst s2  }
0xb: {  	[smem:$0x3FA0] =	sst s3  }
0xc: {  	[smem:$0x3FA1] =	sst s4  }
0xd: {  	[smem:$0x3FA2] =	sst s5  }
0xe: {  	[smem:$0x3FA3] =	sst s6  }
0xf: {  	[smem:$0x3FA4] =	sst s7  }
0x10: {  	[smem:$0x3FA5] =	sst s8  }
0x11: {  	[smem:$0x3FA6] =	sst s9;
	s0 =	simm.s32 @!p0 $0x0  }
0x12: {  	s1 =	sld [smem:$0x3F8C];
	s0 =	simm.s32 @p0 $0x1  }
0x13: {  	[smem:$0x3FA7] =	sst s0;
	s0 =	simm.s32 @!p1 $0x0  }
0x14: {  	s2 =	sld [smem:$0x3F8B];
	s0 =	simm.s32 @p1 $0x1  }
0x15: {  	[smem:$0x3FA8] =	sst s0;
	s0 =	simm.s32 @!p2 $0x0  }
0x16: {  	s3 =	sld [smem:$0x3FDB];
	s0 =	simm.s32 @p2 $0x1  }
0x17: {  	s4 =	simm.s32 $0x1BF5;
	[smem:$0x3FAA] =	sst s0  }
0x18: {  	s0 =	sld [smem:$0x3F8D];
	_ =	swait.ge [sflag:s4], $0x0  }
0x19: {  	s7 =	sld [smem:$0x3F8E]  }
0x1a: {  	s8 =	sadd.s32 $0xFFFFE003, lr  }
0x1b: {  	s9 =	sadd.s32 $0xFFFFFEF7, lr;
	s5 =	simm.s32 $0xFFFFFFFF;
	p2 =	slt.u32 s8, $0xFFFFF086  }
0x1c: {  	p1 =	slt.u32 s9, $0xF7A;
	s5 =	simm.s32 @!p2 $0x0  }
0x1d: {  	s5 =	simm.s32 @p1 $0x1;
	p0 =	seq.s32 s7, s2  }
0x1e: {  	s7 =	smul.u32 @!p0 $0xF7A, s2;
	p2 =	seq.s32 @!p0 s5, $0x0  }
0x1f: {  	s9 =	smul.u32 $0xF7A, s1;
	s8 =	simm.s32 @!p0 $0x1BF5;
	p2 =	por !p2, p0  }
0x20: {  	[sflag:s8] =	ssyncset.s32 @!p0 $0xFFFFF086;
	s6 =	sadd.s32 @!p0 s3, s7;
	s7 =	simm.s32 @!p0 $0x108  }
0x21: {  	s3 =	sadd.s32 s3, s9;
	s6 =	sadd.s32 @!p0 $0x88, s6;
	s7 =	simm.s32 @p2 $0x1082  }
0x22: {  	[simem:s7], [sflag:s8] =	dma.local @!p0 [hbm:s6], $0xF7A  }
0x23: {  	s9 =	sor.u32 $0xD0000000, s2;
	s6 =	simm.s32 $0x108;
	_ =	swait.ge @!p0 [sflag:s8], $0x0  }
0x24: {  	s3 =	sadd.s32 $0x88, s3;
	s6 =	simm.s32 @!p1 $0x1082;
	[sflag:s4] =	ssyncset.s32 $0xFFFFF086  }
0x25: {  	[simem:s6], [sflag:s4] =	dma.local [hbm:s3], $0xF7A  }
0x26: {  	[smem:$0x3F8E] =	sst s1;
	(tag) =	ssettag s2;
	_ =	strace s9  }
0x27: {  	s1 =	sld [smem:$0x3F9E]  }
0x28: {  	s2 =	sld [smem:$0x3F9F]  }
0x29: {  	s4 =	sld [smem:$0x3FA1]  }
0x2a: {  	p0 =	seq.s32 s5, $0x0;
	s5 =	sld [smem:$0x3FA2]  }
0x2b: {  	s6 =	sld [smem:$0x3FA3]  }
0x2c: {  	s7 =	sld [smem:$0x3FA4]  }
0x2d: {  	s3 =	simm.s32 $0x108;
	s8 =	sld [smem:$0x3FA5]  }
0x2e: {  	s3 =	simm.s32 @!p0 $0x1082;
	s9 =	sld [smem:$0x3FA6]  }
0x2f: {  	lr =	sadd.s32 s0, s3;
	s0 =	sld [smem:$0x3F9D]  }
0x30: {  	s3 =	sld [smem:$0x3FA0]  }
0x31: {  	[smem:$0x3FA9] =	sst s10  }
0x32: {  	s10 =	sld [smem:$0x3FA7];
	_ =	sdelay $0x3  }
0x33: {  	p0 =	seq.s32 s10, $0x1;
	s10 =	sld [smem:$0x3FA9];
	_ =	sdelay $0x3  }
0x34: {  	[smem:$0x3FA9] =	sst s10  }
0x35: {  	s10 =	sld [smem:$0x3FA8];
	_ =	sdelay $0x3  }
0x36: {  	p1 =	seq.s32 s10, $0x1;
	s10 =	sld [smem:$0x3FA9];
	_ =	sdelay $0x3  }
0x37: {  	[smem:$0x3FA9] =	sst s10  }
0x38: {  	s10 =	sld [smem:$0x3FAA]  }
0x39: {  	_ = 	snop;
	(pc) =	sbr.ind lr, $3  }
0x3a: {  	_ = 	snop  }
0x3b: {  	_ = 	snop  }
0x3c: {  	p2 =	seq.s32 s10, $0x1;
	s10 =	sld [smem:$0x3FA9]  }
0x3d: {  	_ =	shalt  }
0x3e: {  	_ =	shalt  }
0x3f: {  	_ =	shalt  }
0x40: {  	_ =	shalt  }
0x41: {  	_ =	shalt  }
0x42: {  	_ =	shalt  }
0x43: {  	_ =	shalt  }
0x44: {  	_ =	shalt  }
0x45: {  	_ =	shalt  }
0x46: {  	_ =	shalt  }
0x47: {  	_ =	shalt  }
0x48: {  	_ =	shalt  }
0x49: {  	_ =	shalt  }
0x4a: {  	_ =	shalt  }
0x4b: {  	_ =	shalt  }
0x4c: {  	_ =	shalt  }
0x4d: {  	_ =	shalt  }
0x4e: {  	_ =	shalt  }
0x4f: {  	_ =	shalt  }
0x50: {  	_ =	shalt  }
0x51: {  	_ =	shalt  }
0x52: {  	_ =	shalt  }
0x53: {  	_ =	shalt  }
0x54: {  	_ =	shalt  }
0x55: {  	_ =	shalt  }
0x56: {  	_ =	shalt  }
0x57: {  	_ =	shalt  }
0x58: {  	_ =	shalt  }
0x59: {  	_ =	shalt  }
0x5a: {  	_ =	shalt  }
0x5b: {  	_ =	shalt  }
0x5c: {  	_ =	shalt  }
0x5d: {  	_ =	shalt  }
0x5e: {  	_ =	shalt  }
0x5f: {  	_ =	shalt  }
0x60: {  	_ =	shalt  }
0x61: {  	_ =	shalt  }
0x62: {  	_ =	shalt  }
0x63: {  	_ =	shalt  }
0x64: {  	_ =	shalt  }
0x65: {  	_ =	shalt  }
0x66: {  	_ =	shalt  }
0x67: {  	_ =	shalt  }
0x68: {  	_ =	shalt  }
0x69: {  	_ =	shalt  }
0x6a: {  	_ =	shalt  }
0x6b: {  	_ =	shalt  }
0x6c: {  	_ =	shalt  }
0x6d: {  	_ =	shalt  }
0x6e: {  	_ =	shalt  }
0x6f: {  	_ =	shalt  }
0x70: {  	_ =	shalt  }
0x71: {  	_ =	shalt  }
0x72: {  	_ =	shalt  }
0x73: {  	_ =	shalt  }
0x74: {  	_ =	shalt  }
0x75: {  	_ =	shalt  }
0x76: {  	_ =	shalt  }
0x77: {  	_ =	shalt  }
0x78: {  	_ =	shalt  }
0x79: {  	_ =	shalt  }
0x7a: {  	_ =	shalt  }
0x7b: {  	_ =	shalt  }
0x7c: {  	_ =	shalt  }
0x7d: {  	_ =	shalt  }
0x7e: {  	_ =	shalt  }
0x7f: {  	_ =	shalt  }
0x80: {  	_ =	shalt  }
0x81: {  	_ =	shalt  }
0x82: {  	_ =	shalt  }
0x83: {  	_ =	shalt  }
0x84: {  	_ =	shalt  }
0x85: {  	_ =	shalt  }
0x86: {  	_ =	shalt  }
0x87: {  	_ =	shalt  }
.Lfunc_end0:
.L_simem_size_0:
called_computation.2_lowered:
.L_overlay_start_0:
0x88: {  	s2 =	sld [smem:$0x3FD9]  }
0x89: {  	s3 =	sld [smem:$0x3FFE];
	_ =	sdelay $0x1  }
0x8a: {  	s1 =	srdreg.scid  }
0x8b: {  	s0 =	sand.u32 $0x1, s1  }
0x8c: {  	s16 =	sshll.u32 s0, $0xA;
	s2 =	sadd.s32 s3, s2  }
0x8d: {  	s2 =	sadd.s32 s2, s16  }
0x8e: {  	[smem:$0x3FB5] =	sst s2  }
0x8f: {  	_ = 	snop  }
0x90: {  	(tm) =	ssettm $0x1  }
0x91: {  	s17 =	sld [smem:$0x3FFB];
	_ =	sdelay $0x3  }
0x92: {  	_ =	strace s17  }
0x93: {  	s2 =	sld [smem:$0x3FFC];
	_ =	sdelay $0x3  }
0x94: {  	_ =	strace s2  }
0x95: {  	s2 =	sld [smem:$0x3FFD];
	_ =	sdelay $0x3  }
0x96: {  	_ =	strace s2  }
0x97: {  	_ =	strace $0x8FFFFFFF  }
0x98: {  	s18 =	sld [smem:$0x3FDB];
	_ =	sdelay $0x1  }
0x99: {  	s19 =	simm.s32 $_scs_section_size  }
0x9a: {  	s4 =	simm.s32 $_size__tile_overlayer_lowered;
	s5 =	simm.s32 $_tile_overlayer_lowered  }
0x9b: {  	s22 =	simm.s32 $0x1BFF;
	s21 =	sshll.u32 s5, $0x1;
	s2 =	sadd.s32 s19, s18  }
0x9c: {  	s6 =	simm.s32 $0x0;
	s20 =	sshll.u32 s4, $0x1;
	s4 =	sadd.s32 s21, s2  }
0x9d: {  	[timem:s6], [sflag:s22] =	dma.local [hbm:s4], s20  }
0x9e: {  	_ =	swait.ge [sflag:s22], s20  }
0x9f: {  	s3 =	ssub.s32 $0x0, s20;
	[sflag:s22] =	ssyncset.done $0x0  }
0xa0: {  	[sflag:s22] =	ssyncadd.s32 s3;
	_ =	sdelay $0x1  }
0xa1: {  	s23 =	simm.s32 $0x1B8B  }
0xa2: {  	_ =	swait.ge [sflag:s23], $0x1  }
0xa3: {  	[sflag:s23] =	ssyncset.done $0x0  }
0xa4: {  	s25 =	simm.s32 $0x1B8E;
	s24 =	sld [smem:$0x3FFE];
	[sflag:s23] =	ssyncadd.s32 $0xFFFFFFFF  }
0xa5: {  	s26 =	simm.s32 $execute0_lowered;
	[smem:$0x3FD2] =	sst s25  }
0xa6: {  	s4 =	sshll.u32 s26, $0x1;
	_ =	strace $0x8000004C;
	[dreg:$0x1] =	wrdreg $0xFFFFFFFF  }
0xa7: {  	s28 =	simm.s32 $_size_execute0_lowered;
	s2 =	sadd.s32 s2, s4;
	[dreg:$0x0] =	wrdreg $0x0  }
0xa8: {  	s4 =	sshll.u32 s28, $0x1;
	[dreg:$0x2] =	wrdreg s2  }
0xa9: {  	[dreg:$0x3] =	wrdreg s4  }
0xaa: {  	[dreg:$0x4] =	wrdreg $0xC0  }
0xab: {  	_ =	task [dreg:s6], $0x5FFFF  }
0xac: {  	[dreg:$0x1] =	wrdreg $0xFFFFFFFF  }
0xad: {  	[dreg:$0x0] =	wrdreg $0x60  }
0xae: {  	[dreg:$0x2] =	wrdreg s24  }
0xaf: {  	[dreg:$0x3] =	wrdreg $0x0  }
0xb0: {  	[dreg:$0x4] =	wrdreg $0x9  }
0xb1: {  	_ =	task.clear_ibuf [dreg:s6], $0x5FFFF;
	_ =	strace $0x9000004C  }
0xb2: {  	s29 =	simm.s32 $0x9;
	_ =	strace $0x8000004E  }
0xb3: {  	_ =	swait.ge [sflag:s29], $0x1  }
0xb4: {  	[sflag:s29] =	ssyncadd.s32 $0xFFFFFFFF  }
0xb5: {  	_ =	strace $0x9000004E  }
0xb6: {  	_ =	sfence  }
0xb7: {  	s30 =	sld [smem:$0x0];
	_ =	sdelay $0x2  }
0xb8: {  	s31 =	sshll.u32 s1, $0xD;
	s1 =	sshrl.u32 s1, $0x2  }
0xb9: {  	s3 =	sand.u32 $0x4000, s31;
	s1 =	sadd.s32 s1, s30  }
0xba: {  	s0 =	sor.u32 s3, s0;
	s1 =	sshll.u32 s1, $0x11  }
0xbb: {  	s0 =	sor.u32 s1, s0  }
0xbc: {  	s0 =	sadd.s32 $0x8F2B, s0  }
0xbd: {  	[sflag:s0] =	ssyncadd.remote.s32 $0x1  }
0xbe: {  	_ =	sfence.sel $0xFFFF  }
0xbf: {  	[dreg:$0x0] =	wrdreg $0xFFFFFFFF;
	(pc) =	sbr.abs _section_cstart, $3  }
0xc0: {  	[dreg:$0x1] =	wrdreg $0xFFFFFFFF  }
0xc1: {  	_ =	task.clear_ibuf [dreg:s6], $0x2FFFF;
	_ =	strace $0x9FFFFFFF  }
0xc2: {  	(tm) =	ssettm $0x7FFFFFFF  }
0xc3: {  	_ =	shalt  }
tec
execute0_lowered:
.L_overlay_start_1:
0x0: {  	(tag) =	ssettag $0x1  }
0x1: {  	s0 =	srdreg.scid;
	s2 =	rddreg [dreg:$0x0]  }
0x2: {  	s12 =	stileid.u32;
	s1 =	rddreg [dreg:$0x1];
	s5 =	simm.s32 $0x0  }
0x3: {  	s17 =	simm.s32 $0x50;
	s18 =	simm.s32 $0xEA60;
	s19 =	simm.s32 $0xFE60  }
0x4: {  	s20 =	simm.s32 $0x11260;
	s21 =	simm.s32 $0x12660;
	s22 =	simm.s32 $0x13A60  }
0x5: {  	s28 =	simm.s32 $0x19E60;
	s29 =	simm.s32 $0x1;
	s30 =	simm.s32 $0x2  }
0x6: {  	s31 =	simm.s32 $0x3;
	s0 =	sand.u32 $0x1, s0;
	[smem:$0x7FF] =	sst s5  }
0x7: {  	s23 =	smul.u32 $0x9C00, s12;
	s9 =	sadd.s32 $0x3EA00, s2;
	s25 =	sshll.u32 s12, $0x6  }
0x8: {  	s10 =	smul.u32 $0x13800, s12;
	s14 =	sadd.s32 $0x9C000, s1;
	p0 =	sne.s32 s12, $0x0  }
0x9: {  	s3 =	sshll.u32 s0, $0x4;
	_ =	strace $0x8000004D;
	s6 =	ssub.s32 $0x2, s0  }
0xa: {  	s0 =	smul.u32 $0x138800, s0;
	s5 =	sor.u32 $0x1C04, s25;
	s14 =	sshrl.u32 @!p0 s14, $0x3  }
0xb: {  	s25 =	simm.s32 $0x17660;
	s3 =	sor.u32 s12, s3;
	s24 =	sshrl.u32 s23, $0x3  }
0xc: {  	s7 =	sshrl.u32 s6, $0x1;
	s13 =	sadd.s32 s23, s1;
	s23 =	simm.s32 $0x14E60  }
0xd: {  	s4 =	smul.u32 $0x2710, s3;
	s3 =	sadd.s32 $0x17600, s2;
	s11 =	ssub.s32 s6, s7  }
0xe: {  	s26 =	sadd.s32 s10, s0;
	s0 =	sshrl.u32 s0, $0x3;
	s12 =	sshrl.u32 s13, $0x3  }
0xf: {  	s13 =	simm.s32 $0x4;
	s0 =	sadd.s32 s9, s0;
	s11 =	smax.u32 s11, $0x1  }
0x10: {  	s4 =	sshrl.u32 s4, $0x3;
	s10 =	sadd.s32 $0x27000, s0;
	s0 =	simm.s32 $0x0  }
0x11: {  	s8 =	sadd.s32 s4, s2;
	s4 =	sadd.s32 s24, s2;
	s2 =	sadd.s32 $0x3E800, s2  }
0x12: {  	s24 =	simm.s32 $0x16260;
	s4 =	sadd.s32 $0x2B000, s4;
	[dreg:$0x4] =	wrdreg s2  }
0x13: {  	s7 =	sadd.s32 $0x3C00, s8;
	s8 =	sadd.s32 $0xD840, s8;
	s2 =	sshrl.u32 s26, $0x3  }
0x14: {  	s26 =	simm.s32 $0x18A60;
	[dreg:$0x3] =	wrdreg s4;
	s9 =	sadd.s32 s9, s2  }
.LBB2_1:
0x15: {  	s2 =	rddreg [dreg:$0x3]  }
0x16: {  	[spmem:s12], [sflag:s5] =	dma.local [hbm:s2], $0x1380  }
0x17: {  	_ =	swait.ge [sflag:s13], $0x1380  }
0x18: {  	[sflag:s13] =	ssyncset.done $0x0  }
0x19: {  	s2 =	rddreg [dreg:$0x4];
	[sflag:s13] =	ssyncadd.s32 $0xFFFFEC80  }
0x1a: {  	[spmem:s14], [sflag:s5] =	dma.local @!p0 [hbm:s2], $0x80  }
0x1b: {  	s2 =	simm.s32 @!p0 $0x4  }
0x1c: {  	_ =	swait.ge @!p0 [sflag:s2], $0x80  }
0x1d: {  	[sflag:s2] =	ssyncset.done @!p0 $0x0  }
0x1e: {  	s15 =	simm.s32 $0x0;
	s4 =	simm.s32 $0x9C40;
	[sflag:s2] =	ssyncadd.s32 @!p0 $0xFFFFFF80  }
0x1f: {  	[tilespmem:s4], [sflag:$0x4] =	stream.linear.gather [hbm4b:s7+s15], $0x2710, $0x38;
	[tilespmem:$0x1B260] =	vst v63  }
0x20: {  	_ =	swait.ge [sflag:s13], $0x2710  }
0x21: {  	[sflag:s13] =	ssyncset.done $0x0  }
0x22: {  	s16 =	simm.s32 $0xC350;
	[sflag:s13] =	ssyncadd.s32 $0xFFFFD8F0  }
0x23: {  	[tilespmem:s16], [sflag:$0x4] =	stream.linear.gather [hbm4b:s8+s15], $0x2710, $0x38;
	[tilespmem:$0x1B260] =	vst v63  }
0x24: {  	_ =	swait.ge [sflag:s13], $0x2710  }
0x25: {  	p1 =	por $0x1, $0x1;
	[sflag:s13] =	ssyncset.done $0x0  }
0x26: {  	p1 =	por p1, p1;
	[sflag:s13] =	ssyncadd.s32 $0xFFFFD8F0  }
0x27: {  	s2 =	simm.s32 @!p1 $0x2;
	[bflag:$0x0] =	sbarrier.arrive $0xFFFF  }
0x28: {  	_ =	swait.ge @!p1 [sflag:s2], $0x6400  }
0x29: {  	[sflag:s2] =	ssyncset.done @!p1 $0x0  }
0x2a: {  	s6 =	simm.s32 $0x9C40;
	[sflag:s2] =	ssyncadd.s32 @!p1 $0xFFFF9C00  }
0x2b: {  	[tilespmem:s18], [sflag:$0x1] =	stream.indirect.gather [hbm4b:s3+s17], $0x40, s6, s17, $0xb8;
	[tilespmem:$0x1B260] =	vst v63  }
0x2c: {  	s15 =	simm.s32 $0x9C90  }
0x2d: {  	[tilespmem:s19], [sflag:$0x1] =	stream.indirect.gather [hbm4b:s3+s17], $0x40, s15, s17, $0xb8;
	[tilespmem:$0x1B260] =	vst v63  }
0x2e: {  	s16 =	simm.s32 $0x9CE0  }
0x2f: {  	[tilespmem:s20], [sflag:$0x1] =	stream.indirect.gather [hbm4b:s3+s17], $0x40, s16, s17, $0xb8;
	[tilespmem:$0x1B260] =	vst v63  }
0x30: {  	s4 =	simm.s32 $0x9D30  }
0x31: {  	[tilespmem:s21], [sflag:$0x1] =	stream.indirect.gather [hbm4b:s3+s17], $0x40, s4, s17, $0xb8;
	[tilespmem:$0x1B260] =	vst v63  }
0x32: {  	s6 =	simm.s32 $0x9D80;
	s15 =	simm.s32 @!p1 $0x3  }
0x33: {  	[tilespmem:s22], [sflag:$0x1] =	stream.indirect.gather [hbm4b:s3+s17], $0x40, s6, s17, $0xb8;
	[tilespmem:$0x1B260] =	vst v63  }
0x34: {  	_ =	swait.ge @!p1 [sflag:s15], $0x6400  }
0x35: {  	[sflag:s15] =	ssyncset.done @!p1 $0x0  }
0x36: {  	[sflag:s15] =	ssyncadd.s32 @!p1 $0xFFFF9C00;
	s15 =	simm.s32 $0x9DD0  }
0x37: {  	[tilespmem:s23], [sflag:$0x1] =	stream.indirect.gather [hbm4b:s3+s17], $0x40, s15, s17, $0xb8;
	[tilespmem:$0x1B260] =	vst v63  }
0x38: {  	s16 =	simm.s32 $0x9E20  }
0x39: {  	[tilespmem:s24], [sflag:$0x1] =	stream.indirect.gather [hbm4b:s3+s17], $0x40, s16, s17, $0xb8;
	[tilespmem:$0x1B260] =	vst v63  }
0x3a: {  	s4 =	simm.s32 $0x9E70  }
0x3b: {  	[tilespmem:s25], [sflag:$0x1] =	stream.indirect.gather [hbm4b:s3+s17], $0x40, s4, s17, $0xb8;
	[tilespmem:$0x1B260] =	vst v63  }
0x3c: {  	s6 =	simm.s32 $0x9EC0  }
0x3d: {  	[tilespmem:s26], [sflag:$0x1] =	stream.indirect.gather [hbm4b:s3+s17], $0x40, s6, s17, $0xb8;
	[tilespmem:$0x1B260] =	vst v63  }
0x3e: {  	s15 =	simm.s32 $0x9F10  }
0x3f: {  	[tilespmem:s28], [sflag:$0x1] =	stream.indirect.gather [hbm4b:s3+s17], $0x40, s15, s17, $0xb8;
	[tilespmem:$0x1B260] =	vst v63  }
0x40: {  	_ =	swait.ge [sflag:s29], $0x1400  }
0x41: {  	[sflag:s29] =	ssyncset.done $0x0  }
0x42: {  	[sflag:s29] =	ssyncadd.s32 $0xFFFFEC00  }
0x43: {  	_ =	swait.ge [sflag:s29], $0x1400  }
0x44: {  	[sflag:s29] =	ssyncset.done $0x0  }
0x45: {  	[sflag:s29] =	ssyncadd.s32 $0xFFFFEC00  }
0x46: {  	_ =	swait.ge [sflag:s29], $0x1400  }
0x47: {  	[sflag:s29] =	ssyncset.done $0x0  }
0x48: {  	[sflag:s29] =	ssyncadd.s32 $0xFFFFEC00  }
0x49: {  	_ =	swait.ge [sflag:s29], $0x1400  }
0x4a: {  	[sflag:s29] =	ssyncset.done $0x0  }
0x4b: {  	[sflag:s29] =	ssyncadd.s32 $0xFFFFEC00  }
0x4c: {  	_ =	swait.ge [sflag:s29], $0x1400  }
0x4d: {  	[sflag:s29] =	ssyncset.done $0x0  }
0x4e: {  	s16 =	simm.s32 $0xC350;
	[sflag:s29] =	ssyncadd.s32 $0xFFFFEC00  }
0x4f: {  	[spmem:s1] =	stream.indirect.scatter.add.f32 [tilespmem:s18], [sflag:$0x2], $0x40, s16, s17, $0xb8;
	[tilespmem:$0x1B260] =	vst v63  }
0x50: {  	s4 =	simm.s32 $0xC3A0  }
0x51: {  	[spmem:s1] =	stream.indirect.scatter.add.f32 [tilespmem:s19], [sflag:$0x2], $0x40, s4, s17, $0xb8;
	[tilespmem:$0x1B260] =	vst v63  }
0x52: {  	s6 =	simm.s32 $0xC3F0  }
0x53: {  	[spmem:s1] =	stream.indirect.scatter.add.f32 [tilespmem:s20], [sflag:$0x2], $0x40, s6, s17, $0xb8;
	[tilespmem:$0x1B260] =	vst v63  }
0x54: {  	s15 =	simm.s32 $0xC440  }
0x55: {  	[spmem:s1] =	stream.indirect.scatter.add.f32 [tilespmem:s21], [sflag:$0x2], $0x40, s15, s17, $0xb8;
	[tilespmem:$0x1B260] =	vst v63  }
0x56: {  	s16 =	simm.s32 $0xC490  }
0x57: {  	[spmem:s1] =	stream.indirect.scatter.add.f32 [tilespmem:s22], [sflag:$0x2], $0x40, s16, s17, $0xb8;
	[tilespmem:$0x1B260] =	vst v63  }
0x58: {  	_ =	swait.ge [sflag:s29], $0x1400  }
0x59: {  	[sflag:s29] =	ssyncset.done $0x0  }
0x5a: {  	[sflag:s29] =	ssyncadd.s32 $0xFFFFEC00  }
0x5b: {  	_ =	swait.ge [sflag:s29], $0x1400  }
0x5c: {  	[sflag:s29] =	ssyncset.done $0x0  }
0x5d: {  	[sflag:s29] =	ssyncadd.s32 $0xFFFFEC00  }
0x5e: {  	_ =	swait.ge [sflag:s29], $0x1400  }
0x5f: {  	[sflag:s29] =	ssyncset.done $0x0  }
0x60: {  	[sflag:s29] =	ssyncadd.s32 $0xFFFFEC00  }
0x61: {  	_ =	swait.ge [sflag:s29], $0x1400  }
0x62: {  	[sflag:s29] =	ssyncset.done $0x0  }
0x63: {  	[sflag:s29] =	ssyncadd.s32 $0xFFFFEC00  }
0x64: {  	_ =	swait.ge [sflag:s29], $0x1400  }
0x65: {  	[sflag:s29] =	ssyncset.done $0x0  }
0x66: {  	s4 =	simm.s32 $0xC4E0;
	[sflag:s29] =	ssyncadd.s32 $0xFFFFEC00  }
0x67: {  	[spmem:s1] =	stream.indirect.scatter.add.f32 [tilespmem:s23], [sflag:$0x3], $0x40, s4, s17, $0xb8;
	[tilespmem:$0x1B260] =	vst v63  }
0x68: {  	s6 =	simm.s32 $0xC530  }
0x69: {  	[spmem:s1] =	stream.indirect.scatter.add.f32 [tilespmem:s24], [sflag:$0x3], $0x40, s6, s17, $0xb8;
	[tilespmem:$0x1B260] =	vst v63  }
0x6a: {  	s15 =	simm.s32 $0xC580  }
0x6b: {  	[spmem:s1] =	stream.indirect.scatter.add.f32 [tilespmem:s25], [sflag:$0x3], $0x40, s15, s17, $0xb8;
	[tilespmem:$0x1B260] =	vst v63  }
0x6c: {  	p6 =	por $0x0, $0x0;
	s2 =	simm.s32 $0xC620;
	s16 =	simm.s32 $0xC5D0  }
0x6d: {  	[spmem:s1] =	stream.indirect.scatter.add.f32 [tilespmem:s26], [sflag:$0x3], $0x40, s16, s17, $0xb8;
	[tilespmem:$0x1B260] =	vst v63  }
0x6e: {  	p1 =	por p6, p6;
	s15 =	simm.s32 $0xC80;
	s16 =	simm.s32 $0x1900  }
.LBB2_2:
0x6f: {  	[spmem:s1] =	stream.indirect.scatter.add.f32 [tilespmem:s28], [sflag:$0x3], $0x40, s2, s17, $0xb8;
	[tilespmem:$0x1B260] =	vst v63  }
0x70: {  	s4 =	smov.u32 s16  }
0x71: {  	s16 =	sadd.s32 $0xC80, s16;
	s6 =	simm.s32 @!p1 $0x2;
	p3 =	seq.s32 s4, $0x0  }
0x72: {  	p2 =	sne.s32 s16, $0x9600;
	_ =	swait.ge @!p1 [sflag:s6], $0x6400  }
0x73: {  	s2 =	sshra.s32 s15, $0x2;
	s15 =	smov.u32 s4;
	[sflag:s6] =	ssyncset.done @!p1 $0x0  }
0x74: {  	s4 =	sadd.s32 $0x9C40, s2;
	[sflag:s6] =	ssyncadd.s32 @!p1 $0xFFFF9C00  }
0x75: {  	[tilespmem:s18], [sflag:$0x1] =	stream.indirect.gather [hbm4b:s3+s17], $0x40, s4, s17, $0xb8;
	[tilespmem:$0x1B260] =	vst v63  }
0x76: {  	s4 =	sadd.s32 $0x9C90, s2  }
0x77: {  	[tilespmem:s19], [sflag:$0x1] =	stream.indirect.gather [hbm4b:s3+s17], $0x40, s4, s17, $0xb8;
	[tilespmem:$0x1B260] =	vst v63  }
0x78: {  	s4 =	sadd.s32 $0x9CE0, s2  }
0x79: {  	[tilespmem:s20], [sflag:$0x1] =	stream.indirect.gather [hbm4b:s3+s17], $0x40, s4, s17, $0xb8;
	[tilespmem:$0x1B260] =	vst v63  }
0x7a: {  	s4 =	sadd.s32 $0x9D30, s2  }
0x7b: {  	[tilespmem:s21], [sflag:$0x1] =	stream.indirect.gather [hbm4b:s3+s17], $0x40, s4, s17, $0xb8;
	[tilespmem:$0x1B260] =	vst v63  }
0x7c: {  	s6 =	simm.s32 @!p1 $0x3;
	s4 =	sadd.s32 $0x9D80, s2  }
0x7d: {  	[tilespmem:s22], [sflag:$0x1] =	stream.indirect.gather [hbm4b:s3+s17], $0x40, s4, s17, $0xb8;
	[tilespmem:$0x1B260] =	vst v63  }
0x7e: {  	_ =	swait.ge @!p1 [sflag:s6], $0x6400  }
0x7f: {  	[sflag:s6] =	ssyncset.done @!p1 $0x0  }
0x80: {  	s4 =	sadd.s32 $0x9DD0, s2;
	[sflag:s6] =	ssyncadd.s32 @!p1 $0xFFFF9C00;
	p1 =	por p3, p3  }
0x81: {  	[tilespmem:s23], [sflag:$0x1] =	stream.indirect.gather [hbm4b:s3+s17], $0x40, s4, s17, $0xb8;
	[tilespmem:$0x1B260] =	vst v63  }
0x82: {  	s4 =	sadd.s32 $0x9E20, s2  }
0x83: {  	[tilespmem:s24], [sflag:$0x1] =	stream.indirect.gather [hbm4b:s3+s17], $0x40, s4, s17, $0xb8;
	[tilespmem:$0x1B260] =	vst v63  }
0x84: {  	s4 =	sadd.s32 $0x9E70, s2  }
0x85: {  	[tilespmem:s25], [sflag:$0x1] =	stream.indirect.gather [hbm4b:s3+s17], $0x40, s4, s17, $0xb8;
	[tilespmem:$0x1B260] =	vst v63  }
0x86: {  	s4 =	sadd.s32 $0x9EC0, s2  }
0x87: {  	[tilespmem:s26], [sflag:$0x1] =	stream.indirect.gather [hbm4b:s3+s17], $0x40, s4, s17, $0xb8;
	[tilespmem:$0x1B260] =	vst v63  }
0x88: {  	s4 =	sadd.s32 $0x9F10, s2  }
0x89: {  	[tilespmem:s28], [sflag:$0x1] =	stream.indirect.gather [hbm4b:s3+s17], $0x40, s4, s17, $0xb8;
	[tilespmem:$0x1B260] =	vst v63  }
0x8a: {  	_ =	swait.ge [sflag:s29], $0x1400  }
0x8b: {  	[sflag:s29] =	ssyncset.done $0x0  }
0x8c: {  	[sflag:s29] =	ssyncadd.s32 $0xFFFFEC00  }
0x8d: {  	_ =	swait.ge [sflag:s29], $0x1400  }
0x8e: {  	[sflag:s29] =	ssyncset.done $0x0  }
0x8f: {  	[sflag:s29] =	ssyncadd.s32 $0xFFFFEC00  }
0x90: {  	_ =	swait.ge [sflag:s29], $0x1400  }
0x91: {  	[sflag:s29] =	ssyncset.done $0x0  }
0x92: {  	[sflag:s29] =	ssyncadd.s32 $0xFFFFEC00  }
0x93: {  	_ =	swait.ge [sflag:s29], $0x1400  }
0x94: {  	[sflag:s29] =	ssyncset.done $0x0  }
0x95: {  	[sflag:s29] =	ssyncadd.s32 $0xFFFFEC00  }
0x96: {  	_ =	swait.ge [sflag:s29], $0x1400  }
0x97: {  	[sflag:s29] =	ssyncset.done $0x0  }
0x98: {  	s4 =	sadd.s32 $0xC350, s2;
	[sflag:s29] =	ssyncadd.s32 $0xFFFFEC00  }
0x99: {  	[spmem:s1] =	stream.indirect.scatter.add.f32 [tilespmem:s18], [sflag:$0x2], $0x40, s4, s17, $0xb8;
	[tilespmem:$0x1B260] =	vst v63  }
0x9a: {  	s4 =	sadd.s32 $0xC3A0, s2  }
0x9b: {  	[spmem:s1] =	stream.indirect.scatter.add.f32 [tilespmem:s19], [sflag:$0x2], $0x40, s4, s17, $0xb8;
	[tilespmem:$0x1B260] =	vst v63  }
0x9c: {  	s4 =	sadd.s32 $0xC3F0, s2  }
0x9d: {  	[spmem:s1] =	stream.indirect.scatter.add.f32 [tilespmem:s20], [sflag:$0x2], $0x40, s4, s17, $0xb8;
	[tilespmem:$0x1B260] =	vst v63  }
0x9e: {  	s4 =	sadd.s32 $0xC440, s2  }
0x9f: {  	[spmem:s1] =	stream.indirect.scatter.add.f32 [tilespmem:s21], [sflag:$0x2], $0x40, s4, s17, $0xb8;
	[tilespmem:$0x1B260] =	vst v63  }
0xa0: {  	s4 =	sadd.s32 $0xC490, s2  }
0xa1: {  	[spmem:s1] =	stream.indirect.scatter.add.f32 [tilespmem:s22], [sflag:$0x2], $0x40, s4, s17, $0xb8;
	[tilespmem:$0x1B260] =	vst v63  }
0xa2: {  	_ =	swait.ge [sflag:s29], $0x1400  }
0xa3: {  	[sflag:s29] =	ssyncset.done $0x0  }
0xa4: {  	[sflag:s29] =	ssyncadd.s32 $0xFFFFEC00  }
0xa5: {  	_ =	swait.ge [sflag:s29], $0x1400  }
0xa6: {  	[sflag:s29] =	ssyncset.done $0x0  }
0xa7: {  	[sflag:s29] =	ssyncadd.s32 $0xFFFFEC00  }
0xa8: {  	_ =	swait.ge [sflag:s29], $0x1400  }
0xa9: {  	[sflag:s29] =	ssyncset.done $0x0  }
0xaa: {  	[sflag:s29] =	ssyncadd.s32 $0xFFFFEC00  }
0xab: {  	_ =	swait.ge [sflag:s29], $0x1400  }
0xac: {  	[sflag:s29] =	ssyncset.done $0x0  }
0xad: {  	[sflag:s29] =	ssyncadd.s32 $0xFFFFEC00  }
0xae: {  	_ =	swait.ge [sflag:s29], $0x1400  }
0xaf: {  	[sflag:s29] =	ssyncset.done $0x0  }
0xb0: {  	s4 =	sadd.s32 $0xC4E0, s2;
	[sflag:s29] =	ssyncadd.s32 $0xFFFFEC00  }
0xb1: {  	[spmem:s1] =	stream.indirect.scatter.add.f32 [tilespmem:s23], [sflag:$0x3], $0x40, s4, s17, $0xb8;
	[tilespmem:$0x1B260] =	vst v63  }
0xb2: {  	s4 =	sadd.s32 $0xC530, s2  }
0xb3: {  	[spmem:s1] =	stream.indirect.scatter.add.f32 [tilespmem:s24], [sflag:$0x3], $0x40, s4, s17, $0xb8;
	[tilespmem:$0x1B260] =	vst v63  }
.Ltmp0:
0xb4: {  	s4 =	sadd.s32 $0xC580, s2;
	(pc) =	sbr.rel @p2 .LBB2_2-.Ltmp0, $4  }
0xb5: {  	[spmem:s1] =	stream.indirect.scatter.add.f32 [tilespmem:s25], [sflag:$0x3], $0x40, s4, s17, $0xb8;
	[tilespmem:$0x1B260] =	vst v63  }
0xb6: {  	s4 =	sadd.s32 $0xC5D0, s2  }
0xb7: {  	[spmem:s1] =	stream.indirect.scatter.add.f32 [tilespmem:s26], [sflag:$0x3], $0x40, s4, s17, $0xb8;
	[tilespmem:$0x1B260] =	vst v63  }
0xb8: {  	s2 =	sadd.s32 $0xC620, s2  }
0xb9: {  	[spmem:s1] =	stream.indirect.scatter.add.f32 [tilespmem:s28], [sflag:$0x3], $0x40, s2, s17, $0xb8;
	[tilespmem:$0x1B260] =	vst v63  }
0xba: {  	s4 =	simm.s32 @!p1 $0x2  }
0xbb: {  	_ =	swait.ge @!p1 [sflag:s4], $0x6400  }
0xbc: {  	s2 =	sshra.s32 s15, $0x2;
	[sflag:s4] =	ssyncset.done @!p1 $0x0  }
0xbd: {  	s15 =	sadd.s32 $0x9C40, s2;
	[sflag:s4] =	ssyncadd.s32 @!p1 $0xFFFF9C00  }
0xbe: {  	[tilespmem:s18], [sflag:$0x1] =	stream.indirect.gather [hbm4b:s3+s17], $0x40, s15, s17, $0xb8;
	[tilespmem:$0x1B260] =	vst v63  }
0xbf: {  	s16 =	sadd.s32 $0x9C90, s2  }
0xc0: {  	[tilespmem:s19], [sflag:$0x1] =	stream.indirect.gather [hbm4b:s3+s17], $0x40, s16, s17, $0xb8;
	[tilespmem:$0x1B260] =	vst v63  }
0xc1: {  	s6 =	sadd.s32 $0x9CE0, s2  }
0xc2: {  	[tilespmem:s20], [sflag:$0x1] =	stream.indirect.gather [hbm4b:s3+s17], $0x40, s6, s17, $0xb8;
	[tilespmem:$0x1B260] =	vst v63  }
0xc3: {  	s15 =	sadd.s32 $0x9D30, s2  }
0xc4: {  	[tilespmem:s21], [sflag:$0x1] =	stream.indirect.gather [hbm4b:s3+s17], $0x40, s15, s17, $0xb8;
	[tilespmem:$0x1B260] =	vst v63  }
0xc5: {  	s16 =	sadd.s32 $0x9D80, s2;
	s6 =	simm.s32 @!p1 $0x3  }
0xc6: {  	[tilespmem:s22], [sflag:$0x1] =	stream.indirect.gather [hbm4b:s3+s17], $0x40, s16, s17, $0xb8;
	[tilespmem:$0x1B260] =	vst v63  }
0xc7: {  	_ =	swait.ge @!p1 [sflag:s6], $0x6400  }
0xc8: {  	[sflag:s6] =	ssyncset.done @!p1 $0x0  }
0xc9: {  	s15 =	sadd.s32 $0x9DD0, s2;
	[sflag:s6] =	ssyncadd.s32 @!p1 $0xFFFF9C00  }
0xca: {  	[tilespmem:s23], [sflag:$0x1] =	stream.indirect.gather [hbm4b:s3+s17], $0x40, s15, s17, $0xb8;
	[tilespmem:$0x1B260] =	vst v63  }
0xcb: {  	s16 =	sadd.s32 $0x9E20, s2  }
0xcc: {  	[tilespmem:s24], [sflag:$0x1] =	stream.indirect.gather [hbm4b:s3+s17], $0x40, s16, s17, $0xb8;
	[tilespmem:$0x1B260] =	vst v63  }
0xcd: {  	s6 =	sadd.s32 $0x9E70, s2  }
0xce: {  	[tilespmem:s25], [sflag:$0x1] =	stream.indirect.gather [hbm4b:s3+s17], $0x40, s6, s17, $0xb8;
	[tilespmem:$0x1B260] =	vst v63  }
0xcf: {  	s15 =	sadd.s32 $0x9EC0, s2  }
0xd0: {  	[tilespmem:s26], [sflag:$0x1] =	stream.indirect.gather [hbm4b:s3+s17], $0x40, s15, s17, $0xb8;
	[tilespmem:$0x1B260] =	vst v63  }
0xd1: {  	s16 =	sadd.s32 $0x9F10, s2  }
0xd2: {  	[tilespmem:s28], [sflag:$0x1] =	stream.indirect.gather [hbm4b:s3+s17], $0x40, s16, s17, $0xb8;
	[tilespmem:$0x1B260] =	vst v63  }
0xd3: {  	_ =	swait.ge [sflag:s29], $0x1400  }
0xd4: {  	[sflag:s29] =	ssyncset.done $0x0  }
0xd5: {  	[sflag:s29] =	ssyncadd.s32 $0xFFFFEC00  }
0xd6: {  	_ =	swait.ge [sflag:s29], $0x1400  }
0xd7: {  	[sflag:s29] =	ssyncset.done $0x0  }
0xd8: {  	[sflag:s29] =	ssyncadd.s32 $0xFFFFEC00  }
0xd9: {  	_ =	swait.ge [sflag:s29], $0x1400  }
0xda: {  	[sflag:s29] =	ssyncset.done $0x0  }
0xdb: {  	[sflag:s29] =	ssyncadd.s32 $0xFFFFEC00  }
0xdc: {  	_ =	swait.ge [sflag:s29], $0x1400  }
0xdd: {  	[sflag:s29] =	ssyncset.done $0x0  }
0xde: {  	[sflag:s29] =	ssyncadd.s32 $0xFFFFEC00  }
0xdf: {  	_ =	swait.ge [sflag:s29], $0x1400  }
0xe0: {  	[sflag:s29] =	ssyncset.done $0x0  }
0xe1: {  	s6 =	sadd.s32 $0xC350, s2;
	[sflag:s29] =	ssyncadd.s32 $0xFFFFEC00  }
0xe2: {  	[spmem:s1] =	stream.indirect.scatter.add.f32 [tilespmem:s18], [sflag:$0x2], $0x40, s6, s17, $0xb8;
	[tilespmem:$0x1B260] =	vst v63  }
0xe3: {  	s15 =	sadd.s32 $0xC3A0, s2  }
0xe4: {  	[spmem:s1] =	stream.indirect.scatter.add.f32 [tilespmem:s19], [sflag:$0x2], $0x40, s15, s17, $0xb8;
	[tilespmem:$0x1B260] =	vst v63  }
0xe5: {  	s16 =	sadd.s32 $0xC3F0, s2  }
0xe6: {  	[spmem:s1] =	stream.indirect.scatter.add.f32 [tilespmem:s20], [sflag:$0x2], $0x40, s16, s17, $0xb8;
	[tilespmem:$0x1B260] =	vst v63  }
0xe7: {  	s6 =	sadd.s32 $0xC440, s2  }
0xe8: {  	[spmem:s1] =	stream.indirect.scatter.add.f32 [tilespmem:s21], [sflag:$0x2], $0x40, s6, s17, $0xb8;
	[tilespmem:$0x1B260] =	vst v63  }
0xe9: {  	s15 =	sadd.s32 $0xC490, s2  }
0xea: {  	[spmem:s1] =	stream.indirect.scatter.add.f32 [tilespmem:s22], [sflag:$0x2], $0x40, s15, s17, $0xb8;
	[tilespmem:$0x1B260] =	vst v63  }
0xeb: {  	_ =	swait.ge [sflag:s29], $0x1400  }
0xec: {  	[sflag:s29] =	ssyncset.done $0x0  }
0xed: {  	[sflag:s29] =	ssyncadd.s32 $0xFFFFEC00  }
0xee: {  	_ =	swait.ge [sflag:s29], $0x1400  }
0xef: {  	[sflag:s29] =	ssyncset.done $0x0  }
0xf0: {  	[sflag:s29] =	ssyncadd.s32 $0xFFFFEC00  }
0xf1: {  	_ =	swait.ge [sflag:s29], $0x1400  }
0xf2: {  	[sflag:s29] =	ssyncset.done $0x0  }
0xf3: {  	[sflag:s29] =	ssyncadd.s32 $0xFFFFEC00  }
0xf4: {  	_ =	swait.ge [sflag:s29], $0x1400  }
0xf5: {  	[sflag:s29] =	ssyncset.done $0x0  }
0xf6: {  	[sflag:s29] =	ssyncadd.s32 $0xFFFFEC00  }
0xf7: {  	_ =	swait.ge [sflag:s29], $0x1400  }
0xf8: {  	[sflag:s29] =	ssyncset.done $0x0  }
0xf9: {  	s16 =	sadd.s32 $0xC4E0, s2;
	[sflag:s29] =	ssyncadd.s32 $0xFFFFEC00  }
0xfa: {  	[spmem:s1] =	stream.indirect.scatter.add.f32 [tilespmem:s23], [sflag:$0x3], $0x40, s16, s17, $0xb8;
	[tilespmem:$0x1B260] =	vst v63  }
0xfb: {  	s6 =	sadd.s32 $0xC530, s2  }
0xfc: {  	[spmem:s1] =	stream.indirect.scatter.add.f32 [tilespmem:s24], [sflag:$0x3], $0x40, s6, s17, $0xb8;
	[tilespmem:$0x1B260] =	vst v63  }
0xfd: {  	s15 =	sadd.s32 $0xC580, s2  }
0xfe: {  	[spmem:s1] =	stream.indirect.scatter.add.f32 [tilespmem:s25], [sflag:$0x3], $0x40, s15, s17, $0xb8;
	[tilespmem:$0x1B260] =	vst v63  }
0xff: {  	s16 =	sadd.s32 $0xC5D0, s2  }
0x100: {  	[spmem:s1] =	stream.indirect.scatter.add.f32 [tilespmem:s26], [sflag:$0x3], $0x40, s16, s17, $0xb8;
	[tilespmem:$0x1B260] =	vst v63  }
0x101: {  	s2 =	sadd.s32 $0xC620, s2  }
0x102: {  	[spmem:s1] =	stream.indirect.scatter.add.f32 [tilespmem:s28], [sflag:$0x3], $0x40, s2, s17, $0xb8;
	[tilespmem:$0x1B260] =	vst v63  }
0x103: {  	_ =	swait.ge [sflag:s30], $0x6400  }
0x104: {  	[sflag:s30] =	ssyncset.done $0x0  }
0x105: {  	[sflag:s30] =	ssyncadd.s32 $0xFFFF9C00  }
0x106: {  	_ =	swait.ge [sflag:s31], $0x6400  }
0x107: {  	[sflag:s31] =	ssyncset.done $0x0  }
0x108: {  	s4 =	simm.s32 $0xC1C0;
	[sflag:s31] =	ssyncadd.s32 $0xFFFF9C00  }
0x109: {  	[tilespmem:s18], [sflag:$0x1] =	stream.indirect.gather [hbm4b:s3+s17], $0x40, s4, s17, $0xb8;
	[tilespmem:$0x1B260] =	vst v63  }
0x10a: {  	s6 =	simm.s32 $0xC210  }
0x10b: {  	[tilespmem:s19], [sflag:$0x1] =	stream.indirect.gather [hbm4b:s3+s17], $0x40, s6, s17, $0xb8;
	[tilespmem:$0x1B260] =	vst v63  }
0x10c: {  	s15 =	simm.s32 $0xC260  }
0x10d: {  	[tilespmem:s20], [sflag:$0x1] =	stream.indirect.gather [hbm4b:s3+s17], $0x40, s15, s17, $0xb8;
	[tilespmem:$0x1B260] =	vst v63  }
0x10e: {  	s16 =	simm.s32 $0xC2B0  }
0x10f: {  	[tilespmem:s21], [sflag:$0x1] =	stream.indirect.gather [hbm4b:s3+s17], $0x40, s16, s17, $0xb8;
	[tilespmem:$0x1B260] =	vst v63  }
0x110: {  	s4 =	simm.s32 $0xC300  }
0x111: {  	[tilespmem:s22], [sflag:$0x1] =	stream.indirect.gather [hbm4b:s3+s17], $0x40, s4, s17, $0xb8;
	[tilespmem:$0x1B260] =	vst v63  }
0x112: {  	_ =	swait.ge [sflag:s29], $0x1400  }
0x113: {  	[sflag:s29] =	ssyncset.done $0x0  }
0x114: {  	[sflag:s29] =	ssyncadd.s32 $0xFFFFEC00  }
0x115: {  	_ =	swait.ge [sflag:s29], $0x1400  }
0x116: {  	[sflag:s29] =	ssyncset.done $0x0  }
0x117: {  	[sflag:s29] =	ssyncadd.s32 $0xFFFFEC00  }
0x118: {  	_ =	swait.ge [sflag:s29], $0x1400  }
0x119: {  	[sflag:s29] =	ssyncset.done $0x0  }
0x11a: {  	[sflag:s29] =	ssyncadd.s32 $0xFFFFEC00  }
0x11b: {  	_ =	swait.ge [sflag:s29], $0x1400  }
0x11c: {  	[sflag:s29] =	ssyncset.done $0x0  }
0x11d: {  	[sflag:s29] =	ssyncadd.s32 $0xFFFFEC00  }
0x11e: {  	_ =	swait.ge [sflag:s29], $0x1400  }
0x11f: {  	[sflag:s29] =	ssyncset.done $0x0  }
0x120: {  	s6 =	simm.s32 $0xE8D0;
	[sflag:s29] =	ssyncadd.s32 $0xFFFFEC00  }
0x121: {  	[spmem:s1] =	stream.indirect.scatter.add.f32 [tilespmem:s18], [sflag:$0x2], $0x40, s6, s17, $0xb8;
	[tilespmem:$0x1B260] =	vst v63  }
0x122: {  	s15 =	simm.s32 $0xE920  }
0x123: {  	[spmem:s1] =	stream.indirect.scatter.add.f32 [tilespmem:s19], [sflag:$0x2], $0x40, s15, s17, $0xb8;
	[tilespmem:$0x1B260] =	vst v63  }
0x124: {  	s16 =	simm.s32 $0xE970  }
0x125: {  	[spmem:s1] =	stream.indirect.scatter.add.f32 [tilespmem:s20], [sflag:$0x2], $0x40, s16, s17, $0xb8;
	[tilespmem:$0x1B260] =	vst v63  }
0x126: {  	s4 =	simm.s32 $0xE9C0  }
0x127: {  	[spmem:s1] =	stream.indirect.scatter.add.f32 [tilespmem:s21], [sflag:$0x2], $0x40, s4, s17, $0xb8;
	[tilespmem:$0x1B260] =	vst v63  }
0x128: {  	s6 =	simm.s32 $0xEA10  }
0x129: {  	[spmem:s1] =	stream.indirect.scatter.add.f32 [tilespmem:s22], [sflag:$0x2], $0x40, s6, s17, $0xb8;
	[tilespmem:$0x1B260] =	vst v63  }
0x12a: {  	_ =	swait.ge [sflag:s30], $0x1400  }
0x12b: {  	[sflag:s30] =	ssyncset.done $0x0  }
0x12c: {  	[sflag:s30] =	ssyncadd.s32 $0xFFFFEC00  }
0x12d: {  	_ =	swait.ge [sflag:s30], $0x1400  }
0x12e: {  	[sflag:s30] =	ssyncset.done $0x0  }
0x12f: {  	[sflag:s30] =	ssyncadd.s32 $0xFFFFEC00  }
0x130: {  	_ =	swait.ge [sflag:s30], $0x1400  }
0x131: {  	[sflag:s30] =	ssyncset.done $0x0  }
0x132: {  	[sflag:s30] =	ssyncadd.s32 $0xFFFFEC00  }
0x133: {  	_ =	swait.ge [sflag:s30], $0x1400  }
0x134: {  	[sflag:s30] =	ssyncset.done $0x0  }
0x135: {  	[sflag:s30] =	ssyncadd.s32 $0xFFFFEC00  }
0x136: {  	_ =	swait.ge [sflag:s30], $0x1400  }
0x137: {  	[sflag:s30] =	ssyncset.done $0x0  }
0x138: {  	[sflag:s30] =	ssyncadd.s32 $0xFFFFEC00  }
0x139: {  	s15 =	simm.s32 $0x10;
	s16 =	simm.s32 $0x8;
	[bflag:$0x0] =	sbarrier.arrive $0xFFFF  }
0x13a: {  	[hbm:s9@s15], [sflag:s5] =	dma.strided [spmem:s12@s16], $0x1380, s29, $0x8   }
0x13b: {  	s0 =	sadd.s32 $0x1, s0;
	_ =	swait.ge [sflag:s13], $0x1380  }
0x13c: {  	p1 =	sne.s32 s0, s11;
	s2 =	simm.s32 @!p0 $0x1;
	[sflag:s13] =	ssyncset.done $0x0  }
0x13d: {  	s4 =	simm.s32 @!p0 $0x10;
	s6 =	simm.s32 @!p0 $0x8;
	[sflag:s13] =	ssyncadd.s32 $0xFFFFEC80  }
0x13e: {  	[hbm:s10@s4], [sflag:s5] =	dma.strided @!p0 [spmem:s14@s6], $0x80, s2, $0x8   }
.Ltmp1:
0x13f: {  	_ = 	snop;
	(pc) =	sbr.rel @p1 .LBB2_1-.Ltmp1, $4  }
0x140: {  	s2 =	simm.s32 @!p0 $0x4  }
0x141: {  	_ =	swait.ge @!p0 [sflag:s2], $0x80  }
0x142: {  	[sflag:s2] =	ssyncset.done @!p0 $0x0  }
0x143: {  	[sflag:s2] =	ssyncadd.s32 @!p0 $0xFFFFFF80  }
0x144: {  	_ =	sfence.sel $0x180000  }
0x145: {  	[bflag:$0x0] =	sbarrier.arrive $0xFFFF  }
0x146: {  	_ =	strace $0x9000004D  }
0x147: {  	[bflag:$0x2] =	sbarrier.arrive $0xFFFF  }
0x148: {  	s0 =	rddreg [dreg:$0x2]  }
0x149: {  	s0 =	sadd.s32 @!p0 $0x100000, s0  }
0x14a: {  	[sflag:s0] =	ssyncadd.tile.s32 @!p0 $0x1;
	_ =	shalt  }
.Lfunc_end2:
_tile_overlayer_lowered:
.L_overlay_start_2:
0x14b: {  	(tag) =	ssettag $0x2  }
0x14c: {  	s0 =	rddreg [dreg:$0x0];
	s2 =	stileid.u32  }
0x14d: {  	s1 =	rddreg [dreg:$0x1];
	p0 =	sne.s32 s2, $0x0  }
0x14e: {  	s3 =	rddreg [dreg:$0x2];
	[bflag:$0x3] =	sbarrier.arrive $0xFFFF;
	s2 =	simm.s32 @!p0 $0x1C04  }
0x14f: {  	[timem:s3], [sflag:s2] =	dma.local @!p0 [hbm:s0], s1  }
0x150: {  	s0 =	simm.s32 @!p0 $0x4  }
0x151: {  	_ =	swait.ge @!p0 [sflag:s0], s1  }
0x152: {  	s1 =	ssub.s32 @!p0 $0x0, s1;
	[sflag:s0] =	ssyncset.done @!p0 $0x0  }
0x153: {  	[sflag:s0] =	ssyncadd.s32 @!p0 s1  }
0x154: {  	[bflag:$0x3] =	sbarrier.arrive $0xFFFF  }
0x155: {  	_ =	shalt  }

// kernel: kernel.9.cloned.1.call-start
scs
__scs_entry_jumppad:
0x0: {  	(pc) =	sbr.rel $0x88, $3  }
0x1: {  	(tag) =	ssettag $0x0;
	lr =	simm.s32 $0x1  }
0x2: {  	[smem:$0x3F8E] =	sst lr;
	_ =	strace $0xD0000000  }
0x3: {  	_ = 	snop  }
0x4: {  	_ = 	snop  }
0x5: {  	_ = 	snop  }
0x6: {  	_ = 	snop  }
0x7: {  	_ = 	snop  }
__scs_overlays_trampoline_lowered:
0x8: {  	[smem:$0x3F9D] =	sst s0  }
0x9: {  	[smem:$0x3F9E] =	sst s1  }
0xa: {  	[smem:$0x3F9F] =	sst s2  }
0xb: {  	[smem:$0x3FA0] =	sst s3  }
0xc: {  	[smem:$0x3FA1] =	sst s4  }
0xd: {  	[smem:$0x3FA2] =	sst s5  }
0xe: {  	[smem:$0x3FA3] =	sst s6  }
0xf: {  	[smem:$0x3FA4] =	sst s7  }
0x10: {  	[smem:$0x3FA5] =	sst s8  }
0x11: {  	[smem:$0x3FA6] =	sst s9;
	s0 =	simm.s32 @!p0 $0x0  }
0x12: {  	s1 =	sld [smem:$0x3F8C];
	s0 =	simm.s32 @p0 $0x1  }
0x13: {  	[smem:$0x3FA7] =	sst s0;
	s0 =	simm.s32 @!p1 $0x0  }
0x14: {  	s2 =	sld [smem:$0x3F8B];
	s0 =	simm.s32 @p1 $0x1  }
0x15: {  	[smem:$0x3FA8] =	sst s0;
	s0 =	simm.s32 @!p2 $0x0  }
0x16: {  	s3 =	sld [smem:$0x3FDB];
	s0 =	simm.s32 @p2 $0x1  }
0x17: {  	s4 =	simm.s32 $0x1BF5;
	[smem:$0x3FAA] =	sst s0  }
0x18: {  	s0 =	sld [smem:$0x3F8D];
	_ =	swait.ge [sflag:s4], $0x0  }
0x19: {  	s7 =	sld [smem:$0x3F8E]  }
0x1a: {  	s8 =	sadd.s32 $0xFFFFE003, lr  }
0x1b: {  	s9 =	sadd.s32 $0xFFFFFEF7, lr;
	s5 =	simm.s32 $0xFFFFFFFF;
	p2 =	slt.u32 s8, $0xFFFFF086  }
0x1c: {  	p1 =	slt.u32 s9, $0xF7A;
	s5 =	simm.s32 @!p2 $0x0  }
0x1d: {  	s5 =	simm.s32 @p1 $0x1;
	p0 =	seq.s32 s7, s2  }
0x1e: {  	s7 =	smul.u32 @!p0 $0xF7A, s2;
	p2 =	seq.s32 @!p0 s5, $0x0  }
0x1f: {  	s9 =	smul.u32 $0xF7A, s1;
	s8 =	simm.s32 @!p0 $0x1BF5;
	p2 =	por !p2, p0  }
0x20: {  	[sflag:s8] =	ssyncset.s32 @!p0 $0xFFFFF086;
	s6 =	sadd.s32 @!p0 s3, s7;
	s7 =	simm.s32 @!p0 $0x108  }
0x21: {  	s3 =	sadd.s32 s3, s9;
	s6 =	sadd.s32 @!p0 $0x88, s6;
	s7 =	simm.s32 @p2 $0x1082  }
0x22: {  	[simem:s7], [sflag:s8] =	dma.local @!p0 [hbm:s6], $0xF7A  }
0x23: {  	s9 =	sor.u32 $0xD0000000, s2;
	s6 =	simm.s32 $0x108;
	_ =	swait.ge @!p0 [sflag:s8], $0x0  }
0x24: {  	s3 =	sadd.s32 $0x88, s3;
	s6 =	simm.s32 @!p1 $0x1082;
	[sflag:s4] =	ssyncset.s32 $0xFFFFF086  }
0x25: {  	[simem:s6], [sflag:s4] =	dma.local [hbm:s3], $0xF7A  }
0x26: {  	[smem:$0x3F8E] =	sst s1;
	(tag) =	ssettag s2;
	_ =	strace s9  }
0x27: {  	s1 =	sld [smem:$0x3F9E]  }
0x28: {  	s2 =	sld [smem:$0x3F9F]  }
0x29: {  	s4 =	sld [smem:$0x3FA1]  }
0x2a: {  	p0 =	seq.s32 s5, $0x0;
	s5 =	sld [smem:$0x3FA2]  }
0x2b: {  	s6 =	sld [smem:$0x3FA3]  }
0x2c: {  	s7 =	sld [smem:$0x3FA4]  }
0x2d: {  	s3 =	simm.s32 $0x108;
	s8 =	sld [smem:$0x3FA5]  }
0x2e: {  	s3 =	simm.s32 @!p0 $0x1082;
	s9 =	sld [smem:$0x3FA6]  }
0x2f: {  	lr =	sadd.s32 s0, s3;
	s0 =	sld [smem:$0x3F9D]  }
0x30: {  	s3 =	sld [smem:$0x3FA0]  }
0x31: {  	[smem:$0x3FA9] =	sst s10  }
0x32: {  	s10 =	sld [smem:$0x3FA7];
	_ =	sdelay $0x3  }
0x33: {  	p0 =	seq.s32 s10, $0x1;
	s10 =	sld [smem:$0x3FA9];
	_ =	sdelay $0x3  }
0x34: {  	[smem:$0x3FA9] =	sst s10  }
0x35: {  	s10 =	sld [smem:$0x3FA8];
	_ =	sdelay $0x3  }
0x36: {  	p1 =	seq.s32 s10, $0x1;
	s10 =	sld [smem:$0x3FA9];
	_ =	sdelay $0x3  }
0x37: {  	[smem:$0x3FA9] =	sst s10  }
0x38: {  	s10 =	sld [smem:$0x3FAA]  }
0x39: {  	_ = 	snop;
	(pc) =	sbr.ind lr, $3  }
0x3a: {  	_ = 	snop  }
0x3b: {  	_ = 	snop  }
0x3c: {  	p2 =	seq.s32 s10, $0x1;
	s10 =	sld [smem:$0x3FA9]  }
0x3d: {  	_ =	shalt  }
0x3e: {  	_ =	shalt  }
0x3f: {  	_ =	shalt  }
0x40: {  	_ =	shalt  }
0x41: {  	_ =	shalt  }
0x42: {  	_ =	shalt  }
0x43: {  	_ =	shalt  }
0x44: {  	_ =	shalt  }
0x45: {  	_ =	shalt  }
0x46: {  	_ =	shalt  }
0x47: {  	_ =	shalt  }
0x48: {  	_ =	shalt  }
0x49: {  	_ =	shalt  }
0x4a: {  	_ =	shalt  }
0x4b: {  	_ =	shalt  }
0x4c: {  	_ =	shalt  }
0x4d: {  	_ =	shalt  }
0x4e: {  	_ =	shalt  }
0x4f: {  	_ =	shalt  }
0x50: {  	_ =	shalt  }
0x51: {  	_ =	shalt  }
0x52: {  	_ =	shalt  }
0x53: {  	_ =	shalt  }
0x54: {  	_ =	shalt  }
0x55: {  	_ =	shalt  }
0x56: {  	_ =	shalt  }
0x57: {  	_ =	shalt  }
0x58: {  	_ =	shalt  }
0x59: {  	_ =	shalt  }
0x5a: {  	_ =	shalt  }
0x5b: {  	_ =	shalt  }
0x5c: {  	_ =	shalt  }
0x5d: {  	_ =	shalt  }
0x5e: {  	_ =	shalt  }
0x5f: {  	_ =	shalt  }
0x60: {  	_ =	shalt  }
0x61: {  	_ =	shalt  }
0x62: {  	_ =	shalt  }
0x63: {  	_ =	shalt  }
0x64: {  	_ =	shalt  }
0x65: {  	_ =	shalt  }
0x66: {  	_ =	shalt  }
0x67: {  	_ =	shalt  }
0x68: {  	_ =	shalt  }
0x69: {  	_ =	shalt  }
0x6a: {  	_ =	shalt  }
0x6b: {  	_ =	shalt  }
0x6c: {  	_ =	shalt  }
0x6d: {  	_ =	shalt  }
0x6e: {  	_ =	shalt  }
0x6f: {  	_ =	shalt  }
0x70: {  	_ =	shalt  }
0x71: {  	_ =	shalt  }
0x72: {  	_ =	shalt  }
0x73: {  	_ =	shalt  }
0x74: {  	_ =	shalt  }
0x75: {  	_ =	shalt  }
0x76: {  	_ =	shalt  }
0x77: {  	_ =	shalt  }
0x78: {  	_ =	shalt  }
0x79: {  	_ =	shalt  }
0x7a: {  	_ =	shalt  }
0x7b: {  	_ =	shalt  }
0x7c: {  	_ =	shalt  }
0x7d: {  	_ =	shalt  }
0x7e: {  	_ =	shalt  }
0x7f: {  	_ =	shalt  }
0x80: {  	_ =	shalt  }
0x81: {  	_ =	shalt  }
0x82: {  	_ =	shalt  }
0x83: {  	_ =	shalt  }
0x84: {  	_ =	shalt  }
0x85: {  	_ =	shalt  }
0x86: {  	_ =	shalt  }
0x87: {  	_ =	shalt  }
.Lfunc_end0:
.L_simem_size_0:
called_computation_lowered:
.L_overlay_start_0:
0x88: {  	s2 =	sld [smem:$0x3FD9]  }
0x89: {  	s3 =	sld [smem:$0x3FFE];
	_ =	sdelay $0x1  }
0x8a: {  	s1 =	srdreg.scid  }
0x8b: {  	s0 =	sand.u32 $0x1, s1  }
0x8c: {  	s17 =	sshll.u32 s0, $0xA;
	s2 =	sadd.s32 s3, s2  }
0x8d: {  	s2 =	sadd.s32 s2, s17  }
0x8e: {  	[smem:$0x3FB5] =	sst s2  }
0x8f: {  	_ = 	snop  }
0x90: {  	s2 =	sld [smem:$0x3FD0];
	(tm) =	ssettm $0x1  }
0x91: {  	s18 =	sld [smem:$0x3FFB];
	_ =	sdelay $0x3  }
0x92: {  	_ =	strace s18  }
0x93: {  	s3 =	sld [smem:$0x3FFC];
	_ =	sdelay $0x3  }
0x94: {  	_ =	strace s3  }
0x95: {  	s3 =	sld [smem:$0x3FFD];
	_ =	sdelay $0x3  }
0x96: {  	_ =	strace s3  }
0x97: {  	_ =	strace $0x8FFFFFFF  }
0x98: {  	s19 =	sld [smem:$0x3FDB];
	_ =	sdelay $0x1  }
0x99: {  	s4 =	simm.s32 $_scs_section_size  }
0x9a: {  	s5 =	simm.s32 $_size__tile_overlayer_lowered;
	s6 =	simm.s32 $_tile_overlayer_lowered  }
0x9b: {  	s22 =	simm.s32 $0x1BFF;
	s21 =	sshll.u32 s6, $0x1;
	s3 =	sadd.s32 s4, s19  }
0x9c: {  	s7 =	simm.s32 $0x0;
	s20 =	sshll.u32 s5, $0x1;
	s5 =	sadd.s32 s21, s3  }
0x9d: {  	[timem:s7], [sflag:s22] =	dma.local [hbm:s5], s20  }
0x9e: {  	_ =	swait.ge [sflag:s22], s20  }
0x9f: {  	s4 =	ssub.s32 $0x0, s20;
	[sflag:s22] =	ssyncset.done $0x0  }
0xa0: {  	[sflag:s22] =	ssyncadd.s32 s4;
	_ =	sdelay $0x1  }
0xa1: {  	s23 =	simm.s32 $0x1B8B  }
0xa2: {  	_ =	swait.ge [sflag:s23], $0x1  }
0xa3: {  	[sflag:s23] =	ssyncset.done $0x0  }
0xa4: {  	s25 =	simm.s32 $0x1B8E;
	s24 =	sld [smem:$0x3FFE];
	[sflag:s23] =	ssyncadd.s32 $0xFFFFFFFF  }
0xa5: {  	s26 =	simm.s32 $execute0_lowered;
	[smem:$0x3FD2] =	sst s25  }
0xa6: {  	s5 =	sshll.u32 s26, $0x1;
	_ =	strace $0x80000046;
	[dreg:$0x1] =	wrdreg $0xFFFFFFFF  }
0xa7: {  	s28 =	simm.s32 $_size_execute0_lowered;
	s3 =	sadd.s32 s3, s5;
	[dreg:$0x0] =	wrdreg $0x0  }
0xa8: {  	s5 =	sshll.u32 s28, $0x1;
	[dreg:$0x2] =	wrdreg s3  }
0xa9: {  	[dreg:$0x3] =	wrdreg s5  }
0xaa: {  	[dreg:$0x4] =	wrdreg $0xC0  }
0xab: {  	_ =	task [dreg:s7], $0x5FFFF  }
0xac: {  	[dreg:$0x1] =	wrdreg $0xFFFFFFFF  }
0xad: {  	[dreg:$0x0] =	wrdreg $0x60  }
0xae: {  	[dreg:$0x2] =	wrdreg s24  }
0xaf: {  	[dreg:$0x3] =	wrdreg s2  }
0xb0: {  	[dreg:$0x4] =	wrdreg $0x0  }
0xb1: {  	[dreg:$0x5] =	wrdreg $0x1B2600  }
0xb2: {  	[dreg:$0x6] =	wrdreg $0x9  }
0xb3: {  	_ =	task.clear_ibuf [dreg:s7], $0x7FFFF;
	_ =	strace $0x90000046  }
0xb4: {  	s29 =	simm.s32 $0x9;
	_ =	strace $0x80000048  }
0xb5: {  	_ =	swait.ge [sflag:s29], $0x1  }
0xb6: {  	[sflag:s29] =	ssyncadd.s32 $0xFFFFFFFF  }
0xb7: {  	_ =	strace $0x90000048  }
0xb8: {  	_ =	sfence  }
0xb9: {  	s30 =	sld [smem:$0x0];
	_ =	sdelay $0x2  }
0xba: {  	s31 =	sshll.u32 s1, $0xD;
	s1 =	sshrl.u32 s1, $0x2  }
0xbb: {  	s3 =	sand.u32 $0x4000, s31;
	s1 =	sadd.s32 s1, s30  }
0xbc: {  	s0 =	sor.u32 s3, s0;
	s1 =	sshll.u32 s1, $0x11  }
0xbd: {  	s0 =	sor.u32 s1, s0  }
0xbe: {  	s0 =	sadd.s32 $0x8F2B, s0  }
0xbf: {  	[sflag:s0] =	ssyncadd.remote.s32 $0x1  }
0xc0: {  	_ =	sfence.sel $0xFFFF  }
0xc1: {  	[dreg:$0x0] =	wrdreg $0xFFFFFFFF;
	(pc) =	sbr.abs _section_cstart, $3  }
0xc2: {  	[dreg:$0x1] =	wrdreg $0xFFFFFFFF  }
0xc3: {  	_ =	task.clear_ibuf [dreg:s7], $0x2FFFF;
	_ =	strace $0x9FFFFFFF  }
0xc4: {  	(tm) =	ssettm $0x7FFFFFFF  }
0xc5: {  	_ =	shalt  }
tec
execute0_lowered:
.L_overlay_start_1:
0x0: {  	(tag) =	ssettag $0x1  }
0x1: {  	s0 =	rddreg [dreg:$0x0]  }
0x2: {  	s1 =	srdreg.scid;
	s2 =	rddreg [dreg:$0x2]  }
0x3: {  	s6 =	stileid.u32;
	s3 =	rddreg [dreg:$0x3];
	s21 =	simm.s32 $0x0  }
0x4: {  	s28 =	simm.s32 $0xEA60;
	s29 =	simm.s32 $0xFE60;
	s30 =	simm.s32 $0x11260  }
0x5: {  	s31 =	simm.s32 $0x12660;
	s1 =	sand.u32 $0x1, s1;
	s7 =	smul.u32 $0x9C00, s6  }
0x6: {  	[smem:$0x7FF] =	sst s21;
	s9 =	smul.u32 $0x2700, s6;
	s13 =	sadd.s32 $0x43A00, s0  }
0x7: {  	s25 =	sshll.u32 s6, $0x6;
	s26 =	smul.u32 $0x13800, s6;
	s15 =	sadd.s32 $0x9C000, s2  }
0x8: {  	s16 =	sadd.s32 $0x3E800, s0;
	s18 =	sadd.s32 $0x27000, s3;
	p0 =	sne.s32 s6, $0x0  }
0x9: {  	s4 =	sshll.u32 s1, $0x4;
	_ =	strace $0x80000047;
	[dreg:$0x9] =	wrdreg s15  }
0xa: {  	s12 =	ssub.s32 $0x2, s1;
	s1 =	smul.u32 $0x138800, s1;
	[dreg:$0xa] =	wrdreg s16  }
0xb: {  	[dreg:$0xb] =	wrdreg s18;
	s5 =	sor.u32 s6, s4;
	s22 =	sshrl.u32 s7, $0x3  }
0xc: {  	s11 =	sshrl.u32 s9, $0x3;
	s14 =	sshrl.u32 s12, $0x1;
	s23 =	sadd.s32 s7, s2  }
0xd: {  	s9 =	sadd.s32 s9, s3;
	s6 =	simm.s32 $0x18A60;
	s7 =	simm.s32 $0x19E60  }
0xe: {  	s5 =	smul.u32 $0x2710, s5;
	s11 =	sadd.s32 s11, s0;
	[dreg:$0x5] =	wrdreg s23  }
0xf: {  	s12 =	ssub.s32 s12, s14;
	[dreg:$0x7] =	wrdreg s9;
	s17 =	sadd.s32 s26, s1  }
0x10: {  	s9 =	simm.s32 $0x1;
	s11 =	sadd.s32 $0x3EA00, s11;
	s19 =	sshrl.u32 s17, $0x3  }
0x11: {  	s26 =	smax.u32 s12, $0x1;
	s12 =	simm.s32 $0x4;
	s8 =	sshrl.u32 s5, $0x3  }
0x12: {  	s5 =	sadd.s32 $0x17600, s0;
	[dreg:$0x8] =	wrdreg s11;
	s21 =	sadd.s32 s13, s19  }
0x13: {  	[dreg:$0x13] =	wrdreg s26;
	s26 =	simm.s32 $0x50;
	s10 =	sadd.s32 s8, s0  }
0x14: {  	s8 =	sadd.s32 s22, s0;
	s0 =	sadd.s32 $0x43800, s0;
	[dreg:$0xe] =	wrdreg s21  }
0x15: {  	s22 =	sshrl.u32 s1, $0x3;
	s24 =	sadd.s32 $0x2B000, s8;
	[dreg:$0xc] =	wrdreg s0  }
0x16: {  	s1 =	simm.s32 $0x13A60;
	s20 =	sadd.s32 $0x3C00, s10;
	[dreg:$0x6] =	wrdreg s24  }
0x17: {  	s8 =	sor.u32 $0x1C05, s25;
	s23 =	sadd.s32 $0xD840, s10;
	[dreg:$0xd] =	wrdreg s20  }
0x18: {  	s0 =	sadd.s32 s13, s22;
	[dreg:$0xf] =	wrdreg s23;
	s24 =	sadd.s32 $0x8, s21  }
0x19: {  	s22 =	simm.s32 $0x5;
	s25 =	sadd.s32 $0x27000, s0;
	[dreg:$0x10] =	wrdreg s24  }
0x1a: {  	s10 =	simm.s32 $0x2;
	s0 =	sadd.s32 $0x27008, s0;
	[dreg:$0x11] =	wrdreg s25  }
0x1b: {  	s23 =	simm.s32 $0x1D970;
	s20 =	simm.s32 $0x0;
	[dreg:$0x12] =	wrdreg s0  }
0x1c: {  	s0 =	simm.s32 $0x14E60;
	s24 =	simm.s32 $0x16260;
	s25 =	simm.s32 $0x17660  }
.LBB2_1:
0x1d: {  	s4 =	rddreg [dreg:$0x5]  }
0x1e: {  	s21 =	rddreg [dreg:$0x6];
	s11 =	sshrl.u32 s4, $0x3  }
0x1f: {  	[dreg:$0x14] =	wrdreg s11  }
0x20: {  	[spmem:s11], [sflag:s8] =	dma.local [hbm:s21], $0x1380  }
0x21: {  	_ =	swait.ge [sflag:s22], $0x1380  }
0x22: {  	s11 =	rddreg [dreg:$0x7]  }
0x23: {  	[sflag:s22] =	ssyncset.done $0x0;
	s14 =	rddreg [dreg:$0x8];
	s13 =	sshrl.u32 s11, $0x3  }
0x24: {  	[sflag:s22] =	ssyncadd.s32 $0xFFFFEC80;
	[dreg:$0x15] =	wrdreg s13  }
0x25: {  	[spmem:s13], [sflag:s8] =	dma.local [hbm:s14], $0x4E0  }
0x26: {  	_ =	swait.ge [sflag:s22], $0x4E0  }
0x27: {  	[sflag:s22] =	ssyncset.done $0x0  }
0x28: {  	[sflag:s22] =	ssyncadd.s32 $0xFFFFFB20  }
0x29: {  	s16 =	simm.s32 $0x0;
	s15 =	rddreg [dreg:$0x1]  }
0x2a: {  	[tilespmem:s23], [sflag:$0x5] =	stream.linear.gather [hbm4b:s15+s16], $0x500, $0x38;
	[tilespmem:$0x1DE70] =	vst v63  }
0x2b: {  	_ =	swait.ge [sflag:s22], $0x500  }
0x2c: {  	s15 =	simm.s32 @!p0 $0x5;
	[sflag:s22] =	ssyncset.done $0x0;
	s4 =	rddreg [dreg:$0x9]  }
0x2d: {  	[sflag:s22] =	ssyncadd.s32 $0xFFFFFB00;
	s13 =	sshrl.u32 @!p0 s4, $0x3;
	s4 =	rddreg [dreg:$0xa]  }
0x2e: {  	[spmem:s13], [sflag:s8] =	dma.local @!p0 [hbm:s4], $0x80  }
0x2f: {  	_ =	swait.ge @!p0 [sflag:s15], $0x80  }
0x30: {  	[sflag:s15] =	ssyncset.done @!p0 $0x0;
	s4 =	rddreg [dreg:$0xb]  }
0x31: {  	[sflag:s15] =	ssyncadd.s32 @!p0 $0xFFFFFF80;
	s14 =	sshrl.u32 @!p0 s4, $0x3;
	s4 =	rddreg [dreg:$0xc]  }
0x32: {  	[spmem:s14], [sflag:s8] =	dma.local @!p0 [hbm:s4], $0x20  }
0x33: {  	_ =	swait.ge @!p0 [sflag:s15], $0x20  }
0x34: {  	[sflag:s15] =	ssyncset.done @!p0 $0x0  }
0x35: {  	s18 =	simm.s32 $0x9C40;
	s17 =	rddreg [dreg:$0xd];
	[sflag:s15] =	ssyncadd.s32 @!p0 $0xFFFFFFE0  }
0x36: {  	[tilespmem:s18], [sflag:$0x5] =	stream.linear.gather [hbm4b:s17+s16], $0x2710, $0x38;
	[tilespmem:$0x1DE70] =	vst v63  }
0x37: {  	_ =	swait.ge [sflag:s22], $0x2710  }
0x38: {  	[sflag:s22] =	ssyncset.done $0x0  }
0x39: {  	s21 =	simm.s32 $0xC350;
	s19 =	rddreg [dreg:$0xf];
	[sflag:s22] =	ssyncadd.s32 $0xFFFFD8F0  }
0x3a: {  	[tilespmem:s21], [sflag:$0x5] =	stream.linear.gather [hbm4b:s19+s16], $0x2710, $0x38;
	[tilespmem:$0x1DE70] =	vst v63  }
0x3b: {  	_ =	swait.ge [sflag:s22], $0x2710  }
0x3c: {  	p1 =	por $0x1, $0x1;
	[sflag:s22] =	ssyncset.done $0x0  }
0x3d: {  	p1 =	por p1, p1;
	[sflag:s22] =	ssyncadd.s32 $0xFFFFD8F0  }
0x3e: {  	s15 =	simm.s32 @!p1 $0x2;
	[bflag:$0x0] =	sbarrier.arrive $0xFFFF  }
0x3f: {  	_ =	swait.ge @!p1 [sflag:s15], $0x6400  }
0x40: {  	[sflag:s15] =	ssyncset.done @!p1 $0x0  }
0x41: {  	[sflag:s15] =	ssyncadd.s32 @!p1 $0xFFFF9C00;
	s15 =	simm.s32 @!p1 $0x4  }
0x42: {  	_ =	swait.ge @!p1 [sflag:s15], $0x500  }
0x43: {  	[sflag:s15] =	ssyncset.done @!p1 $0x0  }
0x44: {  	[sflag:s15] =	ssyncadd.s32 @!p1 $0xFFFFFB00  }
0x45: {  	_ =	swait.ge @!p1 [sflag:s15], $0x500  }
0x46: {  	[sflag:s15] =	ssyncset.done @!p1 $0x0  }
0x47: {  	[sflag:s15] =	ssyncadd.s32 @!p1 $0xFFFFFB00  }
0x48: {  	_ =	swait.ge @!p1 [sflag:s15], $0x500  }
0x49: {  	[sflag:s15] =	ssyncset.done @!p1 $0x0  }
0x4a: {  	[sflag:s15] =	ssyncadd.s32 @!p1 $0xFFFFFB00  }
0x4b: {  	_ =	swait.ge @!p1 [sflag:s15], $0x500  }
0x4c: {  	[sflag:s15] =	ssyncset.done @!p1 $0x0  }
0x4d: {  	[sflag:s15] =	ssyncadd.s32 @!p1 $0xFFFFFB00  }
0x4e: {  	_ =	swait.ge @!p1 [sflag:s15], $0x500  }
0x4f: {  	[sflag:s15] =	ssyncset.done @!p1 $0x0  }
0x50: {  	s17 =	simm.s32 $0x9C40;
	[sflag:s15] =	ssyncadd.s32 @!p1 $0xFFFFFB00  }
0x51: {  	[tilespmem:s28], [sflag:$0x1] =	stream.indirect.gather [hbm4b:s5+s26], $0x40, s17, s26, $0xb8;
	[tilespmem:$0x1DE70] =	vst v63  }
0x52: {  	s11 =	simm.s32 $0x9C90  }
0x53: {  	[tilespmem:s29], [sflag:$0x1] =	stream.indirect.gather [hbm4b:s5+s26], $0x40, s11, s26, $0xb8;
	[tilespmem:$0x1DE70] =	vst v63  }
0x54: {  	s16 =	simm.s32 $0x9CE0  }
0x55: {  	[tilespmem:s30], [sflag:$0x1] =	stream.indirect.gather [hbm4b:s5+s26], $0x40, s16, s26, $0xb8;
	[tilespmem:$0x1DE70] =	vst v63  }
0x56: {  	s18 =	simm.s32 $0x9D30  }
0x57: {  	[tilespmem:s31], [sflag:$0x1] =	stream.indirect.gather [hbm4b:s5+s26], $0x40, s18, s26, $0xb8;
	[tilespmem:$0x1DE70] =	vst v63  }
0x58: {  	s19 =	simm.s32 $0x9D80;
	s18 =	simm.s32 @!p1 $0x3  }
0x59: {  	[tilespmem:s1], [sflag:$0x1] =	stream.indirect.gather [hbm4b:s5+s26], $0x40, s19, s26, $0xb8;
	[tilespmem:$0x1DE70] =	vst v63  }
0x5a: {  	_ =	swait.ge @!p1 [sflag:s18], $0x6400  }
0x5b: {  	[sflag:s18] =	ssyncset.done @!p1 $0x0  }
0x5c: {  	[sflag:s18] =	ssyncadd.s32 @!p1 $0xFFFF9C00  }
0x5d: {  	_ =	swait.ge @!p1 [sflag:s15], $0x500  }
0x5e: {  	[sflag:s15] =	ssyncset.done @!p1 $0x0  }
0x5f: {  	[sflag:s15] =	ssyncadd.s32 @!p1 $0xFFFFFB00  }
0x60: {  	_ =	swait.ge @!p1 [sflag:s15], $0x500  }
0x61: {  	[sflag:s15] =	ssyncset.done @!p1 $0x0  }
0x62: {  	[sflag:s15] =	ssyncadd.s32 @!p1 $0xFFFFFB00  }
0x63: {  	_ =	swait.ge @!p1 [sflag:s15], $0x500  }
0x64: {  	[sflag:s15] =	ssyncset.done @!p1 $0x0  }
0x65: {  	[sflag:s15] =	ssyncadd.s32 @!p1 $0xFFFFFB00  }
0x66: {  	_ =	swait.ge @!p1 [sflag:s15], $0x500  }
0x67: {  	[sflag:s15] =	ssyncset.done @!p1 $0x0  }
0x68: {  	[sflag:s15] =	ssyncadd.s32 @!p1 $0xFFFFFB00  }
0x69: {  	_ =	swait.ge @!p1 [sflag:s15], $0x500  }
0x6a: {  	[sflag:s15] =	ssyncset.done @!p1 $0x0  }
0x6b: {  	s21 =	simm.s32 $0x9DD0;
	[sflag:s15] =	ssyncadd.s32 @!p1 $0xFFFFFB00  }
0x6c: {  	[tilespmem:s0], [sflag:$0x1] =	stream.indirect.gather [hbm4b:s5+s26], $0x40, s21, s26, $0xb8;
	[tilespmem:$0x1DE70] =	vst v63  }
0x6d: {  	s4 =	simm.s32 $0x9E20  }
0x6e: {  	[tilespmem:s24], [sflag:$0x1] =	stream.indirect.gather [hbm4b:s5+s26], $0x40, s4, s26, $0xb8;
	[tilespmem:$0x1DE70] =	vst v63  }
0x6f: {  	s11 =	simm.s32 $0x9E70  }
0x70: {  	[tilespmem:s25], [sflag:$0x1] =	stream.indirect.gather [hbm4b:s5+s26], $0x40, s11, s26, $0xb8;
	[tilespmem:$0x1DE70] =	vst v63  }
0x71: {  	s16 =	simm.s32 $0x9EC0  }
0x72: {  	[tilespmem:s6], [sflag:$0x1] =	stream.indirect.gather [hbm4b:s5+s26], $0x40, s16, s26, $0xb8;
	[tilespmem:$0x1DE70] =	vst v63  }
0x73: {  	s17 =	simm.s32 $0x9F10  }
0x74: {  	[tilespmem:s7], [sflag:$0x1] =	stream.indirect.gather [hbm4b:s5+s26], $0x40, s17, s26, $0xb8;
	[tilespmem:$0x1DE70] =	vst v63  }
0x75: {  	_ =	swait.ge [sflag:s9], $0x1400  }
0x76: {  	[sflag:s9] =	ssyncset.done $0x0  }
0x77: {  	[sflag:s9] =	ssyncadd.s32 $0xFFFFEC00  }
0x78: {  	_ =	swait.ge [sflag:s9], $0x1400  }
0x79: {  	[sflag:s9] =	ssyncset.done $0x0  }
0x7a: {  	[sflag:s9] =	ssyncadd.s32 $0xFFFFEC00  }
0x7b: {  	_ =	swait.ge [sflag:s9], $0x1400  }
0x7c: {  	[sflag:s9] =	ssyncset.done $0x0  }
0x7d: {  	[sflag:s9] =	ssyncadd.s32 $0xFFFFEC00  }
0x7e: {  	_ =	swait.ge [sflag:s9], $0x1400  }
0x7f: {  	[sflag:s9] =	ssyncset.done $0x0  }
0x80: {  	[sflag:s9] =	ssyncadd.s32 $0xFFFFEC00  }
0x81: {  	_ =	swait.ge [sflag:s9], $0x1400  }
0x82: {  	[sflag:s9] =	ssyncset.done $0x0  }
0x83: {  	s18 =	simm.s32 $0xC350;
	[sflag:s9] =	ssyncadd.s32 $0xFFFFEC00  }
0x84: {  	[spmem:s2] =	stream.indirect.scatter.add.f32 [tilespmem:s28], [sflag:$0x2], $0x40, s18, s26, $0xb8;
	[tilespmem:$0x1DE70] =	vst v63  }
0x85: {  	s21 =	simm.s32 $0xC3A0  }
0x86: {  	[spmem:s2] =	stream.indirect.scatter.add.f32 [tilespmem:s29], [sflag:$0x2], $0x40, s21, s26, $0xb8;
	[tilespmem:$0x1DE70] =	vst v63  }
0x87: {  	s4 =	simm.s32 $0xC3F0  }
0x88: {  	[spmem:s2] =	stream.indirect.scatter.add.f32 [tilespmem:s30], [sflag:$0x2], $0x40, s4, s26, $0xb8;
	[tilespmem:$0x1DE70] =	vst v63  }
0x89: {  	s19 =	simm.s32 $0xC440  }
0x8a: {  	[spmem:s2] =	stream.indirect.scatter.add.f32 [tilespmem:s31], [sflag:$0x2], $0x40, s19, s26, $0xb8;
	[tilespmem:$0x1DE70] =	vst v63  }
0x8b: {  	s11 =	simm.s32 $0xC490  }
0x8c: {  	[spmem:s2] =	stream.indirect.scatter.add.f32 [tilespmem:s1], [sflag:$0x2], $0x40, s11, s26, $0xb8;
	[tilespmem:$0x1DE70] =	vst v63  }
0x8d: {  	_ = 	snop  }
0x8e: {  	[spmem:s3] =	stream.indirect.scatter.add.f32 [tilespmem:s23], [sflag:$0x4], $0x10, s18, s26, $0xb8;
	[tilespmem:$0x1DE70] =	vst v63  }
0x8f: {  	_ = 	snop  }
0x90: {  	[spmem:s3] =	stream.indirect.scatter.add.f32 [tilespmem:s23], [sflag:$0x4], $0x10, s21, s26, $0xb8;
	[tilespmem:$0x1DE70] =	vst v63  }
0x91: {  	_ = 	snop  }
0x92: {  	[spmem:s3] =	stream.indirect.scatter.add.f32 [tilespmem:s23], [sflag:$0x4], $0x10, s4, s26, $0xb8;
	[tilespmem:$0x1DE70] =	vst v63  }
0x93: {  	_ = 	snop  }
0x94: {  	[spmem:s3] =	stream.indirect.scatter.add.f32 [tilespmem:s23], [sflag:$0x4], $0x10, s19, s26, $0xb8;
	[tilespmem:$0x1DE70] =	vst v63  }
0x95: {  	_ = 	snop  }
0x96: {  	[spmem:s3] =	stream.indirect.scatter.add.f32 [tilespmem:s23], [sflag:$0x4], $0x10, s11, s26, $0xb8;
	[tilespmem:$0x1DE70] =	vst v63  }
0x97: {  	_ =	swait.ge [sflag:s9], $0x1400  }
0x98: {  	[sflag:s9] =	ssyncset.done $0x0  }
0x99: {  	[sflag:s9] =	ssyncadd.s32 $0xFFFFEC00  }
0x9a: {  	_ =	swait.ge [sflag:s9], $0x1400  }
0x9b: {  	[sflag:s9] =	ssyncset.done $0x0  }
0x9c: {  	[sflag:s9] =	ssyncadd.s32 $0xFFFFEC00  }
0x9d: {  	_ =	swait.ge [sflag:s9], $0x1400  }
0x9e: {  	[sflag:s9] =	ssyncset.done $0x0  }
0x9f: {  	[sflag:s9] =	ssyncadd.s32 $0xFFFFEC00  }
0xa0: {  	_ =	swait.ge [sflag:s9], $0x1400  }
0xa1: {  	[sflag:s9] =	ssyncset.done $0x0  }
0xa2: {  	[sflag:s9] =	ssyncadd.s32 $0xFFFFEC00  }
0xa3: {  	_ =	swait.ge [sflag:s9], $0x1400  }
0xa4: {  	[sflag:s9] =	ssyncset.done $0x0  }
0xa5: {  	s16 =	simm.s32 $0xC4E0;
	[sflag:s9] =	ssyncadd.s32 $0xFFFFEC00  }
0xa6: {  	[spmem:s2] =	stream.indirect.scatter.add.f32 [tilespmem:s0], [sflag:$0x3], $0x40, s16, s26, $0xb8;
	[tilespmem:$0x1DE70] =	vst v63  }
0xa7: {  	s17 =	simm.s32 $0xC530  }
0xa8: {  	[spmem:s2] =	stream.indirect.scatter.add.f32 [tilespmem:s24], [sflag:$0x3], $0x40, s17, s26, $0xb8;
	[tilespmem:$0x1DE70] =	vst v63  }
0xa9: {  	s19 =	simm.s32 $0xC580  }
0xaa: {  	[spmem:s2] =	stream.indirect.scatter.add.f32 [tilespmem:s25], [sflag:$0x3], $0x40, s19, s26, $0xb8;
	[tilespmem:$0x1DE70] =	vst v63  }
0xab: {  	s21 =	simm.s32 $0xC5D0  }
0xac: {  	[spmem:s2] =	stream.indirect.scatter.add.f32 [tilespmem:s6], [sflag:$0x3], $0x40, s21, s26, $0xb8;
	[tilespmem:$0x1DE70] =	vst v63  }
0xad: {  	s18 =	simm.s32 $0xC620  }
0xae: {  	[spmem:s2] =	stream.indirect.scatter.add.f32 [tilespmem:s7], [sflag:$0x3], $0x40, s18, s26, $0xb8;
	[tilespmem:$0x1DE70] =	vst v63  }
0xaf: {  	_ = 	snop  }
0xb0: {  	[spmem:s3] =	stream.indirect.scatter.add.f32 [tilespmem:s23], [sflag:$0x4], $0x10, s16, s26, $0xb8;
	[tilespmem:$0x1DE70] =	vst v63  }
0xb1: {  	_ = 	snop  }
0xb2: {  	[spmem:s3] =	stream.indirect.scatter.add.f32 [tilespmem:s23], [sflag:$0x4], $0x10, s17, s26, $0xb8;
	[tilespmem:$0x1DE70] =	vst v63  }
0xb3: {  	p6 =	por $0x0, $0x0  }
0xb4: {  	[spmem:s3] =	stream.indirect.scatter.add.f32 [tilespmem:s23], [sflag:$0x4], $0x10, s19, s26, $0xb8;
	[tilespmem:$0x1DE70] =	vst v63  }
0xb5: {  	s15 =	simm.s32 $0xC80;
	p1 =	por p6, p6;
	s17 =	simm.s32 $0x1900  }
0xb6: {  	[spmem:s3] =	stream.indirect.scatter.add.f32 [tilespmem:s23], [sflag:$0x4], $0x10, s21, s26, $0xb8;
	[tilespmem:$0x1DE70] =	vst v63  }
.LBB2_2:
0xb7: {  	[spmem:s3] =	stream.indirect.scatter.add.f32 [tilespmem:s23], [sflag:$0x4], $0x10, s18, s26, $0xb8;
	[tilespmem:$0x1DE70] =	vst v63  }
0xb8: {  	s4 =	smov.u32 s17  }
0xb9: {  	s17 =	sadd.s32 $0xC80, s17;
	s18 =	simm.s32 @!p1 $0x2;
	p3 =	seq.s32 s4, $0x0  }
0xba: {  	p2 =	sne.s32 s17, $0x9600;
	_ =	swait.ge @!p1 [sflag:s18], $0x6400  }
0xbb: {  	[sflag:s18] =	ssyncset.done @!p1 $0x0  }
0xbc: {  	s19 =	simm.s32 @!p1 $0x4;
	[sflag:s18] =	ssyncadd.s32 @!p1 $0xFFFF9C00  }
0xbd: {  	_ =	swait.ge @!p1 [sflag:s19], $0x500  }
0xbe: {  	[sflag:s19] =	ssyncset.done @!p1 $0x0  }
0xbf: {  	[sflag:s19] =	ssyncadd.s32 @!p1 $0xFFFFFB00  }
0xc0: {  	_ =	swait.ge @!p1 [sflag:s19], $0x500  }
0xc1: {  	[sflag:s19] =	ssyncset.done @!p1 $0x0  }
0xc2: {  	[sflag:s19] =	ssyncadd.s32 @!p1 $0xFFFFFB00  }
0xc3: {  	_ =	swait.ge @!p1 [sflag:s19], $0x500  }
0xc4: {  	[sflag:s19] =	ssyncset.done @!p1 $0x0  }
0xc5: {  	[sflag:s19] =	ssyncadd.s32 @!p1 $0xFFFFFB00  }
0xc6: {  	_ =	swait.ge @!p1 [sflag:s19], $0x500  }
0xc7: {  	[sflag:s19] =	ssyncset.done @!p1 $0x0  }
0xc8: {  	[sflag:s19] =	ssyncadd.s32 @!p1 $0xFFFFFB00  }
0xc9: {  	_ =	swait.ge @!p1 [sflag:s19], $0x500  }
0xca: {  	s18 =	sshra.s32 s15, $0x2;
	s15 =	smov.u32 s4;
	[sflag:s19] =	ssyncset.done @!p1 $0x0  }
0xcb: {  	s4 =	sadd.s32 $0x9C40, s18;
	[sflag:s19] =	ssyncadd.s32 @!p1 $0xFFFFFB00  }
0xcc: {  	[tilespmem:s28], [sflag:$0x1] =	stream.indirect.gather [hbm4b:s5+s26], $0x40, s4, s26, $0xb8;
	[tilespmem:$0x1DE70] =	vst v63  }
0xcd: {  	s4 =	sadd.s32 $0x9C90, s18  }
0xce: {  	[tilespmem:s29], [sflag:$0x1] =	stream.indirect.gather [hbm4b:s5+s26], $0x40, s4, s26, $0xb8;
	[tilespmem:$0x1DE70] =	vst v63  }
0xcf: {  	s4 =	sadd.s32 $0x9CE0, s18  }
0xd0: {  	[tilespmem:s30], [sflag:$0x1] =	stream.indirect.gather [hbm4b:s5+s26], $0x40, s4, s26, $0xb8;
	[tilespmem:$0x1DE70] =	vst v63  }
0xd1: {  	s4 =	sadd.s32 $0x9D30, s18  }
0xd2: {  	[tilespmem:s31], [sflag:$0x1] =	stream.indirect.gather [hbm4b:s5+s26], $0x40, s4, s26, $0xb8;
	[tilespmem:$0x1DE70] =	vst v63  }
0xd3: {  	s11 =	simm.s32 @!p1 $0x3;
	s4 =	sadd.s32 $0x9D80, s18  }
0xd4: {  	[tilespmem:s1], [sflag:$0x1] =	stream.indirect.gather [hbm4b:s5+s26], $0x40, s4, s26, $0xb8;
	[tilespmem:$0x1DE70] =	vst v63  }
0xd5: {  	_ =	swait.ge @!p1 [sflag:s11], $0x6400  }
0xd6: {  	[sflag:s11] =	ssyncset.done @!p1 $0x0  }
0xd7: {  	[sflag:s11] =	ssyncadd.s32 @!p1 $0xFFFF9C00  }
0xd8: {  	_ =	swait.ge @!p1 [sflag:s19], $0x500  }
0xd9: {  	[sflag:s19] =	ssyncset.done @!p1 $0x0  }
0xda: {  	[sflag:s19] =	ssyncadd.s32 @!p1 $0xFFFFFB00  }
0xdb: {  	_ =	swait.ge @!p1 [sflag:s19], $0x500  }
0xdc: {  	[sflag:s19] =	ssyncset.done @!p1 $0x0  }
0xdd: {  	[sflag:s19] =	ssyncadd.s32 @!p1 $0xFFFFFB00  }
0xde: {  	_ =	swait.ge @!p1 [sflag:s19], $0x500  }
0xdf: {  	[sflag:s19] =	ssyncset.done @!p1 $0x0  }
0xe0: {  	[sflag:s19] =	ssyncadd.s32 @!p1 $0xFFFFFB00  }
0xe1: {  	_ =	swait.ge @!p1 [sflag:s19], $0x500  }
0xe2: {  	[sflag:s19] =	ssyncset.done @!p1 $0x0  }
0xe3: {  	[sflag:s19] =	ssyncadd.s32 @!p1 $0xFFFFFB00  }
0xe4: {  	_ =	swait.ge @!p1 [sflag:s19], $0x500  }
0xe5: {  	[sflag:s19] =	ssyncset.done @!p1 $0x0  }
0xe6: {  	s4 =	sadd.s32 $0x9DD0, s18;
	[sflag:s19] =	ssyncadd.s32 @!p1 $0xFFFFFB00;
	p1 =	por p3, p3  }
0xe7: {  	[tilespmem:s0], [sflag:$0x1] =	stream.indirect.gather [hbm4b:s5+s26], $0x40, s4, s26, $0xb8;
	[tilespmem:$0x1DE70] =	vst v63  }
0xe8: {  	s4 =	sadd.s32 $0x9E20, s18  }
0xe9: {  	[tilespmem:s24], [sflag:$0x1] =	stream.indirect.gather [hbm4b:s5+s26], $0x40, s4, s26, $0xb8;
	[tilespmem:$0x1DE70] =	vst v63  }
0xea: {  	s4 =	sadd.s32 $0x9E70, s18  }
0xeb: {  	[tilespmem:s25], [sflag:$0x1] =	stream.indirect.gather [hbm4b:s5+s26], $0x40, s4, s26, $0xb8;
	[tilespmem:$0x1DE70] =	vst v63  }
0xec: {  	s4 =	sadd.s32 $0x9EC0, s18  }
0xed: {  	[tilespmem:s6], [sflag:$0x1] =	stream.indirect.gather [hbm4b:s5+s26], $0x40, s4, s26, $0xb8;
	[tilespmem:$0x1DE70] =	vst v63  }
0xee: {  	s4 =	sadd.s32 $0x9F10, s18  }
0xef: {  	[tilespmem:s7], [sflag:$0x1] =	stream.indirect.gather [hbm4b:s5+s26], $0x40, s4, s26, $0xb8;
	[tilespmem:$0x1DE70] =	vst v63  }
0xf0: {  	_ =	swait.ge [sflag:s9], $0x1400  }
0xf1: {  	[sflag:s9] =	ssyncset.done $0x0  }
0xf2: {  	[sflag:s9] =	ssyncadd.s32 $0xFFFFEC00  }
0xf3: {  	_ =	swait.ge [sflag:s9], $0x1400  }
0xf4: {  	[sflag:s9] =	ssyncset.done $0x0  }
0xf5: {  	[sflag:s9] =	ssyncadd.s32 $0xFFFFEC00  }
0xf6: {  	_ =	swait.ge [sflag:s9], $0x1400  }
0xf7: {  	[sflag:s9] =	ssyncset.done $0x0  }
0xf8: {  	[sflag:s9] =	ssyncadd.s32 $0xFFFFEC00  }
0xf9: {  	_ =	swait.ge [sflag:s9], $0x1400  }
0xfa: {  	[sflag:s9] =	ssyncset.done $0x0  }
0xfb: {  	[sflag:s9] =	ssyncadd.s32 $0xFFFFEC00  }
0xfc: {  	_ =	swait.ge [sflag:s9], $0x1400  }
0xfd: {  	[sflag:s9] =	ssyncset.done $0x0  }
0xfe: {  	s4 =	sadd.s32 $0xC350, s18;
	[sflag:s9] =	ssyncadd.s32 $0xFFFFEC00  }
0xff: {  	[spmem:s2] =	stream.indirect.scatter.add.f32 [tilespmem:s28], [sflag:$0x2], $0x40, s4, s26, $0xb8;
	[tilespmem:$0x1DE70] =	vst v63  }
0x100: {  	s11 =	sadd.s32 $0xC3A0, s18  }
0x101: {  	[spmem:s2] =	stream.indirect.scatter.add.f32 [tilespmem:s29], [sflag:$0x2], $0x40, s11, s26, $0xb8;
	[tilespmem:$0x1DE70] =	vst v63  }
0x102: {  	s19 =	sadd.s32 $0xC3F0, s18  }
0x103: {  	[spmem:s2] =	stream.indirect.scatter.add.f32 [tilespmem:s30], [sflag:$0x2], $0x40, s19, s26, $0xb8;
	[tilespmem:$0x1DE70] =	vst v63  }
0x104: {  	s21 =	sadd.s32 $0xC440, s18  }
0x105: {  	[spmem:s2] =	stream.indirect.scatter.add.f32 [tilespmem:s31], [sflag:$0x2], $0x40, s21, s26, $0xb8;
	[tilespmem:$0x1DE70] =	vst v63  }
0x106: {  	s16 =	sadd.s32 $0xC490, s18  }
0x107: {  	[spmem:s2] =	stream.indirect.scatter.add.f32 [tilespmem:s1], [sflag:$0x2], $0x40, s16, s26, $0xb8;
	[tilespmem:$0x1DE70] =	vst v63  }
0x108: {  	_ = 	snop  }
0x109: {  	[spmem:s3] =	stream.indirect.scatter.add.f32 [tilespmem:s23], [sflag:$0x4], $0x10, s4, s26, $0xb8;
	[tilespmem:$0x1DE70] =	vst v63  }
0x10a: {  	_ = 	snop  }
0x10b: {  	[spmem:s3] =	stream.indirect.scatter.add.f32 [tilespmem:s23], [sflag:$0x4], $0x10, s11, s26, $0xb8;
	[tilespmem:$0x1DE70] =	vst v63  }
0x10c: {  	_ = 	snop  }
0x10d: {  	[spmem:s3] =	stream.indirect.scatter.add.f32 [tilespmem:s23], [sflag:$0x4], $0x10, s19, s26, $0xb8;
	[tilespmem:$0x1DE70] =	vst v63  }
0x10e: {  	_ = 	snop  }
0x10f: {  	[spmem:s3] =	stream.indirect.scatter.add.f32 [tilespmem:s23], [sflag:$0x4], $0x10, s21, s26, $0xb8;
	[tilespmem:$0x1DE70] =	vst v63  }
0x110: {  	_ = 	snop  }
0x111: {  	[spmem:s3] =	stream.indirect.scatter.add.f32 [tilespmem:s23], [sflag:$0x4], $0x10, s16, s26, $0xb8;
	[tilespmem:$0x1DE70] =	vst v63  }
0x112: {  	_ =	swait.ge [sflag:s9], $0x1400  }
0x113: {  	[sflag:s9] =	ssyncset.done $0x0  }
0x114: {  	[sflag:s9] =	ssyncadd.s32 $0xFFFFEC00  }
0x115: {  	_ =	swait.ge [sflag:s9], $0x1400  }
0x116: {  	[sflag:s9] =	ssyncset.done $0x0  }
0x117: {  	[sflag:s9] =	ssyncadd.s32 $0xFFFFEC00  }
0x118: {  	_ =	swait.ge [sflag:s9], $0x1400  }
0x119: {  	[sflag:s9] =	ssyncset.done $0x0  }
0x11a: {  	[sflag:s9] =	ssyncadd.s32 $0xFFFFEC00  }
0x11b: {  	_ =	swait.ge [sflag:s9], $0x1400  }
0x11c: {  	[sflag:s9] =	ssyncset.done $0x0  }
0x11d: {  	[sflag:s9] =	ssyncadd.s32 $0xFFFFEC00  }
0x11e: {  	_ =	swait.ge [sflag:s9], $0x1400  }
0x11f: {  	[sflag:s9] =	ssyncset.done $0x0  }
0x120: {  	s4 =	sadd.s32 $0xC4E0, s18;
	[sflag:s9] =	ssyncadd.s32 $0xFFFFEC00  }
0x121: {  	[spmem:s2] =	stream.indirect.scatter.add.f32 [tilespmem:s0], [sflag:$0x3], $0x40, s4, s26, $0xb8;
	[tilespmem:$0x1DE70] =	vst v63  }
0x122: {  	s11 =	sadd.s32 $0xC530, s18  }
0x123: {  	[spmem:s2] =	stream.indirect.scatter.add.f32 [tilespmem:s24], [sflag:$0x3], $0x40, s11, s26, $0xb8;
	[tilespmem:$0x1DE70] =	vst v63  }
0x124: {  	s16 =	sadd.s32 $0xC580, s18  }
0x125: {  	[spmem:s2] =	stream.indirect.scatter.add.f32 [tilespmem:s25], [sflag:$0x3], $0x40, s16, s26, $0xb8;
	[tilespmem:$0x1DE70] =	vst v63  }
0x126: {  	s19 =	sadd.s32 $0xC5D0, s18  }
0x127: {  	[spmem:s2] =	stream.indirect.scatter.add.f32 [tilespmem:s6], [sflag:$0x3], $0x40, s19, s26, $0xb8;
	[tilespmem:$0x1DE70] =	vst v63  }
0x128: {  	s18 =	sadd.s32 $0xC620, s18  }
0x129: {  	[spmem:s2] =	stream.indirect.scatter.add.f32 [tilespmem:s7], [sflag:$0x3], $0x40, s18, s26, $0xb8;
	[tilespmem:$0x1DE70] =	vst v63  }
0x12a: {  	_ = 	snop  }
0x12b: {  	[spmem:s3] =	stream.indirect.scatter.add.f32 [tilespmem:s23], [sflag:$0x4], $0x10, s4, s26, $0xb8;
	[tilespmem:$0x1DE70] =	vst v63  }
0x12c: {  	_ = 	snop  }
0x12d: {  	[spmem:s3] =	stream.indirect.scatter.add.f32 [tilespmem:s23], [sflag:$0x4], $0x10, s11, s26, $0xb8;
	[tilespmem:$0x1DE70] =	vst v63  }
.Ltmp0:
0x12e: {  	_ = 	snop;
	(pc) =	sbr.rel @p2 .LBB2_2-.Ltmp0, $4  }
0x12f: {  	_ = 	snop  }
0x130: {  	[spmem:s3] =	stream.indirect.scatter.add.f32 [tilespmem:s23], [sflag:$0x4], $0x10, s16, s26, $0xb8;
	[tilespmem:$0x1DE70] =	vst v63  }
0x131: {  	_ = 	snop  }
0x132: {  	[spmem:s3] =	stream.indirect.scatter.add.f32 [tilespmem:s23], [sflag:$0x4], $0x10, s19, s26, $0xb8;
	[tilespmem:$0x1DE70] =	vst v63  }
0x133: {  	[spmem:s3] =	stream.indirect.scatter.add.f32 [tilespmem:s23], [sflag:$0x4], $0x10, s18, s26, $0xb8;
	[tilespmem:$0x1DE70] =	vst v63  }
0x134: {  	s4 =	simm.s32 @!p1 $0x2  }
0x135: {  	_ =	swait.ge @!p1 [sflag:s4], $0x6400  }
0x136: {  	[sflag:s4] =	ssyncset.done @!p1 $0x0  }
0x137: {  	[sflag:s4] =	ssyncadd.s32 @!p1 $0xFFFF9C00;
	s4 =	simm.s32 @!p1 $0x4  }
0x138: {  	_ =	swait.ge @!p1 [sflag:s4], $0x500  }
0x139: {  	[sflag:s4] =	ssyncset.done @!p1 $0x0  }
0x13a: {  	[sflag:s4] =	ssyncadd.s32 @!p1 $0xFFFFFB00  }
0x13b: {  	_ =	swait.ge @!p1 [sflag:s4], $0x500  }
0x13c: {  	[sflag:s4] =	ssyncset.done @!p1 $0x0  }
0x13d: {  	[sflag:s4] =	ssyncadd.s32 @!p1 $0xFFFFFB00  }
0x13e: {  	_ =	swait.ge @!p1 [sflag:s4], $0x500  }
0x13f: {  	[sflag:s4] =	ssyncset.done @!p1 $0x0  }
0x140: {  	[sflag:s4] =	ssyncadd.s32 @!p1 $0xFFFFFB00  }
0x141: {  	_ =	swait.ge @!p1 [sflag:s4], $0x500  }
0x142: {  	[sflag:s4] =	ssyncset.done @!p1 $0x0  }
0x143: {  	[sflag:s4] =	ssyncadd.s32 @!p1 $0xFFFFFB00  }
0x144: {  	_ =	swait.ge @!p1 [sflag:s4], $0x500  }
0x145: {  	s15 =	sshra.s32 s15, $0x2;
	[sflag:s4] =	ssyncset.done @!p1 $0x0  }
0x146: {  	s11 =	sadd.s32 $0x9C40, s15;
	[sflag:s4] =	ssyncadd.s32 @!p1 $0xFFFFFB00  }
0x147: {  	[tilespmem:s28], [sflag:$0x1] =	stream.indirect.gather [hbm4b:s5+s26], $0x40, s11, s26, $0xb8;
	[tilespmem:$0x1DE70] =	vst v63  }
0x148: {  	s17 =	sadd.s32 $0x9C90, s15  }
0x149: {  	[tilespmem:s29], [sflag:$0x1] =	stream.indirect.gather [hbm4b:s5+s26], $0x40, s17, s26, $0xb8;
	[tilespmem:$0x1DE70] =	vst v63  }
0x14a: {  	s18 =	sadd.s32 $0x9CE0, s15  }
0x14b: {  	[tilespmem:s30], [sflag:$0x1] =	stream.indirect.gather [hbm4b:s5+s26], $0x40, s18, s26, $0xb8;
	[tilespmem:$0x1DE70] =	vst v63  }
0x14c: {  	s19 =	sadd.s32 $0x9D30, s15  }
0x14d: {  	[tilespmem:s31], [sflag:$0x1] =	stream.indirect.gather [hbm4b:s5+s26], $0x40, s19, s26, $0xb8;
	[tilespmem:$0x1DE70] =	vst v63  }
0x14e: {  	s16 =	simm.s32 @!p1 $0x3;
	s21 =	sadd.s32 $0x9D80, s15  }
0x14f: {  	[tilespmem:s1], [sflag:$0x1] =	stream.indirect.gather [hbm4b:s5+s26], $0x40, s21, s26, $0xb8;
	[tilespmem:$0x1DE70] =	vst v63  }
0x150: {  	_ =	swait.ge @!p1 [sflag:s16], $0x6400  }
0x151: {  	[sflag:s16] =	ssyncset.done @!p1 $0x0  }
0x152: {  	[sflag:s16] =	ssyncadd.s32 @!p1 $0xFFFF9C00  }
0x153: {  	_ =	swait.ge @!p1 [sflag:s4], $0x500  }
0x154: {  	[sflag:s4] =	ssyncset.done @!p1 $0x0  }
0x155: {  	[sflag:s4] =	ssyncadd.s32 @!p1 $0xFFFFFB00  }
0x156: {  	_ =	swait.ge @!p1 [sflag:s4], $0x500  }
0x157: {  	[sflag:s4] =	ssyncset.done @!p1 $0x0  }
0x158: {  	[sflag:s4] =	ssyncadd.s32 @!p1 $0xFFFFFB00  }
0x159: {  	_ =	swait.ge @!p1 [sflag:s4], $0x500  }
0x15a: {  	[sflag:s4] =	ssyncset.done @!p1 $0x0  }
0x15b: {  	[sflag:s4] =	ssyncadd.s32 @!p1 $0xFFFFFB00  }
0x15c: {  	_ =	swait.ge @!p1 [sflag:s4], $0x500  }
0x15d: {  	[sflag:s4] =	ssyncset.done @!p1 $0x0  }
0x15e: {  	[sflag:s4] =	ssyncadd.s32 @!p1 $0xFFFFFB00  }
0x15f: {  	_ =	swait.ge @!p1 [sflag:s4], $0x500  }
0x160: {  	[sflag:s4] =	ssyncset.done @!p1 $0x0  }
0x161: {  	s17 =	sadd.s32 $0x9DD0, s15;
	[sflag:s4] =	ssyncadd.s32 @!p1 $0xFFFFFB00  }
0x162: {  	[tilespmem:s0], [sflag:$0x1] =	stream.indirect.gather [hbm4b:s5+s26], $0x40, s17, s26, $0xb8;
	[tilespmem:$0x1DE70] =	vst v63  }
0x163: {  	s18 =	sadd.s32 $0x9E20, s15  }
0x164: {  	[tilespmem:s24], [sflag:$0x1] =	stream.indirect.gather [hbm4b:s5+s26], $0x40, s18, s26, $0xb8;
	[tilespmem:$0x1DE70] =	vst v63  }
0x165: {  	s19 =	sadd.s32 $0x9E70, s15  }
0x166: {  	[tilespmem:s25], [sflag:$0x1] =	stream.indirect.gather [hbm4b:s5+s26], $0x40, s19, s26, $0xb8;
	[tilespmem:$0x1DE70] =	vst v63  }
0x167: {  	s21 =	sadd.s32 $0x9EC0, s15  }
0x168: {  	[tilespmem:s6], [sflag:$0x1] =	stream.indirect.gather [hbm4b:s5+s26], $0x40, s21, s26, $0xb8;
	[tilespmem:$0x1DE70] =	vst v63  }
0x169: {  	s11 =	sadd.s32 $0x9F10, s15  }
0x16a: {  	[tilespmem:s7], [sflag:$0x1] =	stream.indirect.gather [hbm4b:s5+s26], $0x40, s11, s26, $0xb8;
	[tilespmem:$0x1DE70] =	vst v63  }
0x16b: {  	_ =	swait.ge [sflag:s9], $0x1400  }
0x16c: {  	[sflag:s9] =	ssyncset.done $0x0  }
0x16d: {  	[sflag:s9] =	ssyncadd.s32 $0xFFFFEC00  }
0x16e: {  	_ =	swait.ge [sflag:s9], $0x1400  }
0x16f: {  	[sflag:s9] =	ssyncset.done $0x0  }
0x170: {  	[sflag:s9] =	ssyncadd.s32 $0xFFFFEC00  }
0x171: {  	_ =	swait.ge [sflag:s9], $0x1400  }
0x172: {  	[sflag:s9] =	ssyncset.done $0x0  }
0x173: {  	[sflag:s9] =	ssyncadd.s32 $0xFFFFEC00  }
0x174: {  	_ =	swait.ge [sflag:s9], $0x1400  }
0x175: {  	[sflag:s9] =	ssyncset.done $0x0  }
0x176: {  	[sflag:s9] =	ssyncadd.s32 $0xFFFFEC00  }
0x177: {  	_ =	swait.ge [sflag:s9], $0x1400  }
0x178: {  	[sflag:s9] =	ssyncset.done $0x0  }
0x179: {  	s16 =	sadd.s32 $0xC350, s15;
	[sflag:s9] =	ssyncadd.s32 $0xFFFFEC00  }
0x17a: {  	[spmem:s2] =	stream.indirect.scatter.add.f32 [tilespmem:s28], [sflag:$0x2], $0x40, s16, s26, $0xb8;
	[tilespmem:$0x1DE70] =	vst v63  }
0x17b: {  	s18 =	sadd.s32 $0xC3A0, s15  }
0x17c: {  	[spmem:s2] =	stream.indirect.scatter.add.f32 [tilespmem:s29], [sflag:$0x2], $0x40, s18, s26, $0xb8;
	[tilespmem:$0x1DE70] =	vst v63  }
0x17d: {  	s19 =	sadd.s32 $0xC3F0, s15  }
0x17e: {  	[spmem:s2] =	stream.indirect.scatter.add.f32 [tilespmem:s30], [sflag:$0x2], $0x40, s19, s26, $0xb8;
	[tilespmem:$0x1DE70] =	vst v63  }
0x17f: {  	s17 =	sadd.s32 $0xC440, s15  }
0x180: {  	[spmem:s2] =	stream.indirect.scatter.add.f32 [tilespmem:s31], [sflag:$0x2], $0x40, s17, s26, $0xb8;
	[tilespmem:$0x1DE70] =	vst v63  }
0x181: {  	s21 =	sadd.s32 $0xC490, s15  }
0x182: {  	[spmem:s2] =	stream.indirect.scatter.add.f32 [tilespmem:s1], [sflag:$0x2], $0x40, s21, s26, $0xb8;
	[tilespmem:$0x1DE70] =	vst v63  }
0x183: {  	_ = 	snop  }
0x184: {  	[spmem:s3] =	stream.indirect.scatter.add.f32 [tilespmem:s23], [sflag:$0x4], $0x10, s16, s26, $0xb8;
	[tilespmem:$0x1DE70] =	vst v63  }
0x185: {  	_ = 	snop  }
0x186: {  	[spmem:s3] =	stream.indirect.scatter.add.f32 [tilespmem:s23], [sflag:$0x4], $0x10, s18, s26, $0xb8;
	[tilespmem:$0x1DE70] =	vst v63  }
0x187: {  	_ = 	snop  }
0x188: {  	[spmem:s3] =	stream.indirect.scatter.add.f32 [tilespmem:s23], [sflag:$0x4], $0x10, s19, s26, $0xb8;
	[tilespmem:$0x1DE70] =	vst v63  }
0x189: {  	_ = 	snop  }
0x18a: {  	[spmem:s3] =	stream.indirect.scatter.add.f32 [tilespmem:s23], [sflag:$0x4], $0x10, s17, s26, $0xb8;
	[tilespmem:$0x1DE70] =	vst v63  }
0x18b: {  	_ = 	snop  }
0x18c: {  	[spmem:s3] =	stream.indirect.scatter.add.f32 [tilespmem:s23], [sflag:$0x4], $0x10, s21, s26, $0xb8;
	[tilespmem:$0x1DE70] =	vst v63  }
0x18d: {  	_ =	swait.ge [sflag:s9], $0x1400  }
0x18e: {  	[sflag:s9] =	ssyncset.done $0x0  }
0x18f: {  	[sflag:s9] =	ssyncadd.s32 $0xFFFFEC00  }
0x190: {  	_ =	swait.ge [sflag:s9], $0x1400  }
0x191: {  	[sflag:s9] =	ssyncset.done $0x0  }
0x192: {  	[sflag:s9] =	ssyncadd.s32 $0xFFFFEC00  }
0x193: {  	_ =	swait.ge [sflag:s9], $0x1400  }
0x194: {  	[sflag:s9] =	ssyncset.done $0x0  }
0x195: {  	[sflag:s9] =	ssyncadd.s32 $0xFFFFEC00  }
0x196: {  	_ =	swait.ge [sflag:s9], $0x1400  }
0x197: {  	[sflag:s9] =	ssyncset.done $0x0  }
0x198: {  	[sflag:s9] =	ssyncadd.s32 $0xFFFFEC00  }
0x199: {  	_ =	swait.ge [sflag:s9], $0x1400  }
0x19a: {  	[sflag:s9] =	ssyncset.done $0x0  }
0x19b: {  	s17 =	sadd.s32 $0xC4E0, s15;
	[sflag:s9] =	ssyncadd.s32 $0xFFFFEC00  }
0x19c: {  	[spmem:s2] =	stream.indirect.scatter.add.f32 [tilespmem:s0], [sflag:$0x3], $0x40, s17, s26, $0xb8;
	[tilespmem:$0x1DE70] =	vst v63  }
0x19d: {  	s18 =	sadd.s32 $0xC530, s15  }
0x19e: {  	[spmem:s2] =	stream.indirect.scatter.add.f32 [tilespmem:s24], [sflag:$0x3], $0x40, s18, s26, $0xb8;
	[tilespmem:$0x1DE70] =	vst v63  }
0x19f: {  	s19 =	sadd.s32 $0xC580, s15  }
0x1a0: {  	[spmem:s2] =	stream.indirect.scatter.add.f32 [tilespmem:s25], [sflag:$0x3], $0x40, s19, s26, $0xb8;
	[tilespmem:$0x1DE70] =	vst v63  }
0x1a1: {  	s21 =	sadd.s32 $0xC5D0, s15  }
0x1a2: {  	[spmem:s2] =	stream.indirect.scatter.add.f32 [tilespmem:s6], [sflag:$0x3], $0x40, s21, s26, $0xb8;
	[tilespmem:$0x1DE70] =	vst v63  }
0x1a3: {  	s15 =	sadd.s32 $0xC620, s15  }
0x1a4: {  	[spmem:s2] =	stream.indirect.scatter.add.f32 [tilespmem:s7], [sflag:$0x3], $0x40, s15, s26, $0xb8;
	[tilespmem:$0x1DE70] =	vst v63  }
0x1a5: {  	_ = 	snop  }
0x1a6: {  	[spmem:s3] =	stream.indirect.scatter.add.f32 [tilespmem:s23], [sflag:$0x4], $0x10, s17, s26, $0xb8;
	[tilespmem:$0x1DE70] =	vst v63  }
0x1a7: {  	_ = 	snop  }
0x1a8: {  	[spmem:s3] =	stream.indirect.scatter.add.f32 [tilespmem:s23], [sflag:$0x4], $0x10, s18, s26, $0xb8;
	[tilespmem:$0x1DE70] =	vst v63  }
0x1a9: {  	_ = 	snop  }
0x1aa: {  	[spmem:s3] =	stream.indirect.scatter.add.f32 [tilespmem:s23], [sflag:$0x4], $0x10, s19, s26, $0xb8;
	[tilespmem:$0x1DE70] =	vst v63  }
0x1ab: {  	_ = 	snop  }
0x1ac: {  	[spmem:s3] =	stream.indirect.scatter.add.f32 [tilespmem:s23], [sflag:$0x4], $0x10, s21, s26, $0xb8;
	[tilespmem:$0x1DE70] =	vst v63  }
0x1ad: {  	_ = 	snop  }
0x1ae: {  	[spmem:s3] =	stream.indirect.scatter.add.f32 [tilespmem:s23], [sflag:$0x4], $0x10, s15, s26, $0xb8;
	[tilespmem:$0x1DE70] =	vst v63  }
0x1af: {  	_ =	swait.ge [sflag:s10], $0x6400  }
0x1b0: {  	[sflag:s10] =	ssyncset.done $0x0  }
0x1b1: {  	s15 =	simm.s32 $0x3;
	[sflag:s10] =	ssyncadd.s32 $0xFFFF9C00  }
0x1b2: {  	_ =	swait.ge [sflag:s15], $0x6400  }
0x1b3: {  	[sflag:s15] =	ssyncset.done $0x0  }
0x1b4: {  	[sflag:s15] =	ssyncadd.s32 $0xFFFF9C00  }
0x1b5: {  	_ =	swait.ge [sflag:s12], $0x500  }
0x1b6: {  	[sflag:s12] =	ssyncset.done $0x0  }
0x1b7: {  	[sflag:s12] =	ssyncadd.s32 $0xFFFFFB00  }
0x1b8: {  	_ =	swait.ge [sflag:s12], $0x500  }
0x1b9: {  	[sflag:s12] =	ssyncset.done $0x0  }
0x1ba: {  	[sflag:s12] =	ssyncadd.s32 $0xFFFFFB00  }
0x1bb: {  	_ =	swait.ge [sflag:s12], $0x500  }
0x1bc: {  	[sflag:s12] =	ssyncset.done $0x0  }
0x1bd: {  	[sflag:s12] =	ssyncadd.s32 $0xFFFFFB00  }
0x1be: {  	_ =	swait.ge [sflag:s12], $0x500  }
0x1bf: {  	[sflag:s12] =	ssyncset.done $0x0  }
0x1c0: {  	[sflag:s12] =	ssyncadd.s32 $0xFFFFFB00  }
0x1c1: {  	_ =	swait.ge [sflag:s12], $0x500  }
0x1c2: {  	[sflag:s12] =	ssyncset.done $0x0  }
0x1c3: {  	[sflag:s12] =	ssyncadd.s32 $0xFFFFFB00  }
0x1c4: {  	_ =	swait.ge [sflag:s12], $0x500  }
0x1c5: {  	[sflag:s12] =	ssyncset.done $0x0  }
0x1c6: {  	[sflag:s12] =	ssyncadd.s32 $0xFFFFFB00  }
0x1c7: {  	_ =	swait.ge [sflag:s12], $0x500  }
0x1c8: {  	[sflag:s12] =	ssyncset.done $0x0  }
0x1c9: {  	[sflag:s12] =	ssyncadd.s32 $0xFFFFFB00  }
0x1ca: {  	_ =	swait.ge [sflag:s12], $0x500  }
0x1cb: {  	[sflag:s12] =	ssyncset.done $0x0  }
0x1cc: {  	[sflag:s12] =	ssyncadd.s32 $0xFFFFFB00  }
0x1cd: {  	_ =	swait.ge [sflag:s12], $0x500  }
0x1ce: {  	[sflag:s12] =	ssyncset.done $0x0  }
0x1cf: {  	[sflag:s12] =	ssyncadd.s32 $0xFFFFFB00  }
0x1d0: {  	_ =	swait.ge [sflag:s12], $0x500  }
0x1d1: {  	[sflag:s12] =	ssyncset.done $0x0  }
0x1d2: {  	s16 =	simm.s32 $0xC1C0;
	[sflag:s12] =	ssyncadd.s32 $0xFFFFFB00  }
0x1d3: {  	[tilespmem:s28], [sflag:$0x1] =	stream.indirect.gather [hbm4b:s5+s26], $0x40, s16, s26, $0xb8;
	[tilespmem:$0x1DE70] =	vst v63  }
0x1d4: {  	s17 =	simm.s32 $0xC210  }
0x1d5: {  	[tilespmem:s29], [sflag:$0x1] =	stream.indirect.gather [hbm4b:s5+s26], $0x40, s17, s26, $0xb8;
	[tilespmem:$0x1DE70] =	vst v63  }
0x1d6: {  	s18 =	simm.s32 $0xC260  }
0x1d7: {  	[tilespmem:s30], [sflag:$0x1] =	stream.indirect.gather [hbm4b:s5+s26], $0x40, s18, s26, $0xb8;
	[tilespmem:$0x1DE70] =	vst v63  }
0x1d8: {  	s19 =	simm.s32 $0xC2B0  }
0x1d9: {  	[tilespmem:s31], [sflag:$0x1] =	stream.indirect.gather [hbm4b:s5+s26], $0x40, s19, s26, $0xb8;
	[tilespmem:$0x1DE70] =	vst v63  }
0x1da: {  	s21 =	simm.s32 $0xC300  }
0x1db: {  	[tilespmem:s1], [sflag:$0x1] =	stream.indirect.gather [hbm4b:s5+s26], $0x40, s21, s26, $0xb8;
	[tilespmem:$0x1DE70] =	vst v63  }
0x1dc: {  	_ =	swait.ge [sflag:s9], $0x1400  }
0x1dd: {  	[sflag:s9] =	ssyncset.done $0x0  }
0x1de: {  	[sflag:s9] =	ssyncadd.s32 $0xFFFFEC00  }
0x1df: {  	_ =	swait.ge [sflag:s9], $0x1400  }
0x1e0: {  	[sflag:s9] =	ssyncset.done $0x0  }
0x1e1: {  	[sflag:s9] =	ssyncadd.s32 $0xFFFFEC00  }
0x1e2: {  	_ =	swait.ge [sflag:s9], $0x1400  }
0x1e3: {  	[sflag:s9] =	ssyncset.done $0x0  }
0x1e4: {  	[sflag:s9] =	ssyncadd.s32 $0xFFFFEC00  }
0x1e5: {  	_ =	swait.ge [sflag:s9], $0x1400  }
0x1e6: {  	[sflag:s9] =	ssyncset.done $0x0  }
0x1e7: {  	[sflag:s9] =	ssyncadd.s32 $0xFFFFEC00  }
0x1e8: {  	_ =	swait.ge [sflag:s9], $0x1400  }
0x1e9: {  	[sflag:s9] =	ssyncset.done $0x0  }
0x1ea: {  	s11 =	simm.s32 $0xE8D0;
	[sflag:s9] =	ssyncadd.s32 $0xFFFFEC00  }
0x1eb: {  	[spmem:s2] =	stream.indirect.scatter.add.f32 [tilespmem:s28], [sflag:$0x2], $0x40, s11, s26, $0xb8;
	[tilespmem:$0x1DE70] =	vst v63  }
0x1ec: {  	s15 =	simm.s32 $0xE920  }
0x1ed: {  	[spmem:s2] =	stream.indirect.scatter.add.f32 [tilespmem:s29], [sflag:$0x2], $0x40, s15, s26, $0xb8;
	[tilespmem:$0x1DE70] =	vst v63  }
0x1ee: {  	s16 =	simm.s32 $0xE970  }
0x1ef: {  	[spmem:s2] =	stream.indirect.scatter.add.f32 [tilespmem:s30], [sflag:$0x2], $0x40, s16, s26, $0xb8;
	[tilespmem:$0x1DE70] =	vst v63  }
0x1f0: {  	s17 =	simm.s32 $0xE9C0  }
0x1f1: {  	[spmem:s2] =	stream.indirect.scatter.add.f32 [tilespmem:s31], [sflag:$0x2], $0x40, s17, s26, $0xb8;
	[tilespmem:$0x1DE70] =	vst v63  }
0x1f2: {  	s18 =	simm.s32 $0xEA10  }
0x1f3: {  	[spmem:s2] =	stream.indirect.scatter.add.f32 [tilespmem:s1], [sflag:$0x2], $0x40, s18, s26, $0xb8;
	[tilespmem:$0x1DE70] =	vst v63  }
0x1f4: {  	_ = 	snop  }
0x1f5: {  	[spmem:s3] =	stream.indirect.scatter.add.f32 [tilespmem:s23], [sflag:$0x4], $0x10, s11, s26, $0xb8;
	[tilespmem:$0x1DE70] =	vst v63  }
0x1f6: {  	_ = 	snop  }
0x1f7: {  	[spmem:s3] =	stream.indirect.scatter.add.f32 [tilespmem:s23], [sflag:$0x4], $0x10, s15, s26, $0xb8;
	[tilespmem:$0x1DE70] =	vst v63  }
0x1f8: {  	_ = 	snop  }
0x1f9: {  	[spmem:s3] =	stream.indirect.scatter.add.f32 [tilespmem:s23], [sflag:$0x4], $0x10, s16, s26, $0xb8;
	[tilespmem:$0x1DE70] =	vst v63  }
0x1fa: {  	_ = 	snop  }
0x1fb: {  	[spmem:s3] =	stream.indirect.scatter.add.f32 [tilespmem:s23], [sflag:$0x4], $0x10, s17, s26, $0xb8;
	[tilespmem:$0x1DE70] =	vst v63  }
0x1fc: {  	_ = 	snop  }
0x1fd: {  	[spmem:s3] =	stream.indirect.scatter.add.f32 [tilespmem:s23], [sflag:$0x4], $0x10, s18, s26, $0xb8;
	[tilespmem:$0x1DE70] =	vst v63  }
0x1fe: {  	_ =	swait.ge [sflag:s10], $0x1400  }
0x1ff: {  	[sflag:s10] =	ssyncset.done $0x0  }
0x200: {  	[sflag:s10] =	ssyncadd.s32 $0xFFFFEC00  }
0x201: {  	_ =	swait.ge [sflag:s10], $0x1400  }
0x202: {  	[sflag:s10] =	ssyncset.done $0x0  }
0x203: {  	[sflag:s10] =	ssyncadd.s32 $0xFFFFEC00  }
0x204: {  	_ =	swait.ge [sflag:s10], $0x1400  }
0x205: {  	[sflag:s10] =	ssyncset.done $0x0  }
0x206: {  	[sflag:s10] =	ssyncadd.s32 $0xFFFFEC00  }
0x207: {  	_ =	swait.ge [sflag:s10], $0x1400  }
0x208: {  	[sflag:s10] =	ssyncset.done $0x0  }
0x209: {  	[sflag:s10] =	ssyncadd.s32 $0xFFFFEC00  }
0x20a: {  	_ =	swait.ge [sflag:s10], $0x1400  }
0x20b: {  	[sflag:s10] =	ssyncset.done $0x0  }
0x20c: {  	[sflag:s10] =	ssyncadd.s32 $0xFFFFEC00  }
0x20d: {  	_ =	swait.ge [sflag:s12], $0x500  }
0x20e: {  	[sflag:s12] =	ssyncset.done $0x0  }
0x20f: {  	[sflag:s12] =	ssyncadd.s32 $0xFFFFFB00  }
0x210: {  	_ =	swait.ge [sflag:s12], $0x500  }
0x211: {  	[sflag:s12] =	ssyncset.done $0x0  }
0x212: {  	[sflag:s12] =	ssyncadd.s32 $0xFFFFFB00  }
0x213: {  	_ =	swait.ge [sflag:s12], $0x500  }
0x214: {  	[sflag:s12] =	ssyncset.done $0x0  }
0x215: {  	[sflag:s12] =	ssyncadd.s32 $0xFFFFFB00  }
0x216: {  	_ =	swait.ge [sflag:s12], $0x500  }
0x217: {  	[sflag:s12] =	ssyncset.done $0x0  }
0x218: {  	[sflag:s12] =	ssyncadd.s32 $0xFFFFFB00  }
0x219: {  	_ =	swait.ge [sflag:s12], $0x500  }
0x21a: {  	[sflag:s12] =	ssyncset.done $0x0  }
0x21b: {  	[sflag:s12] =	ssyncadd.s32 $0xFFFFFB00  }
0x21c: {  	[bflag:$0x0] =	sbarrier.arrive $0xFFFF  }
0x21d: {  	s19 =	rddreg [dreg:$0xe]  }
0x21e: {  	s21 =	simm.s32 $0x10;
	s16 =	simm.s32 $0x8;
	s17 =	rddreg [dreg:$0x14]  }
0x21f: {  	[hbm:s19@s21], [sflag:s8] =	dma.strided [spmem:s17@s16], $0x1380, s9, $0x8   }
0x220: {  	_ =	swait.ge [sflag:s22], $0x1380  }
0x221: {  	[sflag:s22] =	ssyncset.done $0x0;
	s18 =	rddreg [dreg:$0x10]  }
0x222: {  	s19 =	rddreg [dreg:$0x15];
	[sflag:s22] =	ssyncadd.s32 $0xFFFFEC80  }
0x223: {  	[hbm:s18@s21], [sflag:s8] =	dma.strided [spmem:s19@s10], $0x4E0, s9, $0x2   }
0x224: {  	_ =	swait.ge [sflag:s22], $0x4E0  }
0x225: {  	s4 =	simm.s32 @!p0 $0x1;
	s11 =	simm.s32 @!p0 $0x10;
	[sflag:s22] =	ssyncset.done $0x0  }
0x226: {  	s15 =	simm.s32 @!p0 $0x8;
	s16 =	rddreg [dreg:$0x11];
	[sflag:s22] =	ssyncadd.s32 $0xFFFFFB20  }
0x227: {  	[hbm:s16@s11], [sflag:s8] =	dma.strided @!p0 [spmem:s13@s15], $0x80, s4, $0x8   }
0x228: {  	s13 =	simm.s32 @!p0 $0x5  }
0x229: {  	_ =	swait.ge @!p0 [sflag:s13], $0x80  }
0x22a: {  	[sflag:s13] =	ssyncset.done @!p0 $0x0  }
0x22b: {  	s15 =	simm.s32 @!p0 $0x2;
	s16 =	rddreg [dreg:$0x12];
	[sflag:s13] =	ssyncadd.s32 @!p0 $0xFFFFFF80  }
0x22c: {  	[hbm:s16@s11], [sflag:s8] =	dma.strided @!p0 [spmem:s14@s15], $0x20, s4, $0x2   }
0x22d: {  	_ =	swait.ge @!p0 [sflag:s13], $0x20  }
0x22e: {  	s20 =	sadd.s32 $0x1, s20;
	s21 =	rddreg [dreg:$0x13]  }
0x22f: {  	p1 =	sne.s32 s20, s21  }
.Ltmp1:
0x230: {  	_ = 	snop;
	(pc) =	sbr.rel @p1 .LBB2_1-.Ltmp1, $3  }
0x231: {  	_ =	sdelay $0x1  }
0x232: {  	[sflag:s13] =	ssyncset.done @!p0 $0x0  }
0x233: {  	[sflag:s13] =	ssyncadd.s32 @!p0 $0xFFFFFFE0  }
0x234: {  	_ =	sfence.sel $0x180000  }
0x235: {  	[bflag:$0x0] =	sbarrier.arrive $0xFFFF  }
0x236: {  	_ =	strace $0x90000047  }
0x237: {  	[bflag:$0x2] =	sbarrier.arrive $0xFFFF  }
0x238: {  	s0 =	rddreg [dreg:$0x4]  }
0x239: {  	s0 =	sadd.s32 @!p0 $0x100000, s0  }
0x23a: {  	[sflag:s0] =	ssyncadd.tile.s32 @!p0 $0x1;
	_ =	shalt  }
.Lfunc_end2:
_tile_overlayer_lowered:
.L_overlay_start_2:
0x23b: {  	(tag) =	ssettag $0x2  }
0x23c: {  	s0 =	rddreg [dreg:$0x0];
	s2 =	stileid.u32  }
0x23d: {  	s1 =	rddreg [dreg:$0x1];
	p0 =	sne.s32 s2, $0x0  }
0x23e: {  	s3 =	rddreg [dreg:$0x2];
	[bflag:$0x3] =	sbarrier.arrive $0xFFFF;
	s2 =	simm.s32 @!p0 $0x1C05  }
0x23f: {  	[timem:s3], [sflag:s2] =	dma.local @!p0 [hbm:s0], s1  }
0x240: {  	s0 =	simm.s32 @!p0 $0x5  }
0x241: {  	_ =	swait.ge @!p0 [sflag:s0], s1  }
0x242: {  	s1 =	ssub.s32 @!p0 $0x0, s1;
	[sflag:s0] =	ssyncset.done @!p0 $0x0  }
0x243: {  	[sflag:s0] =	ssyncadd.s32 @!p0 s1  }
0x244: {  	[bflag:$0x3] =	sbarrier.arrive $0xFFFF  }
0x245: {  	_ =	shalt  }

</sc_bundles>
